<compile_context>
chip_gen: v7x
topology: tpu7x:2x2x1
jax: 0.10.2.dev20260603
libtpu: 0.0.44.dev20260713+nightly
codegen_flags: <defaults>
</compile_context>

<pallas_src>
import functools

import jax
import jax.numpy as jnp
from jax import lax
from jax.experimental import pallas as pl
from jax.experimental.pallas import tpu as pltpu
from jax.experimental.pallas import tpu_sc as plsc

N_NODES = 10000
N_EDGES = 320000
NFEAT = 128
NEMBED = 128
NX = 64
FH = 64

NC = 2
NS = 16
K = 128
G = 8
NRB = 4
NG = 2

ROW_BLK = 400
N_ROW_BLKS = N_NODES // ROW_BLK

GROUPS_PER_TILE = -(-N_EDGES // (NS * K * G))
CHUNKS_PER_TILE = GROUPS_PER_TILE * G
E_PAD = CHUNKS_PER_TILE * NS * K
TOTAL_CHUNKS = E_PAD // K
NP = N_NODES + 112
ROWS_PER_TILE_ZERO = NP // NS
ROWS_PER_TILE_CP = 624
CP_TAIL_BASE = NS * ROWS_PER_TILE_CP
CP_TAIL = N_NODES - CP_TAIL_BASE
WR = 78

_mesh = plsc.VectorSubcoreMesh(core_axis_name="c", subcore_axis_name="s")


@functools.partial(
    pl.kernel,
    mesh=_mesh,
    out_type=(jax.ShapeDtypeStruct((N_NODES, FH), jnp.float32),
              jax.ShapeDtypeStruct((N_NODES, FH), jnp.float32)),
    scratch_types=[
        pltpu.VMEM_SHARED((N_NODES, FH), jnp.float32),
        pltpu.VMEM_SHARED((NP, FH), jnp.float32),
        pltpu.VMEM((2, G, K), jnp.int32),
        pltpu.VMEM((2, G, K), jnp.int32),
        pltpu.VMEM((NRB, K, FH), jnp.float32),
        pltpu.VMEM((WR, FH), jnp.float32),
        pltpu.VMEM((1, FH), jnp.float32),
        pltpu.SemaphoreType.DMA,
        pltpu.SemaphoreType.DMA,
        pltpu.SemaphoreType.DMA,
        pltpu.SemaphoreType.DMA,
        pltpu.SemaphoreType.DMA,
        pltpu.SemaphoreType.DMA,
        pltpu.SemaphoreType.DMA,
        pltpu.SemaphoreType.DMA,
        pltpu.SemaphoreType.DMA,
    ],
    compiler_params=pltpu.CompilerParams(use_tc_tiling_on_sc=False),
)
def _gcn_sc(h0_hbm, h1_hbm, src_hbm, dst_hbm, zeros_hbm, b1_hbm,
            out0_hbm, out1_hbm,
            hcache, acc, src_v, dst_v, rows_v, work_v, bias_v,
            isem, g0, g1, g2, g3, s0sem, s1sem, s2sem, s3sem):
    cid = lax.axis_index("c")
    sid = lax.axis_index("s")
    gsems = (g0, g1, g2, g3)
    ssems = (s0sem, s1sem, s2sem, s3sem)

    z0 = sid * ROWS_PER_TILE_ZERO
    s0 = sid * ROWS_PER_TILE_CP
    tile_chunk0 = sid * CHUNKS_PER_TILE

    def zero_acc():
        pltpu.sync_copy(zeros_hbm.at[pl.ds(z0, ROWS_PER_TILE_ZERO)],
                        acc.at[pl.ds(z0, ROWS_PER_TILE_ZERO)])

    zero_acc()
    pltpu.sync_copy(b1_hbm.at[pl.ds(cid, 1)], bias_v)

    @pl.when(cid == 0)
    def _stage0():
        pltpu.sync_copy(h0_hbm.at[pl.ds(s0, ROWS_PER_TILE_CP)],
                        hcache.at[pl.ds(s0, ROWS_PER_TILE_CP)])

        @pl.when(sid == 0)
        def _tail0():
            pltpu.sync_copy(h0_hbm.at[pl.ds(CP_TAIL_BASE, CP_TAIL)],
                            hcache.at[pl.ds(CP_TAIL_BASE, CP_TAIL)])

    @pl.when(cid == 1)
    def _stage1():
        pltpu.sync_copy(h1_hbm.at[pl.ds(s0, ROWS_PER_TILE_CP)],
                        hcache.at[pl.ds(s0, ROWS_PER_TILE_CP)])

        @pl.when(sid == 0)
        def _tail1():
            pltpu.sync_copy(h1_hbm.at[pl.ds(CP_TAIL_BASE, CP_TAIL)],
                            hcache.at[pl.ds(CP_TAIL_BASE, CP_TAIL)])

    plsc.subcore_barrier()

    def edge_pass():
        pltpu.async_copy(src_hbm.at[pl.ds(tile_chunk0, G)], src_v.at[0], isem)
        pltpu.async_copy(dst_hbm.at[pl.ds(tile_chunk0, G)], dst_v.at[0], isem)

        def group_body(g, carry):
            cur = lax.rem(g, 2)
            nxt = 1 - cur
            pltpu.make_async_copy(src_hbm.at[pl.ds(0, G)], src_v.at[0],
                                  isem).wait()
            pltpu.make_async_copy(dst_hbm.at[pl.ds(0, G)], dst_v.at[0],
                                  isem).wait()
            nrow = tile_chunk0 + (g + 1) * G
            pltpu.async_copy(src_hbm.at[pl.ds(nrow, G)], src_v.at[nxt], isem)
            pltpu.async_copy(dst_hbm.at[pl.ds(nrow, G)], dst_v.at[nxt], isem)

            gd = [None] * NRB
            sd = [None] * NRB
            for j in range(NG):
                b = j % NRB
                gd[b] = pltpu.async_copy(
                    hcache.at[src_v.at[cur, j]], rows_v.at[b], gsems[b])
            for j in range(G):
                b = j % NRB
                gd[b].wait()
                sd[b] = pltpu.async_copy(
                    rows_v.at[b], acc.at[dst_v.at[cur, j]], ssems[b],
                    add=True)
                f = j + NG
                if f < G:
                    fb = f % NRB
                    if sd[fb] is not None:
                        sd[fb].wait()
                        sd[fb] = None
                    gd[fb] = pltpu.async_copy(
                        hcache.at[src_v.at[cur, f]], rows_v.at[fb], gsems[fb])
            for b in range(NRB):
                if sd[b] is not None:
                    sd[b].wait()
            return carry

        lax.fori_loop(0, GROUPS_PER_TILE, group_body, 0)
        pltpu.make_async_copy(src_hbm.at[pl.ds(0, G)], src_v.at[0],
                              isem).wait()
        pltpu.make_async_copy(dst_hbm.at[pl.ds(0, G)], dst_v.at[0],
                              isem).wait()

    edge_pass()
    plsc.subcore_barrier()

    def relu_rows(base, nrows):
        pltpu.sync_copy(acc.at[pl.ds(base, nrows)], work_v.at[pl.ds(0, nrows)])

        def row_body(r, carry):
            for c in range(FH // 16):
                sl = pl.ds(c * 16, 16)
                work_v[r, sl] = jnp.maximum(work_v[r, sl] + bias_v[0, sl], 0.0)
            return carry

        lax.fori_loop(0, nrows, row_body, 0)
        pltpu.sync_copy(work_v.at[pl.ds(0, nrows)], hcache.at[pl.ds(base, nrows)])

    for w in range(ROWS_PER_TILE_CP // WR):
        relu_rows(s0 + w * WR, WR)

    @pl.when(sid == 0)
    def _relu_tail():
        relu_rows(CP_TAIL_BASE, CP_TAIL)

    plsc.subcore_barrier()
    zero_acc()
    plsc.subcore_barrier()

    edge_pass()
    plsc.subcore_barrier()

    @pl.when(cid == 0)
    def _out0():
        pltpu.sync_copy(acc.at[pl.ds(s0, ROWS_PER_TILE_CP)],
                        out0_hbm.at[pl.ds(s0, ROWS_PER_TILE_CP)])

        @pl.when(sid == 0)
        def _otail0():
            pltpu.sync_copy(acc.at[pl.ds(CP_TAIL_BASE, CP_TAIL)],
                            out0_hbm.at[pl.ds(CP_TAIL_BASE, CP_TAIL)])

    @pl.when(cid == 1)
    def _out1():
        pltpu.sync_copy(acc.at[pl.ds(s0, ROWS_PER_TILE_CP)],
                        out1_hbm.at[pl.ds(s0, ROWS_PER_TILE_CP)])

        @pl.when(sid == 0)
        def _otail1():
            pltpu.sync_copy(acc.at[pl.ds(CP_TAIL_BASE, CP_TAIL)],
                            out1_hbm.at[pl.ds(CP_TAIL_BASE, CP_TAIL)])


def _mm1_body(x_ref, w_ref, out0_ref, out1_ref):
    r = jnp.dot(x_ref[...], w_ref[...], preferred_element_type=jnp.float32)
    out0_ref[...] = r[:, :FH]
    out1_ref[...] = r[:, FH:]


def _mm1(x, w1):
    return pl.pallas_call(
        _mm1_body,
        grid=(N_ROW_BLKS,),
        in_specs=[
            pl.BlockSpec((ROW_BLK, NFEAT), lambda i: (i, 0)),
            pl.BlockSpec((NFEAT, NEMBED), lambda i: (0, 0)),
        ],
        out_specs=[pl.BlockSpec((ROW_BLK, FH), lambda i: (i, 0)),
                   pl.BlockSpec((ROW_BLK, FH), lambda i: (i, 0))],
        out_shape=[jax.ShapeDtypeStruct((N_NODES, FH), jnp.float32),
                   jax.ShapeDtypeStruct((N_NODES, FH), jnp.float32)],
    )(x, w1)


def _lsm_body(q0_ref, q1_ref, w2_ref, b2_ref, out_ref):
    s = jnp.concatenate([q0_ref[...], q1_ref[...]], axis=1)
    a = jnp.dot(s, w2_ref[...], preferred_element_type=jnp.float32) + b2_ref[0, :]
    m = jnp.max(a, axis=1, keepdims=True)
    e = jnp.exp(a - m)
    out_ref[...] = a - m - jnp.log(jnp.sum(e, axis=1, keepdims=True))


def _lsm(q0, q1, w2, b2):
    return pl.pallas_call(
        _lsm_body,
        grid=(N_ROW_BLKS,),
        in_specs=[
            pl.BlockSpec((ROW_BLK, FH), lambda i: (i, 0)),
            pl.BlockSpec((ROW_BLK, FH), lambda i: (i, 0)),
            pl.BlockSpec((NEMBED, NX), lambda i: (0, 0)),
            pl.BlockSpec((1, NX), lambda i: (0, 0)),
        ],
        out_specs=pl.BlockSpec((ROW_BLK, NX), lambda i: (i, 0)),
        out_shape=jax.ShapeDtypeStruct((N_NODES, NX), jnp.float32),
    )(q0, q1, w2, b2.reshape(1, NX))


def kernel(x, edge_index, W1, b1, W2, b2):
    src = edge_index[0].astype(jnp.int32)
    dst = edge_index[1].astype(jnp.int32)
    pad = E_PAD - N_EDGES
    src = jnp.concatenate([src, jnp.zeros((pad,), jnp.int32)])
    dst = jnp.concatenate([dst, jnp.full((pad,), N_NODES, jnp.int32)])
    src = jnp.concatenate(
        [src.reshape(TOTAL_CHUNKS, K), jnp.zeros((G, K), jnp.int32)])
    dst = jnp.concatenate(
        [dst.reshape(TOTAL_CHUNKS, K),
         jnp.full((G, K), N_NODES, jnp.int32)])
    zeros = jnp.zeros((NP, FH), jnp.float32)

    h0, h1 = _mm1(x, W1)
    q0, q1 = _gcn_sc(h0, h1, src, dst, zeros, b1.reshape(2, FH))
    return _lsm(q0, q1, W2, b2)

# --- scband reference (transcript-rebuilt; emitter-appended) ---
"""Pipeline reference for scband-gcn-cont-678604832910 (READ-ONLY COPY).

The authoritative reference and input builder live on the scoring server;
editing this copy changes nothing except your own understanding.
"""

import jax, jax.numpy as jnp
import numpy as np

N_NODES = 10000
N_EDGES = 320000
NFEAT = 128
NEMBED = 128
NX = 64


def setup_inputs(seed: int = 0) -> dict:
    key = jax.random.key(seed)
    ks = jax.random.split(key, 6)
    x = jax.random.normal(ks[0], (N_NODES, NFEAT), dtype=jnp.float32)
    edge_index = jax.random.randint(ks[1], (2, N_EDGES), 0, N_NODES)
    # GraphConvolution layer 1 params (xavier-like scaling)
    W1 = jax.random.normal(ks[2], (NFEAT, NEMBED), dtype=jnp.float32) * (1.0 / np.sqrt(NFEAT))
    b1 = jnp.zeros((NEMBED,), dtype=jnp.float32)
    # GraphConvolution layer 2 params
    W2 = jax.random.normal(ks[3], (NEMBED, NX), dtype=jnp.float32) * (1.0 / np.sqrt(NEMBED))
    b2 = jnp.zeros((NX,), dtype=jnp.float32)
    return {"x": x, "edge_index": edge_index, "W1": W1, "b1": b1, "W2": W2, "b2": b2}


def reference(x, edge_index, W1, b1, W2, b2):
    # GraphConvolution: support = x @ W ; out = adj @ support + b
    # adj @ h realized as edge-wise gather from src + scatter-add to dst (SparseCore friendly)
    src = edge_index[0]
    dst = edge_index[1]
    n = x.shape[0]

    def spmm(h):
        msgs = jnp.take(h, src, axis=0)          # gather
        return jax.ops.segment_sum(msgs, dst, num_segments=n)  # scatter-add

    # layer 1: gc1 -> relu (dropout is identity in eval mode)
    h1 = jnp.dot(x, W1)
    h1 = spmm(h1) + b1
    h1 = jax.nn.relu(h1)
    # layer 2: gc2
    h2 = jnp.dot(h1, W2)
    h2 = spmm(h2) + b2
    # log_softmax over classes
    return jax.nn.log_softmax(h2, axis=1)

if __name__ == "__main__":
    import jax
    _d = setup_inputs()
    print(jax.jit(kernel)(*tuple(_d.values())))

</pallas_src>

<mosaic_0001>
#map = affine_map<(d0, d1) -> (0, 0)>
module attributes {stable_mosaic.version = 14 : i64} {
  func.func @_gcn_sc(%arg0: i32, %arg1: i32, %arg2: memref<10000x64xf32, #tpu.memory_space<hbm>>, %arg3: memref<10000x64xf32, #tpu.memory_space<hbm>>, %arg4: memref<2568x128xi32, #tpu.memory_space<hbm>>, %arg5: memref<2568x128xi32, #tpu.memory_space<hbm>>, %arg6: memref<10112x64xf32, #tpu.memory_space<hbm>>, %arg7: memref<2x64xf32, #tpu.memory_space<hbm>>, %arg8: memref<10000x64xf32, #tpu.memory_space<hbm>>, %arg9: memref<10000x64xf32, #tpu.memory_space<hbm>>, %arg10: memref<10000x64xf32, #tpu.memory_space<vmem_shared>>, %arg11: memref<10112x64xf32, #tpu.memory_space<vmem_shared>>, %arg12: memref<2x8x128xi32, #tpu.memory_space<vmem>>, %arg13: memref<2x8x128xi32, #tpu.memory_space<vmem>>, %arg14: memref<4x128x64xf32, #tpu.memory_space<vmem>>, %arg15: memref<78x64xf32, #tpu.memory_space<vmem>>, %arg16: memref<1x64xf32, #tpu.memory_space<vmem>>, %arg17: memref<!tpu.dma_semaphore, #tpu.memory_space<semaphore_mem>>, %arg18: memref<!tpu.dma_semaphore, #tpu.memory_space<semaphore_mem>>, %arg19: memref<!tpu.dma_semaphore, #tpu.memory_space<semaphore_mem>>, %arg20: memref<!tpu.dma_semaphore, #tpu.memory_space<semaphore_mem>>, %arg21: memref<!tpu.dma_semaphore, #tpu.memory_space<semaphore_mem>>, %arg22: memref<!tpu.dma_semaphore, #tpu.memory_space<semaphore_mem>>, %arg23: memref<!tpu.dma_semaphore, #tpu.memory_space<semaphore_mem>>, %arg24: memref<!tpu.dma_semaphore, #tpu.memory_space<semaphore_mem>>, %arg25: memref<!tpu.dma_semaphore, #tpu.memory_space<semaphore_mem>>) attributes {dimension_semantics = [#tpu.dimension_semantics<core_parallel>, #tpu.dimension_semantics<subcore_parallel>], iteration_bounds = array<i64: 2, 16>, scalar_prefetch = 0 : i64, scratch_operands = 16 : i64, tpu.core_type = #tpu.core_type<sc_vector_subcore>, window_params = [{transform_indices = #map}, {transform_indices = #map}, {transform_indices = #map}, {transform_indices = #map}, {transform_indices = #map}, {transform_indices = #map}, {transform_indices = #map}, {transform_indices = #map}]} {
    %mul3A = arith.constant 632 : i32
    %mul3A_0 = arith.muli %arg1, %mul3A : i32
    %mul3A_1 = arith.constant 624 : i32
    %mul3A_2 = arith.muli %arg1, %mul3A_1 : i32
    %mul3A_3 = arith.constant 160 : i32
    %mul3A_4 = arith.muli %arg1, %mul3A_3 : i32
    "tpu.region"() ({
      %run_scoped3A = tpu.sem_alloc : memref<!tpu.dma_semaphore, #tpu.memory_space<semaphore_mem>>
      %dma_start3A_215 = arith.constant 0 : i32
      %dma_start3A_216 = tpu.memref_slice %arg11[%mul3A_0, %dma_start3A_215] : memref<10112x64xf32, #tpu.memory_space<vmem_shared>> -> memref<632x64xf32, #tpu.memory_space<vmem_shared>>
      %dma_start3A_217 = arith.constant 0 : i32
      %dma_start3A_218 = tpu.memref_slice %arg6[%mul3A_0, %dma_start3A_217] : memref<10112x64xf32, #tpu.memory_space<hbm>> -> memref<632x64xf32, #tpu.memory_space<hbm>>
      tpu.enqueue_dma source(%dma_start3A_218 : memref<632x64xf32, #tpu.memory_space<hbm>>) target(%dma_start3A_216 : memref<632x64xf32, #tpu.memory_space<vmem_shared>>) target_semaphore(%run_scoped3A : memref<!tpu.dma_semaphore, #tpu.memory_space<semaphore_mem>>)
      %dma_wait3A_219 = arith.constant 0 : i32
      %dma_wait3A_220 = tpu.memref_slice %arg11[%mul3A_0, %dma_wait3A_219] : memref<10112x64xf32, #tpu.memory_space<vmem_shared>> -> memref<632x64xf32, #tpu.memory_space<vmem_shared>>
      %dma_wait3A_221 = arith.constant 0 : i32
      %dma_wait3A_222 = tpu.memref_slice %arg6[%mul3A_0, %dma_wait3A_221] : memref<10112x64xf32, #tpu.memory_space<hbm>> -> memref<632x64xf32, #tpu.memory_space<hbm>>
      tpu.wait_dma2 semaphore(%run_scoped3A : memref<!tpu.dma_semaphore, #tpu.memory_space<semaphore_mem>>) src(%dma_wait3A_222 : memref<632x64xf32, #tpu.memory_space<hbm>>) dst(%dma_wait3A_220 : memref<632x64xf32, #tpu.memory_space<vmem_shared>>)
      tpu.yield
    }) : () -> ()
    "tpu.region"() ({
      %run_scoped3A = tpu.sem_alloc : memref<!tpu.dma_semaphore, #tpu.memory_space<semaphore_mem>>
      %dma_start3A_215 = arith.constant 0 : i32
      %dma_start3A_216 = tpu.memref_slice %arg7[%arg0, %dma_start3A_215] : memref<2x64xf32, #tpu.memory_space<hbm>> -> memref<1x64xf32, #tpu.memory_space<hbm>>
      %dma_start3A_217 = arith.constant 0 : i32
      %dma_start3A_218 = tpu.memref_slice %arg7[%arg0, %dma_start3A_217] : memref<2x64xf32, #tpu.memory_space<hbm>> -> memref<1x64xf32, #tpu.memory_space<hbm>>
      tpu.enqueue_dma source(%dma_start3A_218 : memref<1x64xf32, #tpu.memory_space<hbm>>) target(%arg16 : memref<1x64xf32, #tpu.memory_space<vmem>>) target_semaphore(%run_scoped3A : memref<!tpu.dma_semaphore, #tpu.memory_space<semaphore_mem>>)
      %dma_wait3A_219 = arith.constant 0 : i32
      %dma_wait3A_220 = tpu.memref_slice %arg7[%arg0, %dma_wait3A_219] : memref<2x64xf32, #tpu.memory_space<hbm>> -> memref<1x64xf32, #tpu.memory_space<hbm>>
      %dma_wait3A_221 = arith.constant 0 : i32
      %dma_wait3A_222 = tpu.memref_slice %arg7[%arg0, %dma_wait3A_221] : memref<2x64xf32, #tpu.memory_space<hbm>> -> memref<1x64xf32, #tpu.memory_space<hbm>>
      tpu.wait_dma2 semaphore(%run_scoped3A : memref<!tpu.dma_semaphore, #tpu.memory_space<semaphore_mem>>) src(%dma_wait3A_222 : memref<1x64xf32, #tpu.memory_space<hbm>>) dst(%arg16 : memref<1x64xf32, #tpu.memory_space<vmem>>)
      tpu.yield
    }) : () -> ()
    %eq3A = arith.constant 0 : i32
    %eq3A_5 = arith.cmpi eq, %arg0, %eq3A : i32
    %convert_element_type3A = arith.extui %eq3A_5 : i1 to i32
    %cond3A = arith.constant 0 : i32
    %cond3A_6 = arith.cmpi ne, %convert_element_type3A, %cond3A : i32
    scf.if %cond3A_6 {
      "tpu.region"() ({
        %run_scoped3A = tpu.sem_alloc : memref<!tpu.dma_semaphore, #tpu.memory_space<semaphore_mem>>
        %dma_start3A_220 = arith.constant 0 : i32
        %dma_start3A_221 = tpu.memref_slice %arg10[%mul3A_2, %dma_start3A_220] : memref<10000x64xf32, #tpu.memory_space<vmem_shared>> -> memref<624x64xf32, #tpu.memory_space<vmem_shared>>
        %dma_start3A_222 = arith.constant 0 : i32
        %dma_start3A_223 = tpu.memref_slice %arg2[%mul3A_2, %dma_start3A_222] : memref<10000x64xf32, #tpu.memory_space<hbm>> -> memref<624x64xf32, #tpu.memory_space<hbm>>
        tpu.enqueue_dma source(%dma_start3A_223 : memref<624x64xf32, #tpu.memory_space<hbm>>) target(%dma_start3A_221 : memref<624x64xf32, #tpu.memory_space<vmem_shared>>) target_semaphore(%run_scoped3A : memref<!tpu.dma_semaphore, #tpu.memory_space<semaphore_mem>>)
        %dma_wait3A_224 = arith.constant 0 : i32
        %dma_wait3A_225 = tpu.memref_slice %arg10[%mul3A_2, %dma_wait3A_224] : memref<10000x64xf32, #tpu.memory_space<vmem_shared>> -> memref<624x64xf32, #tpu.memory_space<vmem_shared>>
        %dma_wait3A_226 = arith.constant 0 : i32
        %dma_wait3A_227 = tpu.memref_slice %arg2[%mul3A_2, %dma_wait3A_226] : memref<10000x64xf32, #tpu.memory_space<hbm>> -> memref<624x64xf32, #tpu.memory_space<hbm>>
        tpu.wait_dma2 semaphore(%run_scoped3A : memref<!tpu.dma_semaphore, #tpu.memory_space<semaphore_mem>>) src(%dma_wait3A_227 : memref<624x64xf32, #tpu.memory_space<hbm>>) dst(%dma_wait3A_225 : memref<624x64xf32, #tpu.memory_space<vmem_shared>>)
        tpu.yield
      }) : () -> ()
      %eq3A_215 = arith.constant 0 : i32
      %eq3A_216 = arith.cmpi eq, %arg1, %eq3A_215 : i32
      %convert_element_type3A_217 = arith.extui %eq3A_216 : i1 to i32
      %cond3A_218 = arith.constant 0 : i32
      %cond3A_219 = arith.cmpi ne, %convert_element_type3A_217, %cond3A_218 : i32
      scf.if %cond3A_219 {
        "tpu.region"() ({
          %run_scoped3A = tpu.sem_alloc : memref<!tpu.dma_semaphore, #tpu.memory_space<semaphore_mem>>
          %dma_start3A_220 = arith.constant 9984 : i32
          %dma_start3A_221 = arith.constant 0 : i32
          %dma_start3A_222 = tpu.memref_slice %arg10[%dma_start3A_220, %dma_start3A_221] : memref<10000x64xf32, #tpu.memory_space<vmem_shared>> -> memref<16x64xf32, #tpu.memory_space<vmem_shared>>
          %dma_start3A_223 = arith.constant 9984 : i32
          %dma_start3A_224 = arith.constant 0 : i32
          %dma_start3A_225 = tpu.memref_slice %arg2[%dma_start3A_223, %dma_start3A_224] : memref<10000x64xf32, #tpu.memory_space<hbm>> -> memref<16x64xf32, #tpu.memory_space<hbm>>
          tpu.enqueue_dma source(%dma_start3A_225 : memref<16x64xf32, #tpu.memory_space<hbm>>) target(%dma_start3A_222 : memref<16x64xf32, #tpu.memory_space<vmem_shared>>) target_semaphore(%run_scoped3A : memref<!tpu.dma_semaphore, #tpu.memory_space<semaphore_mem>>)
          %dma_wait3A_226 = arith.constant 9984 : i32
          %dma_wait3A_227 = arith.constant 0 : i32
          %dma_wait3A_228 = tpu.memref_slice %arg10[%dma_wait3A_226, %dma_wait3A_227] : memref<10000x64xf32, #tpu.memory_space<vmem_shared>> -> memref<16x64xf32, #tpu.memory_space<vmem_shared>>
          %dma_wait3A_229 = arith.constant 9984 : i32
          %dma_wait3A_230 = arith.constant 0 : i32
          %dma_wait3A_231 = tpu.memref_slice %arg2[%dma_wait3A_229, %dma_wait3A_230] : memref<10000x64xf32, #tpu.memory_space<hbm>> -> memref<16x64xf32, #tpu.memory_space<hbm>>
          tpu.wait_dma2 semaphore(%run_scoped3A : memref<!tpu.dma_semaphore, #tpu.memory_space<semaphore_mem>>) src(%dma_wait3A_231 : memref<16x64xf32, #tpu.memory_space<hbm>>) dst(%dma_wait3A_228 : memref<16x64xf32, #tpu.memory_space<vmem_shared>>)
          tpu.yield
        }) : () -> ()
      } else {
      }
    } else {
    }
    %eq3A_7 = arith.constant 1 : i32
    %eq3A_8 = arith.cmpi eq, %arg0, %eq3A_7 : i32
    %convert_element_type3A_9 = arith.extui %eq3A_8 : i1 to i32
    %cond3A_10 = arith.constant 0 : i32
    %cond3A_11 = arith.cmpi ne, %convert_element_type3A_9, %cond3A_10 : i32
    scf.if %cond3A_11 {
      "tpu.region"() ({
        %run_scoped3A = tpu.sem_alloc : memref<!tpu.dma_semaphore, #tpu.memory_space<semaphore_mem>>
        %dma_start3A_220 = arith.constant 0 : i32
        %dma_start3A_221 = tpu.memref_slice %arg10[%mul3A_2, %dma_start3A_220] : memref<10000x64xf32, #tpu.memory_space<vmem_shared>> -> memref<624x64xf32, #tpu.memory_space<vmem_shared>>
        %dma_start3A_222 = arith.constant 0 : i32
        %dma_start3A_223 = tpu.memref_slice %arg3[%mul3A_2, %dma_start3A_222] : memref<10000x64xf32, #tpu.memory_space<hbm>> -> memref<624x64xf32, #tpu.memory_space<hbm>>
        tpu.enqueue_dma source(%dma_start3A_223 : memref<624x64xf32, #tpu.memory_space<hbm>>) target(%dma_start3A_221 : memref<624x64xf32, #tpu.memory_space<vmem_shared>>) target_semaphore(%run_scoped3A : memref<!tpu.dma_semaphore, #tpu.memory_space<semaphore_mem>>)
        %dma_wait3A_224 = arith.constant 0 : i32
        %dma_wait3A_225 = tpu.memref_slice %arg10[%mul3A_2, %dma_wait3A_224] : memref<10000x64xf32, #tpu.memory_space<vmem_shared>> -> memref<624x64xf32, #tpu.memory_space<vmem_shared>>
        %dma_wait3A_226 = arith.constant 0 : i32
        %dma_wait3A_227 = tpu.memref_slice %arg3[%mul3A_2, %dma_wait3A_226] : memref<10000x64xf32, #tpu.memory_space<hbm>> -> memref<624x64xf32, #tpu.memory_space<hbm>>
        tpu.wait_dma2 semaphore(%run_scoped3A : memref<!tpu.dma_semaphore, #tpu.memory_space<semaphore_mem>>) src(%dma_wait3A_227 : memref<624x64xf32, #tpu.memory_space<hbm>>) dst(%dma_wait3A_225 : memref<624x64xf32, #tpu.memory_space<vmem_shared>>)
        tpu.yield
      }) : () -> ()
      %eq3A_215 = arith.constant 0 : i32
      %eq3A_216 = arith.cmpi eq, %arg1, %eq3A_215 : i32
      %convert_element_type3A_217 = arith.extui %eq3A_216 : i1 to i32
      %cond3A_218 = arith.constant 0 : i32
      %cond3A_219 = arith.cmpi ne, %convert_element_type3A_217, %cond3A_218 : i32
      scf.if %cond3A_219 {
        "tpu.region"() ({
          %run_scoped3A = tpu.sem_alloc : memref<!tpu.dma_semaphore, #tpu.memory_space<semaphore_mem>>
          %dma_start3A_220 = arith.constant 9984 : i32
          %dma_start3A_221 = arith.constant 0 : i32
          %dma_start3A_222 = tpu.memref_slice %arg10[%dma_start3A_220, %dma_start3A_221] : memref<10000x64xf32, #tpu.memory_space<vmem_shared>> -> memref<16x64xf32, #tpu.memory_space<vmem_shared>>
          %dma_start3A_223 = arith.constant 9984 : i32
          %dma_start3A_224 = arith.constant 0 : i32
          %dma_start3A_225 = tpu.memref_slice %arg3[%dma_start3A_223, %dma_start3A_224] : memref<10000x64xf32, #tpu.memory_space<hbm>> -> memref<16x64xf32, #tpu.memory_space<hbm>>
          tpu.enqueue_dma source(%dma_start3A_225 : memref<16x64xf32, #tpu.memory_space<hbm>>) target(%dma_start3A_222 : memref<16x64xf32, #tpu.memory_space<vmem_shared>>) target_semaphore(%run_scoped3A : memref<!tpu.dma_semaphore, #tpu.memory_space<semaphore_mem>>)
          %dma_wait3A_226 = arith.constant 9984 : i32
          %dma_wait3A_227 = arith.constant 0 : i32
          %dma_wait3A_228 = tpu.memref_slice %arg10[%dma_wait3A_226, %dma_wait3A_227] : memref<10000x64xf32, #tpu.memory_space<vmem_shared>> -> memref<16x64xf32, #tpu.memory_space<vmem_shared>>
          %dma_wait3A_229 = arith.constant 9984 : i32
          %dma_wait3A_230 = arith.constant 0 : i32
          %dma_wait3A_231 = tpu.memref_slice %arg3[%dma_wait3A_229, %dma_wait3A_230] : memref<10000x64xf32, #tpu.memory_space<hbm>> -> memref<16x64xf32, #tpu.memory_space<hbm>>
          tpu.wait_dma2 semaphore(%run_scoped3A : memref<!tpu.dma_semaphore, #tpu.memory_space<semaphore_mem>>) src(%dma_wait3A_231 : memref<16x64xf32, #tpu.memory_space<hbm>>) dst(%dma_wait3A_228 : memref<16x64xf32, #tpu.memory_space<vmem_shared>>)
          tpu.yield
        }) : () -> ()
      } else {
      }
    } else {
    }
    %barrier3A = arith.constant 0 : index
    tpu.barrier barrier_id(%barrier3A)
    %dma_start3A = arith.constant 0 : i32
    %dma_start3A_12 = arith.constant 0 : i32
    %dma_start3A_13 = arith.constant 0 : i32
    %dma_start3A_14 = tpu.memref_slice %arg12[%dma_start3A, %dma_start3A_12, %dma_start3A_13] : memref<2x8x128xi32, #tpu.memory_space<vmem>> -> memref<1x8x128xi32, #tpu.memory_space<vmem>>
    %dma_start3A_15 = tpu.memref_squeeze %dma_start3A_14 : memref<1x8x128xi32, #tpu.memory_space<vmem>> -> memref<8x128xi32, #tpu.memory_space<vmem>>
    %dma_start3A_16 = arith.constant 0 : i32
    %dma_start3A_17 = tpu.memref_slice %arg4[%mul3A_4, %dma_start3A_16] : memref<2568x128xi32, #tpu.memory_space<hbm>> -> memref<8x128xi32, #tpu.memory_space<hbm>>
    %dma_start3A_18 = arith.constant 0 : i32
    %dma_start3A_19 = arith.constant 0 : i32
    %dma_start3A_20 = tpu.memref_slice %arg12[%dma_start3A, %dma_start3A_18, %dma_start3A_19] : memref<2x8x128xi32, #tpu.memory_space<vmem>> -> memref<1x8x128xi32, #tpu.memory_space<vmem>>
    %dma_start3A_21 = tpu.memref_squeeze %dma_start3A_20 : memref<1x8x128xi32, #tpu.memory_space<vmem>> -> memref<8x128xi32, #tpu.memory_space<vmem>>
    %dma_start3A_22 = arith.constant 0 : i32
    %dma_start3A_23 = tpu.memref_slice %arg4[%mul3A_4, %dma_start3A_22] : memref<2568x128xi32, #tpu.memory_space<hbm>> -> memref<8x128xi32, #tpu.memory_space<hbm>>
    tpu.enqueue_dma source(%dma_start3A_23 : memref<8x128xi32, #tpu.memory_space<hbm>>) target(%dma_start3A_21 : memref<8x128xi32, #tpu.memory_space<vmem>>) target_semaphore(%arg17 : memref<!tpu.dma_semaphore, #tpu.memory_space<semaphore_mem>>)
    %dma_start3A_24 = arith.constant 0 : i32
    %dma_start3A_25 = arith.constant 0 : i32
    %dma_start3A_26 = arith.constant 0 : i32
    %dma_start3A_27 = tpu.memref_slice %arg13[%dma_start3A_24, %dma_start3A_25, %dma_start3A_26] : memref<2x8x128xi32, #tpu.memory_space<vmem>> -> memref<1x8x128xi32, #tpu.memory_space<vmem>>
    %dma_start3A_28 = tpu.memref_squeeze %dma_start3A_27 : memref<1x8x128xi32, #tpu.memory_space<vmem>> -> memref<8x128xi32, #tpu.memory_space<vmem>>
    %dma_start3A_29 = arith.constant 0 : i32
    %dma_start3A_30 = tpu.memref_slice %arg5[%mul3A_4, %dma_start3A_29] : memref<2568x128xi32, #tpu.memory_space<hbm>> -> memref<8x128xi32, #tpu.memory_space<hbm>>
    %dma_start3A_31 = arith.constant 0 : i32
    %dma_start3A_32 = arith.constant 0 : i32
    %dma_start3A_33 = tpu.memref_slice %arg13[%dma_start3A_24, %dma_start3A_31, %dma_start3A_32] : memref<2x8x128xi32, #tpu.memory_space<vmem>> -> memref<1x8x128xi32, #tpu.memory_space<vmem>>
    %dma_start3A_34 = tpu.memref_squeeze %dma_start3A_33 : memref<1x8x128xi32, #tpu.memory_space<vmem>> -> memref<8x128xi32, #tpu.memory_space<vmem>>
    %dma_start3A_35 = arith.constant 0 : i32
    %dma_start3A_36 = tpu.memref_slice %arg5[%mul3A_4, %dma_start3A_35] : memref<2568x128xi32, #tpu.memory_space<hbm>> -> memref<8x128xi32, #tpu.memory_space<hbm>>
    tpu.enqueue_dma source(%dma_start3A_36 : memref<8x128xi32, #tpu.memory_space<hbm>>) target(%dma_start3A_34 : memref<8x128xi32, #tpu.memory_space<vmem>>) target_semaphore(%arg17 : memref<!tpu.dma_semaphore, #tpu.memory_space<semaphore_mem>>)
    %scan3A = arith.constant 0 : i32
    %scan3A_37 = arith.constant 0 : i32
    %scan3A_38 = arith.constant 20 : i32
    %scan3A_39 = arith.addi %scan3A_37, %scan3A_38 : i32
    %scan3A_40 = arith.constant 1 : i32
    scf.for %scan3A_215 = %scan3A_37 to %scan3A_39 step %scan3A_40  : i32 {
      %rem3A = arith.constant 2 : i32
      %rem3A_216 = arith.remsi %scan3A_215, %rem3A : i32
      %sub3A = arith.constant 1 : i32
      %sub3A_217 = arith.subi %sub3A, %rem3A_216 : i32
      %dma_wait3A_218 = arith.constant 0 : i32
      %dma_wait3A_219 = arith.constant 0 : i32
      %dma_wait3A_220 = arith.constant 0 : i32
      %dma_wait3A_221 = tpu.memref_slice %arg12[%dma_wait3A_218, %dma_wait3A_219, %dma_wait3A_220] : memref<2x8x128xi32, #tpu.memory_space<vmem>> -> memref<1x8x128xi32, #tpu.memory_space<vmem>>
      %dma_wait3A_222 = tpu.memref_squeeze %dma_wait3A_221 : memref<1x8x128xi32, #tpu.memory_space<vmem>> -> memref<8x128xi32, #tpu.memory_space<vmem>>
      %dma_wait3A_223 = arith.constant 0 : i32
      %dma_wait3A_224 = arith.constant 0 : i32
      %dma_wait3A_225 = tpu.memref_slice %arg4[%dma_wait3A_223, %dma_wait3A_224] : memref<2568x128xi32, #tpu.memory_space<hbm>> -> memref<8x128xi32, #tpu.memory_space<hbm>>
      %dma_wait3A_226 = arith.constant 0 : i32
      %dma_wait3A_227 = arith.constant 0 : i32
      %dma_wait3A_228 = tpu.memref_slice %arg12[%dma_wait3A_218, %dma_wait3A_226, %dma_wait3A_227] : memref<2x8x128xi32, #tpu.memory_space<vmem>> -> memref<1x8x128xi32, #tpu.memory_space<vmem>>
      %dma_wait3A_229 = tpu.memref_squeeze %dma_wait3A_228 : memref<1x8x128xi32, #tpu.memory_space<vmem>> -> memref<8x128xi32, #tpu.memory_space<vmem>>
      %dma_wait3A_230 = arith.constant 0 : i32
      %dma_wait3A_231 = arith.constant 0 : i32
      %dma_wait3A_232 = tpu.memref_slice %arg4[%dma_wait3A_230, %dma_wait3A_231] : memref<2568x128xi32, #tpu.memory_space<hbm>> -> memref<8x128xi32, #tpu.memory_space<hbm>>
      tpu.wait_dma2 semaphore(%arg17 : memref<!tpu.dma_semaphore, #tpu.memory_space<semaphore_mem>>) src(%dma_wait3A_232 : memref<8x128xi32, #tpu.memory_space<hbm>>) dst(%dma_wait3A_229 : memref<8x128xi32, #tpu.memory_space<vmem>>)
      %dma_wait3A_233 = arith.constant 0 : i32
      %dma_wait3A_234 = arith.constant 0 : i32
      %dma_wait3A_235 = arith.constant 0 : i32
      %dma_wait3A_236 = tpu.memref_slice %arg13[%dma_wait3A_233, %dma_wait3A_234, %dma_wait3A_235] : memref<2x8x128xi32, #tpu.memory_space<vmem>> -> memref<1x8x128xi32, #tpu.memory_space<vmem>>
      %dma_wait3A_237 = tpu.memref_squeeze %dma_wait3A_236 : memref<1x8x128xi32, #tpu.memory_space<vmem>> -> memref<8x128xi32, #tpu.memory_space<vmem>>
      %dma_wait3A_238 = arith.constant 0 : i32
      %dma_wait3A_239 = arith.constant 0 : i32
      %dma_wait3A_240 = tpu.memref_slice %arg5[%dma_wait3A_238, %dma_wait3A_239] : memref<2568x128xi32, #tpu.memory_space<hbm>> -> memref<8x128xi32, #tpu.memory_space<hbm>>
      %dma_wait3A_241 = arith.constant 0 : i32
      %dma_wait3A_242 = arith.constant 0 : i32
      %dma_wait3A_243 = tpu.memref_slice %arg13[%dma_wait3A_233, %dma_wait3A_241, %dma_wait3A_242] : memref<2x8x128xi32, #tpu.memory_space<vmem>> -> memref<1x8x128xi32, #tpu.memory_space<vmem>>
      %dma_wait3A_244 = tpu.memref_squeeze %dma_wait3A_243 : memref<1x8x128xi32, #tpu.memory_space<vmem>> -> memref<8x128xi32, #tpu.memory_space<vmem>>
      %dma_wait3A_245 = arith.constant 0 : i32
      %dma_wait3A_246 = arith.constant 0 : i32
      %dma_wait3A_247 = tpu.memref_slice %arg5[%dma_wait3A_245, %dma_wait3A_246] : memref<2568x128xi32, #tpu.memory_space<hbm>> -> memref<8x128xi32, #tpu.memory_space<hbm>>
      tpu.wait_dma2 semaphore(%arg17 : memref<!tpu.dma_semaphore, #tpu.memory_space<semaphore_mem>>) src(%dma_wait3A_247 : memref<8x128xi32, #tpu.memory_space<hbm>>) dst(%dma_wait3A_244 : memref<8x128xi32, #tpu.memory_space<vmem>>)
      %add3A_248 = arith.constant 1 : i32
      %add3A_249 = arith.addi %scan3A_215, %add3A_248 : i32
      %mul3A_250 = arith.constant 8 : i32
      %mul3A_251 = arith.muli %add3A_249, %mul3A_250 : i32
      %add3A_252 = arith.addi %mul3A_4, %mul3A_251 : i32
      %dma_start3A_253 = arith.constant 0 : i32
      %dma_start3A_254 = arith.constant 0 : i32
      %dma_start3A_255 = tpu.memref_slice %arg12[%sub3A_217, %dma_start3A_253, %dma_start3A_254] : memref<2x8x128xi32, #tpu.memory_space<vmem>> -> memref<1x8x128xi32, #tpu.memory_space<vmem>>
      %dma_start3A_256 = tpu.memref_squeeze %dma_start3A_255 : memref<1x8x128xi32, #tpu.memory_space<vmem>> -> memref<8x128xi32, #tpu.memory_space<vmem>>
      %dma_start3A_257 = arith.constant 0 : i32
      %dma_start3A_258 = tpu.memref_slice %arg4[%add3A_252, %dma_start3A_257] : memref<2568x128xi32, #tpu.memory_space<hbm>> -> memref<8x128xi32, #tpu.memory_space<hbm>>
      %dma_start3A_259 = arith.constant 0 : i32
      %dma_start3A_260 = arith.constant 0 : i32
      %dma_start3A_261 = tpu.memref_slice %arg12[%sub3A_217, %dma_start3A_259, %dma_start3A_260] : memref<2x8x128xi32, #tpu.memory_space<vmem>> -> memref<1x8x128xi32, #tpu.memory_space<vmem>>
      %dma_start3A_262 = tpu.memref_squeeze %dma_start3A_261 : memref<1x8x128xi32, #tpu.memory_space<vmem>> -> memref<8x128xi32, #tpu.memory_space<vmem>>
      %dma_start3A_263 = arith.constant 0 : i32
      %dma_start3A_264 = tpu.memref_slice %arg4[%add3A_252, %dma_start3A_263] : memref<2568x128xi32, #tpu.memory_space<hbm>> -> memref<8x128xi32, #tpu.memory_space<hbm>>
      tpu.enqueue_dma source(%dma_start3A_264 : memref<8x128xi32, #tpu.memory_space<hbm>>) target(%dma_start3A_262 : memref<8x128xi32, #tpu.memory_space<vmem>>) target_semaphore(%arg17 : memref<!tpu.dma_semaphore, #tpu.memory_space<semaphore_mem>>)
      %dma_start3A_265 = arith.constant 0 : i32
      %dma_start3A_266 = arith.constant 0 : i32
      %dma_start3A_267 = tpu.memref_slice %arg13[%sub3A_217, %dma_start3A_265, %dma_start3A_266] : memref<2x8x128xi32, #tpu.memory_space<vmem>> -> memref<1x8x128xi32, #tpu.memory_space<vmem>>
      %dma_start3A_268 = tpu.memref_squeeze %dma_start3A_267 : memref<1x8x128xi32, #tpu.memory_space<vmem>> -> memref<8x128xi32, #tpu.memory_space<vmem>>
      %dma_start3A_269 = arith.constant 0 : i32
      %dma_start3A_270 = tpu.memref_slice %arg5[%add3A_252, %dma_start3A_269] : memref<2568x128xi32, #tpu.memory_space<hbm>> -> memref<8x128xi32, #tpu.memory_space<hbm>>
      %dma_start3A_271 = arith.constant 0 : i32
      %dma_start3A_272 = arith.constant 0 : i32
      %dma_start3A_273 = tpu.memref_slice %arg13[%sub3A_217, %dma_start3A_271, %dma_start3A_272] : memref<2x8x128xi32, #tpu.memory_space<vmem>> -> memref<1x8x128xi32, #tpu.memory_space<vmem>>
      %dma_start3A_274 = tpu.memref_squeeze %dma_start3A_273 : memref<1x8x128xi32, #tpu.memory_space<vmem>> -> memref<8x128xi32, #tpu.memory_space<vmem>>
      %dma_start3A_275 = arith.constant 0 : i32
      %dma_start3A_276 = tpu.memref_slice %arg5[%add3A_252, %dma_start3A_275] : memref<2568x128xi32, #tpu.memory_space<hbm>> -> memref<8x128xi32, #tpu.memory_space<hbm>>
      tpu.enqueue_dma source(%dma_start3A_276 : memref<8x128xi32, #tpu.memory_space<hbm>>) target(%dma_start3A_274 : memref<8x128xi32, #tpu.memory_space<vmem>>) target_semaphore(%arg17 : memref<!tpu.dma_semaphore, #tpu.memory_space<semaphore_mem>>)
      %dma_start3A_277 = arith.constant 0 : i32
      %dma_start3A_278 = arith.constant 0 : i32
      %dma_start3A_279 = arith.constant 0 : i32
      %dma_start3A_280 = arith.constant 0 : i32
      %dma_start3A_281 = tpu.memref_slice %arg14[%dma_start3A_278, %dma_start3A_279, %dma_start3A_280] : memref<4x128x64xf32, #tpu.memory_space<vmem>> -> memref<1x128x64xf32, #tpu.memory_space<vmem>>
      %dma_start3A_282 = tpu.memref_squeeze %dma_start3A_281 : memref<1x128x64xf32, #tpu.memory_space<vmem>> -> memref<128x64xf32, #tpu.memory_space<vmem>>
      %dma_start3A_283 = arith.constant 0 : i32
      %dma_start3A_284 = tpu.memref_slice %arg12[%rem3A_216, %dma_start3A_277, %dma_start3A_283] : memref<2x8x128xi32, #tpu.memory_space<vmem>> -> memref<1x1x128xi32, #tpu.memory_space<vmem>>
      %dma_start3A_285 = tpu.memref_squeeze %dma_start3A_284 : memref<1x1x128xi32, #tpu.memory_space<vmem>> -> memref<128xi32, #tpu.memory_space<vmem>>
      %dma_start3A_286 = arith.constant 0 : i32
      %dma_start3A_287 = arith.constant 0 : i32
      %dma_start3A_288 = tpu.memref_slice %arg10[%dma_start3A_286, %dma_start3A_287] : memref<10000x64xf32, #tpu.memory_space<vmem_shared>> -> memref<10000x64xf32, #tpu.memory_space<vmem_shared>>
      tpu.enqueue_indirect_dma source(%dma_start3A_288 : memref<10000x64xf32, #tpu.memory_space<vmem_shared>>) target(%dma_start3A_282 : memref<128x64xf32, #tpu.memory_space<vmem>>) offsets(%dma_start3A_285 : memref<128xi32, #tpu.memory_space<vmem>>) semaphore(%arg18 : memref<!tpu.dma_semaphore, #tpu.memory_space<semaphore_mem>>)
      %dma_start3A_289 = arith.constant 1 : i32
      %dma_start3A_290 = arith.constant 1 : i32
      %dma_start3A_291 = arith.constant 0 : i32
      %dma_start3A_292 = arith.constant 0 : i32
      %dma_start3A_293 = tpu.memref_slice %arg14[%dma_start3A_290, %dma_start3A_291, %dma_start3A_292] : memref<4x128x64xf32, #tpu.memory_space<vmem>> -> memref<1x128x64xf32, #tpu.memory_space<vmem>>
      %dma_start3A_294 = tpu.memref_squeeze %dma_start3A_293 : memref<1x128x64xf32, #tpu.memory_space<vmem>> -> memref<128x64xf32, #tpu.memory_space<vmem>>
      %dma_start3A_295 = arith.constant 0 : i32
      %dma_start3A_296 = tpu.memref_slice %arg12[%rem3A_216, %dma_start3A_289, %dma_start3A_295] : memref<2x8x128xi32, #tpu.memory_space<vmem>> -> memref<1x1x128xi32, #tpu.memory_space<vmem>>
      %dma_start3A_297 = tpu.memref_squeeze %dma_start3A_296 : memref<1x1x128xi32, #tpu.memory_space<vmem>> -> memref<128xi32, #tpu.memory_space<vmem>>
      %dma_start3A_298 = arith.constant 0 : i32
      %dma_start3A_299 = arith.constant 0 : i32
      %dma_start3A_300 = tpu.memref_slice %arg10[%dma_start3A_298, %dma_start3A_299] : memref<10000x64xf32, #tpu.memory_space<vmem_shared>> -> memref<10000x64xf32, #tpu.memory_space<vmem_shared>>
      tpu.enqueue_indirect_dma source(%dma_start3A_300 : memref<10000x64xf32, #tpu.memory_space<vmem_shared>>) target(%dma_start3A_294 : memref<128x64xf32, #tpu.memory_space<vmem>>) offsets(%dma_start3A_297 : memref<128xi32, #tpu.memory_space<vmem>>) semaphore(%arg19 : memref<!tpu.dma_semaphore, #tpu.memory_space<semaphore_mem>>)
      %dma_wait3A_301 = arith.constant 0 : i32
      %dma_wait3A_302 = arith.constant 0 : i32
      %dma_wait3A_303 = arith.constant 0 : i32
      %dma_wait3A_304 = arith.constant 0 : i32
      %dma_wait3A_305 = tpu.memref_slice %arg14[%dma_wait3A_302, %dma_wait3A_303, %dma_wait3A_304] : memref<4x128x64xf32, #tpu.memory_space<vmem>> -> memref<1x128x64xf32, #tpu.memory_space<vmem>>
      %dma_wait3A_306 = tpu.memref_squeeze %dma_wait3A_305 : memref<1x128x64xf32, #tpu.memory_space<vmem>> -> memref<128x64xf32, #tpu.memory_space<vmem>>
      %dma_wait3A_307 = arith.constant 0 : i32
      %dma_wait3A_308 = tpu.memref_slice %arg12[%rem3A_216, %dma_wait3A_301, %dma_wait3A_307] : memref<2x8x128xi32, #tpu.memory_space<vmem>> -> memref<1x1x128xi32, #tpu.memory_space<vmem>>
      %dma_wait3A_309 = tpu.memref_squeeze %dma_wait3A_308 : memref<1x1x128xi32, #tpu.memory_space<vmem>> -> memref<128xi32, #tpu.memory_space<vmem>>
      %dma_wait3A_310 = arith.constant 0 : i32
      %dma_wait3A_311 = arith.constant 0 : i32
      %dma_wait3A_312 = tpu.memref_slice %arg10[%dma_wait3A_310, %dma_wait3A_311] : memref<10000x64xf32, #tpu.memory_space<vmem_shared>> -> memref<10000x64xf32, #tpu.memory_space<vmem_shared>>
      tpu.wait_indirect_dma semaphore(%arg18 : memref<!tpu.dma_semaphore, #tpu.memory_space<semaphore_mem>>) src(%dma_wait3A_312 : memref<10000x64xf32, #tpu.memory_space<vmem_shared>>) dst(%dma_wait3A_306 : memref<128x64xf32, #tpu.memory_space<vmem>>)
      %dma_start3A_313 = arith.constant 0 : i32
      %dma_start3A_314 = arith.constant 0 : i32
      %dma_start3A_315 = arith.constant 0 : i32
      %dma_start3A_316 = arith.constant 0 : i32
      %dma_start3A_317 = tpu.memref_slice %arg14[%dma_start3A_313, %dma_start3A_315, %dma_start3A_316] : memref<4x128x64xf32, #tpu.memory_space<vmem>> -> memref<1x128x64xf32, #tpu.memory_space<vmem>>
      %dma_start3A_318 = tpu.memref_squeeze %dma_start3A_317 : memref<1x128x64xf32, #tpu.memory_space<vmem>> -> memref<128x64xf32, #tpu.memory_space<vmem>>
      %dma_start3A_319 = arith.constant 0 : i32
      %dma_start3A_320 = tpu.memref_slice %arg13[%rem3A_216, %dma_start3A_314, %dma_start3A_319] : memref<2x8x128xi32, #tpu.memory_space<vmem>> -> memref<1x1x128xi32, #tpu.memory_space<vmem>>
      %dma_start3A_321 = tpu.memref_squeeze %dma_start3A_320 : memref<1x1x128xi32, #tpu.memory_space<vmem>> -> memref<128xi32, #tpu.memory_space<vmem>>
      %dma_start3A_322 = arith.constant 0 : i32
      %dma_start3A_323 = arith.constant 0 : i32
      %dma_start3A_324 = tpu.memref_slice %arg11[%dma_start3A_322, %dma_start3A_323] : memref<10112x64xf32, #tpu.memory_space<vmem_shared>> -> memref<10112x64xf32, #tpu.memory_space<vmem_shared>>
      tpu.enqueue_indirect_dma source(%dma_start3A_318 : memref<128x64xf32, #tpu.memory_space<vmem>>) target(%dma_start3A_324 : memref<10112x64xf32, #tpu.memory_space<vmem_shared>>) offsets(%dma_start3A_321 : memref<128xi32, #tpu.memory_space<vmem>>) semaphore(%arg22 : memref<!tpu.dma_semaphore, #tpu.memory_space<semaphore_mem>>) {add = true}
      %dma_start3A_325 = arith.constant 2 : i32
      %dma_start3A_326 = arith.constant 2 : i32
      %dma_start3A_327 = arith.constant 0 : i32
      %dma_start3A_328 = arith.constant 0 : i32
      %dma_start3A_329 = tpu.memref_slice %arg14[%dma_start3A_326, %dma_start3A_327, %dma_start3A_328] : memref<4x128x64xf32, #tpu.memory_space<vmem>> -> memref<1x128x64xf32, #tpu.memory_space<vmem>>
      %dma_start3A_330 = tpu.memref_squeeze %dma_start3A_329 : memref<1x128x64xf32, #tpu.memory_space<vmem>> -> memref<128x64xf32, #tpu.memory_space<vmem>>
      %dma_start3A_331 = arith.constant 0 : i32
      %dma_start3A_332 = tpu.memref_slice %arg12[%rem3A_216, %dma_start3A_325, %dma_start3A_331] : memref<2x8x128xi32, #tpu.memory_space<vmem>> -> memref<1x1x128xi32, #tpu.memory_space<vmem>>
      %dma_start3A_333 = tpu.memref_squeeze %dma_start3A_332 : memref<1x1x128xi32, #tpu.memory_space<vmem>> -> memref<128xi32, #tpu.memory_space<vmem>>
      %dma_start3A_334 = arith.constant 0 : i32
      %dma_start3A_335 = arith.constant 0 : i32
      %dma_start3A_336 = tpu.memref_slice %arg10[%dma_start3A_334, %dma_start3A_335] : memref<10000x64xf32, #tpu.memory_space<vmem_shared>> -> memref<10000x64xf32, #tpu.memory_space<vmem_shared>>
      tpu.enqueue_indirect_dma source(%dma_start3A_336 : memref<10000x64xf32, #tpu.memory_space<vmem_shared>>) target(%dma_start3A_330 : memref<128x64xf32, #tpu.memory_space<vmem>>) offsets(%dma_start3A_333 : memref<128xi32, #tpu.memory_space<vmem>>) semaphore(%arg20 : memref<!tpu.dma_semaphore, #tpu.memory_space<semaphore_mem>>)
      %dma_wait3A_337 = arith.constant 1 : i32
      %dma_wait3A_338 = arith.constant 1 : i32
      %dma_wait3A_339 = arith.constant 0 : i32
      %dma_wait3A_340 = arith.constant 0 : i32
      %dma_wait3A_341 = tpu.memref_slice %arg14[%dma_wait3A_338, %dma_wait3A_339, %dma_wait3A_340] : memref<4x128x64xf32, #tpu.memory_space<vmem>> -> memref<1x128x64xf32, #tpu.memory_space<vmem>>
      %dma_wait3A_342 = tpu.memref_squeeze %dma_wait3A_341 : memref<1x128x64xf32, #tpu.memory_space<vmem>> -> memref<128x64xf32, #tpu.memory_space<vmem>>
      %dma_wait3A_343 = arith.constant 0 : i32
      %dma_wait3A_344 = tpu.memref_slice %arg12[%rem3A_216, %dma_wait3A_337, %dma_wait3A_343] : memref<2x8x128xi32, #tpu.memory_space<vmem>> -> memref<1x1x128xi32, #tpu.memory_space<vmem>>
      %dma_wait3A_345 = tpu.memref_squeeze %dma_wait3A_344 : memref<1x1x128xi32, #tpu.memory_space<vmem>> -> memref<128xi32, #tpu.memory_space<vmem>>
      %dma_wait3A_346 = arith.constant 0 : i32
      %dma_wait3A_347 = arith.constant 0 : i32
      %dma_wait3A_348 = tpu.memref_slice %arg10[%dma_wait3A_346, %dma_wait3A_347] : memref<10000x64xf32, #tpu.memory_space<vmem_shared>> -> memref<10000x64xf32, #tpu.memory_space<vmem_shared>>
      tpu.wait_indirect_dma semaphore(%arg19 : memref<!tpu.dma_semaphore, #tpu.memory_space<semaphore_mem>>) src(%dma_wait3A_348 : memref<10000x64xf32, #tpu.memory_space<vmem_shared>>) dst(%dma_wait3A_342 : memref<128x64xf32, #tpu.memory_space<vmem>>)
      %dma_start3A_349 = arith.constant 1 : i32
      %dma_start3A_350 = arith.constant 1 : i32
      %dma_start3A_351 = arith.constant 0 : i32
      %dma_start3A_352 = arith.constant 0 : i32
      %dma_start3A_353 = tpu.memref_slice %arg14[%dma_start3A_349, %dma_start3A_351, %dma_start3A_352] : memref<4x128x64xf32, #tpu.memory_space<vmem>> -> memref<1x128x64xf32, #tpu.memory_space<vmem>>
      %dma_start3A_354 = tpu.memref_squeeze %dma_start3A_353 : memref<1x128x64xf32, #tpu.memory_space<vmem>> -> memref<128x64xf32, #tpu.memory_space<vmem>>
      %dma_start3A_355 = arith.constant 0 : i32
      %dma_start3A_356 = tpu.memref_slice %arg13[%rem3A_216, %dma_start3A_350, %dma_start3A_355] : memref<2x8x128xi32, #tpu.memory_space<vmem>> -> memref<1x1x128xi32, #tpu.memory_space<vmem>>
      %dma_start3A_357 = tpu.memref_squeeze %dma_start3A_356 : memref<1x1x128xi32, #tpu.memory_space<vmem>> -> memref<128xi32, #tpu.memory_space<vmem>>
      %dma_start3A_358 = arith.constant 0 : i32
      %dma_start3A_359 = arith.constant 0 : i32
      %dma_start3A_360 = tpu.memref_slice %arg11[%dma_start3A_358, %dma_start3A_359] : memref<10112x64xf32, #tpu.memory_space<vmem_shared>> -> memref<10112x64xf32, #tpu.memory_space<vmem_shared>>
      tpu.enqueue_indirect_dma source(%dma_start3A_354 : memref<128x64xf32, #tpu.memory_space<vmem>>) target(%dma_start3A_360 : memref<10112x64xf32, #tpu.memory_space<vmem_shared>>) offsets(%dma_start3A_357 : memref<128xi32, #tpu.memory_space<vmem>>) semaphore(%arg23 : memref<!tpu.dma_semaphore, #tpu.memory_space<semaphore_mem>>) {add = true}
      %dma_start3A_361 = arith.constant 3 : i32
      %dma_start3A_362 = arith.constant 3 : i32
      %dma_start3A_363 = arith.constant 0 : i32
      %dma_start3A_364 = arith.constant 0 : i32
      %dma_start3A_365 = tpu.memref_slice %arg14[%dma_start3A_362, %dma_start3A_363, %dma_start3A_364] : memref<4x128x64xf32, #tpu.memory_space<vmem>> -> memref<1x128x64xf32, #tpu.memory_space<vmem>>
      %dma_start3A_366 = tpu.memref_squeeze %dma_start3A_365 : memref<1x128x64xf32, #tpu.memory_space<vmem>> -> memref<128x64xf32, #tpu.memory_space<vmem>>
      %dma_start3A_367 = arith.constant 0 : i32
      %dma_start3A_368 = tpu.memref_slice %arg12[%rem3A_216, %dma_start3A_361, %dma_start3A_367] : memref<2x8x128xi32, #tpu.memory_space<vmem>> -> memref<1x1x128xi32, #tpu.memory_space<vmem>>
      %dma_start3A_369 = tpu.memref_squeeze %dma_start3A_368 : memref<1x1x128xi32, #tpu.memory_space<vmem>> -> memref<128xi32, #tpu.memory_space<vmem>>
      %dma_start3A_370 = arith.constant 0 : i32
      %dma_start3A_371 = arith.constant 0 : i32
      %dma_start3A_372 = tpu.memref_slice %arg10[%dma_start3A_370, %dma_start3A_371] : memref<10000x64xf32, #tpu.memory_space<vmem_shared>> -> memref<10000x64xf32, #tpu.memory_space<vmem_shared>>
      tpu.enqueue_indirect_dma source(%dma_start3A_372 : memref<10000x64xf32, #tpu.memory_space<vmem_shared>>) target(%dma_start3A_366 : memref<128x64xf32, #tpu.memory_space<vmem>>) offsets(%dma_start3A_369 : memref<128xi32, #tpu.memory_space<vmem>>) semaphore(%arg21 : memref<!tpu.dma_semaphore, #tpu.memory_space<semaphore_mem>>)
      %dma_wait3A_373 = arith.constant 2 : i32
      %dma_wait3A_374 = arith.constant 2 : i32
      %dma_wait3A_375 = arith.constant 0 : i32
      %dma_wait3A_376 = arith.constant 0 : i32
      %dma_wait3A_377 = tpu.memref_slice %arg14[%dma_wait3A_374, %dma_wait3A_375, %dma_wait3A_376] : memref<4x128x64xf32, #tpu.memory_space<vmem>> -> memref<1x128x64xf32, #tpu.memory_space<vmem>>
      %dma_wait3A_378 = tpu.memref_squeeze %dma_wait3A_377 : memref<1x128x64xf32, #tpu.memory_space<vmem>> -> memref<128x64xf32, #tpu.memory_space<vmem>>
      %dma_wait3A_379 = arith.constant 0 : i32
      %dma_wait3A_380 = tpu.memref_slice %arg12[%rem3A_216, %dma_wait3A_373, %dma_wait3A_379] : memref<2x8x128xi32, #tpu.memory_space<vmem>> -> memref<1x1x128xi32, #tpu.memory_space<vmem>>
      %dma_wait3A_381 = tpu.memref_squeeze %dma_wait3A_380 : memref<1x1x128xi32, #tpu.memory_space<vmem>> -> memref<128xi32, #tpu.memory_space<vmem>>
      %dma_wait3A_382 = arith.constant 0 : i32
      %dma_wait3A_383 = arith.constant 0 : i32
      %dma_wait3A_384 = tpu.memref_slice %arg10[%dma_wait3A_382, %dma_wait3A_383] : memref<10000x64xf32, #tpu.memory_space<vmem_shared>> -> memref<10000x64xf32, #tpu.memory_space<vmem_shared>>
      tpu.wait_indirect_dma semaphore(%arg20 : memref<!tpu.dma_semaphore, #tpu.memory_space<semaphore_mem>>) src(%dma_wait3A_384 : memref<10000x64xf32, #tpu.memory_space<vmem_shared>>) dst(%dma_wait3A_378 : memref<128x64xf32, #tpu.memory_space<vmem>>)
      %dma_start3A_385 = arith.constant 2 : i32
      %dma_start3A_386 = arith.constant 2 : i32
      %dma_start3A_387 = arith.constant 0 : i32
      %dma_start3A_388 = arith.constant 0 : i32
      %dma_start3A_389 = tpu.memref_slice %arg14[%dma_start3A_385, %dma_start3A_387, %dma_start3A_388] : memref<4x128x64xf32, #tpu.memory_space<vmem>> -> memref<1x128x64xf32, #tpu.memory_space<vmem>>
      %dma_start3A_390 = tpu.memref_squeeze %dma_start3A_389 : memref<1x128x64xf32, #tpu.memory_space<vmem>> -> memref<128x64xf32, #tpu.memory_space<vmem>>
      %dma_start3A_391 = arith.constant 0 : i32
      %dma_start3A_392 = tpu.memref_slice %arg13[%rem3A_216, %dma_start3A_386, %dma_start3A_391] : memref<2x8x128xi32, #tpu.memory_space<vmem>> -> memref<1x1x128xi32, #tpu.memory_space<vmem>>
      %dma_start3A_393 = tpu.memref_squeeze %dma_start3A_392 : memref<1x1x128xi32, #tpu.memory_space<vmem>> -> memref<128xi32, #tpu.memory_space<vmem>>
      %dma_start3A_394 = arith.constant 0 : i32
      %dma_start3A_395 = arith.constant 0 : i32
      %dma_start3A_396 = tpu.memref_slice %arg11[%dma_start3A_394, %dma_start3A_395] : memref<10112x64xf32, #tpu.memory_space<vmem_shared>> -> memref<10112x64xf32, #tpu.memory_space<vmem_shared>>
      tpu.enqueue_indirect_dma source(%dma_start3A_390 : memref<128x64xf32, #tpu.memory_space<vmem>>) target(%dma_start3A_396 : memref<10112x64xf32, #tpu.memory_space<vmem_shared>>) offsets(%dma_start3A_393 : memref<128xi32, #tpu.memory_space<vmem>>) semaphore(%arg24 : memref<!tpu.dma_semaphore, #tpu.memory_space<semaphore_mem>>) {add = true}
      %dma_wait3A_397 = arith.constant 0 : i32
      %dma_wait3A_398 = arith.constant 0 : i32
      %dma_wait3A_399 = arith.constant 0 : i32
      %dma_wait3A_400 = arith.constant 0 : i32
      %dma_wait3A_401 = tpu.memref_slice %arg14[%dma_wait3A_397, %dma_wait3A_399, %dma_wait3A_400] : memref<4x128x64xf32, #tpu.memory_space<vmem>> -> memref<1x128x64xf32, #tpu.memory_space<vmem>>
      %dma_wait3A_402 = tpu.memref_squeeze %dma_wait3A_401 : memref<1x128x64xf32, #tpu.memory_space<vmem>> -> memref<128x64xf32, #tpu.memory_space<vmem>>
      %dma_wait3A_403 = arith.constant 0 : i32
      %dma_wait3A_404 = tpu.memref_slice %arg13[%rem3A_216, %dma_wait3A_398, %dma_wait3A_403] : memref<2x8x128xi32, #tpu.memory_space<vmem>> -> memref<1x1x128xi32, #tpu.memory_space<vmem>>
      %dma_wait3A_405 = tpu.memref_squeeze %dma_wait3A_404 : memref<1x1x128xi32, #tpu.memory_space<vmem>> -> memref<128xi32, #tpu.memory_space<vmem>>
      %dma_wait3A_406 = arith.constant 0 : i32
      %dma_wait3A_407 = arith.constant 0 : i32
      %dma_wait3A_408 = tpu.memref_slice %arg11[%dma_wait3A_406, %dma_wait3A_407] : memref<10112x64xf32, #tpu.memory_space<vmem_shared>> -> memref<10112x64xf32, #tpu.memory_space<vmem_shared>>
      tpu.wait_indirect_dma semaphore(%arg22 : memref<!tpu.dma_semaphore, #tpu.memory_space<semaphore_mem>>) src(%dma_wait3A_402 : memref<128x64xf32, #tpu.memory_space<vmem>>) dst(%dma_wait3A_408 : memref<10112x64xf32, #tpu.memory_space<vmem_shared>>)
      %dma_start3A_409 = arith.constant 4 : i32
      %dma_start3A_410 = arith.constant 0 : i32
      %dma_start3A_411 = arith.constant 0 : i32
      %dma_start3A_412 = arith.constant 0 : i32
      %dma_start3A_413 = tpu.memref_slice %arg14[%dma_start3A_410, %dma_start3A_411, %dma_start3A_412] : memref<4x128x64xf32, #tpu.memory_space<vmem>> -> memref<1x128x64xf32, #tpu.memory_space<vmem>>
      %dma_start3A_414 = tpu.memref_squeeze %dma_start3A_413 : memref<1x128x64xf32, #tpu.memory_space<vmem>> -> memref<128x64xf32, #tpu.memory_space<vmem>>
      %dma_start3A_415 = arith.constant 0 : i32
      %dma_start3A_416 = tpu.memref_slice %arg12[%rem3A_216, %dma_start3A_409, %dma_start3A_415] : memref<2x8x128xi32, #tpu.memory_space<vmem>> -> memref<1x1x128xi32, #tpu.memory_space<vmem>>
      %dma_start3A_417 = tpu.memref_squeeze %dma_start3A_416 : memref<1x1x128xi32, #tpu.memory_space<vmem>> -> memref<128xi32, #tpu.memory_space<vmem>>
      %dma_start3A_418 = arith.constant 0 : i32
      %dma_start3A_419 = arith.constant 0 : i32
      %dma_start3A_420 = tpu.memref_slice %arg10[%dma_start3A_418, %dma_start3A_419] : memref<10000x64xf32, #tpu.memory_space<vmem_shared>> -> memref<10000x64xf32, #tpu.memory_space<vmem_shared>>
      tpu.enqueue_indirect_dma source(%dma_start3A_420 : memref<10000x64xf32, #tpu.memory_space<vmem_shared>>) target(%dma_start3A_414 : memref<128x64xf32, #tpu.memory_space<vmem>>) offsets(%dma_start3A_417 : memref<128xi32, #tpu.memory_space<vmem>>) semaphore(%arg18 : memref<!tpu.dma_semaphore, #tpu.memory_space<semaphore_mem>>)
      %dma_wait3A_421 = arith.constant 3 : i32
      %dma_wait3A_422 = arith.constant 3 : i32
      %dma_wait3A_423 = arith.constant 0 : i32
      %dma_wait3A_424 = arith.constant 0 : i32
      %dma_wait3A_425 = tpu.memref_slice %arg14[%dma_wait3A_422, %dma_wait3A_423, %dma_wait3A_424] : memref<4x128x64xf32, #tpu.memory_space<vmem>> -> memref<1x128x64xf32, #tpu.memory_space<vmem>>
      %dma_wait3A_426 = tpu.memref_squeeze %dma_wait3A_425 : memref<1x128x64xf32, #tpu.memory_space<vmem>> -> memref<128x64xf32, #tpu.memory_space<vmem>>
      %dma_wait3A_427 = arith.constant 0 : i32
      %dma_wait3A_428 = tpu.memref_slice %arg12[%rem3A_216, %dma_wait3A_421, %dma_wait3A_427] : memref<2x8x128xi32, #tpu.memory_space<vmem>> -> memref<1x1x128xi32, #tpu.memory_space<vmem>>
      %dma_wait3A_429 = tpu.memref_squeeze %dma_wait3A_428 : memref<1x1x128xi32, #tpu.memory_space<vmem>> -> memref<128xi32, #tpu.memory_space<vmem>>
      %dma_wait3A_430 = arith.constant 0 : i32
      %dma_wait3A_431 = arith.constant 0 : i32
      %dma_wait3A_432 = tpu.memref_slice %arg10[%dma_wait3A_430, %dma_wait3A_431] : memref<10000x64xf32, #tpu.memory_space<vmem_shared>> -> memref<10000x64xf32, #tpu.memory_space<vmem_shared>>
      tpu.wait_indirect_dma semaphore(%arg21 : memref<!tpu.dma_semaphore, #tpu.memory_space<semaphore_mem>>) src(%dma_wait3A_432 : memref<10000x64xf32, #tpu.memory_space<vmem_shared>>) dst(%dma_wait3A_426 : memref<128x64xf32, #tpu.memory_space<vmem>>)
      %dma_start3A_433 = arith.constant 3 : i32
      %dma_start3A_434 = arith.constant 3 : i32
      %dma_start3A_435 = arith.constant 0 : i32
      %dma_start3A_436 = arith.constant 0 : i32
      %dma_start3A_437 = tpu.memref_slice %arg14[%dma_start3A_433, %dma_start3A_435, %dma_start3A_436] : memref<4x128x64xf32, #tpu.memory_space<vmem>> -> memref<1x128x64xf32, #tpu.memory_space<vmem>>
      %dma_start3A_438 = tpu.memref_squeeze %dma_start3A_437 : memref<1x128x64xf32, #tpu.memory_space<vmem>> -> memref<128x64xf32, #tpu.memory_space<vmem>>
      %dma_start3A_439 = arith.constant 0 : i32
      %dma_start3A_440 = tpu.memref_slice %arg13[%rem3A_216, %dma_start3A_434, %dma_start3A_439] : memref<2x8x128xi32, #tpu.memory_space<vmem>> -> memref<1x1x128xi32, #tpu.memory_space<vmem>>
      %dma_start3A_441 = tpu.memref_squeeze %dma_start3A_440 : memref<1x1x128xi32, #tpu.memory_space<vmem>> -> memref<128xi32, #tpu.memory_space<vmem>>
      %dma_start3A_442 = arith.constant 0 : i32
      %dma_start3A_443 = arith.constant 0 : i32
      %dma_start3A_444 = tpu.memref_slice %arg11[%dma_start3A_442, %dma_start3A_443] : memref<10112x64xf32, #tpu.memory_space<vmem_shared>> -> memref<10112x64xf32, #tpu.memory_space<vmem_shared>>
      tpu.enqueue_indirect_dma source(%dma_start3A_438 : memref<128x64xf32, #tpu.memory_space<vmem>>) target(%dma_start3A_444 : memref<10112x64xf32, #tpu.memory_space<vmem_shared>>) offsets(%dma_start3A_441 : memref<128xi32, #tpu.memory_space<vmem>>) semaphore(%arg25 : memref<!tpu.dma_semaphore, #tpu.memory_space<semaphore_mem>>) {add = true}
      %dma_wait3A_445 = arith.constant 1 : i32
      %dma_wait3A_446 = arith.constant 1 : i32
      %dma_wait3A_447 = arith.constant 0 : i32
      %dma_wait3A_448 = arith.constant 0 : i32
      %dma_wait3A_449 = tpu.memref_slice %arg14[%dma_wait3A_445, %dma_wait3A_447, %dma_wait3A_448] : memref<4x128x64xf32, #tpu.memory_space<vmem>> -> memref<1x128x64xf32, #tpu.memory_space<vmem>>
      %dma_wait3A_450 = tpu.memref_squeeze %dma_wait3A_449 : memref<1x128x64xf32, #tpu.memory_space<vmem>> -> memref<128x64xf32, #tpu.memory_space<vmem>>
      %dma_wait3A_451 = arith.constant 0 : i32
      %dma_wait3A_452 = tpu.memref_slice %arg13[%rem3A_216, %dma_wait3A_446, %dma_wait3A_451] : memref<2x8x128xi32, #tpu.memory_space<vmem>> -> memref<1x1x128xi32, #tpu.memory_space<vmem>>
      %dma_wait3A_453 = tpu.memref_squeeze %dma_wait3A_452 : memref<1x1x128xi32, #tpu.memory_space<vmem>> -> memref<128xi32, #tpu.memory_space<vmem>>
      %dma_wait3A_454 = arith.constant 0 : i32
      %dma_wait3A_455 = arith.constant 0 : i32
      %dma_wait3A_456 = tpu.memref_slice %arg11[%dma_wait3A_454, %dma_wait3A_455] : memref<10112x64xf32, #tpu.memory_space<vmem_shared>> -> memref<10112x64xf32, #tpu.memory_space<vmem_shared>>
      tpu.wait_indirect_dma semaphore(%arg23 : memref<!tpu.dma_semaphore, #tpu.memory_space<semaphore_mem>>) src(%dma_wait3A_450 : memref<128x64xf32, #tpu.memory_space<vmem>>) dst(%dma_wait3A_456 : memref<10112x64xf32, #tpu.memory_space<vmem_shared>>)
      %dma_start3A_457 = arith.constant 5 : i32
      %dma_start3A_458 = arith.constant 1 : i32
      %dma_start3A_459 = arith.constant 0 : i32
      %dma_start3A_460 = arith.constant 0 : i32
      %dma_start3A_461 = tpu.memref_slice %arg14[%dma_start3A_458, %dma_start3A_459, %dma_start3A_460] : memref<4x128x64xf32, #tpu.memory_space<vmem>> -> memref<1x128x64xf32, #tpu.memory_space<vmem>>
      %dma_start3A_462 = tpu.memref_squeeze %dma_start3A_461 : memref<1x128x64xf32, #tpu.memory_space<vmem>> -> memref<128x64xf32, #tpu.memory_space<vmem>>
      %dma_start3A_463 = arith.constant 0 : i32
      %dma_start3A_464 = tpu.memref_slice %arg12[%rem3A_216, %dma_start3A_457, %dma_start3A_463] : memref<2x8x128xi32, #tpu.memory_space<vmem>> -> memref<1x1x128xi32, #tpu.memory_space<vmem>>
      %dma_start3A_465 = tpu.memref_squeeze %dma_start3A_464 : memref<1x1x128xi32, #tpu.memory_space<vmem>> -> memref<128xi32, #tpu.memory_space<vmem>>
      %dma_start3A_466 = arith.constant 0 : i32
      %dma_start3A_467 = arith.constant 0 : i32
      %dma_start3A_468 = tpu.memref_slice %arg10[%dma_start3A_466, %dma_start3A_467] : memref<10000x64xf32, #tpu.memory_space<vmem_shared>> -> memref<10000x64xf32, #tpu.memory_space<vmem_shared>>
      tpu.enqueue_indirect_dma source(%dma_start3A_468 : memref<10000x64xf32, #tpu.memory_space<vmem_shared>>) target(%dma_start3A_462 : memref<128x64xf32, #tpu.memory_space<vmem>>) offsets(%dma_start3A_465 : memref<128xi32, #tpu.memory_space<vmem>>) semaphore(%arg19 : memref<!tpu.dma_semaphore, #tpu.memory_space<semaphore_mem>>)
      %dma_wait3A_469 = arith.constant 4 : i32
      %dma_wait3A_470 = arith.constant 0 : i32
      %dma_wait3A_471 = arith.constant 0 : i32
      %dma_wait3A_472 = arith.constant 0 : i32
      %dma_wait3A_473 = tpu.memref_slice %arg14[%dma_wait3A_470, %dma_wait3A_471, %dma_wait3A_472] : memref<4x128x64xf32, #tpu.memory_space<vmem>> -> memref<1x128x64xf32, #tpu.memory_space<vmem>>
      %dma_wait3A_474 = tpu.memref_squeeze %dma_wait3A_473 : memref<1x128x64xf32, #tpu.memory_space<vmem>> -> memref<128x64xf32, #tpu.memory_space<vmem>>
      %dma_wait3A_475 = arith.constant 0 : i32
      %dma_wait3A_476 = tpu.memref_slice %arg12[%rem3A_216, %dma_wait3A_469, %dma_wait3A_475] : memref<2x8x128xi32, #tpu.memory_space<vmem>> -> memref<1x1x128xi32, #tpu.memory_space<vmem>>
      %dma_wait3A_477 = tpu.memref_squeeze %dma_wait3A_476 : memref<1x1x128xi32, #tpu.memory_space<vmem>> -> memref<128xi32, #tpu.memory_space<vmem>>
      %dma_wait3A_478 = arith.constant 0 : i32
      %dma_wait3A_479 = arith.constant 0 : i32
      %dma_wait3A_480 = tpu.memref_slice %arg10[%dma_wait3A_478, %dma_wait3A_479] : memref<10000x64xf32, #tpu.memory_space<vmem_shared>> -> memref<10000x64xf32, #tpu.memory_space<vmem_shared>>
      tpu.wait_indirect_dma semaphore(%arg18 : memref<!tpu.dma_semaphore, #tpu.memory_space<semaphore_mem>>) src(%dma_wait3A_480 : memref<10000x64xf32, #tpu.memory_space<vmem_shared>>) dst(%dma_wait3A_474 : memref<128x64xf32, #tpu.memory_space<vmem>>)
      %dma_start3A_481 = arith.constant 0 : i32
      %dma_start3A_482 = arith.constant 4 : i32
      %dma_start3A_483 = arith.constant 0 : i32
      %dma_start3A_484 = arith.constant 0 : i32
      %dma_start3A_485 = tpu.memref_slice %arg14[%dma_start3A_481, %dma_start3A_483, %dma_start3A_484] : memref<4x128x64xf32, #tpu.memory_space<vmem>> -> memref<1x128x64xf32, #tpu.memory_space<vmem>>
      %dma_start3A_486 = tpu.memref_squeeze %dma_start3A_485 : memref<1x128x64xf32, #tpu.memory_space<vmem>> -> memref<128x64xf32, #tpu.memory_space<vmem>>
      %dma_start3A_487 = arith.constant 0 : i32
      %dma_start3A_488 = tpu.memref_slice %arg13[%rem3A_216, %dma_start3A_482, %dma_start3A_487] : memref<2x8x128xi32, #tpu.memory_space<vmem>> -> memref<1x1x128xi32, #tpu.memory_space<vmem>>
      %dma_start3A_489 = tpu.memref_squeeze %dma_start3A_488 : memref<1x1x128xi32, #tpu.memory_space<vmem>> -> memref<128xi32, #tpu.memory_space<vmem>>
      %dma_start3A_490 = arith.constant 0 : i32
      %dma_start3A_491 = arith.constant 0 : i32
      %dma_start3A_492 = tpu.memref_slice %arg11[%dma_start3A_490, %dma_start3A_491] : memref<10112x64xf32, #tpu.memory_space<vmem_shared>> -> memref<10112x64xf32, #tpu.memory_space<vmem_shared>>
      tpu.enqueue_indirect_dma source(%dma_start3A_486 : memref<128x64xf32, #tpu.memory_space<vmem>>) target(%dma_start3A_492 : memref<10112x64xf32, #tpu.memory_space<vmem_shared>>) offsets(%dma_start3A_489 : memref<128xi32, #tpu.memory_space<vmem>>) semaphore(%arg22 : memref<!tpu.dma_semaphore, #tpu.memory_space<semaphore_mem>>) {add = true}
      %dma_wait3A_493 = arith.constant 2 : i32
      %dma_wait3A_494 = arith.constant 2 : i32
      %dma_wait3A_495 = arith.constant 0 : i32
      %dma_wait3A_496 = arith.constant 0 : i32
      %dma_wait3A_497 = tpu.memref_slice %arg14[%dma_wait3A_493, %dma_wait3A_495, %dma_wait3A_496] : memref<4x128x64xf32, #tpu.memory_space<vmem>> -> memref<1x128x64xf32, #tpu.memory_space<vmem>>
      %dma_wait3A_498 = tpu.memref_squeeze %dma_wait3A_497 : memref<1x128x64xf32, #tpu.memory_space<vmem>> -> memref<128x64xf32, #tpu.memory_space<vmem>>
      %dma_wait3A_499 = arith.constant 0 : i32
      %dma_wait3A_500 = tpu.memref_slice %arg13[%rem3A_216, %dma_wait3A_494, %dma_wait3A_499] : memref<2x8x128xi32, #tpu.memory_space<vmem>> -> memref<1x1x128xi32, #tpu.memory_space<vmem>>
      %dma_wait3A_501 = tpu.memref_squeeze %dma_wait3A_500 : memref<1x1x128xi32, #tpu.memory_space<vmem>> -> memref<128xi32, #tpu.memory_space<vmem>>
      %dma_wait3A_502 = arith.constant 0 : i32
      %dma_wait3A_503 = arith.constant 0 : i32
      %dma_wait3A_504 = tpu.memref_slice %arg11[%dma_wait3A_502, %dma_wait3A_503] : memref<10112x64xf32, #tpu.memory_space<vmem_shared>> -> memref<10112x64xf32, #tpu.memory_space<vmem_shared>>
      tpu.wait_indirect_dma semaphore(%arg24 : memref<!tpu.dma_semaphore, #tpu.memory_space<semaphore_mem>>) src(%dma_wait3A_498 : memref<128x64xf32, #tpu.memory_space<vmem>>) dst(%dma_wait3A_504 : memref<10112x64xf32, #tpu.memory_space<vmem_shared>>)
      %dma_start3A_505 = arith.constant 6 : i32
      %dma_start3A_506 = arith.constant 2 : i32
      %dma_start3A_507 = arith.constant 0 : i32
      %dma_start3A_508 = arith.constant 0 : i32
      %dma_start3A_509 = tpu.memref_slice %arg14[%dma_start3A_506, %dma_start3A_507, %dma_start3A_508] : memref<4x128x64xf32, #tpu.memory_space<vmem>> -> memref<1x128x64xf32, #tpu.memory_space<vmem>>
      %dma_start3A_510 = tpu.memref_squeeze %dma_start3A_509 : memref<1x128x64xf32, #tpu.memory_space<vmem>> -> memref<128x64xf32, #tpu.memory_space<vmem>>
      %dma_start3A_511 = arith.constant 0 : i32
      %dma_start3A_512 = tpu.memref_slice %arg12[%rem3A_216, %dma_start3A_505, %dma_start3A_511] : memref<2x8x128xi32, #tpu.memory_space<vmem>> -> memref<1x1x128xi32, #tpu.memory_space<vmem>>
      %dma_start3A_513 = tpu.memref_squeeze %dma_start3A_512 : memref<1x1x128xi32, #tpu.memory_space<vmem>> -> memref<128xi32, #tpu.memory_space<vmem>>
      %dma_start3A_514 = arith.constant 0 : i32
      %dma_start3A_515 = arith.constant 0 : i32
      %dma_start3A_516 = tpu.memref_slice %arg10[%dma_start3A_514, %dma_start3A_515] : memref<10000x64xf32, #tpu.memory_space<vmem_shared>> -> memref<10000x64xf32, #tpu.memory_space<vmem_shared>>
      tpu.enqueue_indirect_dma source(%dma_start3A_516 : memref<10000x64xf32, #tpu.memory_space<vmem_shared>>) target(%dma_start3A_510 : memref<128x64xf32, #tpu.memory_space<vmem>>) offsets(%dma_start3A_513 : memref<128xi32, #tpu.memory_space<vmem>>) semaphore(%arg20 : memref<!tpu.dma_semaphore, #tpu.memory_space<semaphore_mem>>)
      %dma_wait3A_517 = arith.constant 5 : i32
      %dma_wait3A_518 = arith.constant 1 : i32
      %dma_wait3A_519 = arith.constant 0 : i32
      %dma_wait3A_520 = arith.constant 0 : i32
      %dma_wait3A_521 = tpu.memref_slice %arg14[%dma_wait3A_518, %dma_wait3A_519, %dma_wait3A_520] : memref<4x128x64xf32, #tpu.memory_space<vmem>> -> memref<1x128x64xf32, #tpu.memory_space<vmem>>
      %dma_wait3A_522 = tpu.memref_squeeze %dma_wait3A_521 : memref<1x128x64xf32, #tpu.memory_space<vmem>> -> memref<128x64xf32, #tpu.memory_space<vmem>>
      %dma_wait3A_523 = arith.constant 0 : i32
      %dma_wait3A_524 = tpu.memref_slice %arg12[%rem3A_216, %dma_wait3A_517, %dma_wait3A_523] : memref<2x8x128xi32, #tpu.memory_space<vmem>> -> memref<1x1x128xi32, #tpu.memory_space<vmem>>
      %dma_wait3A_525 = tpu.memref_squeeze %dma_wait3A_524 : memref<1x1x128xi32, #tpu.memory_space<vmem>> -> memref<128xi32, #tpu.memory_space<vmem>>
      %dma_wait3A_526 = arith.constant 0 : i32
      %dma_wait3A_527 = arith.constant 0 : i32
      %dma_wait3A_528 = tpu.memref_slice %arg10[%dma_wait3A_526, %dma_wait3A_527] : memref<10000x64xf32, #tpu.memory_space<vmem_shared>> -> memref<10000x64xf32, #tpu.memory_space<vmem_shared>>
      tpu.wait_indirect_dma semaphore(%arg19 : memref<!tpu.dma_semaphore, #tpu.memory_space<semaphore_mem>>) src(%dma_wait3A_528 : memref<10000x64xf32, #tpu.memory_space<vmem_shared>>) dst(%dma_wait3A_522 : memref<128x64xf32, #tpu.memory_space<vmem>>)
      %dma_start3A_529 = arith.constant 1 : i32
      %dma_start3A_530 = arith.constant 5 : i32
      %dma_start3A_531 = arith.constant 0 : i32
      %dma_start3A_532 = arith.constant 0 : i32
      %dma_start3A_533 = tpu.memref_slice %arg14[%dma_start3A_529, %dma_start3A_531, %dma_start3A_532] : memref<4x128x64xf32, #tpu.memory_space<vmem>> -> memref<1x128x64xf32, #tpu.memory_space<vmem>>
      %dma_start3A_534 = tpu.memref_squeeze %dma_start3A_533 : memref<1x128x64xf32, #tpu.memory_space<vmem>> -> memref<128x64xf32, #tpu.memory_space<vmem>>
      %dma_start3A_535 = arith.constant 0 : i32
      %dma_start3A_536 = tpu.memref_slice %arg13[%rem3A_216, %dma_start3A_530, %dma_start3A_535] : memref<2x8x128xi32, #tpu.memory_space<vmem>> -> memref<1x1x128xi32, #tpu.memory_space<vmem>>
      %dma_start3A_537 = tpu.memref_squeeze %dma_start3A_536 : memref<1x1x128xi32, #tpu.memory_space<vmem>> -> memref<128xi32, #tpu.memory_space<vmem>>
      %dma_start3A_538 = arith.constant 0 : i32
      %dma_start3A_539 = arith.constant 0 : i32
      %dma_start3A_540 = tpu.memref_slice %arg11[%dma_start3A_538, %dma_start3A_539] : memref<10112x64xf32, #tpu.memory_space<vmem_shared>> -> memref<10112x64xf32, #tpu.memory_space<vmem_shared>>
      tpu.enqueue_indirect_dma source(%dma_start3A_534 : memref<128x64xf32, #tpu.memory_space<vmem>>) target(%dma_start3A_540 : memref<10112x64xf32, #tpu.memory_space<vmem_shared>>) offsets(%dma_start3A_537 : memref<128xi32, #tpu.memory_space<vmem>>) semaphore(%arg23 : memref<!tpu.dma_semaphore, #tpu.memory_space<semaphore_mem>>) {add = true}
      %dma_wait3A_541 = arith.constant 3 : i32
      %dma_wait3A_542 = arith.constant 3 : i32
      %dma_wait3A_543 = arith.constant 0 : i32
      %dma_wait3A_544 = arith.constant 0 : i32
      %dma_wait3A_545 = tpu.memref_slice %arg14[%dma_wait3A_541, %dma_wait3A_543, %dma_wait3A_544] : memref<4x128x64xf32, #tpu.memory_space<vmem>> -> memref<1x128x64xf32, #tpu.memory_space<vmem>>
      %dma_wait3A_546 = tpu.memref_squeeze %dma_wait3A_545 : memref<1x128x64xf32, #tpu.memory_space<vmem>> -> memref<128x64xf32, #tpu.memory_space<vmem>>
      %dma_wait3A_547 = arith.constant 0 : i32
      %dma_wait3A_548 = tpu.memref_slice %arg13[%rem3A_216, %dma_wait3A_542, %dma_wait3A_547] : memref<2x8x128xi32, #tpu.memory_space<vmem>> -> memref<1x1x128xi32, #tpu.memory_space<vmem>>
      %dma_wait3A_549 = tpu.memref_squeeze %dma_wait3A_548 : memref<1x1x128xi32, #tpu.memory_space<vmem>> -> memref<128xi32, #tpu.memory_space<vmem>>
      %dma_wait3A_550 = arith.constant 0 : i32
      %dma_wait3A_551 = arith.constant 0 : i32
      %dma_wait3A_552 = tpu.memref_slice %arg11[%dma_wait3A_550, %dma_wait3A_551] : memref<10112x64xf32, #tpu.memory_space<vmem_shared>> -> memref<10112x64xf32, #tpu.memory_space<vmem_shared>>
      tpu.wait_indirect_dma semaphore(%arg25 : memref<!tpu.dma_semaphore, #tpu.memory_space<semaphore_mem>>) src(%dma_wait3A_546 : memref<128x64xf32, #tpu.memory_space<vmem>>) dst(%dma_wait3A_552 : memref<10112x64xf32, #tpu.memory_space<vmem_shared>>)
      %dma_start3A_553 = arith.constant 7 : i32
      %dma_start3A_554 = arith.constant 3 : i32
      %dma_start3A_555 = arith.constant 0 : i32
      %dma_start3A_556 = arith.constant 0 : i32
      %dma_start3A_557 = tpu.memref_slice %arg14[%dma_start3A_554, %dma_start3A_555, %dma_start3A_556] : memref<4x128x64xf32, #tpu.memory_space<vmem>> -> memref<1x128x64xf32, #tpu.memory_space<vmem>>
      %dma_start3A_558 = tpu.memref_squeeze %dma_start3A_557 : memref<1x128x64xf32, #tpu.memory_space<vmem>> -> memref<128x64xf32, #tpu.memory_space<vmem>>
      %dma_start3A_559 = arith.constant 0 : i32
      %dma_start3A_560 = tpu.memref_slice %arg12[%rem3A_216, %dma_start3A_553, %dma_start3A_559] : memref<2x8x128xi32, #tpu.memory_space<vmem>> -> memref<1x1x128xi32, #tpu.memory_space<vmem>>
      %dma_start3A_561 = tpu.memref_squeeze %dma_start3A_560 : memref<1x1x128xi32, #tpu.memory_space<vmem>> -> memref<128xi32, #tpu.memory_space<vmem>>
      %dma_start3A_562 = arith.constant 0 : i32
      %dma_start3A_563 = arith.constant 0 : i32
      %dma_start3A_564 = tpu.memref_slice %arg10[%dma_start3A_562, %dma_start3A_563] : memref<10000x64xf32, #tpu.memory_space<vmem_shared>> -> memref<10000x64xf32, #tpu.memory_space<vmem_shared>>
      tpu.enqueue_indirect_dma source(%dma_start3A_564 : memref<10000x64xf32, #tpu.memory_space<vmem_shared>>) target(%dma_start3A_558 : memref<128x64xf32, #tpu.memory_space<vmem>>) offsets(%dma_start3A_561 : memref<128xi32, #tpu.memory_space<vmem>>) semaphore(%arg21 : memref<!tpu.dma_semaphore, #tpu.memory_space<semaphore_mem>>)
      %dma_wait3A_565 = arith.constant 6 : i32
      %dma_wait3A_566 = arith.constant 2 : i32
      %dma_wait3A_567 = arith.constant 0 : i32
      %dma_wait3A_568 = arith.constant 0 : i32
      %dma_wait3A_569 = tpu.memref_slice %arg14[%dma_wait3A_566, %dma_wait3A_567, %dma_wait3A_568] : memref<4x128x64xf32, #tpu.memory_space<vmem>> -> memref<1x128x64xf32, #tpu.memory_space<vmem>>
      %dma_wait3A_570 = tpu.memref_squeeze %dma_wait3A_569 : memref<1x128x64xf32, #tpu.memory_space<vmem>> -> memref<128x64xf32, #tpu.memory_space<vmem>>
      %dma_wait3A_571 = arith.constant 0 : i32
      %dma_wait3A_572 = tpu.memref_slice %arg12[%rem3A_216, %dma_wait3A_565, %dma_wait3A_571] : memref<2x8x128xi32, #tpu.memory_space<vmem>> -> memref<1x1x128xi32, #tpu.memory_space<vmem>>
      %dma_wait3A_573 = tpu.memref_squeeze %dma_wait3A_572 : memref<1x1x128xi32, #tpu.memory_space<vmem>> -> memref<128xi32, #tpu.memory_space<vmem>>
      %dma_wait3A_574 = arith.constant 0 : i32
      %dma_wait3A_575 = arith.constant 0 : i32
      %dma_wait3A_576 = tpu.memref_slice %arg10[%dma_wait3A_574, %dma_wait3A_575] : memref<10000x64xf32, #tpu.memory_space<vmem_shared>> -> memref<10000x64xf32, #tpu.memory_space<vmem_shared>>
      tpu.wait_indirect_dma semaphore(%arg20 : memref<!tpu.dma_semaphore, #tpu.memory_space<semaphore_mem>>) src(%dma_wait3A_576 : memref<10000x64xf32, #tpu.memory_space<vmem_shared>>) dst(%dma_wait3A_570 : memref<128x64xf32, #tpu.memory_space<vmem>>)
      %dma_start3A_577 = arith.constant 2 : i32
      %dma_start3A_578 = arith.constant 6 : i32
      %dma_start3A_579 = arith.constant 0 : i32
      %dma_start3A_580 = arith.constant 0 : i32
      %dma_start3A_581 = tpu.memref_slice %arg14[%dma_start3A_577, %dma_start3A_579, %dma_start3A_580] : memref<4x128x64xf32, #tpu.memory_space<vmem>> -> memref<1x128x64xf32, #tpu.memory_space<vmem>>
      %dma_start3A_582 = tpu.memref_squeeze %dma_start3A_581 : memref<1x128x64xf32, #tpu.memory_space<vmem>> -> memref<128x64xf32, #tpu.memory_space<vmem>>
      %dma_start3A_583 = arith.constant 0 : i32
      %dma_start3A_584 = tpu.memref_slice %arg13[%rem3A_216, %dma_start3A_578, %dma_start3A_583] : memref<2x8x128xi32, #tpu.memory_space<vmem>> -> memref<1x1x128xi32, #tpu.memory_space<vmem>>
      %dma_start3A_585 = tpu.memref_squeeze %dma_start3A_584 : memref<1x1x128xi32, #tpu.memory_space<vmem>> -> memref<128xi32, #tpu.memory_space<vmem>>
      %dma_start3A_586 = arith.constant 0 : i32
      %dma_start3A_587 = arith.constant 0 : i32
      %dma_start3A_588 = tpu.memref_slice %arg11[%dma_start3A_586, %dma_start3A_587] : memref<10112x64xf32, #tpu.memory_space<vmem_shared>> -> memref<10112x64xf32, #tpu.memory_space<vmem_shared>>
      tpu.enqueue_indirect_dma source(%dma_start3A_582 : memref<128x64xf32, #tpu.memory_space<vmem>>) target(%dma_start3A_588 : memref<10112x64xf32, #tpu.memory_space<vmem_shared>>) offsets(%dma_start3A_585 : memref<128xi32, #tpu.memory_space<vmem>>) semaphore(%arg24 : memref<!tpu.dma_semaphore, #tpu.memory_space<semaphore_mem>>) {add = true}
      %dma_wait3A_589 = arith.constant 7 : i32
      %dma_wait3A_590 = arith.constant 3 : i32
      %dma_wait3A_591 = arith.constant 0 : i32
      %dma_wait3A_592 = arith.constant 0 : i32
      %dma_wait3A_593 = tpu.memref_slice %arg14[%dma_wait3A_590, %dma_wait3A_591, %dma_wait3A_592] : memref<4x128x64xf32, #tpu.memory_space<vmem>> -> memref<1x128x64xf32, #tpu.memory_space<vmem>>
      %dma_wait3A_594 = tpu.memref_squeeze %dma_wait3A_593 : memref<1x128x64xf32, #tpu.memory_space<vmem>> -> memref<128x64xf32, #tpu.memory_space<vmem>>
      %dma_wait3A_595 = arith.constant 0 : i32
      %dma_wait3A_596 = tpu.memref_slice %arg12[%rem3A_216, %dma_wait3A_589, %dma_wait3A_595] : memref<2x8x128xi32, #tpu.memory_space<vmem>> -> memref<1x1x128xi32, #tpu.memory_space<vmem>>
      %dma_wait3A_597 = tpu.memref_squeeze %dma_wait3A_596 : memref<1x1x128xi32, #tpu.memory_space<vmem>> -> memref<128xi32, #tpu.memory_space<vmem>>
      %dma_wait3A_598 = arith.constant 0 : i32
      %dma_wait3A_599 = arith.constant 0 : i32
      %dma_wait3A_600 = tpu.memref_slice %arg10[%dma_wait3A_598, %dma_wait3A_599] : memref<10000x64xf32, #tpu.memory_space<vmem_shared>> -> memref<10000x64xf32, #tpu.memory_space<vmem_shared>>
      tpu.wait_indirect_dma semaphore(%arg21 : memref<!tpu.dma_semaphore, #tpu.memory_space<semaphore_mem>>) src(%dma_wait3A_600 : memref<10000x64xf32, #tpu.memory_space<vmem_shared>>) dst(%dma_wait3A_594 : memref<128x64xf32, #tpu.memory_space<vmem>>)
      %dma_start3A_601 = arith.constant 3 : i32
      %dma_start3A_602 = arith.constant 7 : i32
      %dma_start3A_603 = arith.constant 0 : i32
      %dma_start3A_604 = arith.constant 0 : i32
      %dma_start3A_605 = tpu.memref_slice %arg14[%dma_start3A_601, %dma_start3A_603, %dma_start3A_604] : memref<4x128x64xf32, #tpu.memory_space<vmem>> -> memref<1x128x64xf32, #tpu.memory_space<vmem>>
      %dma_start3A_606 = tpu.memref_squeeze %dma_start3A_605 : memref<1x128x64xf32, #tpu.memory_space<vmem>> -> memref<128x64xf32, #tpu.memory_space<vmem>>
      %dma_start3A_607 = arith.constant 0 : i32
      %dma_start3A_608 = tpu.memref_slice %arg13[%rem3A_216, %dma_start3A_602, %dma_start3A_607] : memref<2x8x128xi32, #tpu.memory_space<vmem>> -> memref<1x1x128xi32, #tpu.memory_space<vmem>>
      %dma_start3A_609 = tpu.memref_squeeze %dma_start3A_608 : memref<1x1x128xi32, #tpu.memory_space<vmem>> -> memref<128xi32, #tpu.memory_space<vmem>>
      %dma_start3A_610 = arith.constant 0 : i32
      %dma_start3A_611 = arith.constant 0 : i32
      %dma_start3A_612 = tpu.memref_slice %arg11[%dma_start3A_610, %dma_start3A_611] : memref<10112x64xf32, #tpu.memory_space<vmem_shared>> -> memref<10112x64xf32, #tpu.memory_space<vmem_shared>>
      tpu.enqueue_indirect_dma source(%dma_start3A_606 : memref<128x64xf32, #tpu.memory_space<vmem>>) target(%dma_start3A_612 : memref<10112x64xf32, #tpu.memory_space<vmem_shared>>) offsets(%dma_start3A_609 : memref<128xi32, #tpu.memory_space<vmem>>) semaphore(%arg25 : memref<!tpu.dma_semaphore, #tpu.memory_space<semaphore_mem>>) {add = true}
      %dma_wait3A_613 = arith.constant 0 : i32
      %dma_wait3A_614 = arith.constant 4 : i32
      %dma_wait3A_615 = arith.constant 0 : i32
      %dma_wait3A_616 = arith.constant 0 : i32
      %dma_wait3A_617 = tpu.memref_slice %arg14[%dma_wait3A_613, %dma_wait3A_615, %dma_wait3A_616] : memref<4x128x64xf32, #tpu.memory_space<vmem>> -> memref<1x128x64xf32, #tpu.memory_space<vmem>>
      %dma_wait3A_618 = tpu.memref_squeeze %dma_wait3A_617 : memref<1x128x64xf32, #tpu.memory_space<vmem>> -> memref<128x64xf32, #tpu.memory_space<vmem>>
      %dma_wait3A_619 = arith.constant 0 : i32
      %dma_wait3A_620 = tpu.memref_slice %arg13[%rem3A_216, %dma_wait3A_614, %dma_wait3A_619] : memref<2x8x128xi32, #tpu.memory_space<vmem>> -> memref<1x1x128xi32, #tpu.memory_space<vmem>>
      %dma_wait3A_621 = tpu.memref_squeeze %dma_wait3A_620 : memref<1x1x128xi32, #tpu.memory_space<vmem>> -> memref<128xi32, #tpu.memory_space<vmem>>
      %dma_wait3A_622 = arith.constant 0 : i32
      %dma_wait3A_623 = arith.constant 0 : i32
      %dma_wait3A_624 = tpu.memref_slice %arg11[%dma_wait3A_622, %dma_wait3A_623] : memref<10112x64xf32, #tpu.memory_space<vmem_shared>> -> memref<10112x64xf32, #tpu.memory_space<vmem_shared>>
      tpu.wait_indirect_dma semaphore(%arg22 : memref<!tpu.dma_semaphore, #tpu.memory_space<semaphore_mem>>) src(%dma_wait3A_618 : memref<128x64xf32, #tpu.memory_space<vmem>>) dst(%dma_wait3A_624 : memref<10112x64xf32, #tpu.memory_space<vmem_shared>>)
      %dma_wait3A_625 = arith.constant 1 : i32
      %dma_wait3A_626 = arith.constant 5 : i32
      %dma_wait3A_627 = arith.constant 0 : i32
      %dma_wait3A_628 = arith.constant 0 : i32
      %dma_wait3A_629 = tpu.memref_slice %arg14[%dma_wait3A_625, %dma_wait3A_627, %dma_wait3A_628] : memref<4x128x64xf32, #tpu.memory_space<vmem>> -> memref<1x128x64xf32, #tpu.memory_space<vmem>>
      %dma_wait3A_630 = tpu.memref_squeeze %dma_wait3A_629 : memref<1x128x64xf32, #tpu.memory_space<vmem>> -> memref<128x64xf32, #tpu.memory_space<vmem>>
      %dma_wait3A_631 = arith.constant 0 : i32
      %dma_wait3A_632 = tpu.memref_slice %arg13[%rem3A_216, %dma_wait3A_626, %dma_wait3A_631] : memref<2x8x128xi32, #tpu.memory_space<vmem>> -> memref<1x1x128xi32, #tpu.memory_space<vmem>>
      %dma_wait3A_633 = tpu.memref_squeeze %dma_wait3A_632 : memref<1x1x128xi32, #tpu.memory_space<vmem>> -> memref<128xi32, #tpu.memory_space<vmem>>
      %dma_wait3A_634 = arith.constant 0 : i32
      %dma_wait3A_635 = arith.constant 0 : i32
      %dma_wait3A_636 = tpu.memref_slice %arg11[%dma_wait3A_634, %dma_wait3A_635] : memref<10112x64xf32, #tpu.memory_space<vmem_shared>> -> memref<10112x64xf32, #tpu.memory_space<vmem_shared>>
      tpu.wait_indirect_dma semaphore(%arg23 : memref<!tpu.dma_semaphore, #tpu.memory_space<semaphore_mem>>) src(%dma_wait3A_630 : memref<128x64xf32, #tpu.memory_space<vmem>>) dst(%dma_wait3A_636 : memref<10112x64xf32, #tpu.memory_space<vmem_shared>>)
      %dma_wait3A_637 = arith.constant 2 : i32
      %dma_wait3A_638 = arith.constant 6 : i32
      %dma_wait3A_639 = arith.constant 0 : i32
      %dma_wait3A_640 = arith.constant 0 : i32
      %dma_wait3A_641 = tpu.memref_slice %arg14[%dma_wait3A_637, %dma_wait3A_639, %dma_wait3A_640] : memref<4x128x64xf32, #tpu.memory_space<vmem>> -> memref<1x128x64xf32, #tpu.memory_space<vmem>>
      %dma_wait3A_642 = tpu.memref_squeeze %dma_wait3A_641 : memref<1x128x64xf32, #tpu.memory_space<vmem>> -> memref<128x64xf32, #tpu.memory_space<vmem>>
      %dma_wait3A_643 = arith.constant 0 : i32
      %dma_wait3A_644 = tpu.memref_slice %arg13[%rem3A_216, %dma_wait3A_638, %dma_wait3A_643] : memref<2x8x128xi32, #tpu.memory_space<vmem>> -> memref<1x1x128xi32, #tpu.memory_space<vmem>>
      %dma_wait3A_645 = tpu.memref_squeeze %dma_wait3A_644 : memref<1x1x128xi32, #tpu.memory_space<vmem>> -> memref<128xi32, #tpu.memory_space<vmem>>
      %dma_wait3A_646 = arith.constant 0 : i32
      %dma_wait3A_647 = arith.constant 0 : i32
      %dma_wait3A_648 = tpu.memref_slice %arg11[%dma_wait3A_646, %dma_wait3A_647] : memref<10112x64xf32, #tpu.memory_space<vmem_shared>> -> memref<10112x64xf32, #tpu.memory_space<vmem_shared>>
      tpu.wait_indirect_dma semaphore(%arg24 : memref<!tpu.dma_semaphore, #tpu.memory_space<semaphore_mem>>) src(%dma_wait3A_642 : memref<128x64xf32, #tpu.memory_space<vmem>>) dst(%dma_wait3A_648 : memref<10112x64xf32, #tpu.memory_space<vmem_shared>>)
      %dma_wait3A_649 = arith.constant 3 : i32
      %dma_wait3A_650 = arith.constant 7 : i32
      %dma_wait3A_651 = arith.constant 0 : i32
      %dma_wait3A_652 = arith.constant 0 : i32
      %dma_wait3A_653 = tpu.memref_slice %arg14[%dma_wait3A_649, %dma_wait3A_651, %dma_wait3A_652] : memref<4x128x64xf32, #tpu.memory_space<vmem>> -> memref<1x128x64xf32, #tpu.memory_space<vmem>>
      %dma_wait3A_654 = tpu.memref_squeeze %dma_wait3A_653 : memref<1x128x64xf32, #tpu.memory_space<vmem>> -> memref<128x64xf32, #tpu.memory_space<vmem>>
      %dma_wait3A_655 = arith.constant 0 : i32
      %dma_wait3A_656 = tpu.memref_slice %arg13[%rem3A_216, %dma_wait3A_650, %dma_wait3A_655] : memref<2x8x128xi32, #tpu.memory_space<vmem>> -> memref<1x1x128xi32, #tpu.memory_space<vmem>>
      %dma_wait3A_657 = tpu.memref_squeeze %dma_wait3A_656 : memref<1x1x128xi32, #tpu.memory_space<vmem>> -> memref<128xi32, #tpu.memory_space<vmem>>
      %dma_wait3A_658 = arith.constant 0 : i32
      %dma_wait3A_659 = arith.constant 0 : i32
      %dma_wait3A_660 = tpu.memref_slice %arg11[%dma_wait3A_658, %dma_wait3A_659] : memref<10112x64xf32, #tpu.memory_space<vmem_shared>> -> memref<10112x64xf32, #tpu.memory_space<vmem_shared>>
      tpu.wait_indirect_dma semaphore(%arg25 : memref<!tpu.dma_semaphore, #tpu.memory_space<semaphore_mem>>) src(%dma_wait3A_654 : memref<128x64xf32, #tpu.memory_space<vmem>>) dst(%dma_wait3A_660 : memref<10112x64xf32, #tpu.memory_space<vmem_shared>>)
    }
    %scan3A_41 = arith.constant 20 : i32
    %dma_wait3A = arith.constant 0 : i32
    %dma_wait3A_42 = arith.constant 0 : i32
    %dma_wait3A_43 = arith.constant 0 : i32
    %dma_wait3A_44 = tpu.memref_slice %arg12[%dma_wait3A, %dma_wait3A_42, %dma_wait3A_43] : memref<2x8x128xi32, #tpu.memory_space<vmem>> -> memref<1x8x128xi32, #tpu.memory_space<vmem>>
    %dma_wait3A_45 = tpu.memref_squeeze %dma_wait3A_44 : memref<1x8x128xi32, #tpu.memory_space<vmem>> -> memref<8x128xi32, #tpu.memory_space<vmem>>
    %dma_wait3A_46 = arith.constant 0 : i32
    %dma_wait3A_47 = arith.constant 0 : i32
    %dma_wait3A_48 = tpu.memref_slice %arg4[%dma_wait3A_46, %dma_wait3A_47] : memref<2568x128xi32, #tpu.memory_space<hbm>> -> memref<8x128xi32, #tpu.memory_space<hbm>>
    %dma_wait3A_49 = arith.constant 0 : i32
    %dma_wait3A_50 = arith.constant 0 : i32
    %dma_wait3A_51 = tpu.memref_slice %arg12[%dma_wait3A, %dma_wait3A_49, %dma_wait3A_50] : memref<2x8x128xi32, #tpu.memory_space<vmem>> -> memref<1x8x128xi32, #tpu.memory_space<vmem>>
    %dma_wait3A_52 = tpu.memref_squeeze %dma_wait3A_51 : memref<1x8x128xi32, #tpu.memory_space<vmem>> -> memref<8x128xi32, #tpu.memory_space<vmem>>
    %dma_wait3A_53 = arith.constant 0 : i32
    %dma_wait3A_54 = arith.constant 0 : i32
    %dma_wait3A_55 = tpu.memref_slice %arg4[%dma_wait3A_53, %dma_wait3A_54] : memref<2568x128xi32, #tpu.memory_space<hbm>> -> memref<8x128xi32, #tpu.memory_space<hbm>>
    tpu.wait_dma2 semaphore(%arg17 : memref<!tpu.dma_semaphore, #tpu.memory_space<semaphore_mem>>) src(%dma_wait3A_55 : memref<8x128xi32, #tpu.memory_space<hbm>>) dst(%dma_wait3A_52 : memref<8x128xi32, #tpu.memory_space<vmem>>)
    %dma_wait3A_56 = arith.constant 0 : i32
    %dma_wait3A_57 = arith.constant 0 : i32
    %dma_wait3A_58 = arith.constant 0 : i32
    %dma_wait3A_59 = tpu.memref_slice %arg13[%dma_wait3A_56, %dma_wait3A_57, %dma_wait3A_58] : memref<2x8x128xi32, #tpu.memory_space<vmem>> -> memref<1x8x128xi32, #tpu.memory_space<vmem>>
    %dma_wait3A_60 = tpu.memref_squeeze %dma_wait3A_59 : memref<1x8x128xi32, #tpu.memory_space<vmem>> -> memref<8x128xi32, #tpu.memory_space<vmem>>
    %dma_wait3A_61 = arith.constant 0 : i32
    %dma_wait3A_62 = arith.constant 0 : i32
    %dma_wait3A_63 = tpu.memref_slice %arg5[%dma_wait3A_61, %dma_wait3A_62] : memref<2568x128xi32, #tpu.memory_space<hbm>> -> memref<8x128xi32, #tpu.memory_space<hbm>>
    %dma_wait3A_64 = arith.constant 0 : i32
    %dma_wait3A_65 = arith.constant 0 : i32
    %dma_wait3A_66 = tpu.memref_slice %arg13[%dma_wait3A_56, %dma_wait3A_64, %dma_wait3A_65] : memref<2x8x128xi32, #tpu.memory_space<vmem>> -> memref<1x8x128xi32, #tpu.memory_space<vmem>>
    %dma_wait3A_67 = tpu.memref_squeeze %dma_wait3A_66 : memref<1x8x128xi32, #tpu.memory_space<vmem>> -> memref<8x128xi32, #tpu.memory_space<vmem>>
    %dma_wait3A_68 = arith.constant 0 : i32
    %dma_wait3A_69 = arith.constant 0 : i32
    %dma_wait3A_70 = tpu.memref_slice %arg5[%dma_wait3A_68, %dma_wait3A_69] : memref<2568x128xi32, #tpu.memory_space<hbm>> -> memref<8x128xi32, #tpu.memory_space<hbm>>
    tpu.wait_dma2 semaphore(%arg17 : memref<!tpu.dma_semaphore, #tpu.memory_space<semaphore_mem>>) src(%dma_wait3A_70 : memref<8x128xi32, #tpu.memory_space<hbm>>) dst(%dma_wait3A_67 : memref<8x128xi32, #tpu.memory_space<vmem>>)
    %barrier3A_71 = arith.constant 0 : index
    tpu.barrier barrier_id(%barrier3A_71)
    %add3A = arith.constant 0 : i32
    %add3A_72 = arith.addi %mul3A_2, %add3A : i32
    "tpu.region"() ({
      %run_scoped3A = tpu.sem_alloc : memref<!tpu.dma_semaphore, #tpu.memory_space<semaphore_mem>>
      %dma_start3A_215 = arith.constant 0 : i32
      %dma_start3A_216 = arith.constant 0 : i32
      %dma_start3A_217 = tpu.memref_slice %arg15[%dma_start3A_215, %dma_start3A_216] : memref<78x64xf32, #tpu.memory_space<vmem>> -> memref<78x64xf32, #tpu.memory_space<vmem>>
      %dma_start3A_218 = arith.constant 0 : i32
      %dma_start3A_219 = tpu.memref_slice %arg11[%add3A_72, %dma_start3A_218] : memref<10112x64xf32, #tpu.memory_space<vmem_shared>> -> memref<78x64xf32, #tpu.memory_space<vmem_shared>>
      %dma_start3A_220 = arith.constant 0 : i32
      %dma_start3A_221 = arith.constant 0 : i32
      %dma_start3A_222 = tpu.memref_slice %arg15[%dma_start3A_220, %dma_start3A_221] : memref<78x64xf32, #tpu.memory_space<vmem>> -> memref<78x64xf32, #tpu.memory_space<vmem>>
      %dma_start3A_223 = arith.constant 0 : i32
      %dma_start3A_224 = tpu.memref_slice %arg11[%add3A_72, %dma_start3A_223] : memref<10112x64xf32, #tpu.memory_space<vmem_shared>> -> memref<78x64xf32, #tpu.memory_space<vmem_shared>>
      tpu.enqueue_dma source(%dma_start3A_224 : memref<78x64xf32, #tpu.memory_space<vmem_shared>>) target(%dma_start3A_222 : memref<78x64xf32, #tpu.memory_space<vmem>>) target_semaphore(%run_scoped3A : memref<!tpu.dma_semaphore, #tpu.memory_space<semaphore_mem>>)
      %dma_wait3A_225 = arith.constant 0 : i32
      %dma_wait3A_226 = arith.constant 0 : i32
      %dma_wait3A_227 = tpu.memref_slice %arg15[%dma_wait3A_225, %dma_wait3A_226] : memref<78x64xf32, #tpu.memory_space<vmem>> -> memref<78x64xf32, #tpu.memory_space<vmem>>
      %dma_wait3A_228 = arith.constant 0 : i32
      %dma_wait3A_229 = tpu.memref_slice %arg11[%add3A_72, %dma_wait3A_228] : memref<10112x64xf32, #tpu.memory_space<vmem_shared>> -> memref<78x64xf32, #tpu.memory_space<vmem_shared>>
      %dma_wait3A_230 = arith.constant 0 : i32
      %dma_wait3A_231 = arith.constant 0 : i32
      %dma_wait3A_232 = tpu.memref_slice %arg15[%dma_wait3A_230, %dma_wait3A_231] : memref<78x64xf32, #tpu.memory_space<vmem>> -> memref<78x64xf32, #tpu.memory_space<vmem>>
      %dma_wait3A_233 = arith.constant 0 : i32
      %dma_wait3A_234 = tpu.memref_slice %arg11[%add3A_72, %dma_wait3A_233] : memref<10112x64xf32, #tpu.memory_space<vmem_shared>> -> memref<78x64xf32, #tpu.memory_space<vmem_shared>>
      tpu.wait_dma2 semaphore(%run_scoped3A : memref<!tpu.dma_semaphore, #tpu.memory_space<semaphore_mem>>) src(%dma_wait3A_234 : memref<78x64xf32, #tpu.memory_space<vmem_shared>>) dst(%dma_wait3A_232 : memref<78x64xf32, #tpu.memory_space<vmem>>)
      tpu.yield
    }) : () -> ()
    %scan3A_73 = arith.constant 0 : i32
    %scan3A_74 = arith.constant 0 : i32
    %scan3A_75 = arith.constant 78 : i32
    %scan3A_76 = arith.addi %scan3A_74, %scan3A_75 : i32
    %scan3A_77 = arith.constant 1 : i32
    scf.for %scan3A_215 = %scan3A_74 to %scan3A_76 step %scan3A_77  : i32 {
      %get3A = arith.index_cast %scan3A_215 : i32 to index
      %get3A_216 = arith.constant 0 : index
      %get3A_217 = tpu.vector_load %arg15[%get3A, %get3A_216] {strides = array<i32>} : memref<78x64xf32, #tpu.memory_space<vmem>>, vector<1x16xf32>,
      %get3A_218 = vector.shape_cast %get3A_217 : vector<1x16xf32> to vector<16xf32>
      %get3A_219 = arith.constant 0 : i32
      %get3A_220 = arith.index_cast %get3A_219 : i32 to index
      %get3A_221 = arith.constant 0 : index
      %get3A_222 = tpu.vector_load %arg16[%get3A_220, %get3A_221] {strides = array<i32>} : memref<1x64xf32, #tpu.memory_space<vmem>>, vector<1x16xf32>,
      %get3A_223 = vector.shape_cast %get3A_222 : vector<1x16xf32> to vector<16xf32>
      %add3A_224 = arith.addf %get3A_218, %get3A_223 : vector<16xf32>
      %max3A = arith.constant 0.000000e+00 : f32
      %max3A_225 = vector.broadcast %max3A : f32 to vector<16xf32>
      %max3A_226 = arith.maximumf %add3A_224, %max3A_225 : vector<16xf32>
      %swap3A = arith.index_cast %scan3A_215 : i32 to index
      %swap3A_227 = arith.constant 0 : index
      %swap3A_228 = tpu.vector_load %arg15[%swap3A, %swap3A_227] {strides = array<i32>} : memref<78x64xf32, #tpu.memory_space<vmem>>, vector<1x16xf32>,
      %swap3A_229 = vector.shape_cast %swap3A_228 : vector<1x16xf32> to vector<16xf32>
      %swap3A_230 = vector.shape_cast %max3A_226 : vector<16xf32> to vector<1x16xf32>
      tpu.vector_store %arg15[%swap3A, %swap3A_227], %swap3A_230 {strides = array<i32>} : memref<78x64xf32, #tpu.memory_space<vmem>>, vector<1x16xf32>,
      %get3A_231 = arith.index_cast %scan3A_215 : i32 to index
      %get3A_232 = arith.constant 16 : index
      %get3A_233 = tpu.vector_load %arg15[%get3A_231, %get3A_232] {strides = array<i32>} : memref<78x64xf32, #tpu.memory_space<vmem>>, vector<1x16xf32>,
      %get3A_234 = vector.shape_cast %get3A_233 : vector<1x16xf32> to vector<16xf32>
      %get3A_235 = arith.constant 0 : i32
      %get3A_236 = arith.index_cast %get3A_235 : i32 to index
      %get3A_237 = arith.constant 16 : index
      %get3A_238 = tpu.vector_load %arg16[%get3A_236, %get3A_237] {strides = array<i32>} : memref<1x64xf32, #tpu.memory_space<vmem>>, vector<1x16xf32>,
      %get3A_239 = vector.shape_cast %get3A_238 : vector<1x16xf32> to vector<16xf32>
      %add3A_240 = arith.addf %get3A_234, %get3A_239 : vector<16xf32>
      %max3A_241 = arith.constant 0.000000e+00 : f32
      %max3A_242 = vector.broadcast %max3A_241 : f32 to vector<16xf32>
      %max3A_243 = arith.maximumf %add3A_240, %max3A_242 : vector<16xf32>
      %swap3A_244 = arith.index_cast %scan3A_215 : i32 to index
      %swap3A_245 = arith.constant 16 : index
      %swap3A_246 = tpu.vector_load %arg15[%swap3A_244, %swap3A_245] {strides = array<i32>} : memref<78x64xf32, #tpu.memory_space<vmem>>, vector<1x16xf32>,
      %swap3A_247 = vector.shape_cast %swap3A_246 : vector<1x16xf32> to vector<16xf32>
      %swap3A_248 = vector.shape_cast %max3A_243 : vector<16xf32> to vector<1x16xf32>
      tpu.vector_store %arg15[%swap3A_244, %swap3A_245], %swap3A_248 {strides = array<i32>} : memref<78x64xf32, #tpu.memory_space<vmem>>, vector<1x16xf32>,
      %get3A_249 = arith.index_cast %scan3A_215 : i32 to index
      %get3A_250 = arith.constant 32 : index
      %get3A_251 = tpu.vector_load %arg15[%get3A_249, %get3A_250] {strides = array<i32>} : memref<78x64xf32, #tpu.memory_space<vmem>>, vector<1x16xf32>,
      %get3A_252 = vector.shape_cast %get3A_251 : vector<1x16xf32> to vector<16xf32>
      %get3A_253 = arith.constant 0 : i32
      %get3A_254 = arith.index_cast %get3A_253 : i32 to index
      %get3A_255 = arith.constant 32 : index
      %get3A_256 = tpu.vector_load %arg16[%get3A_254, %get3A_255] {strides = array<i32>} : memref<1x64xf32, #tpu.memory_space<vmem>>, vector<1x16xf32>,
      %get3A_257 = vector.shape_cast %get3A_256 : vector<1x16xf32> to vector<16xf32>
      %add3A_258 = arith.addf %get3A_252, %get3A_257 : vector<16xf32>
      %max3A_259 = arith.constant 0.000000e+00 : f32
      %max3A_260 = vector.broadcast %max3A_259 : f32 to vector<16xf32>
      %max3A_261 = arith.maximumf %add3A_258, %max3A_260 : vector<16xf32>
      %swap3A_262 = arith.index_cast %scan3A_215 : i32 to index
      %swap3A_263 = arith.constant 32 : index
      %swap3A_264 = tpu.vector_load %arg15[%swap3A_262, %swap3A_263] {strides = array<i32>} : memref<78x64xf32, #tpu.memory_space<vmem>>, vector<1x16xf32>,
      %swap3A_265 = vector.shape_cast %swap3A_264 : vector<1x16xf32> to vector<16xf32>
      %swap3A_266 = vector.shape_cast %max3A_261 : vector<16xf32> to vector<1x16xf32>
      tpu.vector_store %arg15[%swap3A_262, %swap3A_263], %swap3A_266 {strides = array<i32>} : memref<78x64xf32, #tpu.memory_space<vmem>>, vector<1x16xf32>,
      %get3A_267 = arith.index_cast %scan3A_215 : i32 to index
      %get3A_268 = arith.constant 48 : index
      %get3A_269 = tpu.vector_load %arg15[%get3A_267, %get3A_268] {strides = array<i32>} : memref<78x64xf32, #tpu.memory_space<vmem>>, vector<1x16xf32>,
      %get3A_270 = vector.shape_cast %get3A_269 : vector<1x16xf32> to vector<16xf32>
      %get3A_271 = arith.constant 0 : i32
      %get3A_272 = arith.index_cast %get3A_271 : i32 to index
      %get3A_273 = arith.constant 48 : index
      %get3A_274 = tpu.vector_load %arg16[%get3A_272, %get3A_273] {strides = array<i32>} : memref<1x64xf32, #tpu.memory_space<vmem>>, vector<1x16xf32>,
      %get3A_275 = vector.shape_cast %get3A_274 : vector<1x16xf32> to vector<16xf32>
      %add3A_276 = arith.addf %get3A_270, %get3A_275 : vector<16xf32>
      %max3A_277 = arith.constant 0.000000e+00 : f32
      %max3A_278 = vector.broadcast %max3A_277 : f32 to vector<16xf32>
      %max3A_279 = arith.maximumf %add3A_276, %max3A_278 : vector<16xf32>
      %swap3A_280 = arith.index_cast %scan3A_215 : i32 to index
      %swap3A_281 = arith.constant 48 : index
      %swap3A_282 = tpu.vector_load %arg15[%swap3A_280, %swap3A_281] {strides = array<i32>} : memref<78x64xf32, #tpu.memory_space<vmem>>, vector<1x16xf32>,
      %swap3A_283 = vector.shape_cast %swap3A_282 : vector<1x16xf32> to vector<16xf32>
      %swap3A_284 = vector.shape_cast %max3A_279 : vector<16xf32> to vector<1x16xf32>
      tpu.vector_store %arg15[%swap3A_280, %swap3A_281], %swap3A_284 {strides = array<i32>} : memref<78x64xf32, #tpu.memory_space<vmem>>, vector<1x16xf32>,
    }
    %scan3A_78 = arith.constant 78 : i32
    "tpu.region"() ({
      %run_scoped3A = tpu.sem_alloc : memref<!tpu.dma_semaphore, #tpu.memory_space<semaphore_mem>>
      %dma_start3A_215 = arith.constant 0 : i32
      %dma_start3A_216 = arith.constant 0 : i32
      %dma_start3A_217 = tpu.memref_slice %arg15[%dma_start3A_215, %dma_start3A_216] : memref<78x64xf32, #tpu.memory_space<vmem>> -> memref<78x64xf32, #tpu.memory_space<vmem>>
      %dma_start3A_218 = arith.constant 0 : i32
      %dma_start3A_219 = tpu.memref_slice %arg10[%add3A_72, %dma_start3A_218] : memref<10000x64xf32, #tpu.memory_space<vmem_shared>> -> memref<78x64xf32, #tpu.memory_space<vmem_shared>>
      %dma_start3A_220 = arith.constant 0 : i32
      %dma_start3A_221 = tpu.memref_slice %arg10[%add3A_72, %dma_start3A_220] : memref<10000x64xf32, #tpu.memory_space<vmem_shared>> -> memref<78x64xf32, #tpu.memory_space<vmem_shared>>
      %dma_start3A_222 = arith.constant 0 : i32
      %dma_start3A_223 = arith.constant 0 : i32
      %dma_start3A_224 = tpu.memref_slice %arg15[%dma_start3A_222, %dma_start3A_223] : memref<78x64xf32, #tpu.memory_space<vmem>> -> memref<78x64xf32, #tpu.memory_space<vmem>>
      tpu.enqueue_dma source(%dma_start3A_224 : memref<78x64xf32, #tpu.memory_space<vmem>>) target(%dma_start3A_221 : memref<78x64xf32, #tpu.memory_space<vmem_shared>>) target_semaphore(%run_scoped3A : memref<!tpu.dma_semaphore, #tpu.memory_space<semaphore_mem>>)
      %dma_wait3A_225 = arith.constant 0 : i32
      %dma_wait3A_226 = arith.constant 0 : i32
      %dma_wait3A_227 = tpu.memref_slice %arg15[%dma_wait3A_225, %dma_wait3A_226] : memref<78x64xf32, #tpu.memory_space<vmem>> -> memref<78x64xf32, #tpu.memory_space<vmem>>
      %dma_wait3A_228 = arith.constant 0 : i32
      %dma_wait3A_229 = tpu.memref_slice %arg10[%add3A_72, %dma_wait3A_228] : memref<10000x64xf32, #tpu.memory_space<vmem_shared>> -> memref<78x64xf32, #tpu.memory_space<vmem_shared>>
      %dma_wait3A_230 = arith.constant 0 : i32
      %dma_wait3A_231 = tpu.memref_slice %arg10[%add3A_72, %dma_wait3A_230] : memref<10000x64xf32, #tpu.memory_space<vmem_shared>> -> memref<78x64xf32, #tpu.memory_space<vmem_shared>>
      %dma_wait3A_232 = arith.constant 0 : i32
      %dma_wait3A_233 = arith.constant 0 : i32
      %dma_wait3A_234 = tpu.memref_slice %arg15[%dma_wait3A_232, %dma_wait3A_233] : memref<78x64xf32, #tpu.memory_space<vmem>> -> memref<78x64xf32, #tpu.memory_space<vmem>>
      tpu.wait_dma2 semaphore(%run_scoped3A : memref<!tpu.dma_semaphore, #tpu.memory_space<semaphore_mem>>) src(%dma_wait3A_234 : memref<78x64xf32, #tpu.memory_space<vmem>>) dst(%dma_wait3A_231 : memref<78x64xf32, #tpu.memory_space<vmem_shared>>)
      tpu.yield
    }) : () -> ()
    %add3A_79 = arith.constant 78 : i32
    %add3A_80 = arith.addi %mul3A_2, %add3A_79 : i32
    "tpu.region"() ({
      %run_scoped3A = tpu.sem_alloc : memref<!tpu.dma_semaphore, #tpu.memory_space<semaphore_mem>>
      %dma_start3A_215 = arith.constant 0 : i32
      %dma_start3A_216 = arith.constant 0 : i32
      %dma_start3A_217 = tpu.memref_slice %arg15[%dma_start3A_215, %dma_start3A_216] : memref<78x64xf32, #tpu.memory_space<vmem>> -> memref<78x64xf32, #tpu.memory_space<vmem>>
      %dma_start3A_218 = arith.constant 0 : i32
      %dma_start3A_219 = tpu.memref_slice %arg11[%add3A_80, %dma_start3A_218] : memref<10112x64xf32, #tpu.memory_space<vmem_shared>> -> memref<78x64xf32, #tpu.memory_space<vmem_shared>>
      %dma_start3A_220 = arith.constant 0 : i32
      %dma_start3A_221 = arith.constant 0 : i32
      %dma_start3A_222 = tpu.memref_slice %arg15[%dma_start3A_220, %dma_start3A_221] : memref<78x64xf32, #tpu.memory_space<vmem>> -> memref<78x64xf32, #tpu.memory_space<vmem>>
      %dma_start3A_223 = arith.constant 0 : i32
      %dma_start3A_224 = tpu.memref_slice %arg11[%add3A_80, %dma_start3A_223] : memref<10112x64xf32, #tpu.memory_space<vmem_shared>> -> memref<78x64xf32, #tpu.memory_space<vmem_shared>>
      tpu.enqueue_dma source(%dma_start3A_224 : memref<78x64xf32, #tpu.memory_space<vmem_shared>>) target(%dma_start3A_222 : memref<78x64xf32, #tpu.memory_space<vmem>>) target_semaphore(%run_scoped3A : memref<!tpu.dma_semaphore, #tpu.memory_space<semaphore_mem>>)
      %dma_wait3A_225 = arith.constant 0 : i32
      %dma_wait3A_226 = arith.constant 0 : i32
      %dma_wait3A_227 = tpu.memref_slice %arg15[%dma_wait3A_225, %dma_wait3A_226] : memref<78x64xf32, #tpu.memory_space<vmem>> -> memref<78x64xf32, #tpu.memory_space<vmem>>
      %dma_wait3A_228 = arith.constant 0 : i32
      %dma_wait3A_229 = tpu.memref_slice %arg11[%add3A_80, %dma_wait3A_228] : memref<10112x64xf32, #tpu.memory_space<vmem_shared>> -> memref<78x64xf32, #tpu.memory_space<vmem_shared>>
      %dma_wait3A_230 = arith.constant 0 : i32
      %dma_wait3A_231 = arith.constant 0 : i32
      %dma_wait3A_232 = tpu.memref_slice %arg15[%dma_wait3A_230, %dma_wait3A_231] : memref<78x64xf32, #tpu.memory_space<vmem>> -> memref<78x64xf32, #tpu.memory_space<vmem>>
      %dma_wait3A_233 = arith.constant 0 : i32
      %dma_wait3A_234 = tpu.memref_slice %arg11[%add3A_80, %dma_wait3A_233] : memref<10112x64xf32, #tpu.memory_space<vmem_shared>> -> memref<78x64xf32, #tpu.memory_space<vmem_shared>>
      tpu.wait_dma2 semaphore(%run_scoped3A : memref<!tpu.dma_semaphore, #tpu.memory_space<semaphore_mem>>) src(%dma_wait3A_234 : memref<78x64xf32, #tpu.memory_space<vmem_shared>>) dst(%dma_wait3A_232 : memref<78x64xf32, #tpu.memory_space<vmem>>)
      tpu.yield
    }) : () -> ()
    %scan3A_81 = arith.constant 0 : i32
    %scan3A_82 = arith.constant 0 : i32
    %scan3A_83 = arith.constant 78 : i32
    %scan3A_84 = arith.addi %scan3A_82, %scan3A_83 : i32
    %scan3A_85 = arith.constant 1 : i32
    scf.for %scan3A_215 = %scan3A_82 to %scan3A_84 step %scan3A_85  : i32 {
      %get3A = arith.index_cast %scan3A_215 : i32 to index
      %get3A_216 = arith.constant 0 : index
      %get3A_217 = tpu.vector_load %arg15[%get3A, %get3A_216] {strides = array<i32>} : memref<78x64xf32, #tpu.memory_space<vmem>>, vector<1x16xf32>,
      %get3A_218 = vector.shape_cast %get3A_217 : vector<1x16xf32> to vector<16xf32>
      %get3A_219 = arith.constant 0 : i32
      %get3A_220 = arith.index_cast %get3A_219 : i32 to index
      %get3A_221 = arith.constant 0 : index
      %get3A_222 = tpu.vector_load %arg16[%get3A_220, %get3A_221] {strides = array<i32>} : memref<1x64xf32, #tpu.memory_space<vmem>>, vector<1x16xf32>,
      %get3A_223 = vector.shape_cast %get3A_222 : vector<1x16xf32> to vector<16xf32>
      %add3A_224 = arith.addf %get3A_218, %get3A_223 : vector<16xf32>
      %max3A = arith.constant 0.000000e+00 : f32
      %max3A_225 = vector.broadcast %max3A : f32 to vector<16xf32>
      %max3A_226 = arith.maximumf %add3A_224, %max3A_225 : vector<16xf32>
      %swap3A = arith.index_cast %scan3A_215 : i32 to index
      %swap3A_227 = arith.constant 0 : index
      %swap3A_228 = tpu.vector_load %arg15[%swap3A, %swap3A_227] {strides = array<i32>} : memref<78x64xf32, #tpu.memory_space<vmem>>, vector<1x16xf32>,
      %swap3A_229 = vector.shape_cast %swap3A_228 : vector<1x16xf32> to vector<16xf32>
      %swap3A_230 = vector.shape_cast %max3A_226 : vector<16xf32> to vector<1x16xf32>
      tpu.vector_store %arg15[%swap3A, %swap3A_227], %swap3A_230 {strides = array<i32>} : memref<78x64xf32, #tpu.memory_space<vmem>>, vector<1x16xf32>,
      %get3A_231 = arith.index_cast %scan3A_215 : i32 to index
      %get3A_232 = arith.constant 16 : index
      %get3A_233 = tpu.vector_load %arg15[%get3A_231, %get3A_232] {strides = array<i32>} : memref<78x64xf32, #tpu.memory_space<vmem>>, vector<1x16xf32>,
      %get3A_234 = vector.shape_cast %get3A_233 : vector<1x16xf32> to vector<16xf32>
      %get3A_235 = arith.constant 0 : i32
      %get3A_236 = arith.index_cast %get3A_235 : i32 to index
      %get3A_237 = arith.constant 16 : index
      %get3A_238 = tpu.vector_load %arg16[%get3A_236, %get3A_237] {strides = array<i32>} : memref<1x64xf32, #tpu.memory_space<vmem>>, vector<1x16xf32>,
      %get3A_239 = vector.shape_cast %get3A_238 : vector<1x16xf32> to vector<16xf32>
      %add3A_240 = arith.addf %get3A_234, %get3A_239 : vector<16xf32>
      %max3A_241 = arith.constant 0.000000e+00 : f32
      %max3A_242 = vector.broadcast %max3A_241 : f32 to vector<16xf32>
      %max3A_243 = arith.maximumf %add3A_240, %max3A_242 : vector<16xf32>
      %swap3A_244 = arith.index_cast %scan3A_215 : i32 to index
      %swap3A_245 = arith.constant 16 : index
      %swap3A_246 = tpu.vector_load %arg15[%swap3A_244, %swap3A_245] {strides = array<i32>} : memref<78x64xf32, #tpu.memory_space<vmem>>, vector<1x16xf32>,
      %swap3A_247 = vector.shape_cast %swap3A_246 : vector<1x16xf32> to vector<16xf32>
      %swap3A_248 = vector.shape_cast %max3A_243 : vector<16xf32> to vector<1x16xf32>
      tpu.vector_store %arg15[%swap3A_244, %swap3A_245], %swap3A_248 {strides = array<i32>} : memref<78x64xf32, #tpu.memory_space<vmem>>, vector<1x16xf32>,
      %get3A_249 = arith.index_cast %scan3A_215 : i32 to index
      %get3A_250 = arith.constant 32 : index
      %get3A_251 = tpu.vector_load %arg15[%get3A_249, %get3A_250] {strides = array<i32>} : memref<78x64xf32, #tpu.memory_space<vmem>>, vector<1x16xf32>,
      %get3A_252 = vector.shape_cast %get3A_251 : vector<1x16xf32> to vector<16xf32>
      %get3A_253 = arith.constant 0 : i32
      %get3A_254 = arith.index_cast %get3A_253 : i32 to index
      %get3A_255 = arith.constant 32 : index
      %get3A_256 = tpu.vector_load %arg16[%get3A_254, %get3A_255] {strides = array<i32>} : memref<1x64xf32, #tpu.memory_space<vmem>>, vector<1x16xf32>,
      %get3A_257 = vector.shape_cast %get3A_256 : vector<1x16xf32> to vector<16xf32>
      %add3A_258 = arith.addf %get3A_252, %get3A_257 : vector<16xf32>
      %max3A_259 = arith.constant 0.000000e+00 : f32
      %max3A_260 = vector.broadcast %max3A_259 : f32 to vector<16xf32>
      %max3A_261 = arith.maximumf %add3A_258, %max3A_260 : vector<16xf32>
      %swap3A_262 = arith.index_cast %scan3A_215 : i32 to index
      %swap3A_263 = arith.constant 32 : index
      %swap3A_264 = tpu.vector_load %arg15[%swap3A_262, %swap3A_263] {strides = array<i32>} : memref<78x64xf32, #tpu.memory_space<vmem>>, vector<1x16xf32>,
      %swap3A_265 = vector.shape_cast %swap3A_264 : vector<1x16xf32> to vector<16xf32>
      %swap3A_266 = vector.shape_cast %max3A_261 : vector<16xf32> to vector<1x16xf32>
      tpu.vector_store %arg15[%swap3A_262, %swap3A_263], %swap3A_266 {strides = array<i32>} : memref<78x64xf32, #tpu.memory_space<vmem>>, vector<1x16xf32>,
      %get3A_267 = arith.index_cast %scan3A_215 : i32 to index
      %get3A_268 = arith.constant 48 : index
      %get3A_269 = tpu.vector_load %arg15[%get3A_267, %get3A_268] {strides = array<i32>} : memref<78x64xf32, #tpu.memory_space<vmem>>, vector<1x16xf32>,
      %get3A_270 = vector.shape_cast %get3A_269 : vector<1x16xf32> to vector<16xf32>
      %get3A_271 = arith.constant 0 : i32
      %get3A_272 = arith.index_cast %get3A_271 : i32 to index
      %get3A_273 = arith.constant 48 : index
      %get3A_274 = tpu.vector_load %arg16[%get3A_272, %get3A_273] {strides = array<i32>} : memref<1x64xf32, #tpu.memory_space<vmem>>, vector<1x16xf32>,
      %get3A_275 = vector.shape_cast %get3A_274 : vector<1x16xf32> to vector<16xf32>
      %add3A_276 = arith.addf %get3A_270, %get3A_275 : vector<16xf32>
      %max3A_277 = arith.constant 0.000000e+00 : f32
      %max3A_278 = vector.broadcast %max3A_277 : f32 to vector<16xf32>
      %max3A_279 = arith.maximumf %add3A_276, %max3A_278 : vector<16xf32>
      %swap3A_280 = arith.index_cast %scan3A_215 : i32 to index
      %swap3A_281 = arith.constant 48 : index
      %swap3A_282 = tpu.vector_load %arg15[%swap3A_280, %swap3A_281] {strides = array<i32>} : memref<78x64xf32, #tpu.memory_space<vmem>>, vector<1x16xf32>,
      %swap3A_283 = vector.shape_cast %swap3A_282 : vector<1x16xf32> to vector<16xf32>
      %swap3A_284 = vector.shape_cast %max3A_279 : vector<16xf32> to vector<1x16xf32>
      tpu.vector_store %arg15[%swap3A_280, %swap3A_281], %swap3A_284 {strides = array<i32>} : memref<78x64xf32, #tpu.memory_space<vmem>>, vector<1x16xf32>,
    }
    %scan3A_86 = arith.constant 78 : i32
    "tpu.region"() ({
      %run_scoped3A = tpu.sem_alloc : memref<!tpu.dma_semaphore, #tpu.memory_space<semaphore_mem>>
      %dma_start3A_215 = arith.constant 0 : i32
      %dma_start3A_216 = arith.constant 0 : i32
      %dma_start3A_217 = tpu.memref_slice %arg15[%dma_start3A_215, %dma_start3A_216] : memref<78x64xf32, #tpu.memory_space<vmem>> -> memref<78x64xf32, #tpu.memory_space<vmem>>
      %dma_start3A_218 = arith.constant 0 : i32
      %dma_start3A_219 = tpu.memref_slice %arg10[%add3A_80, %dma_start3A_218] : memref<10000x64xf32, #tpu.memory_space<vmem_shared>> -> memref<78x64xf32, #tpu.memory_space<vmem_shared>>
      %dma_start3A_220 = arith.constant 0 : i32
      %dma_start3A_221 = tpu.memref_slice %arg10[%add3A_80, %dma_start3A_220] : memref<10000x64xf32, #tpu.memory_space<vmem_shared>> -> memref<78x64xf32, #tpu.memory_space<vmem_shared>>
      %dma_start3A_222 = arith.constant 0 : i32
      %dma_start3A_223 = arith.constant 0 : i32
      %dma_start3A_224 = tpu.memref_slice %arg15[%dma_start3A_222, %dma_start3A_223] : memref<78x64xf32, #tpu.memory_space<vmem>> -> memref<78x64xf32, #tpu.memory_space<vmem>>
      tpu.enqueue_dma source(%dma_start3A_224 : memref<78x64xf32, #tpu.memory_space<vmem>>) target(%dma_start3A_221 : memref<78x64xf32, #tpu.memory_space<vmem_shared>>) target_semaphore(%run_scoped3A : memref<!tpu.dma_semaphore, #tpu.memory_space<semaphore_mem>>)
      %dma_wait3A_225 = arith.constant 0 : i32
      %dma_wait3A_226 = arith.constant 0 : i32
      %dma_wait3A_227 = tpu.memref_slice %arg15[%dma_wait3A_225, %dma_wait3A_226] : memref<78x64xf32, #tpu.memory_space<vmem>> -> memref<78x64xf32, #tpu.memory_space<vmem>>
      %dma_wait3A_228 = arith.constant 0 : i32
      %dma_wait3A_229 = tpu.memref_slice %arg10[%add3A_80, %dma_wait3A_228] : memref<10000x64xf32, #tpu.memory_space<vmem_shared>> -> memref<78x64xf32, #tpu.memory_space<vmem_shared>>
      %dma_wait3A_230 = arith.constant 0 : i32
      %dma_wait3A_231 = tpu.memref_slice %arg10[%add3A_80, %dma_wait3A_230] : memref<10000x64xf32, #tpu.memory_space<vmem_shared>> -> memref<78x64xf32, #tpu.memory_space<vmem_shared>>
      %dma_wait3A_232 = arith.constant 0 : i32
      %dma_wait3A_233 = arith.constant 0 : i32
      %dma_wait3A_234 = tpu.memref_slice %arg15[%dma_wait3A_232, %dma_wait3A_233] : memref<78x64xf32, #tpu.memory_space<vmem>> -> memref<78x64xf32, #tpu.memory_space<vmem>>
      tpu.wait_dma2 semaphore(%run_scoped3A : memref<!tpu.dma_semaphore, #tpu.memory_space<semaphore_mem>>) src(%dma_wait3A_234 : memref<78x64xf32, #tpu.memory_space<vmem>>) dst(%dma_wait3A_231 : memref<78x64xf32, #tpu.memory_space<vmem_shared>>)
      tpu.yield
    }) : () -> ()
    %add3A_87 = arith.constant 156 : i32
    %add3A_88 = arith.addi %mul3A_2, %add3A_87 : i32
    "tpu.region"() ({
      %run_scoped3A = tpu.sem_alloc : memref<!tpu.dma_semaphore, #tpu.memory_space<semaphore_mem>>
      %dma_start3A_215 = arith.constant 0 : i32
      %dma_start3A_216 = arith.constant 0 : i32
      %dma_start3A_217 = tpu.memref_slice %arg15[%dma_start3A_215, %dma_start3A_216] : memref<78x64xf32, #tpu.memory_space<vmem>> -> memref<78x64xf32, #tpu.memory_space<vmem>>
      %dma_start3A_218 = arith.constant 0 : i32
      %dma_start3A_219 = tpu.memref_slice %arg11[%add3A_88, %dma_start3A_218] : memref<10112x64xf32, #tpu.memory_space<vmem_shared>> -> memref<78x64xf32, #tpu.memory_space<vmem_shared>>
      %dma_start3A_220 = arith.constant 0 : i32
      %dma_start3A_221 = arith.constant 0 : i32
      %dma_start3A_222 = tpu.memref_slice %arg15[%dma_start3A_220, %dma_start3A_221] : memref<78x64xf32, #tpu.memory_space<vmem>> -> memref<78x64xf32, #tpu.memory_space<vmem>>
      %dma_start3A_223 = arith.constant 0 : i32
      %dma_start3A_224 = tpu.memref_slice %arg11[%add3A_88, %dma_start3A_223] : memref<10112x64xf32, #tpu.memory_space<vmem_shared>> -> memref<78x64xf32, #tpu.memory_space<vmem_shared>>
      tpu.enqueue_dma source(%dma_start3A_224 : memref<78x64xf32, #tpu.memory_space<vmem_shared>>) target(%dma_start3A_222 : memref<78x64xf32, #tpu.memory_space<vmem>>) target_semaphore(%run_scoped3A : memref<!tpu.dma_semaphore, #tpu.memory_space<semaphore_mem>>)
      %dma_wait3A_225 = arith.constant 0 : i32
      %dma_wait3A_226 = arith.constant 0 : i32
      %dma_wait3A_227 = tpu.memref_slice %arg15[%dma_wait3A_225, %dma_wait3A_226] : memref<78x64xf32, #tpu.memory_space<vmem>> -> memref<78x64xf32, #tpu.memory_space<vmem>>
      %dma_wait3A_228 = arith.constant 0 : i32
      %dma_wait3A_229 = tpu.memref_slice %arg11[%add3A_88, %dma_wait3A_228] : memref<10112x64xf32, #tpu.memory_space<vmem_shared>> -> memref<78x64xf32, #tpu.memory_space<vmem_shared>>
      %dma_wait3A_230 = arith.constant 0 : i32
      %dma_wait3A_231 = arith.constant 0 : i32
      %dma_wait3A_232 = tpu.memref_slice %arg15[%dma_wait3A_230, %dma_wait3A_231] : memref<78x64xf32, #tpu.memory_space<vmem>> -> memref<78x64xf32, #tpu.memory_space<vmem>>
      %dma_wait3A_233 = arith.constant 0 : i32
      %dma_wait3A_234 = tpu.memref_slice %arg11[%add3A_88, %dma_wait3A_233] : memref<10112x64xf32, #tpu.memory_space<vmem_shared>> -> memref<78x64xf32, #tpu.memory_space<vmem_shared>>
      tpu.wait_dma2 semaphore(%run_scoped3A : memref<!tpu.dma_semaphore, #tpu.memory_space<semaphore_mem>>) src(%dma_wait3A_234 : memref<78x64xf32, #tpu.memory_space<vmem_shared>>) dst(%dma_wait3A_232 : memref<78x64xf32, #tpu.memory_space<vmem>>)
      tpu.yield
    }) : () -> ()
    %scan3A_89 = arith.constant 0 : i32
    %scan3A_90 = arith.constant 0 : i32
    %scan3A_91 = arith.constant 78 : i32
    %scan3A_92 = arith.addi %scan3A_90, %scan3A_91 : i32
    %scan3A_93 = arith.constant 1 : i32
    scf.for %scan3A_215 = %scan3A_90 to %scan3A_92 step %scan3A_93  : i32 {
      %get3A = arith.index_cast %scan3A_215 : i32 to index
      %get3A_216 = arith.constant 0 : index
      %get3A_217 = tpu.vector_load %arg15[%get3A, %get3A_216] {strides = array<i32>} : memref<78x64xf32, #tpu.memory_space<vmem>>, vector<1x16xf32>,
      %get3A_218 = vector.shape_cast %get3A_217 : vector<1x16xf32> to vector<16xf32>
      %get3A_219 = arith.constant 0 : i32
      %get3A_220 = arith.index_cast %get3A_219 : i32 to index
      %get3A_221 = arith.constant 0 : index
      %get3A_222 = tpu.vector_load %arg16[%get3A_220, %get3A_221] {strides = array<i32>} : memref<1x64xf32, #tpu.memory_space<vmem>>, vector<1x16xf32>,
      %get3A_223 = vector.shape_cast %get3A_222 : vector<1x16xf32> to vector<16xf32>
      %add3A_224 = arith.addf %get3A_218, %get3A_223 : vector<16xf32>
      %max3A = arith.constant 0.000000e+00 : f32
      %max3A_225 = vector.broadcast %max3A : f32 to vector<16xf32>
      %max3A_226 = arith.maximumf %add3A_224, %max3A_225 : vector<16xf32>
      %swap3A = arith.index_cast %scan3A_215 : i32 to index
      %swap3A_227 = arith.constant 0 : index
      %swap3A_228 = tpu.vector_load %arg15[%swap3A, %swap3A_227] {strides = array<i32>} : memref<78x64xf32, #tpu.memory_space<vmem>>, vector<1x16xf32>,
      %swap3A_229 = vector.shape_cast %swap3A_228 : vector<1x16xf32> to vector<16xf32>
      %swap3A_230 = vector.shape_cast %max3A_226 : vector<16xf32> to vector<1x16xf32>
      tpu.vector_store %arg15[%swap3A, %swap3A_227], %swap3A_230 {strides = array<i32>} : memref<78x64xf32, #tpu.memory_space<vmem>>, vector<1x16xf32>,
      %get3A_231 = arith.index_cast %scan3A_215 : i32 to index
      %get3A_232 = arith.constant 16 : index
      %get3A_233 = tpu.vector_load %arg15[%get3A_231, %get3A_232] {strides = array<i32>} : memref<78x64xf32, #tpu.memory_space<vmem>>, vector<1x16xf32>,
      %get3A_234 = vector.shape_cast %get3A_233 : vector<1x16xf32> to vector<16xf32>
      %get3A_235 = arith.constant 0 : i32
      %get3A_236 = arith.index_cast %get3A_235 : i32 to index
      %get3A_237 = arith.constant 16 : index
      %get3A_238 = tpu.vector_load %arg16[%get3A_236, %get3A_237] {strides = array<i32>} : memref<1x64xf32, #tpu.memory_space<vmem>>, vector<1x16xf32>,
      %get3A_239 = vector.shape_cast %get3A_238 : vector<1x16xf32> to vector<16xf32>
      %add3A_240 = arith.addf %get3A_234, %get3A_239 : vector<16xf32>
      %max3A_241 = arith.constant 0.000000e+00 : f32
      %max3A_242 = vector.broadcast %max3A_241 : f32 to vector<16xf32>
      %max3A_243 = arith.maximumf %add3A_240, %max3A_242 : vector<16xf32>
      %swap3A_244 = arith.index_cast %scan3A_215 : i32 to index
      %swap3A_245 = arith.constant 16 : index
      %swap3A_246 = tpu.vector_load %arg15[%swap3A_244, %swap3A_245] {strides = array<i32>} : memref<78x64xf32, #tpu.memory_space<vmem>>, vector<1x16xf32>,
      %swap3A_247 = vector.shape_cast %swap3A_246 : vector<1x16xf32> to vector<16xf32>
      %swap3A_248 = vector.shape_cast %max3A_243 : vector<16xf32> to vector<1x16xf32>
      tpu.vector_store %arg15[%swap3A_244, %swap3A_245], %swap3A_248 {strides = array<i32>} : memref<78x64xf32, #tpu.memory_space<vmem>>, vector<1x16xf32>,
      %get3A_249 = arith.index_cast %scan3A_215 : i32 to index
      %get3A_250 = arith.constant 32 : index
      %get3A_251 = tpu.vector_load %arg15[%get3A_249, %get3A_250] {strides = array<i32>} : memref<78x64xf32, #tpu.memory_space<vmem>>, vector<1x16xf32>,
      %get3A_252 = vector.shape_cast %get3A_251 : vector<1x16xf32> to vector<16xf32>
      %get3A_253 = arith.constant 0 : i32
      %get3A_254 = arith.index_cast %get3A_253 : i32 to index
      %get3A_255 = arith.constant 32 : index
      %get3A_256 = tpu.vector_load %arg16[%get3A_254, %get3A_255] {strides = array<i32>} : memref<1x64xf32, #tpu.memory_space<vmem>>, vector<1x16xf32>,
      %get3A_257 = vector.shape_cast %get3A_256 : vector<1x16xf32> to vector<16xf32>
      %add3A_258 = arith.addf %get3A_252, %get3A_257 : vector<16xf32>
      %max3A_259 = arith.constant 0.000000e+00 : f32
      %max3A_260 = vector.broadcast %max3A_259 : f32 to vector<16xf32>
      %max3A_261 = arith.maximumf %add3A_258, %max3A_260 : vector<16xf32>
      %swap3A_262 = arith.index_cast %scan3A_215 : i32 to index
      %swap3A_263 = arith.constant 32 : index
      %swap3A_264 = tpu.vector_load %arg15[%swap3A_262, %swap3A_263] {strides = array<i32>} : memref<78x64xf32, #tpu.memory_space<vmem>>, vector<1x16xf32>,
      %swap3A_265 = vector.shape_cast %swap3A_264 : vector<1x16xf32> to vector<16xf32>
      %swap3A_266 = vector.shape_cast %max3A_261 : vector<16xf32> to vector<1x16xf32>
      tpu.vector_store %arg15[%swap3A_262, %swap3A_263], %swap3A_266 {strides = array<i32>} : memref<78x64xf32, #tpu.memory_space<vmem>>, vector<1x16xf32>,
      %get3A_267 = arith.index_cast %scan3A_215 : i32 to index
      %get3A_268 = arith.constant 48 : index
      %get3A_269 = tpu.vector_load %arg15[%get3A_267, %get3A_268] {strides = array<i32>} : memref<78x64xf32, #tpu.memory_space<vmem>>, vector<1x16xf32>,
      %get3A_270 = vector.shape_cast %get3A_269 : vector<1x16xf32> to vector<16xf32>
      %get3A_271 = arith.constant 0 : i32
      %get3A_272 = arith.index_cast %get3A_271 : i32 to index
      %get3A_273 = arith.constant 48 : index
      %get3A_274 = tpu.vector_load %arg16[%get3A_272, %get3A_273] {strides = array<i32>} : memref<1x64xf32, #tpu.memory_space<vmem>>, vector<1x16xf32>,
      %get3A_275 = vector.shape_cast %get3A_274 : vector<1x16xf32> to vector<16xf32>
      %add3A_276 = arith.addf %get3A_270, %get3A_275 : vector<16xf32>
      %max3A_277 = arith.constant 0.000000e+00 : f32
      %max3A_278 = vector.broadcast %max3A_277 : f32 to vector<16xf32>
      %max3A_279 = arith.maximumf %add3A_276, %max3A_278 : vector<16xf32>
      %swap3A_280 = arith.index_cast %scan3A_215 : i32 to index
      %swap3A_281 = arith.constant 48 : index
      %swap3A_282 = tpu.vector_load %arg15[%swap3A_280, %swap3A_281] {strides = array<i32>} : memref<78x64xf32, #tpu.memory_space<vmem>>, vector<1x16xf32>,
      %swap3A_283 = vector.shape_cast %swap3A_282 : vector<1x16xf32> to vector<16xf32>
      %swap3A_284 = vector.shape_cast %max3A_279 : vector<16xf32> to vector<1x16xf32>
      tpu.vector_store %arg15[%swap3A_280, %swap3A_281], %swap3A_284 {strides = array<i32>} : memref<78x64xf32, #tpu.memory_space<vmem>>, vector<1x16xf32>,
    }
    %scan3A_94 = arith.constant 78 : i32
    "tpu.region"() ({
      %run_scoped3A = tpu.sem_alloc : memref<!tpu.dma_semaphore, #tpu.memory_space<semaphore_mem>>
      %dma_start3A_215 = arith.constant 0 : i32
      %dma_start3A_216 = arith.constant 0 : i32
      %dma_start3A_217 = tpu.memref_slice %arg15[%dma_start3A_215, %dma_start3A_216] : memref<78x64xf32, #tpu.memory_space<vmem>> -> memref<78x64xf32, #tpu.memory_space<vmem>>
      %dma_start3A_218 = arith.constant 0 : i32
      %dma_start3A_219 = tpu.memref_slice %arg10[%add3A_88, %dma_start3A_218] : memref<10000x64xf32, #tpu.memory_space<vmem_shared>> -> memref<78x64xf32, #tpu.memory_space<vmem_shared>>
      %dma_start3A_220 = arith.constant 0 : i32
      %dma_start3A_221 = tpu.memref_slice %arg10[%add3A_88, %dma_start3A_220] : memref<10000x64xf32, #tpu.memory_space<vmem_shared>> -> memref<78x64xf32, #tpu.memory_space<vmem_shared>>
      %dma_start3A_222 = arith.constant 0 : i32
      %dma_start3A_223 = arith.constant 0 : i32
      %dma_start3A_224 = tpu.memref_slice %arg15[%dma_start3A_222, %dma_start3A_223] : memref<78x64xf32, #tpu.memory_space<vmem>> -> memref<78x64xf32, #tpu.memory_space<vmem>>
      tpu.enqueue_dma source(%dma_start3A_224 : memref<78x64xf32, #tpu.memory_space<vmem>>) target(%dma_start3A_221 : memref<78x64xf32, #tpu.memory_space<vmem_shared>>) target_semaphore(%run_scoped3A : memref<!tpu.dma_semaphore, #tpu.memory_space<semaphore_mem>>)
      %dma_wait3A_225 = arith.constant 0 : i32
      %dma_wait3A_226 = arith.constant 0 : i32
      %dma_wait3A_227 = tpu.memref_slice %arg15[%dma_wait3A_225, %dma_wait3A_226] : memref<78x64xf32, #tpu.memory_space<vmem>> -> memref<78x64xf32, #tpu.memory_space<vmem>>
      %dma_wait3A_228 = arith.constant 0 : i32
      %dma_wait3A_229 = tpu.memref_slice %arg10[%add3A_88, %dma_wait3A_228] : memref<10000x64xf32, #tpu.memory_space<vmem_shared>> -> memref<78x64xf32, #tpu.memory_space<vmem_shared>>
      %dma_wait3A_230 = arith.constant 0 : i32
      %dma_wait3A_231 = tpu.memref_slice %arg10[%add3A_88, %dma_wait3A_230] : memref<10000x64xf32, #tpu.memory_space<vmem_shared>> -> memref<78x64xf32, #tpu.memory_space<vmem_shared>>
      %dma_wait3A_232 = arith.constant 0 : i32
      %dma_wait3A_233 = arith.constant 0 : i32
      %dma_wait3A_234 = tpu.memref_slice %arg15[%dma_wait3A_232, %dma_wait3A_233] : memref<78x64xf32, #tpu.memory_space<vmem>> -> memref<78x64xf32, #tpu.memory_space<vmem>>
      tpu.wait_dma2 semaphore(%run_scoped3A : memref<!tpu.dma_semaphore, #tpu.memory_space<semaphore_mem>>) src(%dma_wait3A_234 : memref<78x64xf32, #tpu.memory_space<vmem>>) dst(%dma_wait3A_231 : memref<78x64xf32, #tpu.memory_space<vmem_shared>>)
      tpu.yield
    }) : () -> ()
    %add3A_95 = arith.constant 234 : i32
    %add3A_96 = arith.addi %mul3A_2, %add3A_95 : i32
    "tpu.region"() ({
      %run_scoped3A = tpu.sem_alloc : memref<!tpu.dma_semaphore, #tpu.memory_space<semaphore_mem>>
      %dma_start3A_215 = arith.constant 0 : i32
      %dma_start3A_216 = arith.constant 0 : i32
      %dma_start3A_217 = tpu.memref_slice %arg15[%dma_start3A_215, %dma_start3A_216] : memref<78x64xf32, #tpu.memory_space<vmem>> -> memref<78x64xf32, #tpu.memory_space<vmem>>
      %dma_start3A_218 = arith.constant 0 : i32
      %dma_start3A_219 = tpu.memref_slice %arg11[%add3A_96, %dma_start3A_218] : memref<10112x64xf32, #tpu.memory_space<vmem_shared>> -> memref<78x64xf32, #tpu.memory_space<vmem_shared>>
      %dma_start3A_220 = arith.constant 0 : i32
      %dma_start3A_221 = arith.constant 0 : i32
      %dma_start3A_222 = tpu.memref_slice %arg15[%dma_start3A_220, %dma_start3A_221] : memref<78x64xf32, #tpu.memory_space<vmem>> -> memref<78x64xf32, #tpu.memory_space<vmem>>
      %dma_start3A_223 = arith.constant 0 : i32
      %dma_start3A_224 = tpu.memref_slice %arg11[%add3A_96, %dma_start3A_223] : memref<10112x64xf32, #tpu.memory_space<vmem_shared>> -> memref<78x64xf32, #tpu.memory_space<vmem_shared>>
      tpu.enqueue_dma source(%dma_start3A_224 : memref<78x64xf32, #tpu.memory_space<vmem_shared>>) target(%dma_start3A_222 : memref<78x64xf32, #tpu.memory_space<vmem>>) target_semaphore(%run_scoped3A : memref<!tpu.dma_semaphore, #tpu.memory_space<semaphore_mem>>)
      %dma_wait3A_225 = arith.constant 0 : i32
      %dma_wait3A_226 = arith.constant 0 : i32
      %dma_wait3A_227 = tpu.memref_slice %arg15[%dma_wait3A_225, %dma_wait3A_226] : memref<78x64xf32, #tpu.memory_space<vmem>> -> memref<78x64xf32, #tpu.memory_space<vmem>>
      %dma_wait3A_228 = arith.constant 0 : i32
      %dma_wait3A_229 = tpu.memref_slice %arg11[%add3A_96, %dma_wait3A_228] : memref<10112x64xf32, #tpu.memory_space<vmem_shared>> -> memref<78x64xf32, #tpu.memory_space<vmem_shared>>
      %dma_wait3A_230 = arith.constant 0 : i32
      %dma_wait3A_231 = arith.constant 0 : i32
      %dma_wait3A_232 = tpu.memref_slice %arg15[%dma_wait3A_230, %dma_wait3A_231] : memref<78x64xf32, #tpu.memory_space<vmem>> -> memref<78x64xf32, #tpu.memory_space<vmem>>
      %dma_wait3A_233 = arith.constant 0 : i32
      %dma_wait3A_234 = tpu.memref_slice %arg11[%add3A_96, %dma_wait3A_233] : memref<10112x64xf32, #tpu.memory_space<vmem_shared>> -> memref<78x64xf32, #tpu.memory_space<vmem_shared>>
      tpu.wait_dma2 semaphore(%run_scoped3A : memref<!tpu.dma_semaphore, #tpu.memory_space<semaphore_mem>>) src(%dma_wait3A_234 : memref<78x64xf32, #tpu.memory_space<vmem_shared>>) dst(%dma_wait3A_232 : memref<78x64xf32, #tpu.memory_space<vmem>>)
      tpu.yield
    }) : () -> ()
    %scan3A_97 = arith.constant 0 : i32
    %scan3A_98 = arith.constant 0 : i32
    %scan3A_99 = arith.constant 78 : i32
    %scan3A_100 = arith.addi %scan3A_98, %scan3A_99 : i32
    %scan3A_101 = arith.constant 1 : i32
    scf.for %scan3A_215 = %scan3A_98 to %scan3A_100 step %scan3A_101  : i32 {
      %get3A = arith.index_cast %scan3A_215 : i32 to index
      %get3A_216 = arith.constant 0 : index
      %get3A_217 = tpu.vector_load %arg15[%get3A, %get3A_216] {strides = array<i32>} : memref<78x64xf32, #tpu.memory_space<vmem>>, vector<1x16xf32>,
      %get3A_218 = vector.shape_cast %get3A_217 : vector<1x16xf32> to vector<16xf32>
      %get3A_219 = arith.constant 0 : i32
      %get3A_220 = arith.index_cast %get3A_219 : i32 to index
      %get3A_221 = arith.constant 0 : index
      %get3A_222 = tpu.vector_load %arg16[%get3A_220, %get3A_221] {strides = array<i32>} : memref<1x64xf32, #tpu.memory_space<vmem>>, vector<1x16xf32>,
      %get3A_223 = vector.shape_cast %get3A_222 : vector<1x16xf32> to vector<16xf32>
      %add3A_224 = arith.addf %get3A_218, %get3A_223 : vector<16xf32>
      %max3A = arith.constant 0.000000e+00 : f32
      %max3A_225 = vector.broadcast %max3A : f32 to vector<16xf32>
      %max3A_226 = arith.maximumf %add3A_224, %max3A_225 : vector<16xf32>
      %swap3A = arith.index_cast %scan3A_215 : i32 to index
      %swap3A_227 = arith.constant 0 : index
      %swap3A_228 = tpu.vector_load %arg15[%swap3A, %swap3A_227] {strides = array<i32>} : memref<78x64xf32, #tpu.memory_space<vmem>>, vector<1x16xf32>,
      %swap3A_229 = vector.shape_cast %swap3A_228 : vector<1x16xf32> to vector<16xf32>
      %swap3A_230 = vector.shape_cast %max3A_226 : vector<16xf32> to vector<1x16xf32>
      tpu.vector_store %arg15[%swap3A, %swap3A_227], %swap3A_230 {strides = array<i32>} : memref<78x64xf32, #tpu.memory_space<vmem>>, vector<1x16xf32>,
      %get3A_231 = arith.index_cast %scan3A_215 : i32 to index
      %get3A_232 = arith.constant 16 : index
      %get3A_233 = tpu.vector_load %arg15[%get3A_231, %get3A_232] {strides = array<i32>} : memref<78x64xf32, #tpu.memory_space<vmem>>, vector<1x16xf32>,
      %get3A_234 = vector.shape_cast %get3A_233 : vector<1x16xf32> to vector<16xf32>
      %get3A_235 = arith.constant 0 : i32
      %get3A_236 = arith.index_cast %get3A_235 : i32 to index
      %get3A_237 = arith.constant 16 : index
      %get3A_238 = tpu.vector_load %arg16[%get3A_236, %get3A_237] {strides = array<i32>} : memref<1x64xf32, #tpu.memory_space<vmem>>, vector<1x16xf32>,
      %get3A_239 = vector.shape_cast %get3A_238 : vector<1x16xf32> to vector<16xf32>
      %add3A_240 = arith.addf %get3A_234, %get3A_239 : vector<16xf32>
      %max3A_241 = arith.constant 0.000000e+00 : f32
      %max3A_242 = vector.broadcast %max3A_241 : f32 to vector<16xf32>
      %max3A_243 = arith.maximumf %add3A_240, %max3A_242 : vector<16xf32>
      %swap3A_244 = arith.index_cast %scan3A_215 : i32 to index
      %swap3A_245 = arith.constant 16 : index
      %swap3A_246 = tpu.vector_load %arg15[%swap3A_244, %swap3A_245] {strides = array<i32>} : memref<78x64xf32, #tpu.memory_space<vmem>>, vector<1x16xf32>,
      %swap3A_247 = vector.shape_cast %swap3A_246 : vector<1x16xf32> to vector<16xf32>
      %swap3A_248 = vector.shape_cast %max3A_243 : vector<16xf32> to vector<1x16xf32>
      tpu.vector_store %arg15[%swap3A_244, %swap3A_245], %swap3A_248 {strides = array<i32>} : memref<78x64xf32, #tpu.memory_space<vmem>>, vector<1x16xf32>,
      %get3A_249 = arith.index_cast %scan3A_215 : i32 to index
      %get3A_250 = arith.constant 32 : index
      %get3A_251 = tpu.vector_load %arg15[%get3A_249, %get3A_250] {strides = array<i32>} : memref<78x64xf32, #tpu.memory_space<vmem>>, vector<1x16xf32>,
      %get3A_252 = vector.shape_cast %get3A_251 : vector<1x16xf32> to vector<16xf32>
      %get3A_253 = arith.constant 0 : i32
      %get3A_254 = arith.index_cast %get3A_253 : i32 to index
      %get3A_255 = arith.constant 32 : index
      %get3A_256 = tpu.vector_load %arg16[%get3A_254, %get3A_255] {strides = array<i32>} : memref<1x64xf32, #tpu.memory_space<vmem>>, vector<1x16xf32>,
      %get3A_257 = vector.shape_cast %get3A_256 : vector<1x16xf32> to vector<16xf32>
      %add3A_258 = arith.addf %get3A_252, %get3A_257 : vector<16xf32>
      %max3A_259 = arith.constant 0.000000e+00 : f32
      %max3A_260 = vector.broadcast %max3A_259 : f32 to vector<16xf32>
      %max3A_261 = arith.maximumf %add3A_258, %max3A_260 : vector<16xf32>
      %swap3A_262 = arith.index_cast %scan3A_215 : i32 to index
      %swap3A_263 = arith.constant 32 : index
      %swap3A_264 = tpu.vector_load %arg15[%swap3A_262, %swap3A_263] {strides = array<i32>} : memref<78x64xf32, #tpu.memory_space<vmem>>, vector<1x16xf32>,
      %swap3A_265 = vector.shape_cast %swap3A_264 : vector<1x16xf32> to vector<16xf32>
      %swap3A_266 = vector.shape_cast %max3A_261 : vector<16xf32> to vector<1x16xf32>
      tpu.vector_store %arg15[%swap3A_262, %swap3A_263], %swap3A_266 {strides = array<i32>} : memref<78x64xf32, #tpu.memory_space<vmem>>, vector<1x16xf32>,
      %get3A_267 = arith.index_cast %scan3A_215 : i32 to index
      %get3A_268 = arith.constant 48 : index
      %get3A_269 = tpu.vector_load %arg15[%get3A_267, %get3A_268] {strides = array<i32>} : memref<78x64xf32, #tpu.memory_space<vmem>>, vector<1x16xf32>,
      %get3A_270 = vector.shape_cast %get3A_269 : vector<1x16xf32> to vector<16xf32>
      %get3A_271 = arith.constant 0 : i32
      %get3A_272 = arith.index_cast %get3A_271 : i32 to index
      %get3A_273 = arith.constant 48 : index
      %get3A_274 = tpu.vector_load %arg16[%get3A_272, %get3A_273] {strides = array<i32>} : memref<1x64xf32, #tpu.memory_space<vmem>>, vector<1x16xf32>,
      %get3A_275 = vector.shape_cast %get3A_274 : vector<1x16xf32> to vector<16xf32>
      %add3A_276 = arith.addf %get3A_270, %get3A_275 : vector<16xf32>
      %max3A_277 = arith.constant 0.000000e+00 : f32
      %max3A_278 = vector.broadcast %max3A_277 : f32 to vector<16xf32>
      %max3A_279 = arith.maximumf %add3A_276, %max3A_278 : vector<16xf32>
      %swap3A_280 = arith.index_cast %scan3A_215 : i32 to index
      %swap3A_281 = arith.constant 48 : index
      %swap3A_282 = tpu.vector_load %arg15[%swap3A_280, %swap3A_281] {strides = array<i32>} : memref<78x64xf32, #tpu.memory_space<vmem>>, vector<1x16xf32>,
      %swap3A_283 = vector.shape_cast %swap3A_282 : vector<1x16xf32> to vector<16xf32>
      %swap3A_284 = vector.shape_cast %max3A_279 : vector<16xf32> to vector<1x16xf32>
      tpu.vector_store %arg15[%swap3A_280, %swap3A_281], %swap3A_284 {strides = array<i32>} : memref<78x64xf32, #tpu.memory_space<vmem>>, vector<1x16xf32>,
    }
    %scan3A_102 = arith.constant 78 : i32
    "tpu.region"() ({
      %run_scoped3A = tpu.sem_alloc : memref<!tpu.dma_semaphore, #tpu.memory_space<semaphore_mem>>
      %dma_start3A_215 = arith.constant 0 : i32
      %dma_start3A_216 = arith.constant 0 : i32
      %dma_start3A_217 = tpu.memref_slice %arg15[%dma_start3A_215, %dma_start3A_216] : memref<78x64xf32, #tpu.memory_space<vmem>> -> memref<78x64xf32, #tpu.memory_space<vmem>>
      %dma_start3A_218 = arith.constant 0 : i32
      %dma_start3A_219 = tpu.memref_slice %arg10[%add3A_96, %dma_start3A_218] : memref<10000x64xf32, #tpu.memory_space<vmem_shared>> -> memref<78x64xf32, #tpu.memory_space<vmem_shared>>
      %dma_start3A_220 = arith.constant 0 : i32
      %dma_start3A_221 = tpu.memref_slice %arg10[%add3A_96, %dma_start3A_220] : memref<10000x64xf32, #tpu.memory_space<vmem_shared>> -> memref<78x64xf32, #tpu.memory_space<vmem_shared>>
      %dma_start3A_222 = arith.constant 0 : i32
      %dma_start3A_223 = arith.constant 0 : i32
      %dma_start3A_224 = tpu.memref_slice %arg15[%dma_start3A_222, %dma_start3A_223] : memref<78x64xf32, #tpu.memory_space<vmem>> -> memref<78x64xf32, #tpu.memory_space<vmem>>
      tpu.enqueue_dma source(%dma_start3A_224 : memref<78x64xf32, #tpu.memory_space<vmem>>) target(%dma_start3A_221 : memref<78x64xf32, #tpu.memory_space<vmem_shared>>) target_semaphore(%run_scoped3A : memref<!tpu.dma_semaphore, #tpu.memory_space<semaphore_mem>>)
      %dma_wait3A_225 = arith.constant 0 : i32
      %dma_wait3A_226 = arith.constant 0 : i32
      %dma_wait3A_227 = tpu.memref_slice %arg15[%dma_wait3A_225, %dma_wait3A_226] : memref<78x64xf32, #tpu.memory_space<vmem>> -> memref<78x64xf32, #tpu.memory_space<vmem>>
      %dma_wait3A_228 = arith.constant 0 : i32
      %dma_wait3A_229 = tpu.memref_slice %arg10[%add3A_96, %dma_wait3A_228] : memref<10000x64xf32, #tpu.memory_space<vmem_shared>> -> memref<78x64xf32, #tpu.memory_space<vmem_shared>>
      %dma_wait3A_230 = arith.constant 0 : i32
      %dma_wait3A_231 = tpu.memref_slice %arg10[%add3A_96, %dma_wait3A_230] : memref<10000x64xf32, #tpu.memory_space<vmem_shared>> -> memref<78x64xf32, #tpu.memory_space<vmem_shared>>
      %dma_wait3A_232 = arith.constant 0 : i32
      %dma_wait3A_233 = arith.constant 0 : i32
      %dma_wait3A_234 = tpu.memref_slice %arg15[%dma_wait3A_232, %dma_wait3A_233] : memref<78x64xf32, #tpu.memory_space<vmem>> -> memref<78x64xf32, #tpu.memory_space<vmem>>
      tpu.wait_dma2 semaphore(%run_scoped3A : memref<!tpu.dma_semaphore, #tpu.memory_space<semaphore_mem>>) src(%dma_wait3A_234 : memref<78x64xf32, #tpu.memory_space<vmem>>) dst(%dma_wait3A_231 : memref<78x64xf32, #tpu.memory_space<vmem_shared>>)
      tpu.yield
    }) : () -> ()
    %add3A_103 = arith.constant 312 : i32
    %add3A_104 = arith.addi %mul3A_2, %add3A_103 : i32
    "tpu.region"() ({
      %run_scoped3A = tpu.sem_alloc : memref<!tpu.dma_semaphore, #tpu.memory_space<semaphore_mem>>
      %dma_start3A_215 = arith.constant 0 : i32
      %dma_start3A_216 = arith.constant 0 : i32
      %dma_start3A_217 = tpu.memref_slice %arg15[%dma_start3A_215, %dma_start3A_216] : memref<78x64xf32, #tpu.memory_space<vmem>> -> memref<78x64xf32, #tpu.memory_space<vmem>>
      %dma_start3A_218 = arith.constant 0 : i32
      %dma_start3A_219 = tpu.memref_slice %arg11[%add3A_104, %dma_start3A_218] : memref<10112x64xf32, #tpu.memory_space<vmem_shared>> -> memref<78x64xf32, #tpu.memory_space<vmem_shared>>
      %dma_start3A_220 = arith.constant 0 : i32
      %dma_start3A_221 = arith.constant 0 : i32
      %dma_start3A_222 = tpu.memref_slice %arg15[%dma_start3A_220, %dma_start3A_221] : memref<78x64xf32, #tpu.memory_space<vmem>> -> memref<78x64xf32, #tpu.memory_space<vmem>>
      %dma_start3A_223 = arith.constant 0 : i32
      %dma_start3A_224 = tpu.memref_slice %arg11[%add3A_104, %dma_start3A_223] : memref<10112x64xf32, #tpu.memory_space<vmem_shared>> -> memref<78x64xf32, #tpu.memory_space<vmem_shared>>
      tpu.enqueue_dma source(%dma_start3A_224 : memref<78x64xf32, #tpu.memory_space<vmem_shared>>) target(%dma_start3A_222 : memref<78x64xf32, #tpu.memory_space<vmem>>) target_semaphore(%run_scoped3A : memref<!tpu.dma_semaphore, #tpu.memory_space<semaphore_mem>>)
      %dma_wait3A_225 = arith.constant 0 : i32
      %dma_wait3A_226 = arith.constant 0 : i32
      %dma_wait3A_227 = tpu.memref_slice %arg15[%dma_wait3A_225, %dma_wait3A_226] : memref<78x64xf32, #tpu.memory_space<vmem>> -> memref<78x64xf32, #tpu.memory_space<vmem>>
      %dma_wait3A_228 = arith.constant 0 : i32
      %dma_wait3A_229 = tpu.memref_slice %arg11[%add3A_104, %dma_wait3A_228] : memref<10112x64xf32, #tpu.memory_space<vmem_shared>> -> memref<78x64xf32, #tpu.memory_space<vmem_shared>>
      %dma_wait3A_230 = arith.constant 0 : i32
      %dma_wait3A_231 = arith.constant 0 : i32
      %dma_wait3A_232 = tpu.memref_slice %arg15[%dma_wait3A_230, %dma_wait3A_231] : memref<78x64xf32, #tpu.memory_space<vmem>> -> memref<78x64xf32, #tpu.memory_space<vmem>>
      %dma_wait3A_233 = arith.constant 0 : i32
      %dma_wait3A_234 = tpu.memref_slice %arg11[%add3A_104, %dma_wait3A_233] : memref<10112x64xf32, #tpu.memory_space<vmem_shared>> -> memref<78x64xf32, #tpu.memory_space<vmem_shared>>
      tpu.wait_dma2 semaphore(%run_scoped3A : memref<!tpu.dma_semaphore, #tpu.memory_space<semaphore_mem>>) src(%dma_wait3A_234 : memref<78x64xf32, #tpu.memory_space<vmem_shared>>) dst(%dma_wait3A_232 : memref<78x64xf32, #tpu.memory_space<vmem>>)
      tpu.yield
    }) : () -> ()
    %scan3A_105 = arith.constant 0 : i32
    %scan3A_106 = arith.constant 0 : i32
    %scan3A_107 = arith.constant 78 : i32
    %scan3A_108 = arith.addi %scan3A_106, %scan3A_107 : i32
    %scan3A_109 = arith.constant 1 : i32
    scf.for %scan3A_215 = %scan3A_106 to %scan3A_108 step %scan3A_109  : i32 {
      %get3A = arith.index_cast %scan3A_215 : i32 to index
      %get3A_216 = arith.constant 0 : index
      %get3A_217 = tpu.vector_load %arg15[%get3A, %get3A_216] {strides = array<i32>} : memref<78x64xf32, #tpu.memory_space<vmem>>, vector<1x16xf32>,
      %get3A_218 = vector.shape_cast %get3A_217 : vector<1x16xf32> to vector<16xf32>
      %get3A_219 = arith.constant 0 : i32
      %get3A_220 = arith.index_cast %get3A_219 : i32 to index
      %get3A_221 = arith.constant 0 : index
      %get3A_222 = tpu.vector_load %arg16[%get3A_220, %get3A_221] {strides = array<i32>} : memref<1x64xf32, #tpu.memory_space<vmem>>, vector<1x16xf32>,
      %get3A_223 = vector.shape_cast %get3A_222 : vector<1x16xf32> to vector<16xf32>
      %add3A_224 = arith.addf %get3A_218, %get3A_223 : vector<16xf32>
      %max3A = arith.constant 0.000000e+00 : f32
      %max3A_225 = vector.broadcast %max3A : f32 to vector<16xf32>
      %max3A_226 = arith.maximumf %add3A_224, %max3A_225 : vector<16xf32>
      %swap3A = arith.index_cast %scan3A_215 : i32 to index
      %swap3A_227 = arith.constant 0 : index
      %swap3A_228 = tpu.vector_load %arg15[%swap3A, %swap3A_227] {strides = array<i32>} : memref<78x64xf32, #tpu.memory_space<vmem>>, vector<1x16xf32>,
      %swap3A_229 = vector.shape_cast %swap3A_228 : vector<1x16xf32> to vector<16xf32>
      %swap3A_230 = vector.shape_cast %max3A_226 : vector<16xf32> to vector<1x16xf32>
      tpu.vector_store %arg15[%swap3A, %swap3A_227], %swap3A_230 {strides = array<i32>} : memref<78x64xf32, #tpu.memory_space<vmem>>, vector<1x16xf32>,
      %get3A_231 = arith.index_cast %scan3A_215 : i32 to index
      %get3A_232 = arith.constant 16 : index
      %get3A_233 = tpu.vector_load %arg15[%get3A_231, %get3A_232] {strides = array<i32>} : memref<78x64xf32, #tpu.memory_space<vmem>>, vector<1x16xf32>,
      %get3A_234 = vector.shape_cast %get3A_233 : vector<1x16xf32> to vector<16xf32>
      %get3A_235 = arith.constant 0 : i32
      %get3A_236 = arith.index_cast %get3A_235 : i32 to index
      %get3A_237 = arith.constant 16 : index
      %get3A_238 = tpu.vector_load %arg16[%get3A_236, %get3A_237] {strides = array<i32>} : memref<1x64xf32, #tpu.memory_space<vmem>>, vector<1x16xf32>,
      %get3A_239 = vector.shape_cast %get3A_238 : vector<1x16xf32> to vector<16xf32>
      %add3A_240 = arith.addf %get3A_234, %get3A_239 : vector<16xf32>
      %max3A_241 = arith.constant 0.000000e+00 : f32
      %max3A_242 = vector.broadcast %max3A_241 : f32 to vector<16xf32>
      %max3A_243 = arith.maximumf %add3A_240, %max3A_242 : vector<16xf32>
      %swap3A_244 = arith.index_cast %scan3A_215 : i32 to index
      %swap3A_245 = arith.constant 16 : index
      %swap3A_246 = tpu.vector_load %arg15[%swap3A_244, %swap3A_245] {strides = array<i32>} : memref<78x64xf32, #tpu.memory_space<vmem>>, vector<1x16xf32>,
      %swap3A_247 = vector.shape_cast %swap3A_246 : vector<1x16xf32> to vector<16xf32>
      %swap3A_248 = vector.shape_cast %max3A_243 : vector<16xf32> to vector<1x16xf32>
      tpu.vector_store %arg15[%swap3A_244, %swap3A_245], %swap3A_248 {strides = array<i32>} : memref<78x64xf32, #tpu.memory_space<vmem>>, vector<1x16xf32>,
      %get3A_249 = arith.index_cast %scan3A_215 : i32 to index
      %get3A_250 = arith.constant 32 : index
      %get3A_251 = tpu.vector_load %arg15[%get3A_249, %get3A_250] {strides = array<i32>} : memref<78x64xf32, #tpu.memory_space<vmem>>, vector<1x16xf32>,
      %get3A_252 = vector.shape_cast %get3A_251 : vector<1x16xf32> to vector<16xf32>
      %get3A_253 = arith.constant 0 : i32
      %get3A_254 = arith.index_cast %get3A_253 : i32 to index
      %get3A_255 = arith.constant 32 : index
      %get3A_256 = tpu.vector_load %arg16[%get3A_254, %get3A_255] {strides = array<i32>} : memref<1x64xf32, #tpu.memory_space<vmem>>, vector<1x16xf32>,
      %get3A_257 = vector.shape_cast %get3A_256 : vector<1x16xf32> to vector<16xf32>
      %add3A_258 = arith.addf %get3A_252, %get3A_257 : vector<16xf32>
      %max3A_259 = arith.constant 0.000000e+00 : f32
      %max3A_260 = vector.broadcast %max3A_259 : f32 to vector<16xf32>
      %max3A_261 = arith.maximumf %add3A_258, %max3A_260 : vector<16xf32>
      %swap3A_262 = arith.index_cast %scan3A_215 : i32 to index
      %swap3A_263 = arith.constant 32 : index
      %swap3A_264 = tpu.vector_load %arg15[%swap3A_262, %swap3A_263] {strides = array<i32>} : memref<78x64xf32, #tpu.memory_space<vmem>>, vector<1x16xf32>,
      %swap3A_265 = vector.shape_cast %swap3A_264 : vector<1x16xf32> to vector<16xf32>
      %swap3A_266 = vector.shape_cast %max3A_261 : vector<16xf32> to vector<1x16xf32>
      tpu.vector_store %arg15[%swap3A_262, %swap3A_263], %swap3A_266 {strides = array<i32>} : memref<78x64xf32, #tpu.memory_space<vmem>>, vector<1x16xf32>,
      %get3A_267 = arith.index_cast %scan3A_215 : i32 to index
      %get3A_268 = arith.constant 48 : index
      %get3A_269 = tpu.vector_load %arg15[%get3A_267, %get3A_268] {strides = array<i32>} : memref<78x64xf32, #tpu.memory_space<vmem>>, vector<1x16xf32>,
      %get3A_270 = vector.shape_cast %get3A_269 : vector<1x16xf32> to vector<16xf32>
      %get3A_271 = arith.constant 0 : i32
      %get3A_272 = arith.index_cast %get3A_271 : i32 to index
      %get3A_273 = arith.constant 48 : index
      %get3A_274 = tpu.vector_load %arg16[%get3A_272, %get3A_273] {strides = array<i32>} : memref<1x64xf32, #tpu.memory_space<vmem>>, vector<1x16xf32>,
      %get3A_275 = vector.shape_cast %get3A_274 : vector<1x16xf32> to vector<16xf32>
      %add3A_276 = arith.addf %get3A_270, %get3A_275 : vector<16xf32>
      %max3A_277 = arith.constant 0.000000e+00 : f32
      %max3A_278 = vector.broadcast %max3A_277 : f32 to vector<16xf32>
      %max3A_279 = arith.maximumf %add3A_276, %max3A_278 : vector<16xf32>
      %swap3A_280 = arith.index_cast %scan3A_215 : i32 to index
      %swap3A_281 = arith.constant 48 : index
      %swap3A_282 = tpu.vector_load %arg15[%swap3A_280, %swap3A_281] {strides = array<i32>} : memref<78x64xf32, #tpu.memory_space<vmem>>, vector<1x16xf32>,
      %swap3A_283 = vector.shape_cast %swap3A_282 : vector<1x16xf32> to vector<16xf32>
      %swap3A_284 = vector.shape_cast %max3A_279 : vector<16xf32> to vector<1x16xf32>
      tpu.vector_store %arg15[%swap3A_280, %swap3A_281], %swap3A_284 {strides = array<i32>} : memref<78x64xf32, #tpu.memory_space<vmem>>, vector<1x16xf32>,
    }
    %scan3A_110 = arith.constant 78 : i32
    "tpu.region"() ({
      %run_scoped3A = tpu.sem_alloc : memref<!tpu.dma_semaphore, #tpu.memory_space<semaphore_mem>>
      %dma_start3A_215 = arith.constant 0 : i32
      %dma_start3A_216 = arith.constant 0 : i32
      %dma_start3A_217 = tpu.memref_slice %arg15[%dma_start3A_215, %dma_start3A_216] : memref<78x64xf32, #tpu.memory_space<vmem>> -> memref<78x64xf32, #tpu.memory_space<vmem>>
      %dma_start3A_218 = arith.constant 0 : i32
      %dma_start3A_219 = tpu.memref_slice %arg10[%add3A_104, %dma_start3A_218] : memref<10000x64xf32, #tpu.memory_space<vmem_shared>> -> memref<78x64xf32, #tpu.memory_space<vmem_shared>>
      %dma_start3A_220 = arith.constant 0 : i32
      %dma_start3A_221 = tpu.memref_slice %arg10[%add3A_104, %dma_start3A_220] : memref<10000x64xf32, #tpu.memory_space<vmem_shared>> -> memref<78x64xf32, #tpu.memory_space<vmem_shared>>
      %dma_start3A_222 = arith.constant 0 : i32
      %dma_start3A_223 = arith.constant 0 : i32
      %dma_start3A_224 = tpu.memref_slice %arg15[%dma_start3A_222, %dma_start3A_223] : memref<78x64xf32, #tpu.memory_space<vmem>> -> memref<78x64xf32, #tpu.memory_space<vmem>>
      tpu.enqueue_dma source(%dma_start3A_224 : memref<78x64xf32, #tpu.memory_space<vmem>>) target(%dma_start3A_221 : memref<78x64xf32, #tpu.memory_space<vmem_shared>>) target_semaphore(%run_scoped3A : memref<!tpu.dma_semaphore, #tpu.memory_space<semaphore_mem>>)
      %dma_wait3A_225 = arith.constant 0 : i32
      %dma_wait3A_226 = arith.constant 0 : i32
      %dma_wait3A_227 = tpu.memref_slice %arg15[%dma_wait3A_225, %dma_wait3A_226] : memref<78x64xf32, #tpu.memory_space<vmem>> -> memref<78x64xf32, #tpu.memory_space<vmem>>
      %dma_wait3A_228 = arith.constant 0 : i32
      %dma_wait3A_229 = tpu.memref_slice %arg10[%add3A_104, %dma_wait3A_228] : memref<10000x64xf32, #tpu.memory_space<vmem_shared>> -> memref<78x64xf32, #tpu.memory_space<vmem_shared>>
      %dma_wait3A_230 = arith.constant 0 : i32
      %dma_wait3A_231 = tpu.memref_slice %arg10[%add3A_104, %dma_wait3A_230] : memref<10000x64xf32, #tpu.memory_space<vmem_shared>> -> memref<78x64xf32, #tpu.memory_space<vmem_shared>>
      %dma_wait3A_232 = arith.constant 0 : i32
      %dma_wait3A_233 = arith.constant 0 : i32
      %dma_wait3A_234 = tpu.memref_slice %arg15[%dma_wait3A_232, %dma_wait3A_233] : memref<78x64xf32, #tpu.memory_space<vmem>> -> memref<78x64xf32, #tpu.memory_space<vmem>>
      tpu.wait_dma2 semaphore(%run_scoped3A : memref<!tpu.dma_semaphore, #tpu.memory_space<semaphore_mem>>) src(%dma_wait3A_234 : memref<78x64xf32, #tpu.memory_space<vmem>>) dst(%dma_wait3A_231 : memref<78x64xf32, #tpu.memory_space<vmem_shared>>)
      tpu.yield
    }) : () -> ()
    %add3A_111 = arith.constant 390 : i32
    %add3A_112 = arith.addi %mul3A_2, %add3A_111 : i32
    "tpu.region"() ({
      %run_scoped3A = tpu.sem_alloc : memref<!tpu.dma_semaphore, #tpu.memory_space<semaphore_mem>>
      %dma_start3A_215 = arith.constant 0 : i32
      %dma_start3A_216 = arith.constant 0 : i32
      %dma_start3A_217 = tpu.memref_slice %arg15[%dma_start3A_215, %dma_start3A_216] : memref<78x64xf32, #tpu.memory_space<vmem>> -> memref<78x64xf32, #tpu.memory_space<vmem>>
      %dma_start3A_218 = arith.constant 0 : i32
      %dma_start3A_219 = tpu.memref_slice %arg11[%add3A_112, %dma_start3A_218] : memref<10112x64xf32, #tpu.memory_space<vmem_shared>> -> memref<78x64xf32, #tpu.memory_space<vmem_shared>>
      %dma_start3A_220 = arith.constant 0 : i32
      %dma_start3A_221 = arith.constant 0 : i32
      %dma_start3A_222 = tpu.memref_slice %arg15[%dma_start3A_220, %dma_start3A_221] : memref<78x64xf32, #tpu.memory_space<vmem>> -> memref<78x64xf32, #tpu.memory_space<vmem>>
      %dma_start3A_223 = arith.constant 0 : i32
      %dma_start3A_224 = tpu.memref_slice %arg11[%add3A_112, %dma_start3A_223] : memref<10112x64xf32, #tpu.memory_space<vmem_shared>> -> memref<78x64xf32, #tpu.memory_space<vmem_shared>>
      tpu.enqueue_dma source(%dma_start3A_224 : memref<78x64xf32, #tpu.memory_space<vmem_shared>>) target(%dma_start3A_222 : memref<78x64xf32, #tpu.memory_space<vmem>>) target_semaphore(%run_scoped3A : memref<!tpu.dma_semaphore, #tpu.memory_space<semaphore_mem>>)
      %dma_wait3A_225 = arith.constant 0 : i32
      %dma_wait3A_226 = arith.constant 0 : i32
      %dma_wait3A_227 = tpu.memref_slice %arg15[%dma_wait3A_225, %dma_wait3A_226] : memref<78x64xf32, #tpu.memory_space<vmem>> -> memref<78x64xf32, #tpu.memory_space<vmem>>
      %dma_wait3A_228 = arith.constant 0 : i32
      %dma_wait3A_229 = tpu.memref_slice %arg11[%add3A_112, %dma_wait3A_228] : memref<10112x64xf32, #tpu.memory_space<vmem_shared>> -> memref<78x64xf32, #tpu.memory_space<vmem_shared>>
      %dma_wait3A_230 = arith.constant 0 : i32
      %dma_wait3A_231 = arith.constant 0 : i32
      %dma_wait3A_232 = tpu.memref_slice %arg15[%dma_wait3A_230, %dma_wait3A_231] : memref<78x64xf32, #tpu.memory_space<vmem>> -> memref<78x64xf32, #tpu.memory_space<vmem>>
      %dma_wait3A_233 = arith.constant 0 : i32
      %dma_wait3A_234 = tpu.memref_slice %arg11[%add3A_112, %dma_wait3A_233] : memref<10112x64xf32, #tpu.memory_space<vmem_shared>> -> memref<78x64xf32, #tpu.memory_space<vmem_shared>>
      tpu.wait_dma2 semaphore(%run_scoped3A : memref<!tpu.dma_semaphore, #tpu.memory_space<semaphore_mem>>) src(%dma_wait3A_234 : memref<78x64xf32, #tpu.memory_space<vmem_shared>>) dst(%dma_wait3A_232 : memref<78x64xf32, #tpu.memory_space<vmem>>)
      tpu.yield
    }) : () -> ()
    %scan3A_113 = arith.constant 0 : i32
    %scan3A_114 = arith.constant 0 : i32
    %scan3A_115 = arith.constant 78 : i32
    %scan3A_116 = arith.addi %scan3A_114, %scan3A_115 : i32
    %scan3A_117 = arith.constant 1 : i32
    scf.for %scan3A_215 = %scan3A_114 to %scan3A_116 step %scan3A_117  : i32 {
      %get3A = arith.index_cast %scan3A_215 : i32 to index
      %get3A_216 = arith.constant 0 : index
      %get3A_217 = tpu.vector_load %arg15[%get3A, %get3A_216] {strides = array<i32>} : memref<78x64xf32, #tpu.memory_space<vmem>>, vector<1x16xf32>,
      %get3A_218 = vector.shape_cast %get3A_217 : vector<1x16xf32> to vector<16xf32>
      %get3A_219 = arith.constant 0 : i32
      %get3A_220 = arith.index_cast %get3A_219 : i32 to index
      %get3A_221 = arith.constant 0 : index
      %get3A_222 = tpu.vector_load %arg16[%get3A_220, %get3A_221] {strides = array<i32>} : memref<1x64xf32, #tpu.memory_space<vmem>>, vector<1x16xf32>,
      %get3A_223 = vector.shape_cast %get3A_222 : vector<1x16xf32> to vector<16xf32>
      %add3A_224 = arith.addf %get3A_218, %get3A_223 : vector<16xf32>
      %max3A = arith.constant 0.000000e+00 : f32
      %max3A_225 = vector.broadcast %max3A : f32 to vector<16xf32>
      %max3A_226 = arith.maximumf %add3A_224, %max3A_225 : vector<16xf32>
      %swap3A = arith.index_cast %scan3A_215 : i32 to index
      %swap3A_227 = arith.constant 0 : index
      %swap3A_228 = tpu.vector_load %arg15[%swap3A, %swap3A_227] {strides = array<i32>} : memref<78x64xf32, #tpu.memory_space<vmem>>, vector<1x16xf32>,
      %swap3A_229 = vector.shape_cast %swap3A_228 : vector<1x16xf32> to vector<16xf32>
      %swap3A_230 = vector.shape_cast %max3A_226 : vector<16xf32> to vector<1x16xf32>
      tpu.vector_store %arg15[%swap3A, %swap3A_227], %swap3A_230 {strides = array<i32>} : memref<78x64xf32, #tpu.memory_space<vmem>>, vector<1x16xf32>,
      %get3A_231 = arith.index_cast %scan3A_215 : i32 to index
      %get3A_232 = arith.constant 16 : index
      %get3A_233 = tpu.vector_load %arg15[%get3A_231, %get3A_232] {strides = array<i32>} : memref<78x64xf32, #tpu.memory_space<vmem>>, vector<1x16xf32>,
      %get3A_234 = vector.shape_cast %get3A_233 : vector<1x16xf32> to vector<16xf32>
      %get3A_235 = arith.constant 0 : i32
      %get3A_236 = arith.index_cast %get3A_235 : i32 to index
      %get3A_237 = arith.constant 16 : index
      %get3A_238 = tpu.vector_load %arg16[%get3A_236, %get3A_237] {strides = array<i32>} : memref<1x64xf32, #tpu.memory_space<vmem>>, vector<1x16xf32>,
      %get3A_239 = vector.shape_cast %get3A_238 : vector<1x16xf32> to vector<16xf32>
      %add3A_240 = arith.addf %get3A_234, %get3A_239 : vector<16xf32>
      %max3A_241 = arith.constant 0.000000e+00 : f32
      %max3A_242 = vector.broadcast %max3A_241 : f32 to vector<16xf32>
      %max3A_243 = arith.maximumf %add3A_240, %max3A_242 : vector<16xf32>
      %swap3A_244 = arith.index_cast %scan3A_215 : i32 to index
      %swap3A_245 = arith.constant 16 : index
      %swap3A_246 = tpu.vector_load %arg15[%swap3A_244, %swap3A_245] {strides = array<i32>} : memref<78x64xf32, #tpu.memory_space<vmem>>, vector<1x16xf32>,
      %swap3A_247 = vector.shape_cast %swap3A_246 : vector<1x16xf32> to vector<16xf32>
      %swap3A_248 = vector.shape_cast %max3A_243 : vector<16xf32> to vector<1x16xf32>
      tpu.vector_store %arg15[%swap3A_244, %swap3A_245], %swap3A_248 {strides = array<i32>} : memref<78x64xf32, #tpu.memory_space<vmem>>, vector<1x16xf32>,
      %get3A_249 = arith.index_cast %scan3A_215 : i32 to index
      %get3A_250 = arith.constant 32 : index
      %get3A_251 = tpu.vector_load %arg15[%get3A_249, %get3A_250] {strides = array<i32>} : memref<78x64xf32, #tpu.memory_space<vmem>>, vector<1x16xf32>,
      %get3A_252 = vector.shape_cast %get3A_251 : vector<1x16xf32> to vector<16xf32>
      %get3A_253 = arith.constant 0 : i32
      %get3A_254 = arith.index_cast %get3A_253 : i32 to index
      %get3A_255 = arith.constant 32 : index
      %get3A_256 = tpu.vector_load %arg16[%get3A_254, %get3A_255] {strides = array<i32>} : memref<1x64xf32, #tpu.memory_space<vmem>>, vector<1x16xf32>,
      %get3A_257 = vector.shape_cast %get3A_256 : vector<1x16xf32> to vector<16xf32>
      %add3A_258 = arith.addf %get3A_252, %get3A_257 : vector<16xf32>
      %max3A_259 = arith.constant 0.000000e+00 : f32
      %max3A_260 = vector.broadcast %max3A_259 : f32 to vector<16xf32>
      %max3A_261 = arith.maximumf %add3A_258, %max3A_260 : vector<16xf32>
      %swap3A_262 = arith.index_cast %scan3A_215 : i32 to index
      %swap3A_263 = arith.constant 32 : index
      %swap3A_264 = tpu.vector_load %arg15[%swap3A_262, %swap3A_263] {strides = array<i32>} : memref<78x64xf32, #tpu.memory_space<vmem>>, vector<1x16xf32>,
      %swap3A_265 = vector.shape_cast %swap3A_264 : vector<1x16xf32> to vector<16xf32>
      %swap3A_266 = vector.shape_cast %max3A_261 : vector<16xf32> to vector<1x16xf32>
      tpu.vector_store %arg15[%swap3A_262, %swap3A_263], %swap3A_266 {strides = array<i32>} : memref<78x64xf32, #tpu.memory_space<vmem>>, vector<1x16xf32>,
      %get3A_267 = arith.index_cast %scan3A_215 : i32 to index
      %get3A_268 = arith.constant 48 : index
      %get3A_269 = tpu.vector_load %arg15[%get3A_267, %get3A_268] {strides = array<i32>} : memref<78x64xf32, #tpu.memory_space<vmem>>, vector<1x16xf32>,
      %get3A_270 = vector.shape_cast %get3A_269 : vector<1x16xf32> to vector<16xf32>
      %get3A_271 = arith.constant 0 : i32
      %get3A_272 = arith.index_cast %get3A_271 : i32 to index
      %get3A_273 = arith.constant 48 : index
      %get3A_274 = tpu.vector_load %arg16[%get3A_272, %get3A_273] {strides = array<i32>} : memref<1x64xf32, #tpu.memory_space<vmem>>, vector<1x16xf32>,
      %get3A_275 = vector.shape_cast %get3A_274 : vector<1x16xf32> to vector<16xf32>
      %add3A_276 = arith.addf %get3A_270, %get3A_275 : vector<16xf32>
      %max3A_277 = arith.constant 0.000000e+00 : f32
      %max3A_278 = vector.broadcast %max3A_277 : f32 to vector<16xf32>
      %max3A_279 = arith.maximumf %add3A_276, %max3A_278 : vector<16xf32>
      %swap3A_280 = arith.index_cast %scan3A_215 : i32 to index
      %swap3A_281 = arith.constant 48 : index
      %swap3A_282 = tpu.vector_load %arg15[%swap3A_280, %swap3A_281] {strides = array<i32>} : memref<78x64xf32, #tpu.memory_space<vmem>>, vector<1x16xf32>,
      %swap3A_283 = vector.shape_cast %swap3A_282 : vector<1x16xf32> to vector<16xf32>
      %swap3A_284 = vector.shape_cast %max3A_279 : vector<16xf32> to vector<1x16xf32>
      tpu.vector_store %arg15[%swap3A_280, %swap3A_281], %swap3A_284 {strides = array<i32>} : memref<78x64xf32, #tpu.memory_space<vmem>>, vector<1x16xf32>,
    }
    %scan3A_118 = arith.constant 78 : i32
    "tpu.region"() ({
      %run_scoped3A = tpu.sem_alloc : memref<!tpu.dma_semaphore, #tpu.memory_space<semaphore_mem>>
      %dma_start3A_215 = arith.constant 0 : i32
      %dma_start3A_216 = arith.constant 0 : i32
      %dma_start3A_217 = tpu.memref_slice %arg15[%dma_start3A_215, %dma_start3A_216] : memref<78x64xf32, #tpu.memory_space<vmem>> -> memref<78x64xf32, #tpu.memory_space<vmem>>
      %dma_start3A_218 = arith.constant 0 : i32
      %dma_start3A_219 = tpu.memref_slice %arg10[%add3A_112, %dma_start3A_218] : memref<10000x64xf32, #tpu.memory_space<vmem_shared>> -> memref<78x64xf32, #tpu.memory_space<vmem_shared>>
      %dma_start3A_220 = arith.constant 0 : i32
      %dma_start3A_221 = tpu.memref_slice %arg10[%add3A_112, %dma_start3A_220] : memref<10000x64xf32, #tpu.memory_space<vmem_shared>> -> memref<78x64xf32, #tpu.memory_space<vmem_shared>>
      %dma_start3A_222 = arith.constant 0 : i32
      %dma_start3A_223 = arith.constant 0 : i32
      %dma_start3A_224 = tpu.memref_slice %arg15[%dma_start3A_222, %dma_start3A_223] : memref<78x64xf32, #tpu.memory_space<vmem>> -> memref<78x64xf32, #tpu.memory_space<vmem>>
      tpu.enqueue_dma source(%dma_start3A_224 : memref<78x64xf32, #tpu.memory_space<vmem>>) target(%dma_start3A_221 : memref<78x64xf32, #tpu.memory_space<vmem_shared>>) target_semaphore(%run_scoped3A : memref<!tpu.dma_semaphore, #tpu.memory_space<semaphore_mem>>)
      %dma_wait3A_225 = arith.constant 0 : i32
      %dma_wait3A_226 = arith.constant 0 : i32
      %dma_wait3A_227 = tpu.memref_slice %arg15[%dma_wait3A_225, %dma_wait3A_226] : memref<78x64xf32, #tpu.memory_space<vmem>> -> memref<78x64xf32, #tpu.memory_space<vmem>>
      %dma_wait3A_228 = arith.constant 0 : i32
      %dma_wait3A_229 = tpu.memref_slice %arg10[%add3A_112, %dma_wait3A_228] : memref<10000x64xf32, #tpu.memory_space<vmem_shared>> -> memref<78x64xf32, #tpu.memory_space<vmem_shared>>
      %dma_wait3A_230 = arith.constant 0 : i32
      %dma_wait3A_231 = tpu.memref_slice %arg10[%add3A_112, %dma_wait3A_230] : memref<10000x64xf32, #tpu.memory_space<vmem_shared>> -> memref<78x64xf32, #tpu.memory_space<vmem_shared>>
      %dma_wait3A_232 = arith.constant 0 : i32
      %dma_wait3A_233 = arith.constant 0 : i32
      %dma_wait3A_234 = tpu.memref_slice %arg15[%dma_wait3A_232, %dma_wait3A_233] : memref<78x64xf32, #tpu.memory_space<vmem>> -> memref<78x64xf32, #tpu.memory_space<vmem>>
      tpu.wait_dma2 semaphore(%run_scoped3A : memref<!tpu.dma_semaphore, #tpu.memory_space<semaphore_mem>>) src(%dma_wait3A_234 : memref<78x64xf32, #tpu.memory_space<vmem>>) dst(%dma_wait3A_231 : memref<78x64xf32, #tpu.memory_space<vmem_shared>>)
      tpu.yield
    }) : () -> ()
    %add3A_119 = arith.constant 468 : i32
    %add3A_120 = arith.addi %mul3A_2, %add3A_119 : i32
    "tpu.region"() ({
      %run_scoped3A = tpu.sem_alloc : memref<!tpu.dma_semaphore, #tpu.memory_space<semaphore_mem>>
      %dma_start3A_215 = arith.constant 0 : i32
      %dma_start3A_216 = arith.constant 0 : i32
      %dma_start3A_217 = tpu.memref_slice %arg15[%dma_start3A_215, %dma_start3A_216] : memref<78x64xf32, #tpu.memory_space<vmem>> -> memref<78x64xf32, #tpu.memory_space<vmem>>
      %dma_start3A_218 = arith.constant 0 : i32
      %dma_start3A_219 = tpu.memref_slice %arg11[%add3A_120, %dma_start3A_218] : memref<10112x64xf32, #tpu.memory_space<vmem_shared>> -> memref<78x64xf32, #tpu.memory_space<vmem_shared>>
      %dma_start3A_220 = arith.constant 0 : i32
      %dma_start3A_221 = arith.constant 0 : i32
      %dma_start3A_222 = tpu.memref_slice %arg15[%dma_start3A_220, %dma_start3A_221] : memref<78x64xf32, #tpu.memory_space<vmem>> -> memref<78x64xf32, #tpu.memory_space<vmem>>
      %dma_start3A_223 = arith.constant 0 : i32
      %dma_start3A_224 = tpu.memref_slice %arg11[%add3A_120, %dma_start3A_223] : memref<10112x64xf32, #tpu.memory_space<vmem_shared>> -> memref<78x64xf32, #tpu.memory_space<vmem_shared>>
      tpu.enqueue_dma source(%dma_start3A_224 : memref<78x64xf32, #tpu.memory_space<vmem_shared>>) target(%dma_start3A_222 : memref<78x64xf32, #tpu.memory_space<vmem>>) target_semaphore(%run_scoped3A : memref<!tpu.dma_semaphore, #tpu.memory_space<semaphore_mem>>)
      %dma_wait3A_225 = arith.constant 0 : i32
      %dma_wait3A_226 = arith.constant 0 : i32
      %dma_wait3A_227 = tpu.memref_slice %arg15[%dma_wait3A_225, %dma_wait3A_226] : memref<78x64xf32, #tpu.memory_space<vmem>> -> memref<78x64xf32, #tpu.memory_space<vmem>>
      %dma_wait3A_228 = arith.constant 0 : i32
      %dma_wait3A_229 = tpu.memref_slice %arg11[%add3A_120, %dma_wait3A_228] : memref<10112x64xf32, #tpu.memory_space<vmem_shared>> -> memref<78x64xf32, #tpu.memory_space<vmem_shared>>
      %dma_wait3A_230 = arith.constant 0 : i32
      %dma_wait3A_231 = arith.constant 0 : i32
      %dma_wait3A_232 = tpu.memref_slice %arg15[%dma_wait3A_230, %dma_wait3A_231] : memref<78x64xf32, #tpu.memory_space<vmem>> -> memref<78x64xf32, #tpu.memory_space<vmem>>
      %dma_wait3A_233 = arith.constant 0 : i32
      %dma_wait3A_234 = tpu.memref_slice %arg11[%add3A_120, %dma_wait3A_233] : memref<10112x64xf32, #tpu.memory_space<vmem_shared>> -> memref<78x64xf32, #tpu.memory_space<vmem_shared>>
      tpu.wait_dma2 semaphore(%run_scoped3A : memref<!tpu.dma_semaphore, #tpu.memory_space<semaphore_mem>>) src(%dma_wait3A_234 : memref<78x64xf32, #tpu.memory_space<vmem_shared>>) dst(%dma_wait3A_232 : memref<78x64xf32, #tpu.memory_space<vmem>>)
      tpu.yield
    }) : () -> ()
    %scan3A_121 = arith.constant 0 : i32
    %scan3A_122 = arith.constant 0 : i32
    %scan3A_123 = arith.constant 78 : i32
    %scan3A_124 = arith.addi %scan3A_122, %scan3A_123 : i32
    %scan3A_125 = arith.constant 1 : i32
    scf.for %scan3A_215 = %scan3A_122 to %scan3A_124 step %scan3A_125  : i32 {
      %get3A = arith.index_cast %scan3A_215 : i32 to index
      %get3A_216 = arith.constant 0 : index
      %get3A_217 = tpu.vector_load %arg15[%get3A, %get3A_216] {strides = array<i32>} : memref<78x64xf32, #tpu.memory_space<vmem>>, vector<1x16xf32>,
      %get3A_218 = vector.shape_cast %get3A_217 : vector<1x16xf32> to vector<16xf32>
      %get3A_219 = arith.constant 0 : i32
      %get3A_220 = arith.index_cast %get3A_219 : i32 to index
      %get3A_221 = arith.constant 0 : index
      %get3A_222 = tpu.vector_load %arg16[%get3A_220, %get3A_221] {strides = array<i32>} : memref<1x64xf32, #tpu.memory_space<vmem>>, vector<1x16xf32>,
      %get3A_223 = vector.shape_cast %get3A_222 : vector<1x16xf32> to vector<16xf32>
      %add3A_224 = arith.addf %get3A_218, %get3A_223 : vector<16xf32>
      %max3A = arith.constant 0.000000e+00 : f32
      %max3A_225 = vector.broadcast %max3A : f32 to vector<16xf32>
      %max3A_226 = arith.maximumf %add3A_224, %max3A_225 : vector<16xf32>
      %swap3A = arith.index_cast %scan3A_215 : i32 to index
      %swap3A_227 = arith.constant 0 : index
      %swap3A_228 = tpu.vector_load %arg15[%swap3A, %swap3A_227] {strides = array<i32>} : memref<78x64xf32, #tpu.memory_space<vmem>>, vector<1x16xf32>,
      %swap3A_229 = vector.shape_cast %swap3A_228 : vector<1x16xf32> to vector<16xf32>
      %swap3A_230 = vector.shape_cast %max3A_226 : vector<16xf32> to vector<1x16xf32>
      tpu.vector_store %arg15[%swap3A, %swap3A_227], %swap3A_230 {strides = array<i32>} : memref<78x64xf32, #tpu.memory_space<vmem>>, vector<1x16xf32>,
      %get3A_231 = arith.index_cast %scan3A_215 : i32 to index
      %get3A_232 = arith.constant 16 : index
      %get3A_233 = tpu.vector_load %arg15[%get3A_231, %get3A_232] {strides = array<i32>} : memref<78x64xf32, #tpu.memory_space<vmem>>, vector<1x16xf32>,
      %get3A_234 = vector.shape_cast %get3A_233 : vector<1x16xf32> to vector<16xf32>
      %get3A_235 = arith.constant 0 : i32
      %get3A_236 = arith.index_cast %get3A_235 : i32 to index
      %get3A_237 = arith.constant 16 : index
      %get3A_238 = tpu.vector_load %arg16[%get3A_236, %get3A_237] {strides = array<i32>} : memref<1x64xf32, #tpu.memory_space<vmem>>, vector<1x16xf32>,
      %get3A_239 = vector.shape_cast %get3A_238 : vector<1x16xf32> to vector<16xf32>
      %add3A_240 = arith.addf %get3A_234, %get3A_239 : vector<16xf32>
      %max3A_241 = arith.constant 0.000000e+00 : f32
      %max3A_242 = vector.broadcast %max3A_241 : f32 to vector<16xf32>
      %max3A_243 = arith.maximumf %add3A_240, %max3A_242 : vector<16xf32>
      %swap3A_244 = arith.index_cast %scan3A_215 : i32 to index
      %swap3A_245 = arith.constant 16 : index
      %swap3A_246 = tpu.vector_load %arg15[%swap3A_244, %swap3A_245] {strides = array<i32>} : memref<78x64xf32, #tpu.memory_space<vmem>>, vector<1x16xf32>,
      %swap3A_247 = vector.shape_cast %swap3A_246 : vector<1x16xf32> to vector<16xf32>
      %swap3A_248 = vector.shape_cast %max3A_243 : vector<16xf32> to vector<1x16xf32>
      tpu.vector_store %arg15[%swap3A_244, %swap3A_245], %swap3A_248 {strides = array<i32>} : memref<78x64xf32, #tpu.memory_space<vmem>>, vector<1x16xf32>,
      %get3A_249 = arith.index_cast %scan3A_215 : i32 to index
      %get3A_250 = arith.constant 32 : index
      %get3A_251 = tpu.vector_load %arg15[%get3A_249, %get3A_250] {strides = array<i32>} : memref<78x64xf32, #tpu.memory_space<vmem>>, vector<1x16xf32>,
      %get3A_252 = vector.shape_cast %get3A_251 : vector<1x16xf32> to vector<16xf32>
      %get3A_253 = arith.constant 0 : i32
      %get3A_254 = arith.index_cast %get3A_253 : i32 to index
      %get3A_255 = arith.constant 32 : index
      %get3A_256 = tpu.vector_load %arg16[%get3A_254, %get3A_255] {strides = array<i32>} : memref<1x64xf32, #tpu.memory_space<vmem>>, vector<1x16xf32>,
      %get3A_257 = vector.shape_cast %get3A_256 : vector<1x16xf32> to vector<16xf32>
      %add3A_258 = arith.addf %get3A_252, %get3A_257 : vector<16xf32>
      %max3A_259 = arith.constant 0.000000e+00 : f32
      %max3A_260 = vector.broadcast %max3A_259 : f32 to vector<16xf32>
      %max3A_261 = arith.maximumf %add3A_258, %max3A_260 : vector<16xf32>
      %swap3A_262 = arith.index_cast %scan3A_215 : i32 to index
      %swap3A_263 = arith.constant 32 : index
      %swap3A_264 = tpu.vector_load %arg15[%swap3A_262, %swap3A_263] {strides = array<i32>} : memref<78x64xf32, #tpu.memory_space<vmem>>, vector<1x16xf32>,
      %swap3A_265 = vector.shape_cast %swap3A_264 : vector<1x16xf32> to vector<16xf32>
      %swap3A_266 = vector.shape_cast %max3A_261 : vector<16xf32> to vector<1x16xf32>
      tpu.vector_store %arg15[%swap3A_262, %swap3A_263], %swap3A_266 {strides = array<i32>} : memref<78x64xf32, #tpu.memory_space<vmem>>, vector<1x16xf32>,
      %get3A_267 = arith.index_cast %scan3A_215 : i32 to index
      %get3A_268 = arith.constant 48 : index
      %get3A_269 = tpu.vector_load %arg15[%get3A_267, %get3A_268] {strides = array<i32>} : memref<78x64xf32, #tpu.memory_space<vmem>>, vector<1x16xf32>,
      %get3A_270 = vector.shape_cast %get3A_269 : vector<1x16xf32> to vector<16xf32>
      %get3A_271 = arith.constant 0 : i32
      %get3A_272 = arith.index_cast %get3A_271 : i32 to index
      %get3A_273 = arith.constant 48 : index
      %get3A_274 = tpu.vector_load %arg16[%get3A_272, %get3A_273] {strides = array<i32>} : memref<1x64xf32, #tpu.memory_space<vmem>>, vector<1x16xf32>,
      %get3A_275 = vector.shape_cast %get3A_274 : vector<1x16xf32> to vector<16xf32>
      %add3A_276 = arith.addf %get3A_270, %get3A_275 : vector<16xf32>
      %max3A_277 = arith.constant 0.000000e+00 : f32
      %max3A_278 = vector.broadcast %max3A_277 : f32 to vector<16xf32>
      %max3A_279 = arith.maximumf %add3A_276, %max3A_278 : vector<16xf32>
      %swap3A_280 = arith.index_cast %scan3A_215 : i32 to index
      %swap3A_281 = arith.constant 48 : index
      %swap3A_282 = tpu.vector_load %arg15[%swap3A_280, %swap3A_281] {strides = array<i32>} : memref<78x64xf32, #tpu.memory_space<vmem>>, vector<1x16xf32>,
      %swap3A_283 = vector.shape_cast %swap3A_282 : vector<1x16xf32> to vector<16xf32>
      %swap3A_284 = vector.shape_cast %max3A_279 : vector<16xf32> to vector<1x16xf32>
      tpu.vector_store %arg15[%swap3A_280, %swap3A_281], %swap3A_284 {strides = array<i32>} : memref<78x64xf32, #tpu.memory_space<vmem>>, vector<1x16xf32>,
    }
    %scan3A_126 = arith.constant 78 : i32
    "tpu.region"() ({
      %run_scoped3A = tpu.sem_alloc : memref<!tpu.dma_semaphore, #tpu.memory_space<semaphore_mem>>
      %dma_start3A_215 = arith.constant 0 : i32
      %dma_start3A_216 = arith.constant 0 : i32
      %dma_start3A_217 = tpu.memref_slice %arg15[%dma_start3A_215, %dma_start3A_216] : memref<78x64xf32, #tpu.memory_space<vmem>> -> memref<78x64xf32, #tpu.memory_space<vmem>>
      %dma_start3A_218 = arith.constant 0 : i32
      %dma_start3A_219 = tpu.memref_slice %arg10[%add3A_120, %dma_start3A_218] : memref<10000x64xf32, #tpu.memory_space<vmem_shared>> -> memref<78x64xf32, #tpu.memory_space<vmem_shared>>
      %dma_start3A_220 = arith.constant 0 : i32
      %dma_start3A_221 = tpu.memref_slice %arg10[%add3A_120, %dma_start3A_220] : memref<10000x64xf32, #tpu.memory_space<vmem_shared>> -> memref<78x64xf32, #tpu.memory_space<vmem_shared>>
      %dma_start3A_222 = arith.constant 0 : i32
      %dma_start3A_223 = arith.constant 0 : i32
      %dma_start3A_224 = tpu.memref_slice %arg15[%dma_start3A_222, %dma_start3A_223] : memref<78x64xf32, #tpu.memory_space<vmem>> -> memref<78x64xf32, #tpu.memory_space<vmem>>
      tpu.enqueue_dma source(%dma_start3A_224 : memref<78x64xf32, #tpu.memory_space<vmem>>) target(%dma_start3A_221 : memref<78x64xf32, #tpu.memory_space<vmem_shared>>) target_semaphore(%run_scoped3A : memref<!tpu.dma_semaphore, #tpu.memory_space<semaphore_mem>>)
      %dma_wait3A_225 = arith.constant 0 : i32
      %dma_wait3A_226 = arith.constant 0 : i32
      %dma_wait3A_227 = tpu.memref_slice %arg15[%dma_wait3A_225, %dma_wait3A_226] : memref<78x64xf32, #tpu.memory_space<vmem>> -> memref<78x64xf32, #tpu.memory_space<vmem>>
      %dma_wait3A_228 = arith.constant 0 : i32
      %dma_wait3A_229 = tpu.memref_slice %arg10[%add3A_120, %dma_wait3A_228] : memref<10000x64xf32, #tpu.memory_space<vmem_shared>> -> memref<78x64xf32, #tpu.memory_space<vmem_shared>>
      %dma_wait3A_230 = arith.constant 0 : i32
      %dma_wait3A_231 = tpu.memref_slice %arg10[%add3A_120, %dma_wait3A_230] : memref<10000x64xf32, #tpu.memory_space<vmem_shared>> -> memref<78x64xf32, #tpu.memory_space<vmem_shared>>
      %dma_wait3A_232 = arith.constant 0 : i32
      %dma_wait3A_233 = arith.constant 0 : i32
      %dma_wait3A_234 = tpu.memref_slice %arg15[%dma_wait3A_232, %dma_wait3A_233] : memref<78x64xf32, #tpu.memory_space<vmem>> -> memref<78x64xf32, #tpu.memory_space<vmem>>
      tpu.wait_dma2 semaphore(%run_scoped3A : memref<!tpu.dma_semaphore, #tpu.memory_space<semaphore_mem>>) src(%dma_wait3A_234 : memref<78x64xf32, #tpu.memory_space<vmem>>) dst(%dma_wait3A_231 : memref<78x64xf32, #tpu.memory_space<vmem_shared>>)
      tpu.yield
    }) : () -> ()
    %add3A_127 = arith.constant 546 : i32
    %add3A_128 = arith.addi %mul3A_2, %add3A_127 : i32
    "tpu.region"() ({
      %run_scoped3A = tpu.sem_alloc : memref<!tpu.dma_semaphore, #tpu.memory_space<semaphore_mem>>
      %dma_start3A_215 = arith.constant 0 : i32
      %dma_start3A_216 = arith.constant 0 : i32
      %dma_start3A_217 = tpu.memref_slice %arg15[%dma_start3A_215, %dma_start3A_216] : memref<78x64xf32, #tpu.memory_space<vmem>> -> memref<78x64xf32, #tpu.memory_space<vmem>>
      %dma_start3A_218 = arith.constant 0 : i32
      %dma_start3A_219 = tpu.memref_slice %arg11[%add3A_128, %dma_start3A_218] : memref<10112x64xf32, #tpu.memory_space<vmem_shared>> -> memref<78x64xf32, #tpu.memory_space<vmem_shared>>
      %dma_start3A_220 = arith.constant 0 : i32
      %dma_start3A_221 = arith.constant 0 : i32
      %dma_start3A_222 = tpu.memref_slice %arg15[%dma_start3A_220, %dma_start3A_221] : memref<78x64xf32, #tpu.memory_space<vmem>> -> memref<78x64xf32, #tpu.memory_space<vmem>>
      %dma_start3A_223 = arith.constant 0 : i32
      %dma_start3A_224 = tpu.memref_slice %arg11[%add3A_128, %dma_start3A_223] : memref<10112x64xf32, #tpu.memory_space<vmem_shared>> -> memref<78x64xf32, #tpu.memory_space<vmem_shared>>
      tpu.enqueue_dma source(%dma_start3A_224 : memref<78x64xf32, #tpu.memory_space<vmem_shared>>) target(%dma_start3A_222 : memref<78x64xf32, #tpu.memory_space<vmem>>) target_semaphore(%run_scoped3A : memref<!tpu.dma_semaphore, #tpu.memory_space<semaphore_mem>>)
      %dma_wait3A_225 = arith.constant 0 : i32
      %dma_wait3A_226 = arith.constant 0 : i32
      %dma_wait3A_227 = tpu.memref_slice %arg15[%dma_wait3A_225, %dma_wait3A_226] : memref<78x64xf32, #tpu.memory_space<vmem>> -> memref<78x64xf32, #tpu.memory_space<vmem>>
      %dma_wait3A_228 = arith.constant 0 : i32
      %dma_wait3A_229 = tpu.memref_slice %arg11[%add3A_128, %dma_wait3A_228] : memref<10112x64xf32, #tpu.memory_space<vmem_shared>> -> memref<78x64xf32, #tpu.memory_space<vmem_shared>>
      %dma_wait3A_230 = arith.constant 0 : i32
      %dma_wait3A_231 = arith.constant 0 : i32
      %dma_wait3A_232 = tpu.memref_slice %arg15[%dma_wait3A_230, %dma_wait3A_231] : memref<78x64xf32, #tpu.memory_space<vmem>> -> memref<78x64xf32, #tpu.memory_space<vmem>>
      %dma_wait3A_233 = arith.constant 0 : i32
      %dma_wait3A_234 = tpu.memref_slice %arg11[%add3A_128, %dma_wait3A_233] : memref<10112x64xf32, #tpu.memory_space<vmem_shared>> -> memref<78x64xf32, #tpu.memory_space<vmem_shared>>
      tpu.wait_dma2 semaphore(%run_scoped3A : memref<!tpu.dma_semaphore, #tpu.memory_space<semaphore_mem>>) src(%dma_wait3A_234 : memref<78x64xf32, #tpu.memory_space<vmem_shared>>) dst(%dma_wait3A_232 : memref<78x64xf32, #tpu.memory_space<vmem>>)
      tpu.yield
    }) : () -> ()
    %scan3A_129 = arith.constant 0 : i32
    %scan3A_130 = arith.constant 0 : i32
    %scan3A_131 = arith.constant 78 : i32
    %scan3A_132 = arith.addi %scan3A_130, %scan3A_131 : i32
    %scan3A_133 = arith.constant 1 : i32
    scf.for %scan3A_215 = %scan3A_130 to %scan3A_132 step %scan3A_133  : i32 {
      %get3A = arith.index_cast %scan3A_215 : i32 to index
      %get3A_216 = arith.constant 0 : index
      %get3A_217 = tpu.vector_load %arg15[%get3A, %get3A_216] {strides = array<i32>} : memref<78x64xf32, #tpu.memory_space<vmem>>, vector<1x16xf32>,
      %get3A_218 = vector.shape_cast %get3A_217 : vector<1x16xf32> to vector<16xf32>
      %get3A_219 = arith.constant 0 : i32
      %get3A_220 = arith.index_cast %get3A_219 : i32 to index
      %get3A_221 = arith.constant 0 : index
      %get3A_222 = tpu.vector_load %arg16[%get3A_220, %get3A_221] {strides = array<i32>} : memref<1x64xf32, #tpu.memory_space<vmem>>, vector<1x16xf32>,
      %get3A_223 = vector.shape_cast %get3A_222 : vector<1x16xf32> to vector<16xf32>
      %add3A_224 = arith.addf %get3A_218, %get3A_223 : vector<16xf32>
      %max3A = arith.constant 0.000000e+00 : f32
      %max3A_225 = vector.broadcast %max3A : f32 to vector<16xf32>
      %max3A_226 = arith.maximumf %add3A_224, %max3A_225 : vector<16xf32>
      %swap3A = arith.index_cast %scan3A_215 : i32 to index
      %swap3A_227 = arith.constant 0 : index
      %swap3A_228 = tpu.vector_load %arg15[%swap3A, %swap3A_227] {strides = array<i32>} : memref<78x64xf32, #tpu.memory_space<vmem>>, vector<1x16xf32>,
      %swap3A_229 = vector.shape_cast %swap3A_228 : vector<1x16xf32> to vector<16xf32>
      %swap3A_230 = vector.shape_cast %max3A_226 : vector<16xf32> to vector<1x16xf32>
      tpu.vector_store %arg15[%swap3A, %swap3A_227], %swap3A_230 {strides = array<i32>} : memref<78x64xf32, #tpu.memory_space<vmem>>, vector<1x16xf32>,
      %get3A_231 = arith.index_cast %scan3A_215 : i32 to index
      %get3A_232 = arith.constant 16 : index
      %get3A_233 = tpu.vector_load %arg15[%get3A_231, %get3A_232] {strides = array<i32>} : memref<78x64xf32, #tpu.memory_space<vmem>>, vector<1x16xf32>,
      %get3A_234 = vector.shape_cast %get3A_233 : vector<1x16xf32> to vector<16xf32>
      %get3A_235 = arith.constant 0 : i32
      %get3A_236 = arith.index_cast %get3A_235 : i32 to index
      %get3A_237 = arith.constant 16 : index
      %get3A_238 = tpu.vector_load %arg16[%get3A_236, %get3A_237] {strides = array<i32>} : memref<1x64xf32, #tpu.memory_space<vmem>>, vector<1x16xf32>,
      %get3A_239 = vector.shape_cast %get3A_238 : vector<1x16xf32> to vector<16xf32>
      %add3A_240 = arith.addf %get3A_234, %get3A_239 : vector<16xf32>
      %max3A_241 = arith.constant 0.000000e+00 : f32
      %max3A_242 = vector.broadcast %max3A_241 : f32 to vector<16xf32>
      %max3A_243 = arith.maximumf %add3A_240, %max3A_242 : vector<16xf32>
      %swap3A_244 = arith.index_cast %scan3A_215 : i32 to index
      %swap3A_245 = arith.constant 16 : index
      %swap3A_246 = tpu.vector_load %arg15[%swap3A_244, %swap3A_245] {strides = array<i32>} : memref<78x64xf32, #tpu.memory_space<vmem>>, vector<1x16xf32>,
      %swap3A_247 = vector.shape_cast %swap3A_246 : vector<1x16xf32> to vector<16xf32>
      %swap3A_248 = vector.shape_cast %max3A_243 : vector<16xf32> to vector<1x16xf32>
      tpu.vector_store %arg15[%swap3A_244, %swap3A_245], %swap3A_248 {strides = array<i32>} : memref<78x64xf32, #tpu.memory_space<vmem>>, vector<1x16xf32>,
      %get3A_249 = arith.index_cast %scan3A_215 : i32 to index
      %get3A_250 = arith.constant 32 : index
      %get3A_251 = tpu.vector_load %arg15[%get3A_249, %get3A_250] {strides = array<i32>} : memref<78x64xf32, #tpu.memory_space<vmem>>, vector<1x16xf32>,
      %get3A_252 = vector.shape_cast %get3A_251 : vector<1x16xf32> to vector<16xf32>
      %get3A_253 = arith.constant 0 : i32
      %get3A_254 = arith.index_cast %get3A_253 : i32 to index
      %get3A_255 = arith.constant 32 : index
      %get3A_256 = tpu.vector_load %arg16[%get3A_254, %get3A_255] {strides = array<i32>} : memref<1x64xf32, #tpu.memory_space<vmem>>, vector<1x16xf32>,
      %get3A_257 = vector.shape_cast %get3A_256 : vector<1x16xf32> to vector<16xf32>
      %add3A_258 = arith.addf %get3A_252, %get3A_257 : vector<16xf32>
      %max3A_259 = arith.constant 0.000000e+00 : f32
      %max3A_260 = vector.broadcast %max3A_259 : f32 to vector<16xf32>
      %max3A_261 = arith.maximumf %add3A_258, %max3A_260 : vector<16xf32>
      %swap3A_262 = arith.index_cast %scan3A_215 : i32 to index
      %swap3A_263 = arith.constant 32 : index
      %swap3A_264 = tpu.vector_load %arg15[%swap3A_262, %swap3A_263] {strides = array<i32>} : memref<78x64xf32, #tpu.memory_space<vmem>>, vector<1x16xf32>,
      %swap3A_265 = vector.shape_cast %swap3A_264 : vector<1x16xf32> to vector<16xf32>
      %swap3A_266 = vector.shape_cast %max3A_261 : vector<16xf32> to vector<1x16xf32>
      tpu.vector_store %arg15[%swap3A_262, %swap3A_263], %swap3A_266 {strides = array<i32>} : memref<78x64xf32, #tpu.memory_space<vmem>>, vector<1x16xf32>,
      %get3A_267 = arith.index_cast %scan3A_215 : i32 to index
      %get3A_268 = arith.constant 48 : index
      %get3A_269 = tpu.vector_load %arg15[%get3A_267, %get3A_268] {strides = array<i32>} : memref<78x64xf32, #tpu.memory_space<vmem>>, vector<1x16xf32>,
      %get3A_270 = vector.shape_cast %get3A_269 : vector<1x16xf32> to vector<16xf32>
      %get3A_271 = arith.constant 0 : i32
      %get3A_272 = arith.index_cast %get3A_271 : i32 to index
      %get3A_273 = arith.constant 48 : index
      %get3A_274 = tpu.vector_load %arg16[%get3A_272, %get3A_273] {strides = array<i32>} : memref<1x64xf32, #tpu.memory_space<vmem>>, vector<1x16xf32>,
      %get3A_275 = vector.shape_cast %get3A_274 : vector<1x16xf32> to vector<16xf32>
      %add3A_276 = arith.addf %get3A_270, %get3A_275 : vector<16xf32>
      %max3A_277 = arith.constant 0.000000e+00 : f32
      %max3A_278 = vector.broadcast %max3A_277 : f32 to vector<16xf32>
      %max3A_279 = arith.maximumf %add3A_276, %max3A_278 : vector<16xf32>
      %swap3A_280 = arith.index_cast %scan3A_215 : i32 to index
      %swap3A_281 = arith.constant 48 : index
      %swap3A_282 = tpu.vector_load %arg15[%swap3A_280, %swap3A_281] {strides = array<i32>} : memref<78x64xf32, #tpu.memory_space<vmem>>, vector<1x16xf32>,
      %swap3A_283 = vector.shape_cast %swap3A_282 : vector<1x16xf32> to vector<16xf32>
      %swap3A_284 = vector.shape_cast %max3A_279 : vector<16xf32> to vector<1x16xf32>
      tpu.vector_store %arg15[%swap3A_280, %swap3A_281], %swap3A_284 {strides = array<i32>} : memref<78x64xf32, #tpu.memory_space<vmem>>, vector<1x16xf32>,
    }
    %scan3A_134 = arith.constant 78 : i32
    "tpu.region"() ({
      %run_scoped3A = tpu.sem_alloc : memref<!tpu.dma_semaphore, #tpu.memory_space<semaphore_mem>>
      %dma_start3A_215 = arith.constant 0 : i32
      %dma_start3A_216 = arith.constant 0 : i32
      %dma_start3A_217 = tpu.memref_slice %arg15[%dma_start3A_215, %dma_start3A_216] : memref<78x64xf32, #tpu.memory_space<vmem>> -> memref<78x64xf32, #tpu.memory_space<vmem>>
      %dma_start3A_218 = arith.constant 0 : i32
      %dma_start3A_219 = tpu.memref_slice %arg10[%add3A_128, %dma_start3A_218] : memref<10000x64xf32, #tpu.memory_space<vmem_shared>> -> memref<78x64xf32, #tpu.memory_space<vmem_shared>>
      %dma_start3A_220 = arith.constant 0 : i32
      %dma_start3A_221 = tpu.memref_slice %arg10[%add3A_128, %dma_start3A_220] : memref<10000x64xf32, #tpu.memory_space<vmem_shared>> -> memref<78x64xf32, #tpu.memory_space<vmem_shared>>
      %dma_start3A_222 = arith.constant 0 : i32
      %dma_start3A_223 = arith.constant 0 : i32
      %dma_start3A_224 = tpu.memref_slice %arg15[%dma_start3A_222, %dma_start3A_223] : memref<78x64xf32, #tpu.memory_space<vmem>> -> memref<78x64xf32, #tpu.memory_space<vmem>>
      tpu.enqueue_dma source(%dma_start3A_224 : memref<78x64xf32, #tpu.memory_space<vmem>>) target(%dma_start3A_221 : memref<78x64xf32, #tpu.memory_space<vmem_shared>>) target_semaphore(%run_scoped3A : memref<!tpu.dma_semaphore, #tpu.memory_space<semaphore_mem>>)
      %dma_wait3A_225 = arith.constant 0 : i32
      %dma_wait3A_226 = arith.constant 0 : i32
      %dma_wait3A_227 = tpu.memref_slice %arg15[%dma_wait3A_225, %dma_wait3A_226] : memref<78x64xf32, #tpu.memory_space<vmem>> -> memref<78x64xf32, #tpu.memory_space<vmem>>
      %dma_wait3A_228 = arith.constant 0 : i32
      %dma_wait3A_229 = tpu.memref_slice %arg10[%add3A_128, %dma_wait3A_228] : memref<10000x64xf32, #tpu.memory_space<vmem_shared>> -> memref<78x64xf32, #tpu.memory_space<vmem_shared>>
      %dma_wait3A_230 = arith.constant 0 : i32
      %dma_wait3A_231 = tpu.memref_slice %arg10[%add3A_128, %dma_wait3A_230] : memref<10000x64xf32, #tpu.memory_space<vmem_shared>> -> memref<78x64xf32, #tpu.memory_space<vmem_shared>>
      %dma_wait3A_232 = arith.constant 0 : i32
      %dma_wait3A_233 = arith.constant 0 : i32
      %dma_wait3A_234 = tpu.memref_slice %arg15[%dma_wait3A_232, %dma_wait3A_233] : memref<78x64xf32, #tpu.memory_space<vmem>> -> memref<78x64xf32, #tpu.memory_space<vmem>>
      tpu.wait_dma2 semaphore(%run_scoped3A : memref<!tpu.dma_semaphore, #tpu.memory_space<semaphore_mem>>) src(%dma_wait3A_234 : memref<78x64xf32, #tpu.memory_space<vmem>>) dst(%dma_wait3A_231 : memref<78x64xf32, #tpu.memory_space<vmem_shared>>)
      tpu.yield
    }) : () -> ()
    %eq3A_135 = arith.constant 0 : i32
    %eq3A_136 = arith.cmpi eq, %arg1, %eq3A_135 : i32
    %convert_element_type3A_137 = arith.extui %eq3A_136 : i1 to i32
    %cond3A_138 = arith.constant 0 : i32
    %cond3A_139 = arith.cmpi ne, %convert_element_type3A_137, %cond3A_138 : i32
    scf.if %cond3A_139 {
      "tpu.region"() ({
        %run_scoped3A = tpu.sem_alloc : memref<!tpu.dma_semaphore, #tpu.memory_space<semaphore_mem>>
        %dma_start3A_221 = arith.constant 0 : i32
        %dma_start3A_222 = arith.constant 0 : i32
        %dma_start3A_223 = tpu.memref_slice %arg15[%dma_start3A_221, %dma_start3A_222] : memref<78x64xf32, #tpu.memory_space<vmem>> -> memref<16x64xf32, #tpu.memory_space<vmem>>
        %dma_start3A_224 = arith.constant 9984 : i32
        %dma_start3A_225 = arith.constant 0 : i32
        %dma_start3A_226 = tpu.memref_slice %arg11[%dma_start3A_224, %dma_start3A_225] : memref<10112x64xf32, #tpu.memory_space<vmem_shared>> -> memref<16x64xf32, #tpu.memory_space<vmem_shared>>
        %dma_start3A_227 = arith.constant 0 : i32
        %dma_start3A_228 = arith.constant 0 : i32
        %dma_start3A_229 = tpu.memref_slice %arg15[%dma_start3A_227, %dma_start3A_228] : memref<78x64xf32, #tpu.memory_space<vmem>> -> memref<16x64xf32, #tpu.memory_space<vmem>>
        %dma_start3A_230 = arith.constant 9984 : i32
        %dma_start3A_231 = arith.constant 0 : i32
        %dma_start3A_232 = tpu.memref_slice %arg11[%dma_start3A_230, %dma_start3A_231] : memref<10112x64xf32, #tpu.memory_space<vmem_shared>> -> memref<16x64xf32, #tpu.memory_space<vmem_shared>>
        tpu.enqueue_dma source(%dma_start3A_232 : memref<16x64xf32, #tpu.memory_space<vmem_shared>>) target(%dma_start3A_229 : memref<16x64xf32, #tpu.memory_space<vmem>>) target_semaphore(%run_scoped3A : memref<!tpu.dma_semaphore, #tpu.memory_space<semaphore_mem>>)
        %dma_wait3A_233 = arith.constant 0 : i32
        %dma_wait3A_234 = arith.constant 0 : i32
        %dma_wait3A_235 = tpu.memref_slice %arg15[%dma_wait3A_233, %dma_wait3A_234] : memref<78x64xf32, #tpu.memory_space<vmem>> -> memref<16x64xf32, #tpu.memory_space<vmem>>
        %dma_wait3A_236 = arith.constant 9984 : i32
        %dma_wait3A_237 = arith.constant 0 : i32
        %dma_wait3A_238 = tpu.memref_slice %arg11[%dma_wait3A_236, %dma_wait3A_237] : memref<10112x64xf32, #tpu.memory_space<vmem_shared>> -> memref<16x64xf32, #tpu.memory_space<vmem_shared>>
        %dma_wait3A_239 = arith.constant 0 : i32
        %dma_wait3A_240 = arith.constant 0 : i32
        %dma_wait3A_241 = tpu.memref_slice %arg15[%dma_wait3A_239, %dma_wait3A_240] : memref<78x64xf32, #tpu.memory_space<vmem>> -> memref<16x64xf32, #tpu.memory_space<vmem>>
        %dma_wait3A_242 = arith.constant 9984 : i32
        %dma_wait3A_243 = arith.constant 0 : i32
        %dma_wait3A_244 = tpu.memref_slice %arg11[%dma_wait3A_242, %dma_wait3A_243] : memref<10112x64xf32, #tpu.memory_space<vmem_shared>> -> memref<16x64xf32, #tpu.memory_space<vmem_shared>>
        tpu.wait_dma2 semaphore(%run_scoped3A : memref<!tpu.dma_semaphore, #tpu.memory_space<semaphore_mem>>) src(%dma_wait3A_244 : memref<16x64xf32, #tpu.memory_space<vmem_shared>>) dst(%dma_wait3A_241 : memref<16x64xf32, #tpu.memory_space<vmem>>)
        tpu.yield
      }) : () -> ()
      %scan3A_215 = arith.constant 0 : i32
      %scan3A_216 = arith.constant 0 : i32
      %scan3A_217 = arith.constant 16 : i32
      %scan3A_218 = arith.addi %scan3A_216, %scan3A_217 : i32
      %scan3A_219 = arith.constant 1 : i32
      scf.for %scan3A_221 = %scan3A_216 to %scan3A_218 step %scan3A_219  : i32 {
        %get3A = arith.index_cast %scan3A_221 : i32 to index
        %get3A_222 = arith.constant 0 : index
        %get3A_223 = tpu.vector_load %arg15[%get3A, %get3A_222] {strides = array<i32>} : memref<78x64xf32, #tpu.memory_space<vmem>>, vector<1x16xf32>,
        %get3A_224 = vector.shape_cast %get3A_223 : vector<1x16xf32> to vector<16xf32>
        %get3A_225 = arith.constant 0 : i32
        %get3A_226 = arith.index_cast %get3A_225 : i32 to index
        %get3A_227 = arith.constant 0 : index
        %get3A_228 = tpu.vector_load %arg16[%get3A_226, %get3A_227] {strides = array<i32>} : memref<1x64xf32, #tpu.memory_space<vmem>>, vector<1x16xf32>,
        %get3A_229 = vector.shape_cast %get3A_228 : vector<1x16xf32> to vector<16xf32>
        %add3A_230 = arith.addf %get3A_224, %get3A_229 : vector<16xf32>
        %max3A = arith.constant 0.000000e+00 : f32
        %max3A_231 = vector.broadcast %max3A : f32 to vector<16xf32>
        %max3A_232 = arith.maximumf %add3A_230, %max3A_231 : vector<16xf32>
        %swap3A = arith.index_cast %scan3A_221 : i32 to index
        %swap3A_233 = arith.constant 0 : index
        %swap3A_234 = tpu.vector_load %arg15[%swap3A, %swap3A_233] {strides = array<i32>} : memref<78x64xf32, #tpu.memory_space<vmem>>, vector<1x16xf32>,
        %swap3A_235 = vector.shape_cast %swap3A_234 : vector<1x16xf32> to vector<16xf32>
        %swap3A_236 = vector.shape_cast %max3A_232 : vector<16xf32> to vector<1x16xf32>
        tpu.vector_store %arg15[%swap3A, %swap3A_233], %swap3A_236 {strides = array<i32>} : memref<78x64xf32, #tpu.memory_space<vmem>>, vector<1x16xf32>,
        %get3A_237 = arith.index_cast %scan3A_221 : i32 to index
        %get3A_238 = arith.constant 16 : index
        %get3A_239 = tpu.vector_load %arg15[%get3A_237, %get3A_238] {strides = array<i32>} : memref<78x64xf32, #tpu.memory_space<vmem>>, vector<1x16xf32>,
        %get3A_240 = vector.shape_cast %get3A_239 : vector<1x16xf32> to vector<16xf32>
        %get3A_241 = arith.constant 0 : i32
        %get3A_242 = arith.index_cast %get3A_241 : i32 to index
        %get3A_243 = arith.constant 16 : index
        %get3A_244 = tpu.vector_load %arg16[%get3A_242, %get3A_243] {strides = array<i32>} : memref<1x64xf32, #tpu.memory_space<vmem>>, vector<1x16xf32>,
        %get3A_245 = vector.shape_cast %get3A_244 : vector<1x16xf32> to vector<16xf32>
        %add3A_246 = arith.addf %get3A_240, %get3A_245 : vector<16xf32>
        %max3A_247 = arith.constant 0.000000e+00 : f32
        %max3A_248 = vector.broadcast %max3A_247 : f32 to vector<16xf32>
        %max3A_249 = arith.maximumf %add3A_246, %max3A_248 : vector<16xf32>
        %swap3A_250 = arith.index_cast %scan3A_221 : i32 to index
        %swap3A_251 = arith.constant 16 : index
        %swap3A_252 = tpu.vector_load %arg15[%swap3A_250, %swap3A_251] {strides = array<i32>} : memref<78x64xf32, #tpu.memory_space<vmem>>, vector<1x16xf32>,
        %swap3A_253 = vector.shape_cast %swap3A_252 : vector<1x16xf32> to vector<16xf32>
        %swap3A_254 = vector.shape_cast %max3A_249 : vector<16xf32> to vector<1x16xf32>
        tpu.vector_store %arg15[%swap3A_250, %swap3A_251], %swap3A_254 {strides = array<i32>} : memref<78x64xf32, #tpu.memory_space<vmem>>, vector<1x16xf32>,
        %get3A_255 = arith.index_cast %scan3A_221 : i32 to index
        %get3A_256 = arith.constant 32 : index
        %get3A_257 = tpu.vector_load %arg15[%get3A_255, %get3A_256] {strides = array<i32>} : memref<78x64xf32, #tpu.memory_space<vmem>>, vector<1x16xf32>,
        %get3A_258 = vector.shape_cast %get3A_257 : vector<1x16xf32> to vector<16xf32>
        %get3A_259 = arith.constant 0 : i32
        %get3A_260 = arith.index_cast %get3A_259 : i32 to index
        %get3A_261 = arith.constant 32 : index
        %get3A_262 = tpu.vector_load %arg16[%get3A_260, %get3A_261] {strides = array<i32>} : memref<1x64xf32, #tpu.memory_space<vmem>>, vector<1x16xf32>,
        %get3A_263 = vector.shape_cast %get3A_262 : vector<1x16xf32> to vector<16xf32>
        %add3A_264 = arith.addf %get3A_258, %get3A_263 : vector<16xf32>
        %max3A_265 = arith.constant 0.000000e+00 : f32
        %max3A_266 = vector.broadcast %max3A_265 : f32 to vector<16xf32>
        %max3A_267 = arith.maximumf %add3A_264, %max3A_266 : vector<16xf32>
        %swap3A_268 = arith.index_cast %scan3A_221 : i32 to index
        %swap3A_269 = arith.constant 32 : index
        %swap3A_270 = tpu.vector_load %arg15[%swap3A_268, %swap3A_269] {strides = array<i32>} : memref<78x64xf32, #tpu.memory_space<vmem>>, vector<1x16xf32>,
        %swap3A_271 = vector.shape_cast %swap3A_270 : vector<1x16xf32> to vector<16xf32>
        %swap3A_272 = vector.shape_cast %max3A_267 : vector<16xf32> to vector<1x16xf32>
        tpu.vector_store %arg15[%swap3A_268, %swap3A_269], %swap3A_272 {strides = array<i32>} : memref<78x64xf32, #tpu.memory_space<vmem>>, vector<1x16xf32>,
        %get3A_273 = arith.index_cast %scan3A_221 : i32 to index
        %get3A_274 = arith.constant 48 : index
        %get3A_275 = tpu.vector_load %arg15[%get3A_273, %get3A_274] {strides = array<i32>} : memref<78x64xf32, #tpu.memory_space<vmem>>, vector<1x16xf32>,
        %get3A_276 = vector.shape_cast %get3A_275 : vector<1x16xf32> to vector<16xf32>
        %get3A_277 = arith.constant 0 : i32
        %get3A_278 = arith.index_cast %get3A_277 : i32 to index
        %get3A_279 = arith.constant 48 : index
        %get3A_280 = tpu.vector_load %arg16[%get3A_278, %get3A_279] {strides = array<i32>} : memref<1x64xf32, #tpu.memory_space<vmem>>, vector<1x16xf32>,
        %get3A_281 = vector.shape_cast %get3A_280 : vector<1x16xf32> to vector<16xf32>
        %add3A_282 = arith.addf %get3A_276, %get3A_281 : vector<16xf32>
        %max3A_283 = arith.constant 0.000000e+00 : f32
        %max3A_284 = vector.broadcast %max3A_283 : f32 to vector<16xf32>
        %max3A_285 = arith.maximumf %add3A_282, %max3A_284 : vector<16xf32>
        %swap3A_286 = arith.index_cast %scan3A_221 : i32 to index
        %swap3A_287 = arith.constant 48 : index
        %swap3A_288 = tpu.vector_load %arg15[%swap3A_286, %swap3A_287] {strides = array<i32>} : memref<78x64xf32, #tpu.memory_space<vmem>>, vector<1x16xf32>,
        %swap3A_289 = vector.shape_cast %swap3A_288 : vector<1x16xf32> to vector<16xf32>
        %swap3A_290 = vector.shape_cast %max3A_285 : vector<16xf32> to vector<1x16xf32>
        tpu.vector_store %arg15[%swap3A_286, %swap3A_287], %swap3A_290 {strides = array<i32>} : memref<78x64xf32, #tpu.memory_space<vmem>>, vector<1x16xf32>,
      }
      %scan3A_220 = arith.constant 16 : i32
      "tpu.region"() ({
        %run_scoped3A = tpu.sem_alloc : memref<!tpu.dma_semaphore, #tpu.memory_space<semaphore_mem>>
        %dma_start3A_221 = arith.constant 0 : i32
        %dma_start3A_222 = arith.constant 0 : i32
        %dma_start3A_223 = tpu.memref_slice %arg15[%dma_start3A_221, %dma_start3A_222] : memref<78x64xf32, #tpu.memory_space<vmem>> -> memref<16x64xf32, #tpu.memory_space<vmem>>
        %dma_start3A_224 = arith.constant 9984 : i32
        %dma_start3A_225 = arith.constant 0 : i32
        %dma_start3A_226 = tpu.memref_slice %arg10[%dma_start3A_224, %dma_start3A_225] : memref<10000x64xf32, #tpu.memory_space<vmem_shared>> -> memref<16x64xf32, #tpu.memory_space<vmem_shared>>
        %dma_start3A_227 = arith.constant 9984 : i32
        %dma_start3A_228 = arith.constant 0 : i32
        %dma_start3A_229 = tpu.memref_slice %arg10[%dma_start3A_227, %dma_start3A_228] : memref<10000x64xf32, #tpu.memory_space<vmem_shared>> -> memref<16x64xf32, #tpu.memory_space<vmem_shared>>
        %dma_start3A_230 = arith.constant 0 : i32
        %dma_start3A_231 = arith.constant 0 : i32
        %dma_start3A_232 = tpu.memref_slice %arg15[%dma_start3A_230, %dma_start3A_231] : memref<78x64xf32, #tpu.memory_space<vmem>> -> memref<16x64xf32, #tpu.memory_space<vmem>>
        tpu.enqueue_dma source(%dma_start3A_232 : memref<16x64xf32, #tpu.memory_space<vmem>>) target(%dma_start3A_229 : memref<16x64xf32, #tpu.memory_space<vmem_shared>>) target_semaphore(%run_scoped3A : memref<!tpu.dma_semaphore, #tpu.memory_space<semaphore_mem>>)
        %dma_wait3A_233 = arith.constant 0 : i32
        %dma_wait3A_234 = arith.constant 0 : i32
        %dma_wait3A_235 = tpu.memref_slice %arg15[%dma_wait3A_233, %dma_wait3A_234] : memref<78x64xf32, #tpu.memory_space<vmem>> -> memref<16x64xf32, #tpu.memory_space<vmem>>
        %dma_wait3A_236 = arith.constant 9984 : i32
        %dma_wait3A_237 = arith.constant 0 : i32
        %dma_wait3A_238 = tpu.memref_slice %arg10[%dma_wait3A_236, %dma_wait3A_237] : memref<10000x64xf32, #tpu.memory_space<vmem_shared>> -> memref<16x64xf32, #tpu.memory_space<vmem_shared>>
        %dma_wait3A_239 = arith.constant 9984 : i32
        %dma_wait3A_240 = arith.constant 0 : i32
        %dma_wait3A_241 = tpu.memref_slice %arg10[%dma_wait3A_239, %dma_wait3A_240] : memref<10000x64xf32, #tpu.memory_space<vmem_shared>> -> memref<16x64xf32, #tpu.memory_space<vmem_shared>>
        %dma_wait3A_242 = arith.constant 0 : i32
        %dma_wait3A_243 = arith.constant 0 : i32
        %dma_wait3A_244 = tpu.memref_slice %arg15[%dma_wait3A_242, %dma_wait3A_243] : memref<78x64xf32, #tpu.memory_space<vmem>> -> memref<16x64xf32, #tpu.memory_space<vmem>>
        tpu.wait_dma2 semaphore(%run_scoped3A : memref<!tpu.dma_semaphore, #tpu.memory_space<semaphore_mem>>) src(%dma_wait3A_244 : memref<16x64xf32, #tpu.memory_space<vmem>>) dst(%dma_wait3A_241 : memref<16x64xf32, #tpu.memory_space<vmem_shared>>)
        tpu.yield
      }) : () -> ()
    } else {
    }
    %barrier3A_140 = arith.constant 0 : index
    tpu.barrier barrier_id(%barrier3A_140)
    "tpu.region"() ({
      %run_scoped3A = tpu.sem_alloc : memref<!tpu.dma_semaphore, #tpu.memory_space<semaphore_mem>>
      %dma_start3A_215 = arith.constant 0 : i32
      %dma_start3A_216 = tpu.memref_slice %arg11[%mul3A_0, %dma_start3A_215] : memref<10112x64xf32, #tpu.memory_space<vmem_shared>> -> memref<632x64xf32, #tpu.memory_space<vmem_shared>>
      %dma_start3A_217 = arith.constant 0 : i32
      %dma_start3A_218 = tpu.memref_slice %arg6[%mul3A_0, %dma_start3A_217] : memref<10112x64xf32, #tpu.memory_space<hbm>> -> memref<632x64xf32, #tpu.memory_space<hbm>>
      tpu.enqueue_dma source(%dma_start3A_218 : memref<632x64xf32, #tpu.memory_space<hbm>>) target(%dma_start3A_216 : memref<632x64xf32, #tpu.memory_space<vmem_shared>>) target_semaphore(%run_scoped3A : memref<!tpu.dma_semaphore, #tpu.memory_space<semaphore_mem>>)
      %dma_wait3A_219 = arith.constant 0 : i32
      %dma_wait3A_220 = tpu.memref_slice %arg11[%mul3A_0, %dma_wait3A_219] : memref<10112x64xf32, #tpu.memory_space<vmem_shared>> -> memref<632x64xf32, #tpu.memory_space<vmem_shared>>
      %dma_wait3A_221 = arith.constant 0 : i32
      %dma_wait3A_222 = tpu.memref_slice %arg6[%mul3A_0, %dma_wait3A_221] : memref<10112x64xf32, #tpu.memory_space<hbm>> -> memref<632x64xf32, #tpu.memory_space<hbm>>
      tpu.wait_dma2 semaphore(%run_scoped3A : memref<!tpu.dma_semaphore, #tpu.memory_space<semaphore_mem>>) src(%dma_wait3A_222 : memref<632x64xf32, #tpu.memory_space<hbm>>) dst(%dma_wait3A_220 : memref<632x64xf32, #tpu.memory_space<vmem_shared>>)
      tpu.yield
    }) : () -> ()
    %barrier3A_141 = arith.constant 0 : index
    tpu.barrier barrier_id(%barrier3A_141)
    %dma_start3A_142 = arith.constant 0 : i32
    %dma_start3A_143 = arith.constant 0 : i32
    %dma_start3A_144 = arith.constant 0 : i32
    %dma_start3A_145 = tpu.memref_slice %arg12[%dma_start3A_142, %dma_start3A_143, %dma_start3A_144] : memref<2x8x128xi32, #tpu.memory_space<vmem>> -> memref<1x8x128xi32, #tpu.memory_space<vmem>>
    %dma_start3A_146 = tpu.memref_squeeze %dma_start3A_145 : memref<1x8x128xi32, #tpu.memory_space<vmem>> -> memref<8x128xi32, #tpu.memory_space<vmem>>
    %dma_start3A_147 = arith.constant 0 : i32
    %dma_start3A_148 = tpu.memref_slice %arg4[%mul3A_4, %dma_start3A_147] : memref<2568x128xi32, #tpu.memory_space<hbm>> -> memref<8x128xi32, #tpu.memory_space<hbm>>
    %dma_start3A_149 = arith.constant 0 : i32
    %dma_start3A_150 = arith.constant 0 : i32
    %dma_start3A_151 = tpu.memref_slice %arg12[%dma_start3A_142, %dma_start3A_149, %dma_start3A_150] : memref<2x8x128xi32, #tpu.memory_space<vmem>> -> memref<1x8x128xi32, #tpu.memory_space<vmem>>
    %dma_start3A_152 = tpu.memref_squeeze %dma_start3A_151 : memref<1x8x128xi32, #tpu.memory_space<vmem>> -> memref<8x128xi32, #tpu.memory_space<vmem>>
    %dma_start3A_153 = arith.constant 0 : i32
    %dma_start3A_154 = tpu.memref_slice %arg4[%mul3A_4, %dma_start3A_153] : memref<2568x128xi32, #tpu.memory_space<hbm>> -> memref<8x128xi32, #tpu.memory_space<hbm>>
    tpu.enqueue_dma source(%dma_start3A_154 : memref<8x128xi32, #tpu.memory_space<hbm>>) target(%dma_start3A_152 : memref<8x128xi32, #tpu.memory_space<vmem>>) target_semaphore(%arg17 : memref<!tpu.dma_semaphore, #tpu.memory_space<semaphore_mem>>)
    %dma_start3A_155 = arith.constant 0 : i32
    %dma_start3A_156 = arith.constant 0 : i32
    %dma_start3A_157 = arith.constant 0 : i32
    %dma_start3A_158 = tpu.memref_slice %arg13[%dma_start3A_155, %dma_start3A_156, %dma_start3A_157] : memref<2x8x128xi32, #tpu.memory_space<vmem>> -> memref<1x8x128xi32, #tpu.memory_space<vmem>>
    %dma_start3A_159 = tpu.memref_squeeze %dma_start3A_158 : memref<1x8x128xi32, #tpu.memory_space<vmem>> -> memref<8x128xi32, #tpu.memory_space<vmem>>
    %dma_start3A_160 = arith.constant 0 : i32
    %dma_start3A_161 = tpu.memref_slice %arg5[%mul3A_4, %dma_start3A_160] : memref<2568x128xi32, #tpu.memory_space<hbm>> -> memref<8x128xi32, #tpu.memory_space<hbm>>
    %dma_start3A_162 = arith.constant 0 : i32
    %dma_start3A_163 = arith.constant 0 : i32
    %dma_start3A_164 = tpu.memref_slice %arg13[%dma_start3A_155, %dma_start3A_162, %dma_start3A_163] : memref<2x8x128xi32, #tpu.memory_space<vmem>> -> memref<1x8x128xi32, #tpu.memory_space<vmem>>
    %dma_start3A_165 = tpu.memref_squeeze %dma_start3A_164 : memref<1x8x128xi32, #tpu.memory_space<vmem>> -> memref<8x128xi32, #tpu.memory_space<vmem>>
    %dma_start3A_166 = arith.constant 0 : i32
    %dma_start3A_167 = tpu.memref_slice %arg5[%mul3A_4, %dma_start3A_166] : memref<2568x128xi32, #tpu.memory_space<hbm>> -> memref<8x128xi32, #tpu.memory_space<hbm>>
    tpu.enqueue_dma source(%dma_start3A_167 : memref<8x128xi32, #tpu.memory_space<hbm>>) target(%dma_start3A_165 : memref<8x128xi32, #tpu.memory_space<vmem>>) target_semaphore(%arg17 : memref<!tpu.dma_semaphore, #tpu.memory_space<semaphore_mem>>)
    %scan3A_168 = arith.constant 0 : i32
    %scan3A_169 = arith.constant 0 : i32
    %scan3A_170 = arith.constant 20 : i32
    %scan3A_171 = arith.addi %scan3A_169, %scan3A_170 : i32
    %scan3A_172 = arith.constant 1 : i32
    scf.for %scan3A_215 = %scan3A_169 to %scan3A_171 step %scan3A_172  : i32 {
      %rem3A = arith.constant 2 : i32
      %rem3A_216 = arith.remsi %scan3A_215, %rem3A : i32
      %sub3A = arith.constant 1 : i32
      %sub3A_217 = arith.subi %sub3A, %rem3A_216 : i32
      %dma_wait3A_218 = arith.constant 0 : i32
      %dma_wait3A_219 = arith.constant 0 : i32
      %dma_wait3A_220 = arith.constant 0 : i32
      %dma_wait3A_221 = tpu.memref_slice %arg12[%dma_wait3A_218, %dma_wait3A_219, %dma_wait3A_220] : memref<2x8x128xi32, #tpu.memory_space<vmem>> -> memref<1x8x128xi32, #tpu.memory_space<vmem>>
      %dma_wait3A_222 = tpu.memref_squeeze %dma_wait3A_221 : memref<1x8x128xi32, #tpu.memory_space<vmem>> -> memref<8x128xi32, #tpu.memory_space<vmem>>
      %dma_wait3A_223 = arith.constant 0 : i32
      %dma_wait3A_224 = arith.constant 0 : i32
      %dma_wait3A_225 = tpu.memref_slice %arg4[%dma_wait3A_223, %dma_wait3A_224] : memref<2568x128xi32, #tpu.memory_space<hbm>> -> memref<8x128xi32, #tpu.memory_space<hbm>>
      %dma_wait3A_226 = arith.constant 0 : i32
      %dma_wait3A_227 = arith.constant 0 : i32
      %dma_wait3A_228 = tpu.memref_slice %arg12[%dma_wait3A_218, %dma_wait3A_226, %dma_wait3A_227] : memref<2x8x128xi32, #tpu.memory_space<vmem>> -> memref<1x8x128xi32, #tpu.memory_space<vmem>>
      %dma_wait3A_229 = tpu.memref_squeeze %dma_wait3A_228 : memref<1x8x128xi32, #tpu.memory_space<vmem>> -> memref<8x128xi32, #tpu.memory_space<vmem>>
      %dma_wait3A_230 = arith.constant 0 : i32
      %dma_wait3A_231 = arith.constant 0 : i32
      %dma_wait3A_232 = tpu.memref_slice %arg4[%dma_wait3A_230, %dma_wait3A_231] : memref<2568x128xi32, #tpu.memory_space<hbm>> -> memref<8x128xi32, #tpu.memory_space<hbm>>
      tpu.wait_dma2 semaphore(%arg17 : memref<!tpu.dma_semaphore, #tpu.memory_space<semaphore_mem>>) src(%dma_wait3A_232 : memref<8x128xi32, #tpu.memory_space<hbm>>) dst(%dma_wait3A_229 : memref<8x128xi32, #tpu.memory_space<vmem>>)
      %dma_wait3A_233 = arith.constant 0 : i32
      %dma_wait3A_234 = arith.constant 0 : i32
      %dma_wait3A_235 = arith.constant 0 : i32
      %dma_wait3A_236 = tpu.memref_slice %arg13[%dma_wait3A_233, %dma_wait3A_234, %dma_wait3A_235] : memref<2x8x128xi32, #tpu.memory_space<vmem>> -> memref<1x8x128xi32, #tpu.memory_space<vmem>>
      %dma_wait3A_237 = tpu.memref_squeeze %dma_wait3A_236 : memref<1x8x128xi32, #tpu.memory_space<vmem>> -> memref<8x128xi32, #tpu.memory_space<vmem>>
      %dma_wait3A_238 = arith.constant 0 : i32
      %dma_wait3A_239 = arith.constant 0 : i32
      %dma_wait3A_240 = tpu.memref_slice %arg5[%dma_wait3A_238, %dma_wait3A_239] : memref<2568x128xi32, #tpu.memory_space<hbm>> -> memref<8x128xi32, #tpu.memory_space<hbm>>
      %dma_wait3A_241 = arith.constant 0 : i32
      %dma_wait3A_242 = arith.constant 0 : i32
      %dma_wait3A_243 = tpu.memref_slice %arg13[%dma_wait3A_233, %dma_wait3A_241, %dma_wait3A_242] : memref<2x8x128xi32, #tpu.memory_space<vmem>> -> memref<1x8x128xi32, #tpu.memory_space<vmem>>
      %dma_wait3A_244 = tpu.memref_squeeze %dma_wait3A_243 : memref<1x8x128xi32, #tpu.memory_space<vmem>> -> memref<8x128xi32, #tpu.memory_space<vmem>>
      %dma_wait3A_245 = arith.constant 0 : i32
      %dma_wait3A_246 = arith.constant 0 : i32
      %dma_wait3A_247 = tpu.memref_slice %arg5[%dma_wait3A_245, %dma_wait3A_246] : memref<2568x128xi32, #tpu.memory_space<hbm>> -> memref<8x128xi32, #tpu.memory_space<hbm>>
      tpu.wait_dma2 semaphore(%arg17 : memref<!tpu.dma_semaphore, #tpu.memory_space<semaphore_mem>>) src(%dma_wait3A_247 : memref<8x128xi32, #tpu.memory_space<hbm>>) dst(%dma_wait3A_244 : memref<8x128xi32, #tpu.memory_space<vmem>>)
      %add3A_248 = arith.constant 1 : i32
      %add3A_249 = arith.addi %scan3A_215, %add3A_248 : i32
      %mul3A_250 = arith.constant 8 : i32
      %mul3A_251 = arith.muli %add3A_249, %mul3A_250 : i32
      %add3A_252 = arith.addi %mul3A_4, %mul3A_251 : i32
      %dma_start3A_253 = arith.constant 0 : i32
      %dma_start3A_254 = arith.constant 0 : i32
      %dma_start3A_255 = tpu.memref_slice %arg12[%sub3A_217, %dma_start3A_253, %dma_start3A_254] : memref<2x8x128xi32, #tpu.memory_space<vmem>> -> memref<1x8x128xi32, #tpu.memory_space<vmem>>
      %dma_start3A_256 = tpu.memref_squeeze %dma_start3A_255 : memref<1x8x128xi32, #tpu.memory_space<vmem>> -> memref<8x128xi32, #tpu.memory_space<vmem>>
      %dma_start3A_257 = arith.constant 0 : i32
      %dma_start3A_258 = tpu.memref_slice %arg4[%add3A_252, %dma_start3A_257] : memref<2568x128xi32, #tpu.memory_space<hbm>> -> memref<8x128xi32, #tpu.memory_space<hbm>>
      %dma_start3A_259 = arith.constant 0 : i32
      %dma_start3A_260 = arith.constant 0 : i32
      %dma_start3A_261 = tpu.memref_slice %arg12[%sub3A_217, %dma_start3A_259, %dma_start3A_260] : memref<2x8x128xi32, #tpu.memory_space<vmem>> -> memref<1x8x128xi32, #tpu.memory_space<vmem>>
      %dma_start3A_262 = tpu.memref_squeeze %dma_start3A_261 : memref<1x8x128xi32, #tpu.memory_space<vmem>> -> memref<8x128xi32, #tpu.memory_space<vmem>>
      %dma_start3A_263 = arith.constant 0 : i32
      %dma_start3A_264 = tpu.memref_slice %arg4[%add3A_252, %dma_start3A_263] : memref<2568x128xi32, #tpu.memory_space<hbm>> -> memref<8x128xi32, #tpu.memory_space<hbm>>
      tpu.enqueue_dma source(%dma_start3A_264 : memref<8x128xi32, #tpu.memory_space<hbm>>) target(%dma_start3A_262 : memref<8x128xi32, #tpu.memory_space<vmem>>) target_semaphore(%arg17 : memref<!tpu.dma_semaphore, #tpu.memory_space<semaphore_mem>>)
      %dma_start3A_265 = arith.constant 0 : i32
      %dma_start3A_266 = arith.constant 0 : i32
      %dma_start3A_267 = tpu.memref_slice %arg13[%sub3A_217, %dma_start3A_265, %dma_start3A_266] : memref<2x8x128xi32, #tpu.memory_space<vmem>> -> memref<1x8x128xi32, #tpu.memory_space<vmem>>
      %dma_start3A_268 = tpu.memref_squeeze %dma_start3A_267 : memref<1x8x128xi32, #tpu.memory_space<vmem>> -> memref<8x128xi32, #tpu.memory_space<vmem>>
      %dma_start3A_269 = arith.constant 0 : i32
      %dma_start3A_270 = tpu.memref_slice %arg5[%add3A_252, %dma_start3A_269] : memref<2568x128xi32, #tpu.memory_space<hbm>> -> memref<8x128xi32, #tpu.memory_space<hbm>>
      %dma_start3A_271 = arith.constant 0 : i32
      %dma_start3A_272 = arith.constant 0 : i32
      %dma_start3A_273 = tpu.memref_slice %arg13[%sub3A_217, %dma_start3A_271, %dma_start3A_272] : memref<2x8x128xi32, #tpu.memory_space<vmem>> -> memref<1x8x128xi32, #tpu.memory_space<vmem>>
      %dma_start3A_274 = tpu.memref_squeeze %dma_start3A_273 : memref<1x8x128xi32, #tpu.memory_space<vmem>> -> memref<8x128xi32, #tpu.memory_space<vmem>>
      %dma_start3A_275 = arith.constant 0 : i32
      %dma_start3A_276 = tpu.memref_slice %arg5[%add3A_252, %dma_start3A_275] : memref<2568x128xi32, #tpu.memory_space<hbm>> -> memref<8x128xi32, #tpu.memory_space<hbm>>
      tpu.enqueue_dma source(%dma_start3A_276 : memref<8x128xi32, #tpu.memory_space<hbm>>) target(%dma_start3A_274 : memref<8x128xi32, #tpu.memory_space<vmem>>) target_semaphore(%arg17 : memref<!tpu.dma_semaphore, #tpu.memory_space<semaphore_mem>>)
      %dma_start3A_277 = arith.constant 0 : i32
      %dma_start3A_278 = arith.constant 0 : i32
      %dma_start3A_279 = arith.constant 0 : i32
      %dma_start3A_280 = arith.constant 0 : i32
      %dma_start3A_281 = tpu.memref_slice %arg14[%dma_start3A_278, %dma_start3A_279, %dma_start3A_280] : memref<4x128x64xf32, #tpu.memory_space<vmem>> -> memref<1x128x64xf32, #tpu.memory_space<vmem>>
      %dma_start3A_282 = tpu.memref_squeeze %dma_start3A_281 : memref<1x128x64xf32, #tpu.memory_space<vmem>> -> memref<128x64xf32, #tpu.memory_space<vmem>>
      %dma_start3A_283 = arith.constant 0 : i32
      %dma_start3A_284 = tpu.memref_slice %arg12[%rem3A_216, %dma_start3A_277, %dma_start3A_283] : memref<2x8x128xi32, #tpu.memory_space<vmem>> -> memref<1x1x128xi32, #tpu.memory_space<vmem>>
      %dma_start3A_285 = tpu.memref_squeeze %dma_start3A_284 : memref<1x1x128xi32, #tpu.memory_space<vmem>> -> memref<128xi32, #tpu.memory_space<vmem>>
      %dma_start3A_286 = arith.constant 0 : i32
      %dma_start3A_287 = arith.constant 0 : i32
      %dma_start3A_288 = tpu.memref_slice %arg10[%dma_start3A_286, %dma_start3A_287] : memref<10000x64xf32, #tpu.memory_space<vmem_shared>> -> memref<10000x64xf32, #tpu.memory_space<vmem_shared>>
      tpu.enqueue_indirect_dma source(%dma_start3A_288 : memref<10000x64xf32, #tpu.memory_space<vmem_shared>>) target(%dma_start3A_282 : memref<128x64xf32, #tpu.memory_space<vmem>>) offsets(%dma_start3A_285 : memref<128xi32, #tpu.memory_space<vmem>>) semaphore(%arg18 : memref<!tpu.dma_semaphore, #tpu.memory_space<semaphore_mem>>)
      %dma_start3A_289 = arith.constant 1 : i32
      %dma_start3A_290 = arith.constant 1 : i32
      %dma_start3A_291 = arith.constant 0 : i32
      %dma_start3A_292 = arith.constant 0 : i32
      %dma_start3A_293 = tpu.memref_slice %arg14[%dma_start3A_290, %dma_start3A_291, %dma_start3A_292] : memref<4x128x64xf32, #tpu.memory_space<vmem>> -> memref<1x128x64xf32, #tpu.memory_space<vmem>>
      %dma_start3A_294 = tpu.memref_squeeze %dma_start3A_293 : memref<1x128x64xf32, #tpu.memory_space<vmem>> -> memref<128x64xf32, #tpu.memory_space<vmem>>
      %dma_start3A_295 = arith.constant 0 : i32
      %dma_start3A_296 = tpu.memref_slice %arg12[%rem3A_216, %dma_start3A_289, %dma_start3A_295] : memref<2x8x128xi32, #tpu.memory_space<vmem>> -> memref<1x1x128xi32, #tpu.memory_space<vmem>>
      %dma_start3A_297 = tpu.memref_squeeze %dma_start3A_296 : memref<1x1x128xi32, #tpu.memory_space<vmem>> -> memref<128xi32, #tpu.memory_space<vmem>>
      %dma_start3A_298 = arith.constant 0 : i32
      %dma_start3A_299 = arith.constant 0 : i32
      %dma_start3A_300 = tpu.memref_slice %arg10[%dma_start3A_298, %dma_start3A_299] : memref<10000x64xf32, #tpu.memory_space<vmem_shared>> -> memref<10000x64xf32, #tpu.memory_space<vmem_shared>>
      tpu.enqueue_indirect_dma source(%dma_start3A_300 : memref<10000x64xf32, #tpu.memory_space<vmem_shared>>) target(%dma_start3A_294 : memref<128x64xf32, #tpu.memory_space<vmem>>) offsets(%dma_start3A_297 : memref<128xi32, #tpu.memory_space<vmem>>) semaphore(%arg19 : memref<!tpu.dma_semaphore, #tpu.memory_space<semaphore_mem>>)
      %dma_wait3A_301 = arith.constant 0 : i32
      %dma_wait3A_302 = arith.constant 0 : i32
      %dma_wait3A_303 = arith.constant 0 : i32
      %dma_wait3A_304 = arith.constant 0 : i32
      %dma_wait3A_305 = tpu.memref_slice %arg14[%dma_wait3A_302, %dma_wait3A_303, %dma_wait3A_304] : memref<4x128x64xf32, #tpu.memory_space<vmem>> -> memref<1x128x64xf32, #tpu.memory_space<vmem>>
      %dma_wait3A_306 = tpu.memref_squeeze %dma_wait3A_305 : memref<1x128x64xf32, #tpu.memory_space<vmem>> -> memref<128x64xf32, #tpu.memory_space<vmem>>
      %dma_wait3A_307 = arith.constant 0 : i32
      %dma_wait3A_308 = tpu.memref_slice %arg12[%rem3A_216, %dma_wait3A_301, %dma_wait3A_307] : memref<2x8x128xi32, #tpu.memory_space<vmem>> -> memref<1x1x128xi32, #tpu.memory_space<vmem>>
      %dma_wait3A_309 = tpu.memref_squeeze %dma_wait3A_308 : memref<1x1x128xi32, #tpu.memory_space<vmem>> -> memref<128xi32, #tpu.memory_space<vmem>>
      %dma_wait3A_310 = arith.constant 0 : i32
      %dma_wait3A_311 = arith.constant 0 : i32
      %dma_wait3A_312 = tpu.memref_slice %arg10[%dma_wait3A_310, %dma_wait3A_311] : memref<10000x64xf32, #tpu.memory_space<vmem_shared>> -> memref<10000x64xf32, #tpu.memory_space<vmem_shared>>
      tpu.wait_indirect_dma semaphore(%arg18 : memref<!tpu.dma_semaphore, #tpu.memory_space<semaphore_mem>>) src(%dma_wait3A_312 : memref<10000x64xf32, #tpu.memory_space<vmem_shared>>) dst(%dma_wait3A_306 : memref<128x64xf32, #tpu.memory_space<vmem>>)
      %dma_start3A_313 = arith.constant 0 : i32
      %dma_start3A_314 = arith.constant 0 : i32
      %dma_start3A_315 = arith.constant 0 : i32
      %dma_start3A_316 = arith.constant 0 : i32
      %dma_start3A_317 = tpu.memref_slice %arg14[%dma_start3A_313, %dma_start3A_315, %dma_start3A_316] : memref<4x128x64xf32, #tpu.memory_space<vmem>> -> memref<1x128x64xf32, #tpu.memory_space<vmem>>
      %dma_start3A_318 = tpu.memref_squeeze %dma_start3A_317 : memref<1x128x64xf32, #tpu.memory_space<vmem>> -> memref<128x64xf32, #tpu.memory_space<vmem>>
      %dma_start3A_319 = arith.constant 0 : i32
      %dma_start3A_320 = tpu.memref_slice %arg13[%rem3A_216, %dma_start3A_314, %dma_start3A_319] : memref<2x8x128xi32, #tpu.memory_space<vmem>> -> memref<1x1x128xi32, #tpu.memory_space<vmem>>
      %dma_start3A_321 = tpu.memref_squeeze %dma_start3A_320 : memref<1x1x128xi32, #tpu.memory_space<vmem>> -> memref<128xi32, #tpu.memory_space<vmem>>
      %dma_start3A_322 = arith.constant 0 : i32
      %dma_start3A_323 = arith.constant 0 : i32
      %dma_start3A_324 = tpu.memref_slice %arg11[%dma_start3A_322, %dma_start3A_323] : memref<10112x64xf32, #tpu.memory_space<vmem_shared>> -> memref<10112x64xf32, #tpu.memory_space<vmem_shared>>
      tpu.enqueue_indirect_dma source(%dma_start3A_318 : memref<128x64xf32, #tpu.memory_space<vmem>>) target(%dma_start3A_324 : memref<10112x64xf32, #tpu.memory_space<vmem_shared>>) offsets(%dma_start3A_321 : memref<128xi32, #tpu.memory_space<vmem>>) semaphore(%arg22 : memref<!tpu.dma_semaphore, #tpu.memory_space<semaphore_mem>>) {add = true}
      %dma_start3A_325 = arith.constant 2 : i32
      %dma_start3A_326 = arith.constant 2 : i32
      %dma_start3A_327 = arith.constant 0 : i32
      %dma_start3A_328 = arith.constant 0 : i32
      %dma_start3A_329 = tpu.memref_slice %arg14[%dma_start3A_326, %dma_start3A_327, %dma_start3A_328] : memref<4x128x64xf32, #tpu.memory_space<vmem>> -> memref<1x128x64xf32, #tpu.memory_space<vmem>>
      %dma_start3A_330 = tpu.memref_squeeze %dma_start3A_329 : memref<1x128x64xf32, #tpu.memory_space<vmem>> -> memref<128x64xf32, #tpu.memory_space<vmem>>
      %dma_start3A_331 = arith.constant 0 : i32
      %dma_start3A_332 = tpu.memref_slice %arg12[%rem3A_216, %dma_start3A_325, %dma_start3A_331] : memref<2x8x128xi32, #tpu.memory_space<vmem>> -> memref<1x1x128xi32, #tpu.memory_space<vmem>>
      %dma_start3A_333 = tpu.memref_squeeze %dma_start3A_332 : memref<1x1x128xi32, #tpu.memory_space<vmem>> -> memref<128xi32, #tpu.memory_space<vmem>>
      %dma_start3A_334 = arith.constant 0 : i32
      %dma_start3A_335 = arith.constant 0 : i32
      %dma_start3A_336 = tpu.memref_slice %arg10[%dma_start3A_334, %dma_start3A_335] : memref<10000x64xf32, #tpu.memory_space<vmem_shared>> -> memref<10000x64xf32, #tpu.memory_space<vmem_shared>>
      tpu.enqueue_indirect_dma source(%dma_start3A_336 : memref<10000x64xf32, #tpu.memory_space<vmem_shared>>) target(%dma_start3A_330 : memref<128x64xf32, #tpu.memory_space<vmem>>) offsets(%dma_start3A_333 : memref<128xi32, #tpu.memory_space<vmem>>) semaphore(%arg20 : memref<!tpu.dma_semaphore, #tpu.memory_space<semaphore_mem>>)
      %dma_wait3A_337 = arith.constant 1 : i32
      %dma_wait3A_338 = arith.constant 1 : i32
      %dma_wait3A_339 = arith.constant 0 : i32
      %dma_wait3A_340 = arith.constant 0 : i32
      %dma_wait3A_341 = tpu.memref_slice %arg14[%dma_wait3A_338, %dma_wait3A_339, %dma_wait3A_340] : memref<4x128x64xf32, #tpu.memory_space<vmem>> -> memref<1x128x64xf32, #tpu.memory_space<vmem>>
      %dma_wait3A_342 = tpu.memref_squeeze %dma_wait3A_341 : memref<1x128x64xf32, #tpu.memory_space<vmem>> -> memref<128x64xf32, #tpu.memory_space<vmem>>
      %dma_wait3A_343 = arith.constant 0 : i32
      %dma_wait3A_344 = tpu.memref_slice %arg12[%rem3A_216, %dma_wait3A_337, %dma_wait3A_343] : memref<2x8x128xi32, #tpu.memory_space<vmem>> -> memref<1x1x128xi32, #tpu.memory_space<vmem>>
      %dma_wait3A_345 = tpu.memref_squeeze %dma_wait3A_344 : memref<1x1x128xi32, #tpu.memory_space<vmem>> -> memref<128xi32, #tpu.memory_space<vmem>>
      %dma_wait3A_346 = arith.constant 0 : i32
      %dma_wait3A_347 = arith.constant 0 : i32
      %dma_wait3A_348 = tpu.memref_slice %arg10[%dma_wait3A_346, %dma_wait3A_347] : memref<10000x64xf32, #tpu.memory_space<vmem_shared>> -> memref<10000x64xf32, #tpu.memory_space<vmem_shared>>
      tpu.wait_indirect_dma semaphore(%arg19 : memref<!tpu.dma_semaphore, #tpu.memory_space<semaphore_mem>>) src(%dma_wait3A_348 : memref<10000x64xf32, #tpu.memory_space<vmem_shared>>) dst(%dma_wait3A_342 : memref<128x64xf32, #tpu.memory_space<vmem>>)
      %dma_start3A_349 = arith.constant 1 : i32
      %dma_start3A_350 = arith.constant 1 : i32
      %dma_start3A_351 = arith.constant 0 : i32
      %dma_start3A_352 = arith.constant 0 : i32
      %dma_start3A_353 = tpu.memref_slice %arg14[%dma_start3A_349, %dma_start3A_351, %dma_start3A_352] : memref<4x128x64xf32, #tpu.memory_space<vmem>> -> memref<1x128x64xf32, #tpu.memory_space<vmem>>
      %dma_start3A_354 = tpu.memref_squeeze %dma_start3A_353 : memref<1x128x64xf32, #tpu.memory_space<vmem>> -> memref<128x64xf32, #tpu.memory_space<vmem>>
      %dma_start3A_355 = arith.constant 0 : i32
      %dma_start3A_356 = tpu.memref_slice %arg13[%rem3A_216, %dma_start3A_350, %dma_start3A_355] : memref<2x8x128xi32, #tpu.memory_space<vmem>> -> memref<1x1x128xi32, #tpu.memory_space<vmem>>
      %dma_start3A_357 = tpu.memref_squeeze %dma_start3A_356 : memref<1x1x128xi32, #tpu.memory_space<vmem>> -> memref<128xi32, #tpu.memory_space<vmem>>
      %dma_start3A_358 = arith.constant 0 : i32
      %dma_start3A_359 = arith.constant 0 : i32
      %dma_start3A_360 = tpu.memref_slice %arg11[%dma_start3A_358, %dma_start3A_359] : memref<10112x64xf32, #tpu.memory_space<vmem_shared>> -> memref<10112x64xf32, #tpu.memory_space<vmem_shared>>
      tpu.enqueue_indirect_dma source(%dma_start3A_354 : memref<128x64xf32, #tpu.memory_space<vmem>>) target(%dma_start3A_360 : memref<10112x64xf32, #tpu.memory_space<vmem_shared>>) offsets(%dma_start3A_357 : memref<128xi32, #tpu.memory_space<vmem>>) semaphore(%arg23 : memref<!tpu.dma_semaphore, #tpu.memory_space<semaphore_mem>>) {add = true}
      %dma_start3A_361 = arith.constant 3 : i32
      %dma_start3A_362 = arith.constant 3 : i32
      %dma_start3A_363 = arith.constant 0 : i32
      %dma_start3A_364 = arith.constant 0 : i32
      %dma_start3A_365 = tpu.memref_slice %arg14[%dma_start3A_362, %dma_start3A_363, %dma_start3A_364] : memref<4x128x64xf32, #tpu.memory_space<vmem>> -> memref<1x128x64xf32, #tpu.memory_space<vmem>>
      %dma_start3A_366 = tpu.memref_squeeze %dma_start3A_365 : memref<1x128x64xf32, #tpu.memory_space<vmem>> -> memref<128x64xf32, #tpu.memory_space<vmem>>
      %dma_start3A_367 = arith.constant 0 : i32
      %dma_start3A_368 = tpu.memref_slice %arg12[%rem3A_216, %dma_start3A_361, %dma_start3A_367] : memref<2x8x128xi32, #tpu.memory_space<vmem>> -> memref<1x1x128xi32, #tpu.memory_space<vmem>>
      %dma_start3A_369 = tpu.memref_squeeze %dma_start3A_368 : memref<1x1x128xi32, #tpu.memory_space<vmem>> -> memref<128xi32, #tpu.memory_space<vmem>>
      %dma_start3A_370 = arith.constant 0 : i32
      %dma_start3A_371 = arith.constant 0 : i32
      %dma_start3A_372 = tpu.memref_slice %arg10[%dma_start3A_370, %dma_start3A_371] : memref<10000x64xf32, #tpu.memory_space<vmem_shared>> -> memref<10000x64xf32, #tpu.memory_space<vmem_shared>>
      tpu.enqueue_indirect_dma source(%dma_start3A_372 : memref<10000x64xf32, #tpu.memory_space<vmem_shared>>) target(%dma_start3A_366 : memref<128x64xf32, #tpu.memory_space<vmem>>) offsets(%dma_start3A_369 : memref<128xi32, #tpu.memory_space<vmem>>) semaphore(%arg21 : memref<!tpu.dma_semaphore, #tpu.memory_space<semaphore_mem>>)
      %dma_wait3A_373 = arith.constant 2 : i32
      %dma_wait3A_374 = arith.constant 2 : i32
      %dma_wait3A_375 = arith.constant 0 : i32
      %dma_wait3A_376 = arith.constant 0 : i32
      %dma_wait3A_377 = tpu.memref_slice %arg14[%dma_wait3A_374, %dma_wait3A_375, %dma_wait3A_376] : memref<4x128x64xf32, #tpu.memory_space<vmem>> -> memref<1x128x64xf32, #tpu.memory_space<vmem>>
      %dma_wait3A_378 = tpu.memref_squeeze %dma_wait3A_377 : memref<1x128x64xf32, #tpu.memory_space<vmem>> -> memref<128x64xf32, #tpu.memory_space<vmem>>
      %dma_wait3A_379 = arith.constant 0 : i32
      %dma_wait3A_380 = tpu.memref_slice %arg12[%rem3A_216, %dma_wait3A_373, %dma_wait3A_379] : memref<2x8x128xi32, #tpu.memory_space<vmem>> -> memref<1x1x128xi32, #tpu.memory_space<vmem>>
      %dma_wait3A_381 = tpu.memref_squeeze %dma_wait3A_380 : memref<1x1x128xi32, #tpu.memory_space<vmem>> -> memref<128xi32, #tpu.memory_space<vmem>>
      %dma_wait3A_382 = arith.constant 0 : i32
      %dma_wait3A_383 = arith.constant 0 : i32
      %dma_wait3A_384 = tpu.memref_slice %arg10[%dma_wait3A_382, %dma_wait3A_383] : memref<10000x64xf32, #tpu.memory_space<vmem_shared>> -> memref<10000x64xf32, #tpu.memory_space<vmem_shared>>
      tpu.wait_indirect_dma semaphore(%arg20 : memref<!tpu.dma_semaphore, #tpu.memory_space<semaphore_mem>>) src(%dma_wait3A_384 : memref<10000x64xf32, #tpu.memory_space<vmem_shared>>) dst(%dma_wait3A_378 : memref<128x64xf32, #tpu.memory_space<vmem>>)
      %dma_start3A_385 = arith.constant 2 : i32
      %dma_start3A_386 = arith.constant 2 : i32
      %dma_start3A_387 = arith.constant 0 : i32
      %dma_start3A_388 = arith.constant 0 : i32
      %dma_start3A_389 = tpu.memref_slice %arg14[%dma_start3A_385, %dma_start3A_387, %dma_start3A_388] : memref<4x128x64xf32, #tpu.memory_space<vmem>> -> memref<1x128x64xf32, #tpu.memory_space<vmem>>
      %dma_start3A_390 = tpu.memref_squeeze %dma_start3A_389 : memref<1x128x64xf32, #tpu.memory_space<vmem>> -> memref<128x64xf32, #tpu.memory_space<vmem>>
      %dma_start3A_391 = arith.constant 0 : i32
      %dma_start3A_392 = tpu.memref_slice %arg13[%rem3A_216, %dma_start3A_386, %dma_start3A_391] : memref<2x8x128xi32, #tpu.memory_space<vmem>> -> memref<1x1x128xi32, #tpu.memory_space<vmem>>
      %dma_start3A_393 = tpu.memref_squeeze %dma_start3A_392 : memref<1x1x128xi32, #tpu.memory_space<vmem>> -> memref<128xi32, #tpu.memory_space<vmem>>
      %dma_start3A_394 = arith.constant 0 : i32
      %dma_start3A_395 = arith.constant 0 : i32
      %dma_start3A_396 = tpu.memref_slice %arg11[%dma_start3A_394, %dma_start3A_395] : memref<10112x64xf32, #tpu.memory_space<vmem_shared>> -> memref<10112x64xf32, #tpu.memory_space<vmem_shared>>
      tpu.enqueue_indirect_dma source(%dma_start3A_390 : memref<128x64xf32, #tpu.memory_space<vmem>>) target(%dma_start3A_396 : memref<10112x64xf32, #tpu.memory_space<vmem_shared>>) offsets(%dma_start3A_393 : memref<128xi32, #tpu.memory_space<vmem>>) semaphore(%arg24 : memref<!tpu.dma_semaphore, #tpu.memory_space<semaphore_mem>>) {add = true}
      %dma_wait3A_397 = arith.constant 0 : i32
      %dma_wait3A_398 = arith.constant 0 : i32
      %dma_wait3A_399 = arith.constant 0 : i32
      %dma_wait3A_400 = arith.constant 0 : i32
      %dma_wait3A_401 = tpu.memref_slice %arg14[%dma_wait3A_397, %dma_wait3A_399, %dma_wait3A_400] : memref<4x128x64xf32, #tpu.memory_space<vmem>> -> memref<1x128x64xf32, #tpu.memory_space<vmem>>
      %dma_wait3A_402 = tpu.memref_squeeze %dma_wait3A_401 : memref<1x128x64xf32, #tpu.memory_space<vmem>> -> memref<128x64xf32, #tpu.memory_space<vmem>>
      %dma_wait3A_403 = arith.constant 0 : i32
      %dma_wait3A_404 = tpu.memref_slice %arg13[%rem3A_216, %dma_wait3A_398, %dma_wait3A_403] : memref<2x8x128xi32, #tpu.memory_space<vmem>> -> memref<1x1x128xi32, #tpu.memory_space<vmem>>
      %dma_wait3A_405 = tpu.memref_squeeze %dma_wait3A_404 : memref<1x1x128xi32, #tpu.memory_space<vmem>> -> memref<128xi32, #tpu.memory_space<vmem>>
      %dma_wait3A_406 = arith.constant 0 : i32
      %dma_wait3A_407 = arith.constant 0 : i32
      %dma_wait3A_408 = tpu.memref_slice %arg11[%dma_wait3A_406, %dma_wait3A_407] : memref<10112x64xf32, #tpu.memory_space<vmem_shared>> -> memref<10112x64xf32, #tpu.memory_space<vmem_shared>>
      tpu.wait_indirect_dma semaphore(%arg22 : memref<!tpu.dma_semaphore, #tpu.memory_space<semaphore_mem>>) src(%dma_wait3A_402 : memref<128x64xf32, #tpu.memory_space<vmem>>) dst(%dma_wait3A_408 : memref<10112x64xf32, #tpu.memory_space<vmem_shared>>)
      %dma_start3A_409 = arith.constant 4 : i32
      %dma_start3A_410 = arith.constant 0 : i32
      %dma_start3A_411 = arith.constant 0 : i32
      %dma_start3A_412 = arith.constant 0 : i32
      %dma_start3A_413 = tpu.memref_slice %arg14[%dma_start3A_410, %dma_start3A_411, %dma_start3A_412] : memref<4x128x64xf32, #tpu.memory_space<vmem>> -> memref<1x128x64xf32, #tpu.memory_space<vmem>>
      %dma_start3A_414 = tpu.memref_squeeze %dma_start3A_413 : memref<1x128x64xf32, #tpu.memory_space<vmem>> -> memref<128x64xf32, #tpu.memory_space<vmem>>
      %dma_start3A_415 = arith.constant 0 : i32
      %dma_start3A_416 = tpu.memref_slice %arg12[%rem3A_216, %dma_start3A_409, %dma_start3A_415] : memref<2x8x128xi32, #tpu.memory_space<vmem>> -> memref<1x1x128xi32, #tpu.memory_space<vmem>>
      %dma_start3A_417 = tpu.memref_squeeze %dma_start3A_416 : memref<1x1x128xi32, #tpu.memory_space<vmem>> -> memref<128xi32, #tpu.memory_space<vmem>>
      %dma_start3A_418 = arith.constant 0 : i32
      %dma_start3A_419 = arith.constant 0 : i32
      %dma_start3A_420 = tpu.memref_slice %arg10[%dma_start3A_418, %dma_start3A_419] : memref<10000x64xf32, #tpu.memory_space<vmem_shared>> -> memref<10000x64xf32, #tpu.memory_space<vmem_shared>>
      tpu.enqueue_indirect_dma source(%dma_start3A_420 : memref<10000x64xf32, #tpu.memory_space<vmem_shared>>) target(%dma_start3A_414 : memref<128x64xf32, #tpu.memory_space<vmem>>) offsets(%dma_start3A_417 : memref<128xi32, #tpu.memory_space<vmem>>) semaphore(%arg18 : memref<!tpu.dma_semaphore, #tpu.memory_space<semaphore_mem>>)
      %dma_wait3A_421 = arith.constant 3 : i32
      %dma_wait3A_422 = arith.constant 3 : i32
      %dma_wait3A_423 = arith.constant 0 : i32
      %dma_wait3A_424 = arith.constant 0 : i32
      %dma_wait3A_425 = tpu.memref_slice %arg14[%dma_wait3A_422, %dma_wait3A_423, %dma_wait3A_424] : memref<4x128x64xf32, #tpu.memory_space<vmem>> -> memref<1x128x64xf32, #tpu.memory_space<vmem>>
      %dma_wait3A_426 = tpu.memref_squeeze %dma_wait3A_425 : memref<1x128x64xf32, #tpu.memory_space<vmem>> -> memref<128x64xf32, #tpu.memory_space<vmem>>
      %dma_wait3A_427 = arith.constant 0 : i32
      %dma_wait3A_428 = tpu.memref_slice %arg12[%rem3A_216, %dma_wait3A_421, %dma_wait3A_427] : memref<2x8x128xi32, #tpu.memory_space<vmem>> -> memref<1x1x128xi32, #tpu.memory_space<vmem>>
      %dma_wait3A_429 = tpu.memref_squeeze %dma_wait3A_428 : memref<1x1x128xi32, #tpu.memory_space<vmem>> -> memref<128xi32, #tpu.memory_space<vmem>>
      %dma_wait3A_430 = arith.constant 0 : i32
      %dma_wait3A_431 = arith.constant 0 : i32
      %dma_wait3A_432 = tpu.memref_slice %arg10[%dma_wait3A_430, %dma_wait3A_431] : memref<10000x64xf32, #tpu.memory_space<vmem_shared>> -> memref<10000x64xf32, #tpu.memory_space<vmem_shared>>
      tpu.wait_indirect_dma semaphore(%arg21 : memref<!tpu.dma_semaphore, #tpu.memory_space<semaphore_mem>>) src(%dma_wait3A_432 : memref<10000x64xf32, #tpu.memory_space<vmem_shared>>) dst(%dma_wait3A_426 : memref<128x64xf32, #tpu.memory_space<vmem>>)
      %dma_start3A_433 = arith.constant 3 : i32
      %dma_start3A_434 = arith.constant 3 : i32
      %dma_start3A_435 = arith.constant 0 : i32
      %dma_start3A_436 = arith.constant 0 : i32
      %dma_start3A_437 = tpu.memref_slice %arg14[%dma_start3A_433, %dma_start3A_435, %dma_start3A_436] : memref<4x128x64xf32, #tpu.memory_space<vmem>> -> memref<1x128x64xf32, #tpu.memory_space<vmem>>
      %dma_start3A_438 = tpu.memref_squeeze %dma_start3A_437 : memref<1x128x64xf32, #tpu.memory_space<vmem>> -> memref<128x64xf32, #tpu.memory_space<vmem>>
      %dma_start3A_439 = arith.constant 0 : i32
      %dma_start3A_440 = tpu.memref_slice %arg13[%rem3A_216, %dma_start3A_434, %dma_start3A_439] : memref<2x8x128xi32, #tpu.memory_space<vmem>> -> memref<1x1x128xi32, #tpu.memory_space<vmem>>
      %dma_start3A_441 = tpu.memref_squeeze %dma_start3A_440 : memref<1x1x128xi32, #tpu.memory_space<vmem>> -> memref<128xi32, #tpu.memory_space<vmem>>
      %dma_start3A_442 = arith.constant 0 : i32
      %dma_start3A_443 = arith.constant 0 : i32
      %dma_start3A_444 = tpu.memref_slice %arg11[%dma_start3A_442, %dma_start3A_443] : memref<10112x64xf32, #tpu.memory_space<vmem_shared>> -> memref<10112x64xf32, #tpu.memory_space<vmem_shared>>
      tpu.enqueue_indirect_dma source(%dma_start3A_438 : memref<128x64xf32, #tpu.memory_space<vmem>>) target(%dma_start3A_444 : memref<10112x64xf32, #tpu.memory_space<vmem_shared>>) offsets(%dma_start3A_441 : memref<128xi32, #tpu.memory_space<vmem>>) semaphore(%arg25 : memref<!tpu.dma_semaphore, #tpu.memory_space<semaphore_mem>>) {add = true}
      %dma_wait3A_445 = arith.constant 1 : i32
      %dma_wait3A_446 = arith.constant 1 : i32
      %dma_wait3A_447 = arith.constant 0 : i32
      %dma_wait3A_448 = arith.constant 0 : i32
      %dma_wait3A_449 = tpu.memref_slice %arg14[%dma_wait3A_445, %dma_wait3A_447, %dma_wait3A_448] : memref<4x128x64xf32, #tpu.memory_space<vmem>> -> memref<1x128x64xf32, #tpu.memory_space<vmem>>
      %dma_wait3A_450 = tpu.memref_squeeze %dma_wait3A_449 : memref<1x128x64xf32, #tpu.memory_space<vmem>> -> memref<128x64xf32, #tpu.memory_space<vmem>>
      %dma_wait3A_451 = arith.constant 0 : i32
      %dma_wait3A_452 = tpu.memref_slice %arg13[%rem3A_216, %dma_wait3A_446, %dma_wait3A_451] : memref<2x8x128xi32, #tpu.memory_space<vmem>> -> memref<1x1x128xi32, #tpu.memory_space<vmem>>
      %dma_wait3A_453 = tpu.memref_squeeze %dma_wait3A_452 : memref<1x1x128xi32, #tpu.memory_space<vmem>> -> memref<128xi32, #tpu.memory_space<vmem>>
      %dma_wait3A_454 = arith.constant 0 : i32
      %dma_wait3A_455 = arith.constant 0 : i32
      %dma_wait3A_456 = tpu.memref_slice %arg11[%dma_wait3A_454, %dma_wait3A_455] : memref<10112x64xf32, #tpu.memory_space<vmem_shared>> -> memref<10112x64xf32, #tpu.memory_space<vmem_shared>>
      tpu.wait_indirect_dma semaphore(%arg23 : memref<!tpu.dma_semaphore, #tpu.memory_space<semaphore_mem>>) src(%dma_wait3A_450 : memref<128x64xf32, #tpu.memory_space<vmem>>) dst(%dma_wait3A_456 : memref<10112x64xf32, #tpu.memory_space<vmem_shared>>)
      %dma_start3A_457 = arith.constant 5 : i32
      %dma_start3A_458 = arith.constant 1 : i32
      %dma_start3A_459 = arith.constant 0 : i32
      %dma_start3A_460 = arith.constant 0 : i32
      %dma_start3A_461 = tpu.memref_slice %arg14[%dma_start3A_458, %dma_start3A_459, %dma_start3A_460] : memref<4x128x64xf32, #tpu.memory_space<vmem>> -> memref<1x128x64xf32, #tpu.memory_space<vmem>>
      %dma_start3A_462 = tpu.memref_squeeze %dma_start3A_461 : memref<1x128x64xf32, #tpu.memory_space<vmem>> -> memref<128x64xf32, #tpu.memory_space<vmem>>
      %dma_start3A_463 = arith.constant 0 : i32
      %dma_start3A_464 = tpu.memref_slice %arg12[%rem3A_216, %dma_start3A_457, %dma_start3A_463] : memref<2x8x128xi32, #tpu.memory_space<vmem>> -> memref<1x1x128xi32, #tpu.memory_space<vmem>>
      %dma_start3A_465 = tpu.memref_squeeze %dma_start3A_464 : memref<1x1x128xi32, #tpu.memory_space<vmem>> -> memref<128xi32, #tpu.memory_space<vmem>>
      %dma_start3A_466 = arith.constant 0 : i32
      %dma_start3A_467 = arith.constant 0 : i32
      %dma_start3A_468 = tpu.memref_slice %arg10[%dma_start3A_466, %dma_start3A_467] : memref<10000x64xf32, #tpu.memory_space<vmem_shared>> -> memref<10000x64xf32, #tpu.memory_space<vmem_shared>>
      tpu.enqueue_indirect_dma source(%dma_start3A_468 : memref<10000x64xf32, #tpu.memory_space<vmem_shared>>) target(%dma_start3A_462 : memref<128x64xf32, #tpu.memory_space<vmem>>) offsets(%dma_start3A_465 : memref<128xi32, #tpu.memory_space<vmem>>) semaphore(%arg19 : memref<!tpu.dma_semaphore, #tpu.memory_space<semaphore_mem>>)
      %dma_wait3A_469 = arith.constant 4 : i32
      %dma_wait3A_470 = arith.constant 0 : i32
      %dma_wait3A_471 = arith.constant 0 : i32
      %dma_wait3A_472 = arith.constant 0 : i32
      %dma_wait3A_473 = tpu.memref_slice %arg14[%dma_wait3A_470, %dma_wait3A_471, %dma_wait3A_472] : memref<4x128x64xf32, #tpu.memory_space<vmem>> -> memref<1x128x64xf32, #tpu.memory_space<vmem>>
      %dma_wait3A_474 = tpu.memref_squeeze %dma_wait3A_473 : memref<1x128x64xf32, #tpu.memory_space<vmem>> -> memref<128x64xf32, #tpu.memory_space<vmem>>
      %dma_wait3A_475 = arith.constant 0 : i32
      %dma_wait3A_476 = tpu.memref_slice %arg12[%rem3A_216, %dma_wait3A_469, %dma_wait3A_475] : memref<2x8x128xi32, #tpu.memory_space<vmem>> -> memref<1x1x128xi32, #tpu.memory_space<vmem>>
      %dma_wait3A_477 = tpu.memref_squeeze %dma_wait3A_476 : memref<1x1x128xi32, #tpu.memory_space<vmem>> -> memref<128xi32, #tpu.memory_space<vmem>>
      %dma_wait3A_478 = arith.constant 0 : i32
      %dma_wait3A_479 = arith.constant 0 : i32
      %dma_wait3A_480 = tpu.memref_slice %arg10[%dma_wait3A_478, %dma_wait3A_479] : memref<10000x64xf32, #tpu.memory_space<vmem_shared>> -> memref<10000x64xf32, #tpu.memory_space<vmem_shared>>
      tpu.wait_indirect_dma semaphore(%arg18 : memref<!tpu.dma_semaphore, #tpu.memory_space<semaphore_mem>>) src(%dma_wait3A_480 : memref<10000x64xf32, #tpu.memory_space<vmem_shared>>) dst(%dma_wait3A_474 : memref<128x64xf32, #tpu.memory_space<vmem>>)
      %dma_start3A_481 = arith.constant 0 : i32
      %dma_start3A_482 = arith.constant 4 : i32
      %dma_start3A_483 = arith.constant 0 : i32
      %dma_start3A_484 = arith.constant 0 : i32
      %dma_start3A_485 = tpu.memref_slice %arg14[%dma_start3A_481, %dma_start3A_483, %dma_start3A_484] : memref<4x128x64xf32, #tpu.memory_space<vmem>> -> memref<1x128x64xf32, #tpu.memory_space<vmem>>
      %dma_start3A_486 = tpu.memref_squeeze %dma_start3A_485 : memref<1x128x64xf32, #tpu.memory_space<vmem>> -> memref<128x64xf32, #tpu.memory_space<vmem>>
      %dma_start3A_487 = arith.constant 0 : i32
      %dma_start3A_488 = tpu.memref_slice %arg13[%rem3A_216, %dma_start3A_482, %dma_start3A_487] : memref<2x8x128xi32, #tpu.memory_space<vmem>> -> memref<1x1x128xi32, #tpu.memory_space<vmem>>
      %dma_start3A_489 = tpu.memref_squeeze %dma_start3A_488 : memref<1x1x128xi32, #tpu.memory_space<vmem>> -> memref<128xi32, #tpu.memory_space<vmem>>
      %dma_start3A_490 = arith.constant 0 : i32
      %dma_start3A_491 = arith.constant 0 : i32
      %dma_start3A_492 = tpu.memref_slice %arg11[%dma_start3A_490, %dma_start3A_491] : memref<10112x64xf32, #tpu.memory_space<vmem_shared>> -> memref<10112x64xf32, #tpu.memory_space<vmem_shared>>
      tpu.enqueue_indirect_dma source(%dma_start3A_486 : memref<128x64xf32, #tpu.memory_space<vmem>>) target(%dma_start3A_492 : memref<10112x64xf32, #tpu.memory_space<vmem_shared>>) offsets(%dma_start3A_489 : memref<128xi32, #tpu.memory_space<vmem>>) semaphore(%arg22 : memref<!tpu.dma_semaphore, #tpu.memory_space<semaphore_mem>>) {add = true}
      %dma_wait3A_493 = arith.constant 2 : i32
      %dma_wait3A_494 = arith.constant 2 : i32
      %dma_wait3A_495 = arith.constant 0 : i32
      %dma_wait3A_496 = arith.constant 0 : i32
      %dma_wait3A_497 = tpu.memref_slice %arg14[%dma_wait3A_493, %dma_wait3A_495, %dma_wait3A_496] : memref<4x128x64xf32, #tpu.memory_space<vmem>> -> memref<1x128x64xf32, #tpu.memory_space<vmem>>
      %dma_wait3A_498 = tpu.memref_squeeze %dma_wait3A_497 : memref<1x128x64xf32, #tpu.memory_space<vmem>> -> memref<128x64xf32, #tpu.memory_space<vmem>>
      %dma_wait3A_499 = arith.constant 0 : i32
      %dma_wait3A_500 = tpu.memref_slice %arg13[%rem3A_216, %dma_wait3A_494, %dma_wait3A_499] : memref<2x8x128xi32, #tpu.memory_space<vmem>> -> memref<1x1x128xi32, #tpu.memory_space<vmem>>
      %dma_wait3A_501 = tpu.memref_squeeze %dma_wait3A_500 : memref<1x1x128xi32, #tpu.memory_space<vmem>> -> memref<128xi32, #tpu.memory_space<vmem>>
      %dma_wait3A_502 = arith.constant 0 : i32
      %dma_wait3A_503 = arith.constant 0 : i32
      %dma_wait3A_504 = tpu.memref_slice %arg11[%dma_wait3A_502, %dma_wait3A_503] : memref<10112x64xf32, #tpu.memory_space<vmem_shared>> -> memref<10112x64xf32, #tpu.memory_space<vmem_shared>>
      tpu.wait_indirect_dma semaphore(%arg24 : memref<!tpu.dma_semaphore, #tpu.memory_space<semaphore_mem>>) src(%dma_wait3A_498 : memref<128x64xf32, #tpu.memory_space<vmem>>) dst(%dma_wait3A_504 : memref<10112x64xf32, #tpu.memory_space<vmem_shared>>)
      %dma_start3A_505 = arith.constant 6 : i32
      %dma_start3A_506 = arith.constant 2 : i32
      %dma_start3A_507 = arith.constant 0 : i32
      %dma_start3A_508 = arith.constant 0 : i32
      %dma_start3A_509 = tpu.memref_slice %arg14[%dma_start3A_506, %dma_start3A_507, %dma_start3A_508] : memref<4x128x64xf32, #tpu.memory_space<vmem>> -> memref<1x128x64xf32, #tpu.memory_space<vmem>>
      %dma_start3A_510 = tpu.memref_squeeze %dma_start3A_509 : memref<1x128x64xf32, #tpu.memory_space<vmem>> -> memref<128x64xf32, #tpu.memory_space<vmem>>
      %dma_start3A_511 = arith.constant 0 : i32
      %dma_start3A_512 = tpu.memref_slice %arg12[%rem3A_216, %dma_start3A_505, %dma_start3A_511] : memref<2x8x128xi32, #tpu.memory_space<vmem>> -> memref<1x1x128xi32, #tpu.memory_space<vmem>>
      %dma_start3A_513 = tpu.memref_squeeze %dma_start3A_512 : memref<1x1x128xi32, #tpu.memory_space<vmem>> -> memref<128xi32, #tpu.memory_space<vmem>>
      %dma_start3A_514 = arith.constant 0 : i32
      %dma_start3A_515 = arith.constant 0 : i32
      %dma_start3A_516 = tpu.memref_slice %arg10[%dma_start3A_514, %dma_start3A_515] : memref<10000x64xf32, #tpu.memory_space<vmem_shared>> -> memref<10000x64xf32, #tpu.memory_space<vmem_shared>>
      tpu.enqueue_indirect_dma source(%dma_start3A_516 : memref<10000x64xf32, #tpu.memory_space<vmem_shared>>) target(%dma_start3A_510 : memref<128x64xf32, #tpu.memory_space<vmem>>) offsets(%dma_start3A_513 : memref<128xi32, #tpu.memory_space<vmem>>) semaphore(%arg20 : memref<!tpu.dma_semaphore, #tpu.memory_space<semaphore_mem>>)
      %dma_wait3A_517 = arith.constant 5 : i32
      %dma_wait3A_518 = arith.constant 1 : i32
      %dma_wait3A_519 = arith.constant 0 : i32
      %dma_wait3A_520 = arith.constant 0 : i32
      %dma_wait3A_521 = tpu.memref_slice %arg14[%dma_wait3A_518, %dma_wait3A_519, %dma_wait3A_520] : memref<4x128x64xf32, #tpu.memory_space<vmem>> -> memref<1x128x64xf32, #tpu.memory_space<vmem>>
      %dma_wait3A_522 = tpu.memref_squeeze %dma_wait3A_521 : memref<1x128x64xf32, #tpu.memory_space<vmem>> -> memref<128x64xf32, #tpu.memory_space<vmem>>
      %dma_wait3A_523 = arith.constant 0 : i32
      %dma_wait3A_524 = tpu.memref_slice %arg12[%rem3A_216, %dma_wait3A_517, %dma_wait3A_523] : memref<2x8x128xi32, #tpu.memory_space<vmem>> -> memref<1x1x128xi32, #tpu.memory_space<vmem>>
      %dma_wait3A_525 = tpu.memref_squeeze %dma_wait3A_524 : memref<1x1x128xi32, #tpu.memory_space<vmem>> -> memref<128xi32, #tpu.memory_space<vmem>>
      %dma_wait3A_526 = arith.constant 0 : i32
      %dma_wait3A_527 = arith.constant 0 : i32
      %dma_wait3A_528 = tpu.memref_slice %arg10[%dma_wait3A_526, %dma_wait3A_527] : memref<10000x64xf32, #tpu.memory_space<vmem_shared>> -> memref<10000x64xf32, #tpu.memory_space<vmem_shared>>
      tpu.wait_indirect_dma semaphore(%arg19 : memref<!tpu.dma_semaphore, #tpu.memory_space<semaphore_mem>>) src(%dma_wait3A_528 : memref<10000x64xf32, #tpu.memory_space<vmem_shared>>) dst(%dma_wait3A_522 : memref<128x64xf32, #tpu.memory_space<vmem>>)
      %dma_start3A_529 = arith.constant 1 : i32
      %dma_start3A_530 = arith.constant 5 : i32
      %dma_start3A_531 = arith.constant 0 : i32
      %dma_start3A_532 = arith.constant 0 : i32
      %dma_start3A_533 = tpu.memref_slice %arg14[%dma_start3A_529, %dma_start3A_531, %dma_start3A_532] : memref<4x128x64xf32, #tpu.memory_space<vmem>> -> memref<1x128x64xf32, #tpu.memory_space<vmem>>
      %dma_start3A_534 = tpu.memref_squeeze %dma_start3A_533 : memref<1x128x64xf32, #tpu.memory_space<vmem>> -> memref<128x64xf32, #tpu.memory_space<vmem>>
      %dma_start3A_535 = arith.constant 0 : i32
      %dma_start3A_536 = tpu.memref_slice %arg13[%rem3A_216, %dma_start3A_530, %dma_start3A_535] : memref<2x8x128xi32, #tpu.memory_space<vmem>> -> memref<1x1x128xi32, #tpu.memory_space<vmem>>
      %dma_start3A_537 = tpu.memref_squeeze %dma_start3A_536 : memref<1x1x128xi32, #tpu.memory_space<vmem>> -> memref<128xi32, #tpu.memory_space<vmem>>
      %dma_start3A_538 = arith.constant 0 : i32
      %dma_start3A_539 = arith.constant 0 : i32
      %dma_start3A_540 = tpu.memref_slice %arg11[%dma_start3A_538, %dma_start3A_539] : memref<10112x64xf32, #tpu.memory_space<vmem_shared>> -> memref<10112x64xf32, #tpu.memory_space<vmem_shared>>
      tpu.enqueue_indirect_dma source(%dma_start3A_534 : memref<128x64xf32, #tpu.memory_space<vmem>>) target(%dma_start3A_540 : memref<10112x64xf32, #tpu.memory_space<vmem_shared>>) offsets(%dma_start3A_537 : memref<128xi32, #tpu.memory_space<vmem>>) semaphore(%arg23 : memref<!tpu.dma_semaphore, #tpu.memory_space<semaphore_mem>>) {add = true}
      %dma_wait3A_541 = arith.constant 3 : i32
      %dma_wait3A_542 = arith.constant 3 : i32
      %dma_wait3A_543 = arith.constant 0 : i32
      %dma_wait3A_544 = arith.constant 0 : i32
      %dma_wait3A_545 = tpu.memref_slice %arg14[%dma_wait3A_541, %dma_wait3A_543, %dma_wait3A_544] : memref<4x128x64xf32, #tpu.memory_space<vmem>> -> memref<1x128x64xf32, #tpu.memory_space<vmem>>
      %dma_wait3A_546 = tpu.memref_squeeze %dma_wait3A_545 : memref<1x128x64xf32, #tpu.memory_space<vmem>> -> memref<128x64xf32, #tpu.memory_space<vmem>>
      %dma_wait3A_547 = arith.constant 0 : i32
      %dma_wait3A_548 = tpu.memref_slice %arg13[%rem3A_216, %dma_wait3A_542, %dma_wait3A_547] : memref<2x8x128xi32, #tpu.memory_space<vmem>> -> memref<1x1x128xi32, #tpu.memory_space<vmem>>
      %dma_wait3A_549 = tpu.memref_squeeze %dma_wait3A_548 : memref<1x1x128xi32, #tpu.memory_space<vmem>> -> memref<128xi32, #tpu.memory_space<vmem>>
      %dma_wait3A_550 = arith.constant 0 : i32
      %dma_wait3A_551 = arith.constant 0 : i32
      %dma_wait3A_552 = tpu.memref_slice %arg11[%dma_wait3A_550, %dma_wait3A_551] : memref<10112x64xf32, #tpu.memory_space<vmem_shared>> -> memref<10112x64xf32, #tpu.memory_space<vmem_shared>>
      tpu.wait_indirect_dma semaphore(%arg25 : memref<!tpu.dma_semaphore, #tpu.memory_space<semaphore_mem>>) src(%dma_wait3A_546 : memref<128x64xf32, #tpu.memory_space<vmem>>) dst(%dma_wait3A_552 : memref<10112x64xf32, #tpu.memory_space<vmem_shared>>)
      %dma_start3A_553 = arith.constant 7 : i32
      %dma_start3A_554 = arith.constant 3 : i32
      %dma_start3A_555 = arith.constant 0 : i32
      %dma_start3A_556 = arith.constant 0 : i32
      %dma_start3A_557 = tpu.memref_slice %arg14[%dma_start3A_554, %dma_start3A_555, %dma_start3A_556] : memref<4x128x64xf32, #tpu.memory_space<vmem>> -> memref<1x128x64xf32, #tpu.memory_space<vmem>>
      %dma_start3A_558 = tpu.memref_squeeze %dma_start3A_557 : memref<1x128x64xf32, #tpu.memory_space<vmem>> -> memref<128x64xf32, #tpu.memory_space<vmem>>
      %dma_start3A_559 = arith.constant 0 : i32
      %dma_start3A_560 = tpu.memref_slice %arg12[%rem3A_216, %dma_start3A_553, %dma_start3A_559] : memref<2x8x128xi32, #tpu.memory_space<vmem>> -> memref<1x1x128xi32, #tpu.memory_space<vmem>>
      %dma_start3A_561 = tpu.memref_squeeze %dma_start3A_560 : memref<1x1x128xi32, #tpu.memory_space<vmem>> -> memref<128xi32, #tpu.memory_space<vmem>>
      %dma_start3A_562 = arith.constant 0 : i32
      %dma_start3A_563 = arith.constant 0 : i32
      %dma_start3A_564 = tpu.memref_slice %arg10[%dma_start3A_562, %dma_start3A_563] : memref<10000x64xf32, #tpu.memory_space<vmem_shared>> -> memref<10000x64xf32, #tpu.memory_space<vmem_shared>>
      tpu.enqueue_indirect_dma source(%dma_start3A_564 : memref<10000x64xf32, #tpu.memory_space<vmem_shared>>) target(%dma_start3A_558 : memref<128x64xf32, #tpu.memory_space<vmem>>) offsets(%dma_start3A_561 : memref<128xi32, #tpu.memory_space<vmem>>) semaphore(%arg21 : memref<!tpu.dma_semaphore, #tpu.memory_space<semaphore_mem>>)
      %dma_wait3A_565 = arith.constant 6 : i32
      %dma_wait3A_566 = arith.constant 2 : i32
      %dma_wait3A_567 = arith.constant 0 : i32
      %dma_wait3A_568 = arith.constant 0 : i32
      %dma_wait3A_569 = tpu.memref_slice %arg14[%dma_wait3A_566, %dma_wait3A_567, %dma_wait3A_568] : memref<4x128x64xf32, #tpu.memory_space<vmem>> -> memref<1x128x64xf32, #tpu.memory_space<vmem>>
      %dma_wait3A_570 = tpu.memref_squeeze %dma_wait3A_569 : memref<1x128x64xf32, #tpu.memory_space<vmem>> -> memref<128x64xf32, #tpu.memory_space<vmem>>
      %dma_wait3A_571 = arith.constant 0 : i32
      %dma_wait3A_572 = tpu.memref_slice %arg12[%rem3A_216, %dma_wait3A_565, %dma_wait3A_571] : memref<2x8x128xi32, #tpu.memory_space<vmem>> -> memref<1x1x128xi32, #tpu.memory_space<vmem>>
      %dma_wait3A_573 = tpu.memref_squeeze %dma_wait3A_572 : memref<1x1x128xi32, #tpu.memory_space<vmem>> -> memref<128xi32, #tpu.memory_space<vmem>>
      %dma_wait3A_574 = arith.constant 0 : i32
      %dma_wait3A_575 = arith.constant 0 : i32
      %dma_wait3A_576 = tpu.memref_slice %arg10[%dma_wait3A_574, %dma_wait3A_575] : memref<10000x64xf32, #tpu.memory_space<vmem_shared>> -> memref<10000x64xf32, #tpu.memory_space<vmem_shared>>
      tpu.wait_indirect_dma semaphore(%arg20 : memref<!tpu.dma_semaphore, #tpu.memory_space<semaphore_mem>>) src(%dma_wait3A_576 : memref<10000x64xf32, #tpu.memory_space<vmem_shared>>) dst(%dma_wait3A_570 : memref<128x64xf32, #tpu.memory_space<vmem>>)
      %dma_start3A_577 = arith.constant 2 : i32
      %dma_start3A_578 = arith.constant 6 : i32
      %dma_start3A_579 = arith.constant 0 : i32
      %dma_start3A_580 = arith.constant 0 : i32
      %dma_start3A_581 = tpu.memref_slice %arg14[%dma_start3A_577, %dma_start3A_579, %dma_start3A_580] : memref<4x128x64xf32, #tpu.memory_space<vmem>> -> memref<1x128x64xf32, #tpu.memory_space<vmem>>
      %dma_start3A_582 = tpu.memref_squeeze %dma_start3A_581 : memref<1x128x64xf32, #tpu.memory_space<vmem>> -> memref<128x64xf32, #tpu.memory_space<vmem>>
      %dma_start3A_583 = arith.constant 0 : i32
      %dma_start3A_584 = tpu.memref_slice %arg13[%rem3A_216, %dma_start3A_578, %dma_start3A_583] : memref<2x8x128xi32, #tpu.memory_space<vmem>> -> memref<1x1x128xi32, #tpu.memory_space<vmem>>
      %dma_start3A_585 = tpu.memref_squeeze %dma_start3A_584 : memref<1x1x128xi32, #tpu.memory_space<vmem>> -> memref<128xi32, #tpu.memory_space<vmem>>
      %dma_start3A_586 = arith.constant 0 : i32
      %dma_start3A_587 = arith.constant 0 : i32
      %dma_start3A_588 = tpu.memref_slice %arg11[%dma_start3A_586, %dma_start3A_587] : memref<10112x64xf32, #tpu.memory_space<vmem_shared>> -> memref<10112x64xf32, #tpu.memory_space<vmem_shared>>
      tpu.enqueue_indirect_dma source(%dma_start3A_582 : memref<128x64xf32, #tpu.memory_space<vmem>>) target(%dma_start3A_588 : memref<10112x64xf32, #tpu.memory_space<vmem_shared>>) offsets(%dma_start3A_585 : memref<128xi32, #tpu.memory_space<vmem>>) semaphore(%arg24 : memref<!tpu.dma_semaphore, #tpu.memory_space<semaphore_mem>>) {add = true}
      %dma_wait3A_589 = arith.constant 7 : i32
      %dma_wait3A_590 = arith.constant 3 : i32
      %dma_wait3A_591 = arith.constant 0 : i32
      %dma_wait3A_592 = arith.constant 0 : i32
      %dma_wait3A_593 = tpu.memref_slice %arg14[%dma_wait3A_590, %dma_wait3A_591, %dma_wait3A_592] : memref<4x128x64xf32, #tpu.memory_space<vmem>> -> memref<1x128x64xf32, #tpu.memory_space<vmem>>
      %dma_wait3A_594 = tpu.memref_squeeze %dma_wait3A_593 : memref<1x128x64xf32, #tpu.memory_space<vmem>> -> memref<128x64xf32, #tpu.memory_space<vmem>>
      %dma_wait3A_595 = arith.constant 0 : i32
      %dma_wait3A_596 = tpu.memref_slice %arg12[%rem3A_216, %dma_wait3A_589, %dma_wait3A_595] : memref<2x8x128xi32, #tpu.memory_space<vmem>> -> memref<1x1x128xi32, #tpu.memory_space<vmem>>
      %dma_wait3A_597 = tpu.memref_squeeze %dma_wait3A_596 : memref<1x1x128xi32, #tpu.memory_space<vmem>> -> memref<128xi32, #tpu.memory_space<vmem>>
      %dma_wait3A_598 = arith.constant 0 : i32
      %dma_wait3A_599 = arith.constant 0 : i32
      %dma_wait3A_600 = tpu.memref_slice %arg10[%dma_wait3A_598, %dma_wait3A_599] : memref<10000x64xf32, #tpu.memory_space<vmem_shared>> -> memref<10000x64xf32, #tpu.memory_space<vmem_shared>>
      tpu.wait_indirect_dma semaphore(%arg21 : memref<!tpu.dma_semaphore, #tpu.memory_space<semaphore_mem>>) src(%dma_wait3A_600 : memref<10000x64xf32, #tpu.memory_space<vmem_shared>>) dst(%dma_wait3A_594 : memref<128x64xf32, #tpu.memory_space<vmem>>)
      %dma_start3A_601 = arith.constant 3 : i32
      %dma_start3A_602 = arith.constant 7 : i32
      %dma_start3A_603 = arith.constant 0 : i32
      %dma_start3A_604 = arith.constant 0 : i32
      %dma_start3A_605 = tpu.memref_slice %arg14[%dma_start3A_601, %dma_start3A_603, %dma_start3A_604] : memref<4x128x64xf32, #tpu.memory_space<vmem>> -> memref<1x128x64xf32, #tpu.memory_space<vmem>>
      %dma_start3A_606 = tpu.memref_squeeze %dma_start3A_605 : memref<1x128x64xf32, #tpu.memory_space<vmem>> -> memref<128x64xf32, #tpu.memory_space<vmem>>
      %dma_start3A_607 = arith.constant 0 : i32
      %dma_start3A_608 = tpu.memref_slice %arg13[%rem3A_216, %dma_start3A_602, %dma_start3A_607] : memref<2x8x128xi32, #tpu.memory_space<vmem>> -> memref<1x1x128xi32, #tpu.memory_space<vmem>>
      %dma_start3A_609 = tpu.memref_squeeze %dma_start3A_608 : memref<1x1x128xi32, #tpu.memory_space<vmem>> -> memref<128xi32, #tpu.memory_space<vmem>>
      %dma_start3A_610 = arith.constant 0 : i32
      %dma_start3A_611 = arith.constant 0 : i32
      %dma_start3A_612 = tpu.memref_slice %arg11[%dma_start3A_610, %dma_start3A_611] : memref<10112x64xf32, #tpu.memory_space<vmem_shared>> -> memref<10112x64xf32, #tpu.memory_space<vmem_shared>>
      tpu.enqueue_indirect_dma source(%dma_start3A_606 : memref<128x64xf32, #tpu.memory_space<vmem>>) target(%dma_start3A_612 : memref<10112x64xf32, #tpu.memory_space<vmem_shared>>) offsets(%dma_start3A_609 : memref<128xi32, #tpu.memory_space<vmem>>) semaphore(%arg25 : memref<!tpu.dma_semaphore, #tpu.memory_space<semaphore_mem>>) {add = true}
      %dma_wait3A_613 = arith.constant 0 : i32
      %dma_wait3A_614 = arith.constant 4 : i32
      %dma_wait3A_615 = arith.constant 0 : i32
      %dma_wait3A_616 = arith.constant 0 : i32
      %dma_wait3A_617 = tpu.memref_slice %arg14[%dma_wait3A_613, %dma_wait3A_615, %dma_wait3A_616] : memref<4x128x64xf32, #tpu.memory_space<vmem>> -> memref<1x128x64xf32, #tpu.memory_space<vmem>>
      %dma_wait3A_618 = tpu.memref_squeeze %dma_wait3A_617 : memref<1x128x64xf32, #tpu.memory_space<vmem>> -> memref<128x64xf32, #tpu.memory_space<vmem>>
      %dma_wait3A_619 = arith.constant 0 : i32
      %dma_wait3A_620 = tpu.memref_slice %arg13[%rem3A_216, %dma_wait3A_614, %dma_wait3A_619] : memref<2x8x128xi32, #tpu.memory_space<vmem>> -> memref<1x1x128xi32, #tpu.memory_space<vmem>>
      %dma_wait3A_621 = tpu.memref_squeeze %dma_wait3A_620 : memref<1x1x128xi32, #tpu.memory_space<vmem>> -> memref<128xi32, #tpu.memory_space<vmem>>
      %dma_wait3A_622 = arith.constant 0 : i32
      %dma_wait3A_623 = arith.constant 0 : i32
      %dma_wait3A_624 = tpu.memref_slice %arg11[%dma_wait3A_622, %dma_wait3A_623] : memref<10112x64xf32, #tpu.memory_space<vmem_shared>> -> memref<10112x64xf32, #tpu.memory_space<vmem_shared>>
      tpu.wait_indirect_dma semaphore(%arg22 : memref<!tpu.dma_semaphore, #tpu.memory_space<semaphore_mem>>) src(%dma_wait3A_618 : memref<128x64xf32, #tpu.memory_space<vmem>>) dst(%dma_wait3A_624 : memref<10112x64xf32, #tpu.memory_space<vmem_shared>>)
      %dma_wait3A_625 = arith.constant 1 : i32
      %dma_wait3A_626 = arith.constant 5 : i32
      %dma_wait3A_627 = arith.constant 0 : i32
      %dma_wait3A_628 = arith.constant 0 : i32
      %dma_wait3A_629 = tpu.memref_slice %arg14[%dma_wait3A_625, %dma_wait3A_627, %dma_wait3A_628] : memref<4x128x64xf32, #tpu.memory_space<vmem>> -> memref<1x128x64xf32, #tpu.memory_space<vmem>>
      %dma_wait3A_630 = tpu.memref_squeeze %dma_wait3A_629 : memref<1x128x64xf32, #tpu.memory_space<vmem>> -> memref<128x64xf32, #tpu.memory_space<vmem>>
      %dma_wait3A_631 = arith.constant 0 : i32
      %dma_wait3A_632 = tpu.memref_slice %arg13[%rem3A_216, %dma_wait3A_626, %dma_wait3A_631] : memref<2x8x128xi32, #tpu.memory_space<vmem>> -> memref<1x1x128xi32, #tpu.memory_space<vmem>>
      %dma_wait3A_633 = tpu.memref_squeeze %dma_wait3A_632 : memref<1x1x128xi32, #tpu.memory_space<vmem>> -> memref<128xi32, #tpu.memory_space<vmem>>
      %dma_wait3A_634 = arith.constant 0 : i32
      %dma_wait3A_635 = arith.constant 0 : i32
      %dma_wait3A_636 = tpu.memref_slice %arg11[%dma_wait3A_634, %dma_wait3A_635] : memref<10112x64xf32, #tpu.memory_space<vmem_shared>> -> memref<10112x64xf32, #tpu.memory_space<vmem_shared>>
      tpu.wait_indirect_dma semaphore(%arg23 : memref<!tpu.dma_semaphore, #tpu.memory_space<semaphore_mem>>) src(%dma_wait3A_630 : memref<128x64xf32, #tpu.memory_space<vmem>>) dst(%dma_wait3A_636 : memref<10112x64xf32, #tpu.memory_space<vmem_shared>>)
      %dma_wait3A_637 = arith.constant 2 : i32
      %dma_wait3A_638 = arith.constant 6 : i32
      %dma_wait3A_639 = arith.constant 0 : i32
      %dma_wait3A_640 = arith.constant 0 : i32
      %dma_wait3A_641 = tpu.memref_slice %arg14[%dma_wait3A_637, %dma_wait3A_639, %dma_wait3A_640] : memref<4x128x64xf32, #tpu.memory_space<vmem>> -> memref<1x128x64xf32, #tpu.memory_space<vmem>>
      %dma_wait3A_642 = tpu.memref_squeeze %dma_wait3A_641 : memref<1x128x64xf32, #tpu.memory_space<vmem>> -> memref<128x64xf32, #tpu.memory_space<vmem>>
      %dma_wait3A_643 = arith.constant 0 : i32
      %dma_wait3A_644 = tpu.memref_slice %arg13[%rem3A_216, %dma_wait3A_638, %dma_wait3A_643] : memref<2x8x128xi32, #tpu.memory_space<vmem>> -> memref<1x1x128xi32, #tpu.memory_space<vmem>>
      %dma_wait3A_645 = tpu.memref_squeeze %dma_wait3A_644 : memref<1x1x128xi32, #tpu.memory_space<vmem>> -> memref<128xi32, #tpu.memory_space<vmem>>
      %dma_wait3A_646 = arith.constant 0 : i32
      %dma_wait3A_647 = arith.constant 0 : i32
      %dma_wait3A_648 = tpu.memref_slice %arg11[%dma_wait3A_646, %dma_wait3A_647] : memref<10112x64xf32, #tpu.memory_space<vmem_shared>> -> memref<10112x64xf32, #tpu.memory_space<vmem_shared>>
      tpu.wait_indirect_dma semaphore(%arg24 : memref<!tpu.dma_semaphore, #tpu.memory_space<semaphore_mem>>) src(%dma_wait3A_642 : memref<128x64xf32, #tpu.memory_space<vmem>>) dst(%dma_wait3A_648 : memref<10112x64xf32, #tpu.memory_space<vmem_shared>>)
      %dma_wait3A_649 = arith.constant 3 : i32
      %dma_wait3A_650 = arith.constant 7 : i32
      %dma_wait3A_651 = arith.constant 0 : i32
      %dma_wait3A_652 = arith.constant 0 : i32
      %dma_wait3A_653 = tpu.memref_slice %arg14[%dma_wait3A_649, %dma_wait3A_651, %dma_wait3A_652] : memref<4x128x64xf32, #tpu.memory_space<vmem>> -> memref<1x128x64xf32, #tpu.memory_space<vmem>>
      %dma_wait3A_654 = tpu.memref_squeeze %dma_wait3A_653 : memref<1x128x64xf32, #tpu.memory_space<vmem>> -> memref<128x64xf32, #tpu.memory_space<vmem>>
      %dma_wait3A_655 = arith.constant 0 : i32
      %dma_wait3A_656 = tpu.memref_slice %arg13[%rem3A_216, %dma_wait3A_650, %dma_wait3A_655] : memref<2x8x128xi32, #tpu.memory_space<vmem>> -> memref<1x1x128xi32, #tpu.memory_space<vmem>>
      %dma_wait3A_657 = tpu.memref_squeeze %dma_wait3A_656 : memref<1x1x128xi32, #tpu.memory_space<vmem>> -> memref<128xi32, #tpu.memory_space<vmem>>
      %dma_wait3A_658 = arith.constant 0 : i32
      %dma_wait3A_659 = arith.constant 0 : i32
      %dma_wait3A_660 = tpu.memref_slice %arg11[%dma_wait3A_658, %dma_wait3A_659] : memref<10112x64xf32, #tpu.memory_space<vmem_shared>> -> memref<10112x64xf32, #tpu.memory_space<vmem_shared>>
      tpu.wait_indirect_dma semaphore(%arg25 : memref<!tpu.dma_semaphore, #tpu.memory_space<semaphore_mem>>) src(%dma_wait3A_654 : memref<128x64xf32, #tpu.memory_space<vmem>>) dst(%dma_wait3A_660 : memref<10112x64xf32, #tpu.memory_space<vmem_shared>>)
    }
    %scan3A_173 = arith.constant 20 : i32
    %dma_wait3A_174 = arith.constant 0 : i32
    %dma_wait3A_175 = arith.constant 0 : i32
    %dma_wait3A_176 = arith.constant 0 : i32
    %dma_wait3A_177 = tpu.memref_slice %arg12[%dma_wait3A_174, %dma_wait3A_175, %dma_wait3A_176] : memref<2x8x128xi32, #tpu.memory_space<vmem>> -> memref<1x8x128xi32, #tpu.memory_space<vmem>>
    %dma_wait3A_178 = tpu.memref_squeeze %dma_wait3A_177 : memref<1x8x128xi32, #tpu.memory_space<vmem>> -> memref<8x128xi32, #tpu.memory_space<vmem>>
    %dma_wait3A_179 = arith.constant 0 : i32
    %dma_wait3A_180 = arith.constant 0 : i32
    %dma_wait3A_181 = tpu.memref_slice %arg4[%dma_wait3A_179, %dma_wait3A_180] : memref<2568x128xi32, #tpu.memory_space<hbm>> -> memref<8x128xi32, #tpu.memory_space<hbm>>
    %dma_wait3A_182 = arith.constant 0 : i32
    %dma_wait3A_183 = arith.constant 0 : i32
    %dma_wait3A_184 = tpu.memref_slice %arg12[%dma_wait3A_174, %dma_wait3A_182, %dma_wait3A_183] : memref<2x8x128xi32, #tpu.memory_space<vmem>> -> memref<1x8x128xi32, #tpu.memory_space<vmem>>
    %dma_wait3A_185 = tpu.memref_squeeze %dma_wait3A_184 : memref<1x8x128xi32, #tpu.memory_space<vmem>> -> memref<8x128xi32, #tpu.memory_space<vmem>>
    %dma_wait3A_186 = arith.constant 0 : i32
    %dma_wait3A_187 = arith.constant 0 : i32
    %dma_wait3A_188 = tpu.memref_slice %arg4[%dma_wait3A_186, %dma_wait3A_187] : memref<2568x128xi32, #tpu.memory_space<hbm>> -> memref<8x128xi32, #tpu.memory_space<hbm>>
    tpu.wait_dma2 semaphore(%arg17 : memref<!tpu.dma_semaphore, #tpu.memory_space<semaphore_mem>>) src(%dma_wait3A_188 : memref<8x128xi32, #tpu.memory_space<hbm>>) dst(%dma_wait3A_185 : memref<8x128xi32, #tpu.memory_space<vmem>>)
    %dma_wait3A_189 = arith.constant 0 : i32
    %dma_wait3A_190 = arith.constant 0 : i32
    %dma_wait3A_191 = arith.constant 0 : i32
    %dma_wait3A_192 = tpu.memref_slice %arg13[%dma_wait3A_189, %dma_wait3A_190, %dma_wait3A_191] : memref<2x8x128xi32, #tpu.memory_space<vmem>> -> memref<1x8x128xi32, #tpu.memory_space<vmem>>
    %dma_wait3A_193 = tpu.memref_squeeze %dma_wait3A_192 : memref<1x8x128xi32, #tpu.memory_space<vmem>> -> memref<8x128xi32, #tpu.memory_space<vmem>>
    %dma_wait3A_194 = arith.constant 0 : i32
    %dma_wait3A_195 = arith.constant 0 : i32
    %dma_wait3A_196 = tpu.memref_slice %arg5[%dma_wait3A_194, %dma_wait3A_195] : memref<2568x128xi32, #tpu.memory_space<hbm>> -> memref<8x128xi32, #tpu.memory_space<hbm>>
    %dma_wait3A_197 = arith.constant 0 : i32
    %dma_wait3A_198 = arith.constant 0 : i32
    %dma_wait3A_199 = tpu.memref_slice %arg13[%dma_wait3A_189, %dma_wait3A_197, %dma_wait3A_198] : memref<2x8x128xi32, #tpu.memory_space<vmem>> -> memref<1x8x128xi32, #tpu.memory_space<vmem>>
    %dma_wait3A_200 = tpu.memref_squeeze %dma_wait3A_199 : memref<1x8x128xi32, #tpu.memory_space<vmem>> -> memref<8x128xi32, #tpu.memory_space<vmem>>
    %dma_wait3A_201 = arith.constant 0 : i32
    %dma_wait3A_202 = arith.constant 0 : i32
    %dma_wait3A_203 = tpu.memref_slice %arg5[%dma_wait3A_201, %dma_wait3A_202] : memref<2568x128xi32, #tpu.memory_space<hbm>> -> memref<8x128xi32, #tpu.memory_space<hbm>>
    tpu.wait_dma2 semaphore(%arg17 : memref<!tpu.dma_semaphore, #tpu.memory_space<semaphore_mem>>) src(%dma_wait3A_203 : memref<8x128xi32, #tpu.memory_space<hbm>>) dst(%dma_wait3A_200 : memref<8x128xi32, #tpu.memory_space<vmem>>)
    %barrier3A_204 = arith.constant 0 : index
    tpu.barrier barrier_id(%barrier3A_204)
    %eq3A_205 = arith.constant 0 : i32
    %eq3A_206 = arith.cmpi eq, %arg0, %eq3A_205 : i32
    %convert_element_type3A_207 = arith.extui %eq3A_206 : i1 to i32
    %cond3A_208 = arith.constant 0 : i32
    %cond3A_209 = arith.cmpi ne, %convert_element_type3A_207, %cond3A_208 : i32
    scf.if %cond3A_209 {
      "tpu.region"() ({
        %run_scoped3A = tpu.sem_alloc : memref<!tpu.dma_semaphore, #tpu.memory_space<semaphore_mem>>
        %dma_start3A_220 = arith.constant 0 : i32
        %dma_start3A_221 = tpu.memref_slice %arg8[%mul3A_2, %dma_start3A_220] : memref<10000x64xf32, #tpu.memory_space<hbm>> -> memref<624x64xf32, #tpu.memory_space<hbm>>
        %dma_start3A_222 = arith.constant 0 : i32
        %dma_start3A_223 = tpu.memref_slice %arg11[%mul3A_2, %dma_start3A_222] : memref<10112x64xf32, #tpu.memory_space<vmem_shared>> -> memref<624x64xf32, #tpu.memory_space<vmem_shared>>
        tpu.enqueue_dma source(%dma_start3A_223 : memref<624x64xf32, #tpu.memory_space<vmem_shared>>) target(%dma_start3A_221 : memref<624x64xf32, #tpu.memory_space<hbm>>) target_semaphore(%run_scoped3A : memref<!tpu.dma_semaphore, #tpu.memory_space<semaphore_mem>>)
        %dma_wait3A_224 = arith.constant 0 : i32
        %dma_wait3A_225 = tpu.memref_slice %arg8[%mul3A_2, %dma_wait3A_224] : memref<10000x64xf32, #tpu.memory_space<hbm>> -> memref<624x64xf32, #tpu.memory_space<hbm>>
        %dma_wait3A_226 = arith.constant 0 : i32
        %dma_wait3A_227 = tpu.memref_slice %arg11[%mul3A_2, %dma_wait3A_226] : memref<10112x64xf32, #tpu.memory_space<vmem_shared>> -> memref<624x64xf32, #tpu.memory_space<vmem_shared>>
        tpu.wait_dma2 semaphore(%run_scoped3A : memref<!tpu.dma_semaphore, #tpu.memory_space<semaphore_mem>>) src(%dma_wait3A_227 : memref<624x64xf32, #tpu.memory_space<vmem_shared>>) dst(%dma_wait3A_225 : memref<624x64xf32, #tpu.memory_space<hbm>>)
        tpu.yield
      }) : () -> ()
      %eq3A_215 = arith.constant 0 : i32
      %eq3A_216 = arith.cmpi eq, %arg1, %eq3A_215 : i32
      %convert_element_type3A_217 = arith.extui %eq3A_216 : i1 to i32
      %cond3A_218 = arith.constant 0 : i32
      %cond3A_219 = arith.cmpi ne, %convert_element_type3A_217, %cond3A_218 : i32
      scf.if %cond3A_219 {
        "tpu.region"() ({
          %run_scoped3A = tpu.sem_alloc : memref<!tpu.dma_semaphore, #tpu.memory_space<semaphore_mem>>
          %dma_start3A_220 = arith.constant 9984 : i32
          %dma_start3A_221 = arith.constant 0 : i32
          %dma_start3A_222 = tpu.memref_slice %arg8[%dma_start3A_220, %dma_start3A_221] : memref<10000x64xf32, #tpu.memory_space<hbm>> -> memref<16x64xf32, #tpu.memory_space<hbm>>
          %dma_start3A_223 = arith.constant 9984 : i32
          %dma_start3A_224 = arith.constant 0 : i32
          %dma_start3A_225 = tpu.memref_slice %arg11[%dma_start3A_223, %dma_start3A_224] : memref<10112x64xf32, #tpu.memory_space<vmem_shared>> -> memref<16x64xf32, #tpu.memory_space<vmem_shared>>
          tpu.enqueue_dma source(%dma_start3A_225 : memref<16x64xf32, #tpu.memory_space<vmem_shared>>) target(%dma_start3A_222 : memref<16x64xf32, #tpu.memory_space<hbm>>) target_semaphore(%run_scoped3A : memref<!tpu.dma_semaphore, #tpu.memory_space<semaphore_mem>>)
          %dma_wait3A_226 = arith.constant 9984 : i32
          %dma_wait3A_227 = arith.constant 0 : i32
          %dma_wait3A_228 = tpu.memref_slice %arg8[%dma_wait3A_226, %dma_wait3A_227] : memref<10000x64xf32, #tpu.memory_space<hbm>> -> memref<16x64xf32, #tpu.memory_space<hbm>>
          %dma_wait3A_229 = arith.constant 9984 : i32
          %dma_wait3A_230 = arith.constant 0 : i32
          %dma_wait3A_231 = tpu.memref_slice %arg11[%dma_wait3A_229, %dma_wait3A_230] : memref<10112x64xf32, #tpu.memory_space<vmem_shared>> -> memref<16x64xf32, #tpu.memory_space<vmem_shared>>
          tpu.wait_dma2 semaphore(%run_scoped3A : memref<!tpu.dma_semaphore, #tpu.memory_space<semaphore_mem>>) src(%dma_wait3A_231 : memref<16x64xf32, #tpu.memory_space<vmem_shared>>) dst(%dma_wait3A_228 : memref<16x64xf32, #tpu.memory_space<hbm>>)
          tpu.yield
        }) : () -> ()
      } else {
      }
    } else {
    }
    %eq3A_210 = arith.constant 1 : i32
    %eq3A_211 = arith.cmpi eq, %arg0, %eq3A_210 : i32
    %convert_element_type3A_212 = arith.extui %eq3A_211 : i1 to i32
    %cond3A_213 = arith.constant 0 : i32
    %cond3A_214 = arith.cmpi ne, %convert_element_type3A_212, %cond3A_213 : i32
    scf.if %cond3A_214 {
      "tpu.region"() ({
        %run_scoped3A = tpu.sem_alloc : memref<!tpu.dma_semaphore, #tpu.memory_space<semaphore_mem>>
        %dma_start3A_220 = arith.constant 0 : i32
        %dma_start3A_221 = tpu.memref_slice %arg9[%mul3A_2, %dma_start3A_220] : memref<10000x64xf32, #tpu.memory_space<hbm>> -> memref<624x64xf32, #tpu.memory_space<hbm>>
        %dma_start3A_222 = arith.constant 0 : i32
        %dma_start3A_223 = tpu.memref_slice %arg11[%mul3A_2, %dma_start3A_222] : memref<10112x64xf32, #tpu.memory_space<vmem_shared>> -> memref<624x64xf32, #tpu.memory_space<vmem_shared>>
        tpu.enqueue_dma source(%dma_start3A_223 : memref<624x64xf32, #tpu.memory_space<vmem_shared>>) target(%dma_start3A_221 : memref<624x64xf32, #tpu.memory_space<hbm>>) target_semaphore(%run_scoped3A : memref<!tpu.dma_semaphore, #tpu.memory_space<semaphore_mem>>)
        %dma_wait3A_224 = arith.constant 0 : i32
        %dma_wait3A_225 = tpu.memref_slice %arg9[%mul3A_2, %dma_wait3A_224] : memref<10000x64xf32, #tpu.memory_space<hbm>> -> memref<624x64xf32, #tpu.memory_space<hbm>>
        %dma_wait3A_226 = arith.constant 0 : i32
        %dma_wait3A_227 = tpu.memref_slice %arg11[%mul3A_2, %dma_wait3A_226] : memref<10112x64xf32, #tpu.memory_space<vmem_shared>> -> memref<624x64xf32, #tpu.memory_space<vmem_shared>>
        tpu.wait_dma2 semaphore(%run_scoped3A : memref<!tpu.dma_semaphore, #tpu.memory_space<semaphore_mem>>) src(%dma_wait3A_227 : memref<624x64xf32, #tpu.memory_space<vmem_shared>>) dst(%dma_wait3A_225 : memref<624x64xf32, #tpu.memory_space<hbm>>)
        tpu.yield
      }) : () -> ()
      %eq3A_215 = arith.constant 0 : i32
      %eq3A_216 = arith.cmpi eq, %arg1, %eq3A_215 : i32
      %convert_element_type3A_217 = arith.extui %eq3A_216 : i1 to i32
      %cond3A_218 = arith.constant 0 : i32
      %cond3A_219 = arith.cmpi ne, %convert_element_type3A_217, %cond3A_218 : i32
      scf.if %cond3A_219 {
        "tpu.region"() ({
          %run_scoped3A = tpu.sem_alloc : memref<!tpu.dma_semaphore, #tpu.memory_space<semaphore_mem>>
          %dma_start3A_220 = arith.constant 9984 : i32
          %dma_start3A_221 = arith.constant 0 : i32
          %dma_start3A_222 = tpu.memref_slice %arg9[%dma_start3A_220, %dma_start3A_221] : memref<10000x64xf32, #tpu.memory_space<hbm>> -> memref<16x64xf32, #tpu.memory_space<hbm>>
          %dma_start3A_223 = arith.constant 9984 : i32
          %dma_start3A_224 = arith.constant 0 : i32
          %dma_start3A_225 = tpu.memref_slice %arg11[%dma_start3A_223, %dma_start3A_224] : memref<10112x64xf32, #tpu.memory_space<vmem_shared>> -> memref<16x64xf32, #tpu.memory_space<vmem_shared>>
          tpu.enqueue_dma source(%dma_start3A_225 : memref<16x64xf32, #tpu.memory_space<vmem_shared>>) target(%dma_start3A_222 : memref<16x64xf32, #tpu.memory_space<hbm>>) target_semaphore(%run_scoped3A : memref<!tpu.dma_semaphore, #tpu.memory_space<semaphore_mem>>)
          %dma_wait3A_226 = arith.constant 9984 : i32
          %dma_wait3A_227 = arith.constant 0 : i32
          %dma_wait3A_228 = tpu.memref_slice %arg9[%dma_wait3A_226, %dma_wait3A_227] : memref<10000x64xf32, #tpu.memory_space<hbm>> -> memref<16x64xf32, #tpu.memory_space<hbm>>
          %dma_wait3A_229 = arith.constant 9984 : i32
          %dma_wait3A_230 = arith.constant 0 : i32
          %dma_wait3A_231 = tpu.memref_slice %arg11[%dma_wait3A_229, %dma_wait3A_230] : memref<10112x64xf32, #tpu.memory_space<vmem_shared>> -> memref<16x64xf32, #tpu.memory_space<vmem_shared>>
          tpu.wait_dma2 semaphore(%run_scoped3A : memref<!tpu.dma_semaphore, #tpu.memory_space<semaphore_mem>>) src(%dma_wait3A_231 : memref<16x64xf32, #tpu.memory_space<vmem_shared>>) dst(%dma_wait3A_228 : memref<16x64xf32, #tpu.memory_space<hbm>>)
          tpu.yield
        }) : () -> ()
      } else {
      }
    } else {
    }
    return
  }
}

module attributes {stable_mosaic.version = 14 : i64} {
  func.func @_mm1_body(%arg0: i32, %arg1: memref<400x128xf32, #tpu.memory_space<vmem>>, %arg2: memref<128x128xf32, #tpu.memory_space<vmem>>, %arg3: memref<400x64xf32, #tpu.memory_space<vmem>>, %arg4: memref<400x64xf32, #tpu.memory_space<vmem>>) attributes {dimension_semantics = [#tpu.dimension_semantics<arbitrary>], iteration_bounds = array<i64: 25>, scalar_prefetch = 0 : i64, scratch_operands = 0 : i64, tpu.core_type = #tpu.core_type<tc>, window_params = [{transform_indices = @transform_0, window_bounds = array<i64: 400, 128>}, {pipeline_mode = #tpu.pipeline_mode<synchronous>, transform_indices = @transform_1, window_bounds = array<i64: 128, 128>}, {transform_indices = @transform_2, window_bounds = array<i64: 400, 64>}, {transform_indices = @transform_3, window_bounds = array<i64: 400, 64>}]} {
    %get3A = arith.constant 0 : index
    %get3A_0 = arith.constant 0 : index
    %get3A_1 = vector.load %arg1[%get3A, %get3A_0] : memref<400x128xf32, #tpu.memory_space<vmem>>, vector<400x128xf32>
    %get3A_2 = arith.constant 0 : index
    %get3A_3 = arith.constant 0 : index
    %get3A_4 = vector.load %arg2[%get3A_2, %get3A_3] : memref<128x128xf32, #tpu.memory_space<vmem>>, vector<128x128xf32>
    %dot_general3A = arith.constant dense<0.000000e+00> : vector<400x128xf32>
    %dot_general3A_5 = tpu.matmul %get3A_1, %get3A_4, %dot_general3A {dimension_numbers = #tpu.dot_dimension_numbers<[1], [0], [0], [1], [0, 0, 1, 1], [], []>, transpose_lhs_hint = false} : vector<400x128xf32>, vector<128x128xf32>, vector<400x128xf32> -> vector<400x128xf32>
    %slice3A = vector.extract_strided_slice %dot_general3A_5 {offsets = [0, 0], sizes = [400, 64], strides = [1, 1]} : vector<400x128xf32> to vector<400x64xf32>
    %swap3A = arith.constant 0 : index
    %swap3A_6 = arith.constant 0 : index
    %swap3A_7 = vector.load %arg3[%swap3A, %swap3A_6] : memref<400x64xf32, #tpu.memory_space<vmem>>, vector<400x64xf32>
    tpu.vector_store %arg3[%swap3A, %swap3A_6], %slice3A {strides = array<i32>} : memref<400x64xf32, #tpu.memory_space<vmem>>, vector<400x64xf32>,
    %slice3A_8 = vector.extract_strided_slice %dot_general3A_5 {offsets = [0, 64], sizes = [400, 64], strides = [1, 1]} : vector<400x128xf32> to vector<400x64xf32>
    %swap3A_9 = arith.constant 0 : index
    %swap3A_10 = arith.constant 0 : index
    %swap3A_11 = vector.load %arg4[%swap3A_9, %swap3A_10] : memref<400x64xf32, #tpu.memory_space<vmem>>, vector<400x64xf32>
    tpu.vector_store %arg4[%swap3A_9, %swap3A_10], %slice3A_8 {strides = array<i32>} : memref<400x64xf32, #tpu.memory_space<vmem>>, vector<400x64xf32>,
    return
  }
  func.func @transform_0(%arg0: i32) -> (i32, i32) {
    %c0_i32 = arith.constant 0 : i32
    %c0_i32_0 = arith.constant 0 : i32
    return %arg0, %c0_i32 : i32, i32
  }
  func.func @transform_1(%arg0: i32) -> (i32, i32) {
    %c0_i32 = arith.constant 0 : i32
    %c0_i32_0 = arith.constant 0 : i32
    %c0_i32_1 = arith.constant 0 : i32
    return %c0_i32, %c0_i32_0 : i32, i32
  }
  func.func @transform_2(%arg0: i32) -> (i32, i32) {
    %c0_i32 = arith.constant 0 : i32
    %c0_i32_0 = arith.constant 0 : i32
    return %arg0, %c0_i32 : i32, i32
  }
  func.func @transform_3(%arg0: i32) -> (i32, i32) {
    %c0_i32 = arith.constant 0 : i32
    %c0_i32_0 = arith.constant 0 : i32
    return %arg0, %c0_i32 : i32, i32
  }
}

module attributes {stable_mosaic.version = 14 : i64} {
  func.func @_lsm_body(%arg0: i32, %arg1: memref<400x64xf32, #tpu.memory_space<vmem>>, %arg2: memref<400x64xf32, #tpu.memory_space<vmem>>, %arg3: memref<128x64xf32, #tpu.memory_space<vmem>>, %arg4: memref<1x64xf32, #tpu.memory_space<vmem>>, %arg5: memref<400x64xf32, #tpu.memory_space<vmem>>) attributes {dimension_semantics = [#tpu.dimension_semantics<arbitrary>], iteration_bounds = array<i64: 25>, scalar_prefetch = 0 : i64, scratch_operands = 0 : i64, tpu.core_type = #tpu.core_type<tc>, window_params = [{transform_indices = @transform_0, window_bounds = array<i64: 400, 64>}, {transform_indices = @transform_1, window_bounds = array<i64: 400, 64>}, {pipeline_mode = #tpu.pipeline_mode<synchronous>, transform_indices = @transform_2, window_bounds = array<i64: 128, 64>}, {pipeline_mode = #tpu.pipeline_mode<synchronous>, transform_indices = @transform_3, window_bounds = array<i64: 1, 64>}, {transform_indices = @transform_4, window_bounds = array<i64: 400, 64>}]} {
    %get3A = arith.constant 0 : index
    %get3A_0 = arith.constant 0 : index
    %get3A_1 = vector.load %arg1[%get3A, %get3A_0] : memref<400x64xf32, #tpu.memory_space<vmem>>, vector<400x64xf32>
    %get3A_2 = arith.constant 0 : index
    %get3A_3 = arith.constant 0 : index
    %get3A_4 = vector.load %arg2[%get3A_2, %get3A_3] : memref<400x64xf32, #tpu.memory_space<vmem>>, vector<400x64xf32>
    %concatenate3A = tpu.concatenate %get3A_1, %get3A_4 in 1 : vector<400x64xf32>, vector<400x64xf32> -> vector<400x128xf32>
    %get3A_5 = arith.constant 0 : index
    %get3A_6 = arith.constant 0 : index
    %get3A_7 = vector.load %arg3[%get3A_5, %get3A_6] : memref<128x64xf32, #tpu.memory_space<vmem>>, vector<128x64xf32>
    %dot_general3A = arith.constant dense<0.000000e+00> : vector<400x64xf32>
    %dot_general3A_8 = tpu.matmul %concatenate3A, %get3A_7, %dot_general3A {dimension_numbers = #tpu.dot_dimension_numbers<[1], [0], [0], [1], [0, 0, 1, 1], [], []>, transpose_lhs_hint = false} : vector<400x128xf32>, vector<128x64xf32>, vector<400x64xf32> -> vector<400x64xf32>
    %get3A_9 = arith.constant 0 : index
    %get3A_10 = arith.constant 0 : index
    %get3A_11 = vector.load %arg4[%get3A_9, %get3A_10] : memref<1x64xf32, #tpu.memory_space<vmem>>, vector<1x64xf32>
    %get3A_12 = vector.shape_cast %get3A_11 : vector<1x64xf32> to vector<64xf32>
    %broadcast_in_dim3A = vector.shape_cast %get3A_12 : vector<64xf32> to vector<1x64xf32>
    %add3A = vector.broadcast %broadcast_in_dim3A : vector<1x64xf32> to vector<400x64xf32>
    %add3A_13 = arith.addf %dot_general3A_8, %add3A : vector<400x64xf32>
    %reduce_max3A = arith.constant dense<0xFF800000> : vector<400xf32>
    %reduce_max3A_14 = vector.multi_reduction <maximumf>, %add3A_13, %reduce_max3A [1] : vector<400x64xf32> to vector<400xf32>
    %broadcast_in_dim3A_15 = vector.shape_cast %reduce_max3A_14 : vector<400xf32> to vector<400x1xf32>
    %sub3A = vector.broadcast %broadcast_in_dim3A_15 : vector<400x1xf32> to vector<400x64xf32>
    %sub3A_16 = arith.subf %add3A_13, %sub3A : vector<400x64xf32>
    %exp3A = math.exp %sub3A_16 : vector<400x64xf32>
    %sub3A_17 = vector.broadcast %broadcast_in_dim3A_15 : vector<400x1xf32> to vector<400x64xf32>
    %sub3A_18 = arith.subf %add3A_13, %sub3A_17 : vector<400x64xf32>
    %reduce_sum3A = arith.constant dense<0.000000e+00> : vector<400xf32>
    %reduce_sum3A_19 = vector.multi_reduction <add>, %exp3A, %reduce_sum3A [1] : vector<400x64xf32> to vector<400xf32>
    %broadcast_in_dim3A_20 = vector.shape_cast %reduce_sum3A_19 : vector<400xf32> to vector<400x1xf32>
    %log3A = math.log %broadcast_in_dim3A_20 : vector<400x1xf32>
    %sub3A_21 = vector.broadcast %log3A : vector<400x1xf32> to vector<400x64xf32>
    %sub3A_22 = arith.subf %sub3A_18, %sub3A_21 : vector<400x64xf32>
    %swap3A = arith.constant 0 : index
    %swap3A_23 = arith.constant 0 : index
    %swap3A_24 = vector.load %arg5[%swap3A, %swap3A_23] : memref<400x64xf32, #tpu.memory_space<vmem>>, vector<400x64xf32>
    tpu.vector_store %arg5[%swap3A, %swap3A_23], %sub3A_22 {strides = array<i32>} : memref<400x64xf32, #tpu.memory_space<vmem>>, vector<400x64xf32>,
    return
  }
  func.func @transform_0(%arg0: i32) -> (i32, i32) {
    %c0_i32 = arith.constant 0 : i32
    %c0_i32_0 = arith.constant 0 : i32
    return %arg0, %c0_i32 : i32, i32
  }
  func.func @transform_1(%arg0: i32) -> (i32, i32) {
    %c0_i32 = arith.constant 0 : i32
    %c0_i32_0 = arith.constant 0 : i32
    return %arg0, %c0_i32 : i32, i32
  }
  func.func @transform_2(%arg0: i32) -> (i32, i32) {
    %c0_i32 = arith.constant 0 : i32
    %c0_i32_0 = arith.constant 0 : i32
    %c0_i32_1 = arith.constant 0 : i32
    return %c0_i32, %c0_i32_0 : i32, i32
  }
  func.func @transform_3(%arg0: i32) -> (i32, i32) {
    %c0_i32 = arith.constant 0 : i32
    %c0_i32_0 = arith.constant 0 : i32
    %c0_i32_1 = arith.constant 0 : i32
    return %c0_i32, %c0_i32_0 : i32, i32
  }
  func.func @transform_4(%arg0: i32) -> (i32, i32) {
    %c0_i32 = arith.constant 0 : i32
    %c0_i32_0 = arith.constant 0 : i32
    return %arg0, %c0_i32 : i32, i32
  }
}

</mosaic_0001>

<sc_bundles>
// kernel: kernel.5.cloned.1.call-start
scs
__scs_entry_jumppad:
0x0: {  	(pc) =	sbr.rel $0x88, $3  }
0x1: {  	(tag) =	ssettag $0x0;
	lr =	simm.s32 $0x1  }
0x2: {  	[smem:$0x3F9B] =	sst lr;
	_ =	strace $0xD0000000  }
0x3: {  	_ = 	snop  }
0x4: {  	_ = 	snop  }
0x5: {  	_ = 	snop  }
0x6: {  	_ = 	snop  }
0x7: {  	_ = 	snop  }
__scs_overlays_trampoline_lowered:
0x8: {  	[smem:$0x3FAA] =	sst s0  }
0x9: {  	[smem:$0x3FAB] =	sst s1  }
0xa: {  	[smem:$0x3FAC] =	sst s2  }
0xb: {  	[smem:$0x3FAD] =	sst s3  }
0xc: {  	[smem:$0x3FAE] =	sst s4  }
0xd: {  	[smem:$0x3FAF] =	sst s5  }
0xe: {  	[smem:$0x3FB0] =	sst s6  }
0xf: {  	[smem:$0x3FB1] =	sst s7  }
0x10: {  	[smem:$0x3FB2] =	sst s8  }
0x11: {  	[smem:$0x3FB3] =	sst s9;
	s0 =	simm.s32 @!p0 $0x0  }
0x12: {  	s1 =	sld [smem:$0x3F99];
	s0 =	simm.s32 @p0 $0x1  }
0x13: {  	[smem:$0x3FB4] =	sst s0;
	s0 =	simm.s32 @!p1 $0x0  }
0x14: {  	s2 =	sld [smem:$0x3F98];
	s0 =	simm.s32 @p1 $0x1  }
0x15: {  	[smem:$0x3FB5] =	sst s0;
	s0 =	simm.s32 @!p2 $0x0  }
0x16: {  	s3 =	sld [smem:$0x3FDB];
	s0 =	simm.s32 @p2 $0x1  }
0x17: {  	s4 =	simm.s32 $0x1BF5;
	[smem:$0x3FB7] =	sst s0  }
0x18: {  	s0 =	sld [smem:$0x3F9A];
	_ =	swait.ge [sflag:s4], $0x0  }
0x19: {  	s7 =	sld [smem:$0x3F9B]  }
0x1a: {  	s8 =	sadd.s32 $0xFFFFE003, lr  }
0x1b: {  	s9 =	sadd.s32 $0xFFFFFEF7, lr;
	s5 =	simm.s32 $0xFFFFFFFF;
	p2 =	slt.u32 s8, $0xFFFFF086  }
0x1c: {  	p1 =	slt.u32 s9, $0xF7A;
	s5 =	simm.s32 @!p2 $0x0  }
0x1d: {  	s5 =	simm.s32 @p1 $0x1;
	p0 =	seq.s32 s7, s2  }
0x1e: {  	s7 =	smul.u32 @!p0 $0xF7A, s2;
	p2 =	seq.s32 @!p0 s5, $0x0  }
0x1f: {  	s9 =	smul.u32 $0xF7A, s1;
	s8 =	simm.s32 @!p0 $0x1BF5;
	p2 =	por !p2, p0  }
0x20: {  	[sflag:s8] =	ssyncset.s32 @!p0 $0xFFFFF086;
	s6 =	sadd.s32 @!p0 s3, s7;
	s7 =	simm.s32 @!p0 $0x108  }
0x21: {  	s3 =	sadd.s32 s3, s9;
	s6 =	sadd.s32 @!p0 $0x88, s6;
	s7 =	simm.s32 @p2 $0x1082  }
0x22: {  	[simem:s7], [sflag:s8] =	dma.local @!p0 [hbm:s6], $0xF7A  }
0x23: {  	s9 =	sor.u32 $0xD0000000, s2;
	s6 =	simm.s32 $0x108;
	_ =	swait.ge @!p0 [sflag:s8], $0x0  }
0x24: {  	s3 =	sadd.s32 $0x88, s3;
	s6 =	simm.s32 @!p1 $0x1082;
	[sflag:s4] =	ssyncset.s32 $0xFFFFF086  }
0x25: {  	[simem:s6], [sflag:s4] =	dma.local [hbm:s3], $0xF7A  }
0x26: {  	[smem:$0x3F9B] =	sst s1;
	(tag) =	ssettag s2;
	_ =	strace s9  }
0x27: {  	s1 =	sld [smem:$0x3FAB]  }
0x28: {  	s2 =	sld [smem:$0x3FAC]  }
0x29: {  	s4 =	sld [smem:$0x3FAE]  }
0x2a: {  	p0 =	seq.s32 s5, $0x0;
	s5 =	sld [smem:$0x3FAF]  }
0x2b: {  	s6 =	sld [smem:$0x3FB0]  }
0x2c: {  	s7 =	sld [smem:$0x3FB1]  }
0x2d: {  	s3 =	simm.s32 $0x108;
	s8 =	sld [smem:$0x3FB2]  }
0x2e: {  	s3 =	simm.s32 @!p0 $0x1082;
	s9 =	sld [smem:$0x3FB3]  }
0x2f: {  	lr =	sadd.s32 s0, s3;
	s0 =	sld [smem:$0x3FAA]  }
0x30: {  	s3 =	sld [smem:$0x3FAD]  }
0x31: {  	[smem:$0x3FB6] =	sst s10  }
0x32: {  	s10 =	sld [smem:$0x3FB4];
	_ =	sdelay $0x3  }
0x33: {  	p0 =	seq.s32 s10, $0x1;
	s10 =	sld [smem:$0x3FB6];
	_ =	sdelay $0x3  }
0x34: {  	[smem:$0x3FB6] =	sst s10  }
0x35: {  	s10 =	sld [smem:$0x3FB5];
	_ =	sdelay $0x3  }
0x36: {  	p1 =	seq.s32 s10, $0x1;
	s10 =	sld [smem:$0x3FB6];
	_ =	sdelay $0x3  }
0x37: {  	[smem:$0x3FB6] =	sst s10  }
0x38: {  	s10 =	sld [smem:$0x3FB7]  }
0x39: {  	_ = 	snop;
	(pc) =	sbr.ind lr, $3  }
0x3a: {  	_ = 	snop  }
0x3b: {  	_ = 	snop  }
0x3c: {  	p2 =	seq.s32 s10, $0x1;
	s10 =	sld [smem:$0x3FB6]  }
0x3d: {  	_ =	shalt  }
0x3e: {  	_ =	shalt  }
0x3f: {  	_ =	shalt  }
0x40: {  	_ =	shalt  }
0x41: {  	_ =	shalt  }
0x42: {  	_ =	shalt  }
0x43: {  	_ =	shalt  }
0x44: {  	_ =	shalt  }
0x45: {  	_ =	shalt  }
0x46: {  	_ =	shalt  }
0x47: {  	_ =	shalt  }
0x48: {  	_ =	shalt  }
0x49: {  	_ =	shalt  }
0x4a: {  	_ =	shalt  }
0x4b: {  	_ =	shalt  }
0x4c: {  	_ =	shalt  }
0x4d: {  	_ =	shalt  }
0x4e: {  	_ =	shalt  }
0x4f: {  	_ =	shalt  }
0x50: {  	_ =	shalt  }
0x51: {  	_ =	shalt  }
0x52: {  	_ =	shalt  }
0x53: {  	_ =	shalt  }
0x54: {  	_ =	shalt  }
0x55: {  	_ =	shalt  }
0x56: {  	_ =	shalt  }
0x57: {  	_ =	shalt  }
0x58: {  	_ =	shalt  }
0x59: {  	_ =	shalt  }
0x5a: {  	_ =	shalt  }
0x5b: {  	_ =	shalt  }
0x5c: {  	_ =	shalt  }
0x5d: {  	_ =	shalt  }
0x5e: {  	_ =	shalt  }
0x5f: {  	_ =	shalt  }
0x60: {  	_ =	shalt  }
0x61: {  	_ =	shalt  }
0x62: {  	_ =	shalt  }
0x63: {  	_ =	shalt  }
0x64: {  	_ =	shalt  }
0x65: {  	_ =	shalt  }
0x66: {  	_ =	shalt  }
0x67: {  	_ =	shalt  }
0x68: {  	_ =	shalt  }
0x69: {  	_ =	shalt  }
0x6a: {  	_ =	shalt  }
0x6b: {  	_ =	shalt  }
0x6c: {  	_ =	shalt  }
0x6d: {  	_ =	shalt  }
0x6e: {  	_ =	shalt  }
0x6f: {  	_ =	shalt  }
0x70: {  	_ =	shalt  }
0x71: {  	_ =	shalt  }
0x72: {  	_ =	shalt  }
0x73: {  	_ =	shalt  }
0x74: {  	_ =	shalt  }
0x75: {  	_ =	shalt  }
0x76: {  	_ =	shalt  }
0x77: {  	_ =	shalt  }
0x78: {  	_ =	shalt  }
0x79: {  	_ =	shalt  }
0x7a: {  	_ =	shalt  }
0x7b: {  	_ =	shalt  }
0x7c: {  	_ =	shalt  }
0x7d: {  	_ =	shalt  }
0x7e: {  	_ =	shalt  }
0x7f: {  	_ =	shalt  }
0x80: {  	_ =	shalt  }
0x81: {  	_ =	shalt  }
0x82: {  	_ =	shalt  }
0x83: {  	_ =	shalt  }
0x84: {  	_ =	shalt  }
0x85: {  	_ =	shalt  }
0x86: {  	_ =	shalt  }
0x87: {  	_ =	shalt  }
.Lfunc_end0:
.L_simem_size_0:
called_computation_lowered:
.L_overlay_start_0:
0x88: {  	s2 =	sld [smem:$0x3FD9]  }
0x89: {  	s3 =	sld [smem:$0x3FFE];
	_ =	sdelay $0x1  }
0x8a: {  	s1 =	srdreg.scid  }
0x8b: {  	s0 =	sand.u32 $0x1, s1  }
0x8c: {  	s17 =	sshll.u32 s0, $0xA;
	s2 =	sadd.s32 s3, s2  }
0x8d: {  	s2 =	sadd.s32 s2, s17  }
0x8e: {  	[smem:$0x3FC2] =	sst s2  }
0x8f: {  	_ = 	snop  }
0x90: {  	s2 =	sld [smem:$0x3FC6]  }
0x91: {  	s18 =	sld [smem:$0x3FD0];
	(tm) =	ssettm $0x1  }
0x92: {  	s4 =	sld [smem:$0x3FFB];
	_ =	sdelay $0x3  }
0x93: {  	_ =	strace s4  }
0x94: {  	s4 =	sld [smem:$0x3FFC];
	_ =	sdelay $0x3  }
0x95: {  	_ =	strace s4  }
0x96: {  	s4 =	sld [smem:$0x3FFD];
	_ =	sdelay $0x3  }
0x97: {  	_ =	strace s4  }
0x98: {  	_ =	strace $0x8FFFFFFF  }
0x99: {  	s19 =	sld [smem:$0x3FDB];
	_ =	sdelay $0x1  }
0x9a: {  	s5 =	simm.s32 $_scs_section_size  }
0x9b: {  	s6 =	simm.s32 $_size__tile_overlayer_lowered;
	s7 =	simm.s32 $_tile_overlayer_lowered  }
0x9c: {  	s22 =	simm.s32 $0x1BFF;
	s21 =	sshll.u32 s7, $0x1;
	s4 =	sadd.s32 s5, s19  }
0x9d: {  	s8 =	simm.s32 $0x0;
	s20 =	sshll.u32 s6, $0x1;
	s6 =	sadd.s32 s21, s4  }
0x9e: {  	[timem:s8], [sflag:s22] =	dma.local [hbm:s6], s20  }
0x9f: {  	_ =	swait.ge [sflag:s22], s20  }
0xa0: {  	s5 =	ssub.s32 $0x0, s20;
	[sflag:s22] =	ssyncset.done $0x0  }
0xa1: {  	[sflag:s22] =	ssyncadd.s32 s5;
	_ =	sdelay $0x1  }
0xa2: {  	s23 =	simm.s32 $0x1B8B  }
0xa3: {  	_ =	swait.ge [sflag:s23], $0x1  }
0xa4: {  	[sflag:s23] =	ssyncset.done $0x0  }
0xa5: {  	s25 =	simm.s32 $0x1B8E;
	s24 =	sld [smem:$0x3FFE];
	[sflag:s23] =	ssyncadd.s32 $0xFFFFFFFF  }
0xa6: {  	s26 =	simm.s32 $execute0_lowered;
	[smem:$0x3FD2] =	sst s25  }
0xa7: {  	s6 =	sshll.u32 s26, $0x1;
	_ =	strace $0x80000046;
	[dreg:$0x1] =	wrdreg $0xFFFFFFFF  }
0xa8: {  	s28 =	simm.s32 $_size_execute0_lowered;
	s4 =	sadd.s32 s4, s6;
	[dreg:$0x0] =	wrdreg $0x0  }
0xa9: {  	s6 =	sshll.u32 s28, $0x1;
	[dreg:$0x2] =	wrdreg s4  }
0xaa: {  	[dreg:$0x3] =	wrdreg s6  }
0xab: {  	[dreg:$0x4] =	wrdreg $0xC0  }
0xac: {  	_ =	task [dreg:s8], $0x5FFFF  }
0xad: {  	[dreg:$0x1] =	wrdreg $0xFFFFFFFF  }
0xae: {  	[dreg:$0x0] =	wrdreg $0x60  }
0xaf: {  	[dreg:$0x2] =	wrdreg s24  }
0xb0: {  	[dreg:$0x3] =	wrdreg s18  }
0xb1: {  	[dreg:$0x4] =	wrdreg s2  }
0xb2: {  	[dreg:$0x5] =	wrdreg $0x9C400  }
0xb3: {  	[dreg:$0x6] =	wrdreg $0x0  }
0xb4: {  	[dreg:$0x7] =	wrdreg $0x9  }
0xb5: {  	_ =	task.clear_ibuf [dreg:s8], $0x8FFFF;
	_ =	strace $0x90000046  }
0xb6: {  	s29 =	simm.s32 $0x9;
	_ =	strace $0x80000048  }
0xb7: {  	_ =	swait.ge [sflag:s29], $0x1  }
0xb8: {  	[sflag:s29] =	ssyncadd.s32 $0xFFFFFFFF  }
0xb9: {  	_ =	strace $0x90000048  }
0xba: {  	_ =	sfence  }
0xbb: {  	s30 =	sld [smem:$0x0];
	_ =	sdelay $0x2  }
0xbc: {  	s31 =	sshll.u32 s1, $0xD;
	s1 =	sshrl.u32 s1, $0x2  }
0xbd: {  	s3 =	sand.u32 $0x4000, s31;
	s1 =	sadd.s32 s1, s30  }
0xbe: {  	s0 =	sor.u32 s3, s0;
	s1 =	sshll.u32 s1, $0x11  }
0xbf: {  	s0 =	sor.u32 s1, s0  }
0xc0: {  	s0 =	sadd.s32 $0x8F2B, s0  }
0xc1: {  	[sflag:s0] =	ssyncadd.remote.s32 $0x1  }
0xc2: {  	_ =	sfence.sel $0xFFFF  }
0xc3: {  	[dreg:$0x0] =	wrdreg $0xFFFFFFFF;
	(pc) =	sbr.abs _section_cstart, $3  }
0xc4: {  	[dreg:$0x1] =	wrdreg $0xFFFFFFFF  }
0xc5: {  	_ =	task.clear_ibuf [dreg:s8], $0x2FFFF;
	_ =	strace $0x9FFFFFFF  }
0xc6: {  	(tm) =	ssettm $0x7FFFFFFF  }
0xc7: {  	_ =	shalt  }
tec
execute0_lowered:
.L_overlay_start_1:
0x0: {  	(tag) =	ssettag $0x1  }
0x1: {  	s0 =	rddreg [dreg:$0x0]  }
0x2: {  	s4 =	rddreg [dreg:$0x1]  }
0x3: {  	s5 =	rddreg [dreg:$0x2]  }
0x4: {  	s1 =	rddreg [dreg:$0x3]  }
0x5: {  	s2 =	rddreg [dreg:$0x4]  }
0x6: {  	s3 =	simm.s32 $0x0;
	s6 =	stileid.u32;
	s7 =	srdreg.scid  }
0x7: {  	[smem:$0x7FF] =	sst s3;
	s8 =	smul.u32 $0xA00, s6  }
0x8: {  	s7 =	sand.u32 $0x1, s7;
	s12 =	sadd.s32 $0x14800, s0;
	s13 =	sadd.s32 $0xE00, s0  }
0x9: {  	s11 =	smul.u32 $0x9E00, s6;
	s14 =	sadd.s32 $0x50000, s0;
	s15 =	sadd.s32 $0x3C600, s0  }
0xa: {  	p2 =	seq.s32 s6, $0x0;
	_ =	strace $0x80000047;
	[dreg:$0x7] =	wrdreg s13  }
0xb: {  	p0 =	sne.s32 s6, $0x0;
	s9 =	ssub.s32 $0x2, s7;
	[dreg:$0x6] =	wrdreg s12  }
0xc: {  	s16 =	sshll.u32 s7, $0x3;
	p1 =	sne.s32 s7, $0x0;
	[dreg:$0x9] =	wrdreg s15  }
0xd: {  	[dreg:$0x8] =	wrdreg s14;
	s8 =	sadd.s32 s8, s0;
	s10 =	sshrl.u32 s9, $0x1  }
0xe: {  	s25 =	sadd.s32 s11, s1;
	s26 =	sshrl.u32 s11, $0x3;
	s11 =	smul.u32 $0x9C00, s6  }
0xf: {  	s17 =	sadd.s32 s5, s16;
	s0 =	ssub.s32 s9, s10;
	[dreg:$0xa] =	wrdreg s25  }
0x10: {  	s28 =	sadd.s32 s4, s26;
	s10 =	sshll.u32 s6, $0x6;
	[dreg:$0xc] =	wrdreg s17  }
0x11: {  	s30 =	sadd.s32 $0x32400, s8;
	s31 =	sadd.s32 $0x28200, s8;
	s29 =	sadd.s32 $0x28280, s8  }
0x12: {  	s6 =	simm.s32 $0x9;
	s17 =	sadd.s32 s11, s2;
	[dreg:$0xb] =	wrdreg s28  }
0x13: {  	s18 =	sadd.s32 $0x1380, s11;
	s0 =	smax.u32 s0, $0x1;
	[dreg:$0x19] =	wrdreg s17  }
0x14: {  	s10 =	sor.u32 $0x1C0A, s10;
	s19 =	sadd.s32 s18, s1;
	[smem:$0x7FB] =	sst s0  }
0x15: {  	s20 =	sadd.s32 $0x2700, s11;
	s4 =	sadd.s32 s18, s2;
	[dreg:$0xd] =	wrdreg s19  }
0x16: {  	s22 =	sadd.s32 $0x3A80, s11;
	s21 =	sadd.s32 s20, s1;
	[dreg:$0xe] =	wrdreg s4  }
0x17: {  	s24 =	sadd.s32 $0x4E00, s11;
	s23 =	sadd.s32 s22, s1;
	[dreg:$0xf] =	wrdreg s21  }
0x18: {  	s26 =	sadd.s32 $0x6180, s11;
	s25 =	sadd.s32 s24, s1;
	[dreg:$0x11] =	wrdreg s23  }
0x19: {  	s9 =	sadd.s32 $0x7500, s11;
	s7 =	sadd.s32 s26, s1;
	[dreg:$0x13] =	wrdreg s25  }
0x1a: {  	s16 =	sadd.s32 s9, s1;
	s18 =	sshrl.u32 s11, $0x3;
	[dreg:$0x15] =	wrdreg s7  }
0x1b: {  	s17 =	simm.s32 $0x1AA40;
	s4 =	sadd.s32 s20, s2;
	[dreg:$0x17] =	wrdreg s16  }
0x1c: {  	s19 =	sadd.s32 s11, s1;
	s20 =	sadd.s32 $0x8880, s11;
	s23 =	sadd.s32 s12, s18  }
0x1d: {  	s25 =	sadd.s32 $0x9C000, s2;
	s7 =	simm.s32 $0xA;
	[dreg:$0x10] =	wrdreg s4  }
0x1e: {  	s11 =	simm.s32 $0x80;
	s12 =	simm.s32 $0x14A40;
	[dreg:$0x1a] =	wrdreg s19  }
0x1f: {  	s16 =	simm.s32 $0x3;
	s4 =	sadd.s32 s22, s2;
	[dreg:$0x1e] =	wrdreg s23  }
0x20: {  	s21 =	sadd.s32 s20, s1;
	s5 =	sadd.s32 s20, s2;
	[smem:$0x7FC] =	sst s25  }
0x21: {  	s22 =	sadd.s32 s13, s18;
	s13 =	simm.s32 $0x16A40;
	[dreg:$0x12] =	wrdreg s4  }
0x22: {  	s19 =	simm.s32 $0x6;
	s20 =	simm.s32 $0x5;
	[dreg:$0x1b] =	wrdreg s21  }
0x23: {  	s23 =	simm.s32 $0x0;
	s4 =	sadd.s32 s24, s2;
	[dreg:$0x1c] =	wrdreg s5  }
0x24: {  	[dreg:$0x1d] =	wrdreg s22;
	s24 =	sadd.s32 s15, s18;
	s15 =	simm.s32 $0x18A40  }
0x25: {  	s21 =	simm.s32 $0x7;
	s5 =	simm.s32 $0x8;
	[dreg:$0x14] =	wrdreg s4  }
.Ltmp0:
0x26: {  	s4 =	sadd.s32 s26, s2;
	[dreg:$0x1f] =	wrdreg s24;
	(pc) =	sbr.rel .LBB2_1-.Ltmp0, $4  }
0x27: {  	s22 =	simm.s32 $0x1CA40;
	s26 =	sadd.s32 $0x9C000, s1;
	[dreg:$0x16] =	wrdreg s4  }
0x28: {  	s4 =	sadd.s32 s9, s2;
	s9 =	sadd.s32 $0x32480, s8;
	[smem:$0x7FD] =	sst s26  }
0x29: {  	s8 =	simm.s32 $0x1;
	[dreg:$0x18] =	wrdreg s4;
	s4 =	sadd.s32 s14, s18  }
0x2a: {  	s14 =	simm.s32 $0x2;
	s18 =	simm.s32 $0x4;
	[smem:$0x7FA] =	sst s4  }
.LBB2_32:
0x2b: {  	s4 =	sld [smem:$0x7FD];
	_ =	sdelay $0x2  }
0x2c: {  	s0 =	sadd.s32 $0x13800, s0;
	s4 =	sshrl.u32 s4, $0x3  }
0x2d: {  	[hbm:s0], [sflag:s10] =	dma.local [spmem:s4], $0x80  }
0x2e: {  	_ =	swait.ge [sflag:s7], $0x80  }
0x2f: {  	[sflag:s7] =	ssyncset.done $0x0  }
0x30: {  	[sflag:s7] =	ssyncadd.s32 $0xFFFFFF80  }
.LBB2_33:
0x31: {  	s0 =	sld [smem:$0x7FB];
	_ =	sdelay $0x1  }
0x32: {  	s23 =	sadd.s32 $0x1, s23  }
0x33: {  	p3 =	sne.s32 s23, s0  }
.Ltmp1:
0x34: {  	_ = 	snop;
	(pc) =	sbr.rel @!p3 .LBB2_34-.Ltmp1, $1  }
0x35: {  	_ =	sdelay $0x3  }
.LBB2_1:
0x36: {  	s0 =	rddreg [dreg:$0xa]  }
0x37: {  	s26 =	sshrl.u32 s0, $0x3  }
0x38: {  	[spmem:s26], [sflag:s10] =	dma.local [hbm:s28], $0x13C0  }
0x39: {  	_ =	swait.ge [sflag:s7], $0x13C0  }
0x3a: {  	s4 =	simm.s32 $0x1DDC0;
	[sflag:s7] =	ssyncset.done $0x0  }
.Ltmp2:
0x3b: {  	s25 =	rddreg [dreg:$0xc];
	[sflag:s7] =	ssyncadd.s32 $0xFFFFEC40;
	(pc) =	sbr.rel @p1 .LBB2_3-.Ltmp2, $4  }
0x3c: {  	[tilespmem:s4], [sflag:$0xA] =	stream.linear.gather [hbm4b:s25+s3], $0x40, $0x38;
	[tilespmem:$0x1DE00] =	vst v63  }
0x3d: {  	_ =	swait.ge [sflag:s7], $0x40  }
0x3e: {  	[sflag:s7] =	ssyncset.done $0x0;
	s28 =	rddreg [dreg:$0x19]  }
0x3f: {  	[sflag:s7] =	ssyncadd.s32 $0xFFFFFFC0;
	s0 =	sshrl.u32 s28, $0x3  }
0x40: {  	s4 =	rddreg [dreg:$0x1e]  }
0x41: {  	[spmem:s0], [sflag:s10] =	dma.local [hbm:s4], $0x1380  }
.Ltmp3:
0x42: {  	_ = 	snop;
	(pc) =	sbr.rel @!p2 .LBB2_5-.Ltmp3, $4  }
.Ltmp4:
0x43: {  	_ = 	snop;
	(pc) =	sbr.rel @p2 .LBB2_4-.Ltmp4, $4  }
0x44: {  	_ =	swait.ge [sflag:s7], $0x1380  }
0x45: {  	[sflag:s7] =	ssyncset.done $0x0  }
0x46: {  	s0 =	rddreg [dreg:$0x6];
	[sflag:s7] =	ssyncadd.s32 $0xFFFFEC80  }
0x47: {  	_ = 	snop  }
.LBB2_3:
.Ltmp5:
0x48: {  	s4 =	rddreg [dreg:$0x1d];
	(pc) =	sbr.rel @p0 .LBB2_5-.Ltmp5, $4  }
0x49: {  	[spmem:s0], [sflag:s10] =	dma.local [hbm:s4], $0x1380  }
0x4a: {  	_ =	swait.ge [sflag:s7], $0x1380  }
0x4b: {  	[sflag:s7] =	ssyncset.done $0x0  }
0x4c: {  	s0 =	rddreg [dreg:$0x7];
	[sflag:s7] =	ssyncadd.s32 $0xFFFFEC80  }
.LBB2_4:
0x4d: {  	s4 =	sld [smem:$0x7FC];
	_ =	sdelay $0x2  }
0x4e: {  	s0 =	sadd.s32 $0x13800, s0;
	s4 =	sshrl.u32 s4, $0x3  }
0x4f: {  	[spmem:s4], [sflag:s10] =	dma.local [hbm:s0], $0x80  }
0x50: {  	_ =	swait.ge [sflag:s7], $0x80  }
0x51: {  	[sflag:s7] =	ssyncset.done $0x0  }
0x52: {  	[sflag:s7] =	ssyncadd.s32 $0xFFFFFF80  }
.LBB2_5:
0x53: {  	[bflag:$0x0] =	sbarrier.arrive $0xFFFF;
	s0 =	simm.s32 $0x0;
	s4 =	simm.s32 $0x13A40  }
0x54: {  	[tilespmem:s4], [sflag:$0x1] =	stream.linear.gather [hbm4b:s30+s0], $0x400, $0x38;
	[tilespmem:$0x1DE00] =	vst v63  }
0x55: {  	s24 =	simm.s32 $0x14240  }
0x56: {  	[tilespmem:s24], [sflag:$0x1] =	stream.linear.gather [hbm4b:s31+s0], $0x400, $0x38;
	[tilespmem:$0x1DE00] =	vst v63  }
0x57: {  	_ =	swait.ge [sflag:s8], $0x400  }
0x58: {  	[sflag:s8] =	ssyncset.done $0x0  }
0x59: {  	[sflag:s8] =	ssyncadd.s32 $0xFFFFFC00  }
0x5a: {  	_ =	swait.ge [sflag:s8], $0x400  }
0x5b: {  	s0 =	sand.u32 $0x400, s0;
	[sflag:s8] =	ssyncset.done $0x0  }
0x5c: {  	s25 =	sxor.u32 $0x13E40, s0;
	[sflag:s8] =	ssyncadd.s32 $0xFFFFFC00  }
0x5d: {  	[tilespmem:s25], [sflag:$0x1] =	stream.linear.gather [hbm4b:s9+s3], $0x400, $0x38;
	[tilespmem:$0x1DE00] =	vst v63  }
0x5e: {  	s24 =	sxor.u32 $0x14640, s0  }
0x5f: {  	[tilespmem:s24], [sflag:$0x1] =	stream.linear.gather [hbm4b:s29+s3], $0x400, $0x38;
	[tilespmem:$0x1DE00] =	vst v63  }
0x60: {  	s25 =	sor.u32 $0x13A40, s0  }
0x61: {  	[tilespmem:s12], [sflag:$0x2] =	stream.indirect.gather [spmem:s2], $0x40, s25, s11, $0xb8;
	[tilespmem:$0x1DE00] =	vst v63  }
0x62: {  	s24 =	sor.u32 $0x13AC0, s0  }
0x63: {  	[tilespmem:s13], [sflag:$0x3] =	stream.indirect.gather [spmem:s2], $0x40, s24, s11, $0xb8;
	[tilespmem:$0x1DE00] =	vst v63  }
0x64: {  	_ =	swait.ge [sflag:s14], $0x2000  }
0x65: {  	[sflag:s14] =	ssyncset.done $0x0  }
0x66: {  	s25 =	sor.u32 $0x14240, s0;
	[sflag:s14] =	ssyncadd.s32 $0xFFFFE000  }
0x67: {  	[spmem:s1] =	stream.indirect.scatter.add.f32 [tilespmem:s12], [sflag:$0x6], $0x40, s25, s11, $0xb8;
	[tilespmem:$0x1DE00] =	vst v63  }
0x68: {  	s24 =	sor.u32 $0x13B40, s0  }
0x69: {  	[tilespmem:s15], [sflag:$0x4] =	stream.indirect.gather [spmem:s2], $0x40, s24, s11, $0xb8;
	[tilespmem:$0x1DE00] =	vst v63  }
0x6a: {  	_ =	swait.ge [sflag:s16], $0x2000  }
0x6b: {  	[sflag:s16] =	ssyncset.done $0x0  }
0x6c: {  	s25 =	sor.u32 $0x142C0, s0;
	[sflag:s16] =	ssyncadd.s32 $0xFFFFE000  }
0x6d: {  	[spmem:s1] =	stream.indirect.scatter.add.f32 [tilespmem:s13], [sflag:$0x7], $0x40, s25, s11, $0xb8;
	[tilespmem:$0x1DE00] =	vst v63  }
0x6e: {  	s24 =	sor.u32 $0x13BC0, s0  }
0x6f: {  	[tilespmem:s17], [sflag:$0x5] =	stream.indirect.gather [spmem:s2], $0x40, s24, s11, $0xb8;
	[tilespmem:$0x1DE00] =	vst v63  }
0x70: {  	_ =	swait.ge [sflag:s18], $0x2000  }
0x71: {  	[sflag:s18] =	ssyncset.done $0x0  }
0x72: {  	s25 =	sor.u32 $0x14340, s0;
	[sflag:s18] =	ssyncadd.s32 $0xFFFFE000  }
0x73: {  	[spmem:s1] =	stream.indirect.scatter.add.f32 [tilespmem:s15], [sflag:$0x8], $0x40, s25, s11, $0xb8;
	[tilespmem:$0x1DE00] =	vst v63  }
0x74: {  	_ =	swait.ge [sflag:s19], $0x2000  }
0x75: {  	[sflag:s19] =	ssyncset.done $0x0  }
0x76: {  	s24 =	sadd.s32 $0x13C40, s0;
	[sflag:s19] =	ssyncadd.s32 $0xFFFFE000  }
0x77: {  	[tilespmem:s12], [sflag:$0x2] =	stream.indirect.gather [spmem:s2], $0x40, s24, s11, $0xb8;
	[tilespmem:$0x1DE00] =	vst v63  }
0x78: {  	_ =	swait.ge [sflag:s20], $0x2000  }
0x79: {  	[sflag:s20] =	ssyncset.done $0x0  }
0x7a: {  	s25 =	sor.u32 $0x143C0, s0;
	[sflag:s20] =	ssyncadd.s32 $0xFFFFE000  }
0x7b: {  	[spmem:s1] =	stream.indirect.scatter.add.f32 [tilespmem:s17], [sflag:$0x9], $0x40, s25, s11, $0xb8;
	[tilespmem:$0x1DE00] =	vst v63  }
0x7c: {  	_ =	swait.ge [sflag:s21], $0x2000  }
0x7d: {  	[sflag:s21] =	ssyncset.done $0x0  }
0x7e: {  	s24 =	sadd.s32 $0x13CC0, s0;
	[sflag:s21] =	ssyncadd.s32 $0xFFFFE000  }
0x7f: {  	[tilespmem:s13], [sflag:$0x3] =	stream.indirect.gather [spmem:s2], $0x40, s24, s11, $0xb8;
	[tilespmem:$0x1DE00] =	vst v63  }
0x80: {  	_ =	swait.ge [sflag:s14], $0x2000  }
0x81: {  	[sflag:s14] =	ssyncset.done $0x0  }
0x82: {  	s25 =	sadd.s32 $0x14440, s0;
	[sflag:s14] =	ssyncadd.s32 $0xFFFFE000  }
0x83: {  	[spmem:s1] =	stream.indirect.scatter.add.f32 [tilespmem:s12], [sflag:$0x6], $0x40, s25, s11, $0xb8;
	[tilespmem:$0x1DE00] =	vst v63  }
0x84: {  	_ =	swait.ge [sflag:s5], $0x2000  }
0x85: {  	[sflag:s5] =	ssyncset.done $0x0  }
0x86: {  	s24 =	sadd.s32 $0x13D40, s0;
	[sflag:s5] =	ssyncadd.s32 $0xFFFFE000  }
0x87: {  	[tilespmem:s15], [sflag:$0x4] =	stream.indirect.gather [spmem:s2], $0x40, s24, s11, $0xb8;
	[tilespmem:$0x1DE00] =	vst v63  }
0x88: {  	_ =	swait.ge [sflag:s16], $0x2000  }
0x89: {  	[sflag:s16] =	ssyncset.done $0x0  }
0x8a: {  	s25 =	sadd.s32 $0x144C0, s0;
	[sflag:s16] =	ssyncadd.s32 $0xFFFFE000  }
0x8b: {  	[spmem:s1] =	stream.indirect.scatter.add.f32 [tilespmem:s13], [sflag:$0x7], $0x40, s25, s11, $0xb8;
	[tilespmem:$0x1DE00] =	vst v63  }
0x8c: {  	_ =	swait.ge [sflag:s6], $0x2000  }
0x8d: {  	[sflag:s6] =	ssyncset.done $0x0  }
0x8e: {  	s24 =	sadd.s32 $0x13DC0, s0;
	[sflag:s6] =	ssyncadd.s32 $0xFFFFE000  }
0x8f: {  	[tilespmem:s17], [sflag:$0x5] =	stream.indirect.gather [spmem:s2], $0x40, s24, s11, $0xb8;
	[tilespmem:$0x1DE00] =	vst v63  }
0x90: {  	_ =	swait.ge [sflag:s18], $0x2000  }
0x91: {  	[sflag:s18] =	ssyncset.done $0x0  }
0x92: {  	s25 =	sadd.s32 $0x14540, s0;
	[sflag:s18] =	ssyncadd.s32 $0xFFFFE000  }
0x93: {  	[spmem:s1] =	stream.indirect.scatter.add.f32 [tilespmem:s15], [sflag:$0x8], $0x40, s25, s11, $0xb8;
	[tilespmem:$0x1DE00] =	vst v63  }
0x94: {  	_ =	swait.ge [sflag:s20], $0x2000  }
0x95: {  	[sflag:s20] =	ssyncset.done $0x0  }
0x96: {  	s0 =	sadd.s32 $0x145C0, s0;
	[sflag:s20] =	ssyncadd.s32 $0xFFFFE000  }
0x97: {  	[spmem:s1] =	stream.indirect.scatter.add.f32 [tilespmem:s17], [sflag:$0x9], $0x40, s0, s11, $0xb8;
	[tilespmem:$0x1DE00] =	vst v63  }
0x98: {  	_ =	swait.ge [sflag:s19], $0x2000  }
0x99: {  	[sflag:s19] =	ssyncset.done $0x0  }
0x9a: {  	[sflag:s19] =	ssyncadd.s32 $0xFFFFE000  }
0x9b: {  	_ =	swait.ge [sflag:s21], $0x2000  }
0x9c: {  	[sflag:s21] =	ssyncset.done $0x0  }
0x9d: {  	[sflag:s21] =	ssyncadd.s32 $0xFFFFE000  }
0x9e: {  	_ =	swait.ge [sflag:s5], $0x2000  }
0x9f: {  	[sflag:s5] =	ssyncset.done $0x0  }
0xa0: {  	[sflag:s5] =	ssyncadd.s32 $0xFFFFE000  }
0xa1: {  	s28 =	simm.s32 $0x400;
	_ =	swait.ge [sflag:s6], $0x2000  }
0xa2: {  	s4 =	smov.u32 s9;
	s0 =	smov.u32 s29;
	[sflag:s6] =	ssyncset.done $0x0  }
.LBB2_6:
0xa3: {  	[sflag:s6] =	ssyncadd.s32 $0xFFFFE000  }
0xa4: {  	s0 =	sadd.s32 $0x80, s0;
	s4 =	sadd.s32 $0x80, s4;
	s24 =	smov.u32 s28  }
0xa5: {  	p3 =	sne.s32 s28, $0x4C00;
	s28 =	sadd.s32 $0x400, s28;
	_ =	swait.ge [sflag:s8], $0x400  }
0xa6: {  	[sflag:s8] =	ssyncset.done $0x0  }
0xa7: {  	[sflag:s8] =	ssyncadd.s32 $0xFFFFFC00  }
0xa8: {  	_ =	swait.ge [sflag:s8], $0x400  }
0xa9: {  	s24 =	sand.u32 $0x400, s24;
	[sflag:s8] =	ssyncset.done $0x0  }
0xaa: {  	s25 =	sxor.u32 $0x13E40, s24;
	[sflag:s8] =	ssyncadd.s32 $0xFFFFFC00  }
0xab: {  	[tilespmem:s25], [sflag:$0x1] =	stream.linear.gather [hbm4b:s4+s3], $0x400, $0x38;
	[tilespmem:$0x1DE00] =	vst v63  }
0xac: {  	s25 =	sxor.u32 $0x14640, s24  }
0xad: {  	[tilespmem:s25], [sflag:$0x1] =	stream.linear.gather [hbm4b:s0+s3], $0x400, $0x38;
	[tilespmem:$0x1DE00] =	vst v63  }
0xae: {  	s25 =	sor.u32 $0x13A40, s24  }
0xaf: {  	[tilespmem:s12], [sflag:$0x2] =	stream.indirect.gather [spmem:s2], $0x40, s25, s11, $0xb8;
	[tilespmem:$0x1DE00] =	vst v63  }
0xb0: {  	s25 =	sor.u32 $0x13AC0, s24  }
0xb1: {  	[tilespmem:s13], [sflag:$0x3] =	stream.indirect.gather [spmem:s2], $0x40, s25, s11, $0xb8;
	[tilespmem:$0x1DE00] =	vst v63  }
0xb2: {  	_ =	swait.ge [sflag:s14], $0x2000  }
0xb3: {  	[sflag:s14] =	ssyncset.done $0x0  }
0xb4: {  	s25 =	sor.u32 $0x14240, s24;
	[sflag:s14] =	ssyncadd.s32 $0xFFFFE000  }
0xb5: {  	[spmem:s1] =	stream.indirect.scatter.add.f32 [tilespmem:s12], [sflag:$0x6], $0x40, s25, s11, $0xb8;
	[tilespmem:$0x1DE00] =	vst v63  }
0xb6: {  	s25 =	sor.u32 $0x13B40, s24  }
0xb7: {  	[tilespmem:s15], [sflag:$0x4] =	stream.indirect.gather [spmem:s2], $0x40, s25, s11, $0xb8;
	[tilespmem:$0x1DE00] =	vst v63  }
0xb8: {  	_ =	swait.ge [sflag:s16], $0x2000  }
0xb9: {  	[sflag:s16] =	ssyncset.done $0x0  }
0xba: {  	s25 =	sor.u32 $0x142C0, s24;
	[sflag:s16] =	ssyncadd.s32 $0xFFFFE000  }
0xbb: {  	[spmem:s1] =	stream.indirect.scatter.add.f32 [tilespmem:s13], [sflag:$0x7], $0x40, s25, s11, $0xb8;
	[tilespmem:$0x1DE00] =	vst v63  }
0xbc: {  	s25 =	sor.u32 $0x13BC0, s24  }
0xbd: {  	[tilespmem:s17], [sflag:$0x5] =	stream.indirect.gather [spmem:s2], $0x40, s25, s11, $0xb8;
	[tilespmem:$0x1DE00] =	vst v63  }
0xbe: {  	_ =	swait.ge [sflag:s18], $0x2000  }
0xbf: {  	[sflag:s18] =	ssyncset.done $0x0  }
0xc0: {  	s25 =	sor.u32 $0x14340, s24;
	[sflag:s18] =	ssyncadd.s32 $0xFFFFE000  }
0xc1: {  	[spmem:s1] =	stream.indirect.scatter.add.f32 [tilespmem:s15], [sflag:$0x8], $0x40, s25, s11, $0xb8;
	[tilespmem:$0x1DE00] =	vst v63  }
0xc2: {  	_ =	swait.ge [sflag:s19], $0x2000  }
0xc3: {  	[sflag:s19] =	ssyncset.done $0x0  }
0xc4: {  	s25 =	sadd.s32 $0x13C40, s24;
	[sflag:s19] =	ssyncadd.s32 $0xFFFFE000  }
0xc5: {  	[tilespmem:s12], [sflag:$0x2] =	stream.indirect.gather [spmem:s2], $0x40, s25, s11, $0xb8;
	[tilespmem:$0x1DE00] =	vst v63  }
0xc6: {  	_ =	swait.ge [sflag:s20], $0x2000  }
0xc7: {  	[sflag:s20] =	ssyncset.done $0x0  }
0xc8: {  	s25 =	sor.u32 $0x143C0, s24;
	[sflag:s20] =	ssyncadd.s32 $0xFFFFE000  }
0xc9: {  	[spmem:s1] =	stream.indirect.scatter.add.f32 [tilespmem:s17], [sflag:$0x9], $0x40, s25, s11, $0xb8;
	[tilespmem:$0x1DE00] =	vst v63  }
0xca: {  	_ =	swait.ge [sflag:s21], $0x2000  }
0xcb: {  	[sflag:s21] =	ssyncset.done $0x0  }
0xcc: {  	s25 =	sadd.s32 $0x13CC0, s24;
	[sflag:s21] =	ssyncadd.s32 $0xFFFFE000  }
0xcd: {  	[tilespmem:s13], [sflag:$0x3] =	stream.indirect.gather [spmem:s2], $0x40, s25, s11, $0xb8;
	[tilespmem:$0x1DE00] =	vst v63  }
0xce: {  	_ =	swait.ge [sflag:s14], $0x2000  }
0xcf: {  	[sflag:s14] =	ssyncset.done $0x0  }
0xd0: {  	s25 =	sadd.s32 $0x14440, s24;
	[sflag:s14] =	ssyncadd.s32 $0xFFFFE000  }
0xd1: {  	[spmem:s1] =	stream.indirect.scatter.add.f32 [tilespmem:s12], [sflag:$0x6], $0x40, s25, s11, $0xb8;
	[tilespmem:$0x1DE00] =	vst v63  }
0xd2: {  	_ =	swait.ge [sflag:s5], $0x2000  }
0xd3: {  	[sflag:s5] =	ssyncset.done $0x0  }
0xd4: {  	s25 =	sadd.s32 $0x13D40, s24;
	[sflag:s5] =	ssyncadd.s32 $0xFFFFE000  }
0xd5: {  	[tilespmem:s15], [sflag:$0x4] =	stream.indirect.gather [spmem:s2], $0x40, s25, s11, $0xb8;
	[tilespmem:$0x1DE00] =	vst v63  }
0xd6: {  	_ =	swait.ge [sflag:s16], $0x2000  }
0xd7: {  	[sflag:s16] =	ssyncset.done $0x0  }
0xd8: {  	s25 =	sadd.s32 $0x144C0, s24;
	[sflag:s16] =	ssyncadd.s32 $0xFFFFE000  }
0xd9: {  	[spmem:s1] =	stream.indirect.scatter.add.f32 [tilespmem:s13], [sflag:$0x7], $0x40, s25, s11, $0xb8;
	[tilespmem:$0x1DE00] =	vst v63  }
0xda: {  	_ =	swait.ge [sflag:s6], $0x2000  }
0xdb: {  	[sflag:s6] =	ssyncset.done $0x0  }
0xdc: {  	s25 =	sadd.s32 $0x13DC0, s24;
	[sflag:s6] =	ssyncadd.s32 $0xFFFFE000  }
0xdd: {  	[tilespmem:s17], [sflag:$0x5] =	stream.indirect.gather [spmem:s2], $0x40, s25, s11, $0xb8;
	[tilespmem:$0x1DE00] =	vst v63  }
0xde: {  	_ =	swait.ge [sflag:s18], $0x2000  }
0xdf: {  	[sflag:s18] =	ssyncset.done $0x0  }
0xe0: {  	s25 =	sadd.s32 $0x14540, s24;
	[sflag:s18] =	ssyncadd.s32 $0xFFFFE000  }
0xe1: {  	[spmem:s1] =	stream.indirect.scatter.add.f32 [tilespmem:s15], [sflag:$0x8], $0x40, s25, s11, $0xb8;
	[tilespmem:$0x1DE00] =	vst v63  }
0xe2: {  	_ =	swait.ge [sflag:s20], $0x2000  }
0xe3: {  	[sflag:s20] =	ssyncset.done $0x0  }
0xe4: {  	s24 =	sadd.s32 $0x145C0, s24;
	[sflag:s20] =	ssyncadd.s32 $0xFFFFE000  }
0xe5: {  	[spmem:s1] =	stream.indirect.scatter.add.f32 [tilespmem:s17], [sflag:$0x9], $0x40, s24, s11, $0xb8;
	[tilespmem:$0x1DE00] =	vst v63  }
0xe6: {  	_ =	swait.ge [sflag:s19], $0x2000  }
0xe7: {  	[sflag:s19] =	ssyncset.done $0x0  }
0xe8: {  	[sflag:s19] =	ssyncadd.s32 $0xFFFFE000  }
0xe9: {  	_ =	swait.ge [sflag:s21], $0x2000  }
0xea: {  	[sflag:s21] =	ssyncset.done $0x0  }
0xeb: {  	[sflag:s21] =	ssyncadd.s32 $0xFFFFE000  }
.Ltmp6:
0xec: {  	_ =	swait.ge [sflag:s5], $0x2000;
	(pc) =	sbr.rel @p3 .LBB2_6-.Ltmp6, $4  }
0xed: {  	[sflag:s5] =	ssyncset.done $0x0  }
0xee: {  	[sflag:s5] =	ssyncadd.s32 $0xFFFFE000  }
0xef: {  	_ =	swait.ge [sflag:s6], $0x2000  }
0xf0: {  	[sflag:s6] =	ssyncset.done $0x0  }
0xf1: {  	[sflag:s6] =	ssyncadd.s32 $0xFFFFE000  }
0xf2: {  	_ =	swait.ge [sflag:s8], $0x400  }
0xf3: {  	[sflag:s8] =	ssyncset.done $0x0  }
0xf4: {  	[sflag:s8] =	ssyncadd.s32 $0xFFFFFC00  }
0xf5: {  	_ =	swait.ge [sflag:s8], $0x400  }
0xf6: {  	[sflag:s8] =	ssyncset.done $0x0  }
0xf7: {  	[sflag:s8] =	ssyncadd.s32 $0xFFFFFC00  }
0xf8: {  	[bflag:$0x0] =	sbarrier.arrive $0xFFFF  }
0xf9: {  	s0 =	rddreg [dreg:$0x1a]  }
0xfa: {  	[tilespmem:s22], [sflag:$0xA] =	stream.linear.gather [spmem:s0], $0x1380, $0x38;
	[tilespmem:$0x1DE00] =	vst v63  }
0xfb: {  	_ =	swait.ge [sflag:s7], $0x1380  }
0xfc: {  	[sflag:s7] =	ssyncset.done $0x0  }
0xfd: {  	s0 =	simm.s32 $0x0;
	[sflag:s7] =	ssyncadd.s32 $0xFFFFEC80  }
0xfe: {  	s4 =	simm.s32 $0x100;
	v0 =	vld [tilespmem:s0+$0x1CA40]  }
.LBB2_8:
0xff: {  	p3 =	sne.s32 s4, $0x4D00;
	v1 =	vld [tilespmem:$0x1DDC0];
	_ =	sdelay $0x4  }
0x100: {  	v0 =	vadd.f32 v1, v0;
	_ =	sdelay $0x1  }
0x101: {  	v0 =	vmax.f32 v0, $0.0e+00  }
0x102: {  	[tilespmem:s0+$0x1CA40] =	vst v0;
	v0 =	vld [tilespmem:s0+$0x1CA50]  }
0x103: {  	v1 =	vld [tilespmem:$0x1DDD0];
	_ =	sdelay $0x4  }
0x104: {  	v0 =	vadd.f32 v1, v0;
	_ =	sdelay $0x1  }
0x105: {  	v0 =	vmax.f32 v0, $0.0e+00  }
0x106: {  	[tilespmem:s0+$0x1CA50] =	vst v0;
	v0 =	vld [tilespmem:s0+$0x1CA60]  }
0x107: {  	v1 =	vld [tilespmem:$0x1DDE0];
	_ =	sdelay $0x4  }
0x108: {  	v0 =	vadd.f32 v1, v0;
	_ =	sdelay $0x1  }
0x109: {  	v0 =	vmax.f32 v0, $0.0e+00  }
0x10a: {  	[tilespmem:s0+$0x1CA60] =	vst v0;
	v0 =	vld [tilespmem:s0+$0x1CA70]  }
0x10b: {  	v1 =	vld [tilespmem:$0x1DDF0];
	_ =	sdelay $0x3  }
.Ltmp7:
0x10c: {  	(pc) =	sbr.rel @p3 .LBB2_8-.Ltmp7, $3  }
0x10d: {  	v0 =	vadd.f32 v1, v0;
	_ =	sdelay $0x1  }
0x10e: {  	s24 =	sshra.s32 s4, $0x2;
	v1 =	vmax.f32 v0, $0.0e+00  }
0x10f: {  	s4 =	sadd.s32 $0x100, s4;
	v0 =	vld [tilespmem:s24+$0x1CA40];
	[tilespmem:s0+$0x1CA70] =	vst v1;
	s0 =	smov.u32 s24  }
0x110: {  	v1 =	vld [tilespmem:$0x1DDC0];
	_ =	sdelay $0x4  }
0x111: {  	v0 =	vadd.f32 v1, v0;
	_ =	sdelay $0x1  }
0x112: {  	v0 =	vmax.f32 v0, $0.0e+00  }
0x113: {  	[tilespmem:s0+$0x1CA40] =	vst v0;
	v0 =	vld [tilespmem:s0+$0x1CA50]  }
0x114: {  	v1 =	vld [tilespmem:$0x1DDD0];
	_ =	sdelay $0x4  }
0x115: {  	v0 =	vadd.f32 v1, v0;
	_ =	sdelay $0x1  }
0x116: {  	v0 =	vmax.f32 v0, $0.0e+00  }
0x117: {  	[tilespmem:s0+$0x1CA50] =	vst v0;
	v0 =	vld [tilespmem:s0+$0x1CA60]  }
0x118: {  	v1 =	vld [tilespmem:$0x1DDE0];
	_ =	sdelay $0x4  }
0x119: {  	v0 =	vadd.f32 v1, v0;
	_ =	sdelay $0x1  }
0x11a: {  	v0 =	vmax.f32 v0, $0.0e+00  }
0x11b: {  	[tilespmem:s0+$0x1CA60] =	vst v0;
	v0 =	vld [tilespmem:s0+$0x1CA70]  }
0x11c: {  	v1 =	vld [tilespmem:$0x1DDF0];
	_ =	sdelay $0x4  }
0x11d: {  	v0 =	vadd.f32 v1, v0;
	_ =	sdelay $0x1  }
0x11e: {  	v0 =	vmax.f32 v0, $0.0e+00  }
0x11f: {  	s24 =	rddreg [dreg:$0x19];
	[tilespmem:s0+$0x1CA70] =	vst v0  }
0x120: {  	[spmem:s24] =	stream.linear.scatter [tilespmem:s22], [sflag:$0xA], $0x1380, $0x38;
	[tilespmem:$0x1DE00] =	vst v63  }
0x121: {  	_ =	swait.ge [sflag:s7], $0x1380  }
0x122: {  	[sflag:s7] =	ssyncset.done $0x0  }
0x123: {  	s25 =	rddreg [dreg:$0xd];
	[sflag:s7] =	ssyncadd.s32 $0xFFFFEC80  }
0x124: {  	[tilespmem:s22], [sflag:$0xA] =	stream.linear.gather [spmem:s25], $0x1380, $0x38;
	[tilespmem:$0x1DE00] =	vst v63  }
0x125: {  	_ =	swait.ge [sflag:s7], $0x1380  }
0x126: {  	[sflag:s7] =	ssyncset.done $0x0  }
0x127: {  	s0 =	simm.s32 $0x0;
	[sflag:s7] =	ssyncadd.s32 $0xFFFFEC80  }
0x128: {  	s4 =	simm.s32 $0x100;
	s28 =	rddreg [dreg:$0xb];
	v0 =	vld [tilespmem:s0+$0x1CA40]  }
.LBB2_10:
0x129: {  	p3 =	sne.s32 s4, $0x4D00;
	v1 =	vld [tilespmem:$0x1DDC0];
	_ =	sdelay $0x4  }
0x12a: {  	v0 =	vadd.f32 v1, v0;
	_ =	sdelay $0x1  }
0x12b: {  	v0 =	vmax.f32 v0, $0.0e+00  }
0x12c: {  	[tilespmem:s0+$0x1CA40] =	vst v0;
	v0 =	vld [tilespmem:s0+$0x1CA50]  }
0x12d: {  	v1 =	vld [tilespmem:$0x1DDD0];
	_ =	sdelay $0x4  }
0x12e: {  	v0 =	vadd.f32 v1, v0;
	_ =	sdelay $0x1  }
0x12f: {  	v0 =	vmax.f32 v0, $0.0e+00  }
0x130: {  	[tilespmem:s0+$0x1CA50] =	vst v0;
	v0 =	vld [tilespmem:s0+$0x1CA60]  }
0x131: {  	v1 =	vld [tilespmem:$0x1DDE0];
	_ =	sdelay $0x4  }
0x132: {  	v0 =	vadd.f32 v1, v0;
	_ =	sdelay $0x1  }
0x133: {  	v0 =	vmax.f32 v0, $0.0e+00  }
0x134: {  	[tilespmem:s0+$0x1CA60] =	vst v0;
	v0 =	vld [tilespmem:s0+$0x1CA70]  }
0x135: {  	v1 =	vld [tilespmem:$0x1DDF0];
	_ =	sdelay $0x3  }
.Ltmp8:
0x136: {  	(pc) =	sbr.rel @p3 .LBB2_10-.Ltmp8, $3  }
0x137: {  	v0 =	vadd.f32 v1, v0;
	_ =	sdelay $0x1  }
0x138: {  	s24 =	sshra.s32 s4, $0x2;
	v1 =	vmax.f32 v0, $0.0e+00  }
0x139: {  	s4 =	sadd.s32 $0x100, s4;
	v0 =	vld [tilespmem:s24+$0x1CA40];
	[tilespmem:s0+$0x1CA70] =	vst v1;
	s0 =	smov.u32 s24  }
0x13a: {  	v1 =	vld [tilespmem:$0x1DDC0];
	_ =	sdelay $0x4  }
0x13b: {  	v0 =	vadd.f32 v1, v0;
	_ =	sdelay $0x1  }
0x13c: {  	v0 =	vmax.f32 v0, $0.0e+00  }
0x13d: {  	[tilespmem:s0+$0x1CA40] =	vst v0;
	v0 =	vld [tilespmem:s0+$0x1CA50]  }
0x13e: {  	v1 =	vld [tilespmem:$0x1DDD0];
	_ =	sdelay $0x4  }
0x13f: {  	v0 =	vadd.f32 v1, v0;
	_ =	sdelay $0x1  }
0x140: {  	v0 =	vmax.f32 v0, $0.0e+00  }
0x141: {  	[tilespmem:s0+$0x1CA50] =	vst v0;
	v0 =	vld [tilespmem:s0+$0x1CA60]  }
0x142: {  	v1 =	vld [tilespmem:$0x1DDE0];
	_ =	sdelay $0x4  }
0x143: {  	v0 =	vadd.f32 v1, v0;
	_ =	sdelay $0x1  }
0x144: {  	v0 =	vmax.f32 v0, $0.0e+00  }
0x145: {  	[tilespmem:s0+$0x1CA60] =	vst v0;
	v0 =	vld [tilespmem:s0+$0x1CA70]  }
0x146: {  	v1 =	vld [tilespmem:$0x1DDF0];
	_ =	sdelay $0x4  }
0x147: {  	v0 =	vadd.f32 v1, v0;
	_ =	sdelay $0x1  }
0x148: {  	v0 =	vmax.f32 v0, $0.0e+00  }
0x149: {  	s24 =	rddreg [dreg:$0xe];
	[tilespmem:s0+$0x1CA70] =	vst v0  }
0x14a: {  	[spmem:s24] =	stream.linear.scatter [tilespmem:s22], [sflag:$0xA], $0x1380, $0x38;
	[tilespmem:$0x1DE00] =	vst v63  }
0x14b: {  	_ =	swait.ge [sflag:s7], $0x1380  }
0x14c: {  	[sflag:s7] =	ssyncset.done $0x0  }
0x14d: {  	s25 =	rddreg [dreg:$0xf];
	[sflag:s7] =	ssyncadd.s32 $0xFFFFEC80  }
0x14e: {  	[tilespmem:s22], [sflag:$0xA] =	stream.linear.gather [spmem:s25], $0x1380, $0x38;
	[tilespmem:$0x1DE00] =	vst v63  }
0x14f: {  	_ =	swait.ge [sflag:s7], $0x1380  }
0x150: {  	[sflag:s7] =	ssyncset.done $0x0  }
0x151: {  	s0 =	simm.s32 $0x0;
	[sflag:s7] =	ssyncadd.s32 $0xFFFFEC80  }
0x152: {  	s4 =	simm.s32 $0x100;
	v0 =	vld [tilespmem:s0+$0x1CA40]  }
.LBB2_12:
0x153: {  	p3 =	sne.s32 s4, $0x4D00;
	v1 =	vld [tilespmem:$0x1DDC0];
	_ =	sdelay $0x4  }
0x154: {  	v0 =	vadd.f32 v1, v0;
	_ =	sdelay $0x1  }
0x155: {  	v0 =	vmax.f32 v0, $0.0e+00  }
0x156: {  	[tilespmem:s0+$0x1CA40] =	vst v0;
	v0 =	vld [tilespmem:s0+$0x1CA50]  }
0x157: {  	v1 =	vld [tilespmem:$0x1DDD0];
	_ =	sdelay $0x4  }
0x158: {  	v0 =	vadd.f32 v1, v0;
	_ =	sdelay $0x1  }
0x159: {  	v0 =	vmax.f32 v0, $0.0e+00  }
0x15a: {  	[tilespmem:s0+$0x1CA50] =	vst v0;
	v0 =	vld [tilespmem:s0+$0x1CA60]  }
0x15b: {  	v1 =	vld [tilespmem:$0x1DDE0];
	_ =	sdelay $0x4  }
0x15c: {  	v0 =	vadd.f32 v1, v0;
	_ =	sdelay $0x1  }
0x15d: {  	v0 =	vmax.f32 v0, $0.0e+00  }
0x15e: {  	[tilespmem:s0+$0x1CA60] =	vst v0;
	v0 =	vld [tilespmem:s0+$0x1CA70]  }
0x15f: {  	v1 =	vld [tilespmem:$0x1DDF0];
	_ =	sdelay $0x3  }
.Ltmp9:
0x160: {  	(pc) =	sbr.rel @p3 .LBB2_12-.Ltmp9, $3  }
0x161: {  	v0 =	vadd.f32 v1, v0;
	_ =	sdelay $0x1  }
0x162: {  	s24 =	sshra.s32 s4, $0x2;
	v1 =	vmax.f32 v0, $0.0e+00  }
0x163: {  	s4 =	sadd.s32 $0x100, s4;
	v0 =	vld [tilespmem:s24+$0x1CA40];
	[tilespmem:s0+$0x1CA70] =	vst v1;
	s0 =	smov.u32 s24  }
0x164: {  	v1 =	vld [tilespmem:$0x1DDC0];
	_ =	sdelay $0x4  }
0x165: {  	v0 =	vadd.f32 v1, v0;
	_ =	sdelay $0x1  }
0x166: {  	v0 =	vmax.f32 v0, $0.0e+00  }
0x167: {  	[tilespmem:s0+$0x1CA40] =	vst v0;
	v0 =	vld [tilespmem:s0+$0x1CA50]  }
0x168: {  	v1 =	vld [tilespmem:$0x1DDD0];
	_ =	sdelay $0x4  }
0x169: {  	v0 =	vadd.f32 v1, v0;
	_ =	sdelay $0x1  }
0x16a: {  	v0 =	vmax.f32 v0, $0.0e+00  }
0x16b: {  	[tilespmem:s0+$0x1CA50] =	vst v0;
	v0 =	vld [tilespmem:s0+$0x1CA60]  }
0x16c: {  	v1 =	vld [tilespmem:$0x1DDE0];
	_ =	sdelay $0x4  }
0x16d: {  	v0 =	vadd.f32 v1, v0;
	_ =	sdelay $0x1  }
0x16e: {  	v0 =	vmax.f32 v0, $0.0e+00  }
0x16f: {  	[tilespmem:s0+$0x1CA60] =	vst v0;
	v0 =	vld [tilespmem:s0+$0x1CA70]  }
0x170: {  	v1 =	vld [tilespmem:$0x1DDF0];
	_ =	sdelay $0x4  }
0x171: {  	v0 =	vadd.f32 v1, v0;
	_ =	sdelay $0x1  }
0x172: {  	v0 =	vmax.f32 v0, $0.0e+00  }
0x173: {  	s24 =	rddreg [dreg:$0x10];
	[tilespmem:s0+$0x1CA70] =	vst v0  }
0x174: {  	[spmem:s24] =	stream.linear.scatter [tilespmem:s22], [sflag:$0xA], $0x1380, $0x38;
	[tilespmem:$0x1DE00] =	vst v63  }
0x175: {  	_ =	swait.ge [sflag:s7], $0x1380  }
0x176: {  	[sflag:s7] =	ssyncset.done $0x0  }
0x177: {  	s25 =	rddreg [dreg:$0x11];
	[sflag:s7] =	ssyncadd.s32 $0xFFFFEC80  }
0x178: {  	[tilespmem:s22], [sflag:$0xA] =	stream.linear.gather [spmem:s25], $0x1380, $0x38;
	[tilespmem:$0x1DE00] =	vst v63  }
0x179: {  	_ =	swait.ge [sflag:s7], $0x1380  }
0x17a: {  	[sflag:s7] =	ssyncset.done $0x0  }
0x17b: {  	s0 =	simm.s32 $0x0;
	[sflag:s7] =	ssyncadd.s32 $0xFFFFEC80  }
0x17c: {  	s4 =	simm.s32 $0x100;
	v0 =	vld [tilespmem:s0+$0x1CA40]  }
.LBB2_14:
0x17d: {  	p3 =	sne.s32 s4, $0x4D00;
	v1 =	vld [tilespmem:$0x1DDC0];
	_ =	sdelay $0x4  }
0x17e: {  	v0 =	vadd.f32 v1, v0;
	_ =	sdelay $0x1  }
0x17f: {  	v0 =	vmax.f32 v0, $0.0e+00  }
0x180: {  	[tilespmem:s0+$0x1CA40] =	vst v0;
	v0 =	vld [tilespmem:s0+$0x1CA50]  }
0x181: {  	v1 =	vld [tilespmem:$0x1DDD0];
	_ =	sdelay $0x4  }
0x182: {  	v0 =	vadd.f32 v1, v0;
	_ =	sdelay $0x1  }
0x183: {  	v0 =	vmax.f32 v0, $0.0e+00  }
0x184: {  	[tilespmem:s0+$0x1CA50] =	vst v0;
	v0 =	vld [tilespmem:s0+$0x1CA60]  }
0x185: {  	v1 =	vld [tilespmem:$0x1DDE0];
	_ =	sdelay $0x4  }
0x186: {  	v0 =	vadd.f32 v1, v0;
	_ =	sdelay $0x1  }
0x187: {  	v0 =	vmax.f32 v0, $0.0e+00  }
0x188: {  	[tilespmem:s0+$0x1CA60] =	vst v0;
	v0 =	vld [tilespmem:s0+$0x1CA70]  }
0x189: {  	v1 =	vld [tilespmem:$0x1DDF0];
	_ =	sdelay $0x3  }
.Ltmp10:
0x18a: {  	(pc) =	sbr.rel @p3 .LBB2_14-.Ltmp10, $3  }
0x18b: {  	v0 =	vadd.f32 v1, v0;
	_ =	sdelay $0x1  }
0x18c: {  	s24 =	sshra.s32 s4, $0x2;
	v1 =	vmax.f32 v0, $0.0e+00  }
0x18d: {  	s4 =	sadd.s32 $0x100, s4;
	v0 =	vld [tilespmem:s24+$0x1CA40];
	[tilespmem:s0+$0x1CA70] =	vst v1;
	s0 =	smov.u32 s24  }
0x18e: {  	v1 =	vld [tilespmem:$0x1DDC0];
	_ =	sdelay $0x4  }
0x18f: {  	v0 =	vadd.f32 v1, v0;
	_ =	sdelay $0x1  }
0x190: {  	v0 =	vmax.f32 v0, $0.0e+00  }
0x191: {  	[tilespmem:s0+$0x1CA40] =	vst v0;
	v0 =	vld [tilespmem:s0+$0x1CA50]  }
0x192: {  	v1 =	vld [tilespmem:$0x1DDD0];
	_ =	sdelay $0x4  }
0x193: {  	v0 =	vadd.f32 v1, v0;
	_ =	sdelay $0x1  }
0x194: {  	v0 =	vmax.f32 v0, $0.0e+00  }
0x195: {  	[tilespmem:s0+$0x1CA50] =	vst v0;
	v0 =	vld [tilespmem:s0+$0x1CA60]  }
0x196: {  	v1 =	vld [tilespmem:$0x1DDE0];
	_ =	sdelay $0x4  }
0x197: {  	v0 =	vadd.f32 v1, v0;
	_ =	sdelay $0x1  }
0x198: {  	v0 =	vmax.f32 v0, $0.0e+00  }
0x199: {  	[tilespmem:s0+$0x1CA60] =	vst v0;
	v0 =	vld [tilespmem:s0+$0x1CA70]  }
0x19a: {  	v1 =	vld [tilespmem:$0x1DDF0];
	_ =	sdelay $0x4  }
0x19b: {  	v0 =	vadd.f32 v1, v0;
	_ =	sdelay $0x1  }
0x19c: {  	v0 =	vmax.f32 v0, $0.0e+00  }
0x19d: {  	s24 =	rddreg [dreg:$0x12];
	[tilespmem:s0+$0x1CA70] =	vst v0  }
0x19e: {  	[spmem:s24] =	stream.linear.scatter [tilespmem:s22], [sflag:$0xA], $0x1380, $0x38;
	[tilespmem:$0x1DE00] =	vst v63  }
0x19f: {  	_ =	swait.ge [sflag:s7], $0x1380  }
0x1a0: {  	[sflag:s7] =	ssyncset.done $0x0  }
0x1a1: {  	s25 =	rddreg [dreg:$0x13];
	[sflag:s7] =	ssyncadd.s32 $0xFFFFEC80  }
0x1a2: {  	[tilespmem:s22], [sflag:$0xA] =	stream.linear.gather [spmem:s25], $0x1380, $0x38;
	[tilespmem:$0x1DE00] =	vst v63  }
0x1a3: {  	_ =	swait.ge [sflag:s7], $0x1380  }
0x1a4: {  	[sflag:s7] =	ssyncset.done $0x0  }
0x1a5: {  	s0 =	simm.s32 $0x0;
	[sflag:s7] =	ssyncadd.s32 $0xFFFFEC80  }
0x1a6: {  	s4 =	simm.s32 $0x100;
	v0 =	vld [tilespmem:s0+$0x1CA40]  }
.LBB2_16:
0x1a7: {  	p3 =	sne.s32 s4, $0x4D00;
	v1 =	vld [tilespmem:$0x1DDC0];
	_ =	sdelay $0x4  }
0x1a8: {  	v0 =	vadd.f32 v1, v0;
	_ =	sdelay $0x1  }
0x1a9: {  	v0 =	vmax.f32 v0, $0.0e+00  }
0x1aa: {  	[tilespmem:s0+$0x1CA40] =	vst v0;
	v0 =	vld [tilespmem:s0+$0x1CA50]  }
0x1ab: {  	v1 =	vld [tilespmem:$0x1DDD0];
	_ =	sdelay $0x4  }
0x1ac: {  	v0 =	vadd.f32 v1, v0;
	_ =	sdelay $0x1  }
0x1ad: {  	v0 =	vmax.f32 v0, $0.0e+00  }
0x1ae: {  	[tilespmem:s0+$0x1CA50] =	vst v0;
	v0 =	vld [tilespmem:s0+$0x1CA60]  }
0x1af: {  	v1 =	vld [tilespmem:$0x1DDE0];
	_ =	sdelay $0x4  }
0x1b0: {  	v0 =	vadd.f32 v1, v0;
	_ =	sdelay $0x1  }
0x1b1: {  	v0 =	vmax.f32 v0, $0.0e+00  }
0x1b2: {  	[tilespmem:s0+$0x1CA60] =	vst v0;
	v0 =	vld [tilespmem:s0+$0x1CA70]  }
0x1b3: {  	v1 =	vld [tilespmem:$0x1DDF0];
	_ =	sdelay $0x3  }
.Ltmp11:
0x1b4: {  	(pc) =	sbr.rel @p3 .LBB2_16-.Ltmp11, $3  }
0x1b5: {  	v0 =	vadd.f32 v1, v0;
	_ =	sdelay $0x1  }
0x1b6: {  	s24 =	sshra.s32 s4, $0x2;
	v1 =	vmax.f32 v0, $0.0e+00  }
0x1b7: {  	s4 =	sadd.s32 $0x100, s4;
	v0 =	vld [tilespmem:s24+$0x1CA40];
	[tilespmem:s0+$0x1CA70] =	vst v1;
	s0 =	smov.u32 s24  }
0x1b8: {  	v1 =	vld [tilespmem:$0x1DDC0];
	_ =	sdelay $0x4  }
0x1b9: {  	v0 =	vadd.f32 v1, v0;
	_ =	sdelay $0x1  }
0x1ba: {  	v0 =	vmax.f32 v0, $0.0e+00  }
0x1bb: {  	[tilespmem:s0+$0x1CA40] =	vst v0;
	v0 =	vld [tilespmem:s0+$0x1CA50]  }
0x1bc: {  	v1 =	vld [tilespmem:$0x1DDD0];
	_ =	sdelay $0x4  }
0x1bd: {  	v0 =	vadd.f32 v1, v0;
	_ =	sdelay $0x1  }
0x1be: {  	v0 =	vmax.f32 v0, $0.0e+00  }
0x1bf: {  	[tilespmem:s0+$0x1CA50] =	vst v0;
	v0 =	vld [tilespmem:s0+$0x1CA60]  }
0x1c0: {  	v1 =	vld [tilespmem:$0x1DDE0];
	_ =	sdelay $0x4  }
0x1c1: {  	v0 =	vadd.f32 v1, v0;
	_ =	sdelay $0x1  }
0x1c2: {  	v0 =	vmax.f32 v0, $0.0e+00  }
0x1c3: {  	[tilespmem:s0+$0x1CA60] =	vst v0;
	v0 =	vld [tilespmem:s0+$0x1CA70]  }
0x1c4: {  	v1 =	vld [tilespmem:$0x1DDF0];
	_ =	sdelay $0x4  }
0x1c5: {  	v0 =	vadd.f32 v1, v0;
	_ =	sdelay $0x1  }
0x1c6: {  	v0 =	vmax.f32 v0, $0.0e+00  }
0x1c7: {  	s24 =	rddreg [dreg:$0x14];
	[tilespmem:s0+$0x1CA70] =	vst v0  }
0x1c8: {  	[spmem:s24] =	stream.linear.scatter [tilespmem:s22], [sflag:$0xA], $0x1380, $0x38;
	[tilespmem:$0x1DE00] =	vst v63  }
0x1c9: {  	_ =	swait.ge [sflag:s7], $0x1380  }
0x1ca: {  	[sflag:s7] =	ssyncset.done $0x0  }
0x1cb: {  	s25 =	rddreg [dreg:$0x15];
	[sflag:s7] =	ssyncadd.s32 $0xFFFFEC80  }
0x1cc: {  	[tilespmem:s22], [sflag:$0xA] =	stream.linear.gather [spmem:s25], $0x1380, $0x38;
	[tilespmem:$0x1DE00] =	vst v63  }
0x1cd: {  	_ =	swait.ge [sflag:s7], $0x1380  }
0x1ce: {  	[sflag:s7] =	ssyncset.done $0x0  }
0x1cf: {  	s0 =	simm.s32 $0x0;
	[sflag:s7] =	ssyncadd.s32 $0xFFFFEC80  }
0x1d0: {  	s4 =	simm.s32 $0x100;
	v0 =	vld [tilespmem:s0+$0x1CA40]  }
.LBB2_18:
0x1d1: {  	p3 =	sne.s32 s4, $0x4D00;
	v1 =	vld [tilespmem:$0x1DDC0];
	_ =	sdelay $0x4  }
0x1d2: {  	v0 =	vadd.f32 v1, v0;
	_ =	sdelay $0x1  }
0x1d3: {  	v0 =	vmax.f32 v0, $0.0e+00  }
0x1d4: {  	[tilespmem:s0+$0x1CA40] =	vst v0;
	v0 =	vld [tilespmem:s0+$0x1CA50]  }
0x1d5: {  	v1 =	vld [tilespmem:$0x1DDD0];
	_ =	sdelay $0x4  }
0x1d6: {  	v0 =	vadd.f32 v1, v0;
	_ =	sdelay $0x1  }
0x1d7: {  	v0 =	vmax.f32 v0, $0.0e+00  }
0x1d8: {  	[tilespmem:s0+$0x1CA50] =	vst v0;
	v0 =	vld [tilespmem:s0+$0x1CA60]  }
0x1d9: {  	v1 =	vld [tilespmem:$0x1DDE0];
	_ =	sdelay $0x4  }
0x1da: {  	v0 =	vadd.f32 v1, v0;
	_ =	sdelay $0x1  }
0x1db: {  	v0 =	vmax.f32 v0, $0.0e+00  }
0x1dc: {  	[tilespmem:s0+$0x1CA60] =	vst v0;
	v0 =	vld [tilespmem:s0+$0x1CA70]  }
0x1dd: {  	v1 =	vld [tilespmem:$0x1DDF0];
	_ =	sdelay $0x3  }
.Ltmp12:
0x1de: {  	(pc) =	sbr.rel @p3 .LBB2_18-.Ltmp12, $3  }
0x1df: {  	v0 =	vadd.f32 v1, v0;
	_ =	sdelay $0x1  }
0x1e0: {  	s24 =	sshra.s32 s4, $0x2;
	v1 =	vmax.f32 v0, $0.0e+00  }
0x1e1: {  	s4 =	sadd.s32 $0x100, s4;
	v0 =	vld [tilespmem:s24+$0x1CA40];
	[tilespmem:s0+$0x1CA70] =	vst v1;
	s0 =	smov.u32 s24  }
0x1e2: {  	v1 =	vld [tilespmem:$0x1DDC0];
	_ =	sdelay $0x4  }
0x1e3: {  	v0 =	vadd.f32 v1, v0;
	_ =	sdelay $0x1  }
0x1e4: {  	v0 =	vmax.f32 v0, $0.0e+00  }
0x1e5: {  	[tilespmem:s0+$0x1CA40] =	vst v0;
	v0 =	vld [tilespmem:s0+$0x1CA50]  }
0x1e6: {  	v1 =	vld [tilespmem:$0x1DDD0];
	_ =	sdelay $0x4  }
0x1e7: {  	v0 =	vadd.f32 v1, v0;
	_ =	sdelay $0x1  }
0x1e8: {  	v0 =	vmax.f32 v0, $0.0e+00  }
0x1e9: {  	[tilespmem:s0+$0x1CA50] =	vst v0;
	v0 =	vld [tilespmem:s0+$0x1CA60]  }
0x1ea: {  	v1 =	vld [tilespmem:$0x1DDE0];
	_ =	sdelay $0x4  }
0x1eb: {  	v0 =	vadd.f32 v1, v0;
	_ =	sdelay $0x1  }
0x1ec: {  	v0 =	vmax.f32 v0, $0.0e+00  }
0x1ed: {  	[tilespmem:s0+$0x1CA60] =	vst v0;
	v0 =	vld [tilespmem:s0+$0x1CA70]  }
0x1ee: {  	v1 =	vld [tilespmem:$0x1DDF0];
	_ =	sdelay $0x4  }
0x1ef: {  	v0 =	vadd.f32 v1, v0;
	_ =	sdelay $0x1  }
0x1f0: {  	v0 =	vmax.f32 v0, $0.0e+00  }
0x1f1: {  	s24 =	rddreg [dreg:$0x16];
	[tilespmem:s0+$0x1CA70] =	vst v0  }
0x1f2: {  	[spmem:s24] =	stream.linear.scatter [tilespmem:s22], [sflag:$0xA], $0x1380, $0x38;
	[tilespmem:$0x1DE00] =	vst v63  }
0x1f3: {  	_ =	swait.ge [sflag:s7], $0x1380  }
0x1f4: {  	[sflag:s7] =	ssyncset.done $0x0  }
0x1f5: {  	s25 =	rddreg [dreg:$0x17];
	[sflag:s7] =	ssyncadd.s32 $0xFFFFEC80  }
0x1f6: {  	[tilespmem:s22], [sflag:$0xA] =	stream.linear.gather [spmem:s25], $0x1380, $0x38;
	[tilespmem:$0x1DE00] =	vst v63  }
0x1f7: {  	_ =	swait.ge [sflag:s7], $0x1380  }
0x1f8: {  	[sflag:s7] =	ssyncset.done $0x0  }
0x1f9: {  	s0 =	simm.s32 $0x0;
	[sflag:s7] =	ssyncadd.s32 $0xFFFFEC80  }
0x1fa: {  	s4 =	simm.s32 $0x100;
	v0 =	vld [tilespmem:s0+$0x1CA40]  }
.LBB2_20:
0x1fb: {  	p3 =	sne.s32 s4, $0x4D00;
	v1 =	vld [tilespmem:$0x1DDC0];
	_ =	sdelay $0x4  }
0x1fc: {  	v0 =	vadd.f32 v1, v0;
	_ =	sdelay $0x1  }
0x1fd: {  	v0 =	vmax.f32 v0, $0.0e+00  }
0x1fe: {  	[tilespmem:s0+$0x1CA40] =	vst v0;
	v0 =	vld [tilespmem:s0+$0x1CA50]  }
0x1ff: {  	v1 =	vld [tilespmem:$0x1DDD0];
	_ =	sdelay $0x4  }
0x200: {  	v0 =	vadd.f32 v1, v0;
	_ =	sdelay $0x1  }
0x201: {  	v0 =	vmax.f32 v0, $0.0e+00  }
0x202: {  	[tilespmem:s0+$0x1CA50] =	vst v0;
	v0 =	vld [tilespmem:s0+$0x1CA60]  }
0x203: {  	v1 =	vld [tilespmem:$0x1DDE0];
	_ =	sdelay $0x4  }
0x204: {  	v0 =	vadd.f32 v1, v0;
	_ =	sdelay $0x1  }
0x205: {  	v0 =	vmax.f32 v0, $0.0e+00  }
0x206: {  	[tilespmem:s0+$0x1CA60] =	vst v0;
	v0 =	vld [tilespmem:s0+$0x1CA70]  }
0x207: {  	v1 =	vld [tilespmem:$0x1DDF0];
	_ =	sdelay $0x3  }
.Ltmp13:
0x208: {  	(pc) =	sbr.rel @p3 .LBB2_20-.Ltmp13, $3  }
0x209: {  	v0 =	vadd.f32 v1, v0;
	_ =	sdelay $0x1  }
0x20a: {  	s24 =	sshra.s32 s4, $0x2;
	v1 =	vmax.f32 v0, $0.0e+00  }
0x20b: {  	s4 =	sadd.s32 $0x100, s4;
	v0 =	vld [tilespmem:s24+$0x1CA40];
	[tilespmem:s0+$0x1CA70] =	vst v1;
	s0 =	smov.u32 s24  }
0x20c: {  	v1 =	vld [tilespmem:$0x1DDC0];
	_ =	sdelay $0x4  }
0x20d: {  	v0 =	vadd.f32 v1, v0;
	_ =	sdelay $0x1  }
0x20e: {  	v0 =	vmax.f32 v0, $0.0e+00  }
0x20f: {  	[tilespmem:s0+$0x1CA40] =	vst v0;
	v0 =	vld [tilespmem:s0+$0x1CA50]  }
0x210: {  	v1 =	vld [tilespmem:$0x1DDD0];
	_ =	sdelay $0x4  }
0x211: {  	v0 =	vadd.f32 v1, v0;
	_ =	sdelay $0x1  }
0x212: {  	v0 =	vmax.f32 v0, $0.0e+00  }
0x213: {  	[tilespmem:s0+$0x1CA50] =	vst v0;
	v0 =	vld [tilespmem:s0+$0x1CA60]  }
0x214: {  	v1 =	vld [tilespmem:$0x1DDE0];
	_ =	sdelay $0x4  }
0x215: {  	v0 =	vadd.f32 v1, v0;
	_ =	sdelay $0x1  }
0x216: {  	v0 =	vmax.f32 v0, $0.0e+00  }
0x217: {  	[tilespmem:s0+$0x1CA60] =	vst v0;
	v0 =	vld [tilespmem:s0+$0x1CA70]  }
0x218: {  	v1 =	vld [tilespmem:$0x1DDF0];
	_ =	sdelay $0x4  }
0x219: {  	v0 =	vadd.f32 v1, v0;
	_ =	sdelay $0x1  }
0x21a: {  	v0 =	vmax.f32 v0, $0.0e+00  }
0x21b: {  	s24 =	rddreg [dreg:$0x18];
	[tilespmem:s0+$0x1CA70] =	vst v0  }
0x21c: {  	[spmem:s24] =	stream.linear.scatter [tilespmem:s22], [sflag:$0xA], $0x1380, $0x38;
	[tilespmem:$0x1DE00] =	vst v63  }
0x21d: {  	_ =	swait.ge [sflag:s7], $0x1380  }
0x21e: {  	[sflag:s7] =	ssyncset.done $0x0  }
0x21f: {  	s25 =	rddreg [dreg:$0x1b];
	[sflag:s7] =	ssyncadd.s32 $0xFFFFEC80  }
0x220: {  	[tilespmem:s22], [sflag:$0xA] =	stream.linear.gather [spmem:s25], $0x1380, $0x38;
	[tilespmem:$0x1DE00] =	vst v63  }
0x221: {  	_ =	swait.ge [sflag:s7], $0x1380  }
0x222: {  	[sflag:s7] =	ssyncset.done $0x0  }
0x223: {  	s0 =	simm.s32 $0x0;
	[sflag:s7] =	ssyncadd.s32 $0xFFFFEC80  }
0x224: {  	s4 =	simm.s32 $0x100;
	v0 =	vld [tilespmem:s0+$0x1CA40]  }
.LBB2_22:
0x225: {  	p3 =	sne.s32 s4, $0x4D00;
	v1 =	vld [tilespmem:$0x1DDC0];
	_ =	sdelay $0x4  }
0x226: {  	v0 =	vadd.f32 v1, v0;
	_ =	sdelay $0x1  }
0x227: {  	v0 =	vmax.f32 v0, $0.0e+00  }
0x228: {  	[tilespmem:s0+$0x1CA40] =	vst v0;
	v0 =	vld [tilespmem:s0+$0x1CA50]  }
0x229: {  	v1 =	vld [tilespmem:$0x1DDD0];
	_ =	sdelay $0x4  }
0x22a: {  	v0 =	vadd.f32 v1, v0;
	_ =	sdelay $0x1  }
0x22b: {  	v0 =	vmax.f32 v0, $0.0e+00  }
0x22c: {  	[tilespmem:s0+$0x1CA50] =	vst v0;
	v0 =	vld [tilespmem:s0+$0x1CA60]  }
0x22d: {  	v1 =	vld [tilespmem:$0x1DDE0];
	_ =	sdelay $0x4  }
0x22e: {  	v0 =	vadd.f32 v1, v0;
	_ =	sdelay $0x1  }
0x22f: {  	v0 =	vmax.f32 v0, $0.0e+00  }
0x230: {  	[tilespmem:s0+$0x1CA60] =	vst v0;
	v0 =	vld [tilespmem:s0+$0x1CA70]  }
0x231: {  	v1 =	vld [tilespmem:$0x1DDF0];
	_ =	sdelay $0x3  }
.Ltmp14:
0x232: {  	(pc) =	sbr.rel @p3 .LBB2_22-.Ltmp14, $3  }
0x233: {  	v0 =	vadd.f32 v1, v0;
	_ =	sdelay $0x1  }
0x234: {  	s24 =	sshra.s32 s4, $0x2;
	v1 =	vmax.f32 v0, $0.0e+00  }
0x235: {  	s4 =	sadd.s32 $0x100, s4;
	v0 =	vld [tilespmem:s24+$0x1CA40];
	[tilespmem:s0+$0x1CA70] =	vst v1;
	s0 =	smov.u32 s24  }
0x236: {  	v1 =	vld [tilespmem:$0x1DDC0];
	_ =	sdelay $0x4  }
0x237: {  	v0 =	vadd.f32 v1, v0;
	_ =	sdelay $0x1  }
0x238: {  	v0 =	vmax.f32 v0, $0.0e+00  }
0x239: {  	v58 =	vld [tilespmem:s0+$0x1CA50];
	[tilespmem:s0+$0x1CA40] =	vst v0  }
0x23a: {  	v59 =	vld [tilespmem:$0x1DDD0];
	_ =	sdelay $0x4  }
0x23b: {  	v0 =	vadd.f32 v59, v58;
	_ =	sdelay $0x1  }
0x23c: {  	v0 =	vmax.f32 v0, $0.0e+00  }
0x23d: {  	v60 =	vld [tilespmem:s0+$0x1CA60];
	[tilespmem:s0+$0x1CA50] =	vst v0  }
0x23e: {  	v61 =	vld [tilespmem:$0x1DDE0];
	_ =	sdelay $0x4  }
0x23f: {  	v0 =	vadd.f32 v61, v60;
	_ =	sdelay $0x1  }
0x240: {  	v0 =	vmax.f32 v0, $0.0e+00  }
0x241: {  	v62 =	vld [tilespmem:s0+$0x1CA70];
	[tilespmem:s0+$0x1CA60] =	vst v0  }
0x242: {  	v63 =	vld [tilespmem:$0x1DDF0];
	_ =	sdelay $0x4  }
0x243: {  	v0 =	vadd.f32 v63, v62;
	_ =	sdelay $0x1  }
0x244: {  	v0 =	vmax.f32 v0, $0.0e+00  }
.Ltmp15:
0x245: {  	s25 =	rddreg [dreg:$0x1c];
	[tilespmem:s0+$0x1CA70] =	vst v0;
	(pc) =	sbr.rel @p0 .LBB2_27-.Ltmp15, $4  }
0x246: {  	[spmem:s25] =	stream.linear.scatter [tilespmem:s22], [sflag:$0xA], $0x1380, $0x38;
	[tilespmem:$0x1DE00] =	vst v63  }
0x247: {  	_ =	swait.ge [sflag:s7], $0x1380  }
0x248: {  	[sflag:s7] =	ssyncset.done $0x0  }
0x249: {  	[sflag:s7] =	ssyncadd.s32 $0xFFFFEC80  }
0x24a: {  	s0 =	sld [smem:$0x7FD];
	_ =	sdelay $0x2  }
0x24b: {  	[tilespmem:s22], [sflag:$0xA] =	stream.linear.gather [spmem:s0], $0x400, $0x38;
	[tilespmem:$0x1DE00] =	vst v63  }
0x24c: {  	_ =	swait.ge [sflag:s7], $0x400  }
0x24d: {  	[sflag:s7] =	ssyncset.done $0x0  }
0x24e: {  	s0 =	simm.s32 $0x0;
	[sflag:s7] =	ssyncadd.s32 $0xFFFFFC00  }
0x24f: {  	s4 =	simm.s32 $0x100;
	v0 =	vld [tilespmem:s0+$0x1CA40]  }
.LBB2_25:
0x250: {  	p3 =	sne.s32 s4, $0xF00;
	v1 =	vld [tilespmem:$0x1DDC0];
	_ =	sdelay $0x4  }
0x251: {  	v0 =	vadd.f32 v1, v0;
	_ =	sdelay $0x1  }
0x252: {  	v0 =	vmax.f32 v0, $0.0e+00  }
0x253: {  	[tilespmem:s0+$0x1CA40] =	vst v0;
	v0 =	vld [tilespmem:s0+$0x1CA50]  }
0x254: {  	v1 =	vld [tilespmem:$0x1DDD0];
	_ =	sdelay $0x4  }
0x255: {  	v0 =	vadd.f32 v1, v0;
	_ =	sdelay $0x1  }
0x256: {  	v0 =	vmax.f32 v0, $0.0e+00  }
0x257: {  	[tilespmem:s0+$0x1CA50] =	vst v0;
	v0 =	vld [tilespmem:s0+$0x1CA60]  }
0x258: {  	v1 =	vld [tilespmem:$0x1DDE0];
	_ =	sdelay $0x4  }
0x259: {  	v0 =	vadd.f32 v1, v0;
	_ =	sdelay $0x1  }
0x25a: {  	v0 =	vmax.f32 v0, $0.0e+00  }
0x25b: {  	[tilespmem:s0+$0x1CA60] =	vst v0;
	v0 =	vld [tilespmem:s0+$0x1CA70]  }
0x25c: {  	v1 =	vld [tilespmem:$0x1DDF0];
	_ =	sdelay $0x3  }
.Ltmp16:
0x25d: {  	(pc) =	sbr.rel @p3 .LBB2_25-.Ltmp16, $3  }
0x25e: {  	v0 =	vadd.f32 v1, v0;
	_ =	sdelay $0x1  }
0x25f: {  	s24 =	sshra.s32 s4, $0x2;
	v1 =	vmax.f32 v0, $0.0e+00  }
0x260: {  	s4 =	sadd.s32 $0x100, s4;
	v0 =	vld [tilespmem:s24+$0x1CA40];
	[tilespmem:s0+$0x1CA70] =	vst v1;
	s0 =	smov.u32 s24  }
0x261: {  	v1 =	vld [tilespmem:$0x1DDC0];
	_ =	sdelay $0x4  }
0x262: {  	v0 =	vadd.f32 v1, v0;
	_ =	sdelay $0x1  }
0x263: {  	v0 =	vmax.f32 v0, $0.0e+00  }
0x264: {  	v58 =	vld [tilespmem:s0+$0x1CA50];
	[tilespmem:s0+$0x1CA40] =	vst v0  }
0x265: {  	v59 =	vld [tilespmem:$0x1DDD0];
	_ =	sdelay $0x4  }
0x266: {  	v0 =	vadd.f32 v59, v58;
	_ =	sdelay $0x1  }
0x267: {  	v0 =	vmax.f32 v0, $0.0e+00  }
0x268: {  	v60 =	vld [tilespmem:s0+$0x1CA60];
	[tilespmem:s0+$0x1CA50] =	vst v0  }
0x269: {  	v61 =	vld [tilespmem:$0x1DDE0];
	_ =	sdelay $0x4  }
0x26a: {  	v0 =	vadd.f32 v61, v60;
	_ =	sdelay $0x1  }
0x26b: {  	v0 =	vmax.f32 v0, $0.0e+00  }
0x26c: {  	v62 =	vld [tilespmem:s0+$0x1CA70];
	[tilespmem:s0+$0x1CA60] =	vst v0  }
0x26d: {  	v63 =	vld [tilespmem:$0x1DDF0];
	_ =	sdelay $0x4  }
0x26e: {  	v0 =	vadd.f32 v63, v62  }
0x26f: {  	s25 =	sld [smem:$0x7FC]  }
0x270: {  	v0 =	vmax.f32 v0, $0.0e+00  }
0x271: {  	[tilespmem:s0+$0x1CA70] =	vst v0  }
0x272: {  	[spmem:s25] =	stream.linear.scatter [tilespmem:s22], [sflag:$0xA], $0x400, $0x38;
	[tilespmem:$0x1DE00] =	vst v63  }
0x273: {  	_ =	swait.ge [sflag:s7], $0x400  }
0x274: {  	[sflag:s7] =	ssyncset.done $0x0  }
0x275: {  	[sflag:s7] =	ssyncadd.s32 $0xFFFFFC00  }
.LBB2_27:
0x276: {  	[bflag:$0x0] =	sbarrier.arrive $0xFFFF  }
0x277: {  	[spmem:s26], [sflag:s10] =	dma.local [hbm:s28], $0x13C0  }
0x278: {  	_ =	swait.ge [sflag:s7], $0x13C0  }
0x279: {  	[sflag:s7] =	ssyncset.done $0x0  }
0x27a: {  	[sflag:s7] =	ssyncadd.s32 $0xFFFFEC40  }
0x27b: {  	s0 =	simm.s32 $0x0;
	s4 =	simm.s32 $0x13A40;
	[bflag:$0x0] =	sbarrier.arrive $0xFFFF  }
0x27c: {  	[tilespmem:s4], [sflag:$0x1] =	stream.linear.gather [hbm4b:s30+s0], $0x400, $0x38;
	[tilespmem:$0x1DE00] =	vst v63  }
0x27d: {  	s24 =	simm.s32 $0x14240  }
0x27e: {  	[tilespmem:s24], [sflag:$0x1] =	stream.linear.gather [hbm4b:s31+s0], $0x400, $0x38;
	[tilespmem:$0x1DE00] =	vst v63  }
0x27f: {  	_ =	swait.ge [sflag:s8], $0x400  }
0x280: {  	[sflag:s8] =	ssyncset.done $0x0  }
0x281: {  	[sflag:s8] =	ssyncadd.s32 $0xFFFFFC00  }
0x282: {  	_ =	swait.ge [sflag:s8], $0x400  }
0x283: {  	s0 =	sand.u32 $0x400, s0;
	[sflag:s8] =	ssyncset.done $0x0  }
0x284: {  	s25 =	sxor.u32 $0x13E40, s0;
	[sflag:s8] =	ssyncadd.s32 $0xFFFFFC00  }
0x285: {  	[tilespmem:s25], [sflag:$0x1] =	stream.linear.gather [hbm4b:s9+s3], $0x400, $0x38;
	[tilespmem:$0x1DE00] =	vst v63  }
0x286: {  	s26 =	sxor.u32 $0x14640, s0  }
0x287: {  	[tilespmem:s26], [sflag:$0x1] =	stream.linear.gather [hbm4b:s29+s3], $0x400, $0x38;
	[tilespmem:$0x1DE00] =	vst v63  }
0x288: {  	s24 =	sor.u32 $0x13A40, s0  }
0x289: {  	[tilespmem:s12], [sflag:$0x2] =	stream.indirect.gather [spmem:s2], $0x40, s24, s11, $0xb8;
	[tilespmem:$0x1DE00] =	vst v63  }
0x28a: {  	s25 =	sor.u32 $0x13AC0, s0  }
0x28b: {  	[tilespmem:s13], [sflag:$0x3] =	stream.indirect.gather [spmem:s2], $0x40, s25, s11, $0xb8;
	[tilespmem:$0x1DE00] =	vst v63  }
0x28c: {  	_ =	swait.ge [sflag:s14], $0x2000  }
0x28d: {  	[sflag:s14] =	ssyncset.done $0x0  }
0x28e: {  	s26 =	sor.u32 $0x14240, s0;
	[sflag:s14] =	ssyncadd.s32 $0xFFFFE000  }
0x28f: {  	[spmem:s1] =	stream.indirect.scatter.add.f32 [tilespmem:s12], [sflag:$0x6], $0x40, s26, s11, $0xb8;
	[tilespmem:$0x1DE00] =	vst v63  }
0x290: {  	s24 =	sor.u32 $0x13B40, s0  }
0x291: {  	[tilespmem:s15], [sflag:$0x4] =	stream.indirect.gather [spmem:s2], $0x40, s24, s11, $0xb8;
	[tilespmem:$0x1DE00] =	vst v63  }
0x292: {  	_ =	swait.ge [sflag:s16], $0x2000  }
0x293: {  	[sflag:s16] =	ssyncset.done $0x0  }
0x294: {  	s25 =	sor.u32 $0x142C0, s0;
	[sflag:s16] =	ssyncadd.s32 $0xFFFFE000  }
0x295: {  	[spmem:s1] =	stream.indirect.scatter.add.f32 [tilespmem:s13], [sflag:$0x7], $0x40, s25, s11, $0xb8;
	[tilespmem:$0x1DE00] =	vst v63  }
0x296: {  	s26 =	sor.u32 $0x13BC0, s0  }
0x297: {  	[tilespmem:s17], [sflag:$0x5] =	stream.indirect.gather [spmem:s2], $0x40, s26, s11, $0xb8;
	[tilespmem:$0x1DE00] =	vst v63  }
0x298: {  	_ =	swait.ge [sflag:s18], $0x2000  }
0x299: {  	[sflag:s18] =	ssyncset.done $0x0  }
0x29a: {  	s24 =	sor.u32 $0x14340, s0;
	[sflag:s18] =	ssyncadd.s32 $0xFFFFE000  }
0x29b: {  	[spmem:s1] =	stream.indirect.scatter.add.f32 [tilespmem:s15], [sflag:$0x8], $0x40, s24, s11, $0xb8;
	[tilespmem:$0x1DE00] =	vst v63  }
0x29c: {  	_ =	swait.ge [sflag:s19], $0x2000  }
0x29d: {  	[sflag:s19] =	ssyncset.done $0x0  }
0x29e: {  	s25 =	sadd.s32 $0x13C40, s0;
	[sflag:s19] =	ssyncadd.s32 $0xFFFFE000  }
0x29f: {  	[tilespmem:s12], [sflag:$0x2] =	stream.indirect.gather [spmem:s2], $0x40, s25, s11, $0xb8;
	[tilespmem:$0x1DE00] =	vst v63  }
0x2a0: {  	_ =	swait.ge [sflag:s20], $0x2000  }
0x2a1: {  	[sflag:s20] =	ssyncset.done $0x0  }
0x2a2: {  	s26 =	sor.u32 $0x143C0, s0;
	[sflag:s20] =	ssyncadd.s32 $0xFFFFE000  }
0x2a3: {  	[spmem:s1] =	stream.indirect.scatter.add.f32 [tilespmem:s17], [sflag:$0x9], $0x40, s26, s11, $0xb8;
	[tilespmem:$0x1DE00] =	vst v63  }
0x2a4: {  	_ =	swait.ge [sflag:s21], $0x2000  }
0x2a5: {  	[sflag:s21] =	ssyncset.done $0x0  }
0x2a6: {  	s24 =	sadd.s32 $0x13CC0, s0;
	[sflag:s21] =	ssyncadd.s32 $0xFFFFE000  }
0x2a7: {  	[tilespmem:s13], [sflag:$0x3] =	stream.indirect.gather [spmem:s2], $0x40, s24, s11, $0xb8;
	[tilespmem:$0x1DE00] =	vst v63  }
0x2a8: {  	_ =	swait.ge [sflag:s14], $0x2000  }
0x2a9: {  	[sflag:s14] =	ssyncset.done $0x0  }
0x2aa: {  	s25 =	sadd.s32 $0x14440, s0;
	[sflag:s14] =	ssyncadd.s32 $0xFFFFE000  }
0x2ab: {  	[spmem:s1] =	stream.indirect.scatter.add.f32 [tilespmem:s12], [sflag:$0x6], $0x40, s25, s11, $0xb8;
	[tilespmem:$0x1DE00] =	vst v63  }
0x2ac: {  	_ =	swait.ge [sflag:s5], $0x2000  }
0x2ad: {  	[sflag:s5] =	ssyncset.done $0x0  }
0x2ae: {  	s26 =	sadd.s32 $0x13D40, s0;
	[sflag:s5] =	ssyncadd.s32 $0xFFFFE000  }
0x2af: {  	[tilespmem:s15], [sflag:$0x4] =	stream.indirect.gather [spmem:s2], $0x40, s26, s11, $0xb8;
	[tilespmem:$0x1DE00] =	vst v63  }
0x2b0: {  	_ =	swait.ge [sflag:s16], $0x2000  }
0x2b1: {  	[sflag:s16] =	ssyncset.done $0x0  }
0x2b2: {  	s24 =	sadd.s32 $0x144C0, s0;
	[sflag:s16] =	ssyncadd.s32 $0xFFFFE000  }
0x2b3: {  	[spmem:s1] =	stream.indirect.scatter.add.f32 [tilespmem:s13], [sflag:$0x7], $0x40, s24, s11, $0xb8;
	[tilespmem:$0x1DE00] =	vst v63  }
0x2b4: {  	_ =	swait.ge [sflag:s6], $0x2000  }
0x2b5: {  	[sflag:s6] =	ssyncset.done $0x0  }
0x2b6: {  	s25 =	sadd.s32 $0x13DC0, s0;
	[sflag:s6] =	ssyncadd.s32 $0xFFFFE000  }
0x2b7: {  	[tilespmem:s17], [sflag:$0x5] =	stream.indirect.gather [spmem:s2], $0x40, s25, s11, $0xb8;
	[tilespmem:$0x1DE00] =	vst v63  }
0x2b8: {  	_ =	swait.ge [sflag:s18], $0x2000  }
0x2b9: {  	[sflag:s18] =	ssyncset.done $0x0  }
0x2ba: {  	s26 =	sadd.s32 $0x14540, s0;
	[sflag:s18] =	ssyncadd.s32 $0xFFFFE000  }
0x2bb: {  	[spmem:s1] =	stream.indirect.scatter.add.f32 [tilespmem:s15], [sflag:$0x8], $0x40, s26, s11, $0xb8;
	[tilespmem:$0x1DE00] =	vst v63  }
0x2bc: {  	_ =	swait.ge [sflag:s20], $0x2000  }
0x2bd: {  	[sflag:s20] =	ssyncset.done $0x0  }
0x2be: {  	s0 =	sadd.s32 $0x145C0, s0;
	[sflag:s20] =	ssyncadd.s32 $0xFFFFE000  }
0x2bf: {  	[spmem:s1] =	stream.indirect.scatter.add.f32 [tilespmem:s17], [sflag:$0x9], $0x40, s0, s11, $0xb8;
	[tilespmem:$0x1DE00] =	vst v63  }
0x2c0: {  	_ =	swait.ge [sflag:s19], $0x2000  }
0x2c1: {  	[sflag:s19] =	ssyncset.done $0x0  }
0x2c2: {  	[sflag:s19] =	ssyncadd.s32 $0xFFFFE000  }
0x2c3: {  	_ =	swait.ge [sflag:s21], $0x2000  }
0x2c4: {  	[sflag:s21] =	ssyncset.done $0x0  }
0x2c5: {  	[sflag:s21] =	ssyncadd.s32 $0xFFFFE000  }
0x2c6: {  	_ =	swait.ge [sflag:s5], $0x2000  }
0x2c7: {  	[sflag:s5] =	ssyncset.done $0x0  }
0x2c8: {  	[sflag:s5] =	ssyncadd.s32 $0xFFFFE000  }
0x2c9: {  	s4 =	smov.u32 s9;
	_ =	swait.ge [sflag:s6], $0x2000  }
0x2ca: {  	s26 =	simm.s32 $0x400;
	s0 =	smov.u32 s29;
	[sflag:s6] =	ssyncset.done $0x0  }
.LBB2_28:
0x2cb: {  	[sflag:s6] =	ssyncadd.s32 $0xFFFFE000  }
0x2cc: {  	s0 =	sadd.s32 $0x80, s0;
	s4 =	sadd.s32 $0x80, s4;
	s24 =	smov.u32 s26  }
0x2cd: {  	p3 =	sne.s32 s26, $0x4C00;
	s26 =	sadd.s32 $0x400, s26;
	_ =	swait.ge [sflag:s8], $0x400  }
0x2ce: {  	[sflag:s8] =	ssyncset.done $0x0  }
0x2cf: {  	[sflag:s8] =	ssyncadd.s32 $0xFFFFFC00  }
0x2d0: {  	_ =	swait.ge [sflag:s8], $0x400  }
0x2d1: {  	s24 =	sand.u32 $0x400, s24;
	[sflag:s8] =	ssyncset.done $0x0  }
0x2d2: {  	s25 =	sxor.u32 $0x13E40, s24;
	[sflag:s8] =	ssyncadd.s32 $0xFFFFFC00  }
0x2d3: {  	[tilespmem:s25], [sflag:$0x1] =	stream.linear.gather [hbm4b:s4+s3], $0x400, $0x38;
	[tilespmem:$0x1DE00] =	vst v63  }
0x2d4: {  	s25 =	sxor.u32 $0x14640, s24  }
0x2d5: {  	[tilespmem:s25], [sflag:$0x1] =	stream.linear.gather [hbm4b:s0+s3], $0x400, $0x38;
	[tilespmem:$0x1DE00] =	vst v63  }
0x2d6: {  	s25 =	sor.u32 $0x13A40, s24  }
0x2d7: {  	[tilespmem:s12], [sflag:$0x2] =	stream.indirect.gather [spmem:s2], $0x40, s25, s11, $0xb8;
	[tilespmem:$0x1DE00] =	vst v63  }
0x2d8: {  	s25 =	sor.u32 $0x13AC0, s24  }
0x2d9: {  	[tilespmem:s13], [sflag:$0x3] =	stream.indirect.gather [spmem:s2], $0x40, s25, s11, $0xb8;
	[tilespmem:$0x1DE00] =	vst v63  }
0x2da: {  	_ =	swait.ge [sflag:s14], $0x2000  }
0x2db: {  	[sflag:s14] =	ssyncset.done $0x0  }
0x2dc: {  	s25 =	sor.u32 $0x14240, s24;
	[sflag:s14] =	ssyncadd.s32 $0xFFFFE000  }
0x2dd: {  	[spmem:s1] =	stream.indirect.scatter.add.f32 [tilespmem:s12], [sflag:$0x6], $0x40, s25, s11, $0xb8;
	[tilespmem:$0x1DE00] =	vst v63  }
0x2de: {  	s25 =	sor.u32 $0x13B40, s24  }
0x2df: {  	[tilespmem:s15], [sflag:$0x4] =	stream.indirect.gather [spmem:s2], $0x40, s25, s11, $0xb8;
	[tilespmem:$0x1DE00] =	vst v63  }
0x2e0: {  	_ =	swait.ge [sflag:s16], $0x2000  }
0x2e1: {  	[sflag:s16] =	ssyncset.done $0x0  }
0x2e2: {  	s25 =	sor.u32 $0x142C0, s24;
	[sflag:s16] =	ssyncadd.s32 $0xFFFFE000  }
0x2e3: {  	[spmem:s1] =	stream.indirect.scatter.add.f32 [tilespmem:s13], [sflag:$0x7], $0x40, s25, s11, $0xb8;
	[tilespmem:$0x1DE00] =	vst v63  }
0x2e4: {  	s25 =	sor.u32 $0x13BC0, s24  }
0x2e5: {  	[tilespmem:s17], [sflag:$0x5] =	stream.indirect.gather [spmem:s2], $0x40, s25, s11, $0xb8;
	[tilespmem:$0x1DE00] =	vst v63  }
0x2e6: {  	_ =	swait.ge [sflag:s18], $0x2000  }
0x2e7: {  	[sflag:s18] =	ssyncset.done $0x0  }
0x2e8: {  	s25 =	sor.u32 $0x14340, s24;
	[sflag:s18] =	ssyncadd.s32 $0xFFFFE000  }
0x2e9: {  	[spmem:s1] =	stream.indirect.scatter.add.f32 [tilespmem:s15], [sflag:$0x8], $0x40, s25, s11, $0xb8;
	[tilespmem:$0x1DE00] =	vst v63  }
0x2ea: {  	_ =	swait.ge [sflag:s19], $0x2000  }
0x2eb: {  	[sflag:s19] =	ssyncset.done $0x0  }
0x2ec: {  	s25 =	sadd.s32 $0x13C40, s24;
	[sflag:s19] =	ssyncadd.s32 $0xFFFFE000  }
0x2ed: {  	[tilespmem:s12], [sflag:$0x2] =	stream.indirect.gather [spmem:s2], $0x40, s25, s11, $0xb8;
	[tilespmem:$0x1DE00] =	vst v63  }
0x2ee: {  	_ =	swait.ge [sflag:s20], $0x2000  }
0x2ef: {  	[sflag:s20] =	ssyncset.done $0x0  }
0x2f0: {  	s25 =	sor.u32 $0x143C0, s24;
	[sflag:s20] =	ssyncadd.s32 $0xFFFFE000  }
0x2f1: {  	[spmem:s1] =	stream.indirect.scatter.add.f32 [tilespmem:s17], [sflag:$0x9], $0x40, s25, s11, $0xb8;
	[tilespmem:$0x1DE00] =	vst v63  }
0x2f2: {  	_ =	swait.ge [sflag:s21], $0x2000  }
0x2f3: {  	[sflag:s21] =	ssyncset.done $0x0  }
0x2f4: {  	s25 =	sadd.s32 $0x13CC0, s24;
	[sflag:s21] =	ssyncadd.s32 $0xFFFFE000  }
0x2f5: {  	[tilespmem:s13], [sflag:$0x3] =	stream.indirect.gather [spmem:s2], $0x40, s25, s11, $0xb8;
	[tilespmem:$0x1DE00] =	vst v63  }
0x2f6: {  	_ =	swait.ge [sflag:s14], $0x2000  }
0x2f7: {  	[sflag:s14] =	ssyncset.done $0x0  }
0x2f8: {  	s25 =	sadd.s32 $0x14440, s24;
	[sflag:s14] =	ssyncadd.s32 $0xFFFFE000  }
0x2f9: {  	[spmem:s1] =	stream.indirect.scatter.add.f32 [tilespmem:s12], [sflag:$0x6], $0x40, s25, s11, $0xb8;
	[tilespmem:$0x1DE00] =	vst v63  }
0x2fa: {  	_ =	swait.ge [sflag:s5], $0x2000  }
0x2fb: {  	[sflag:s5] =	ssyncset.done $0x0  }
0x2fc: {  	s25 =	sadd.s32 $0x13D40, s24;
	[sflag:s5] =	ssyncadd.s32 $0xFFFFE000  }
0x2fd: {  	[tilespmem:s15], [sflag:$0x4] =	stream.indirect.gather [spmem:s2], $0x40, s25, s11, $0xb8;
	[tilespmem:$0x1DE00] =	vst v63  }
0x2fe: {  	_ =	swait.ge [sflag:s16], $0x2000  }
0x2ff: {  	[sflag:s16] =	ssyncset.done $0x0  }
0x300: {  	s25 =	sadd.s32 $0x144C0, s24;
	[sflag:s16] =	ssyncadd.s32 $0xFFFFE000  }
0x301: {  	[spmem:s1] =	stream.indirect.scatter.add.f32 [tilespmem:s13], [sflag:$0x7], $0x40, s25, s11, $0xb8;
	[tilespmem:$0x1DE00] =	vst v63  }
0x302: {  	_ =	swait.ge [sflag:s6], $0x2000  }
0x303: {  	[sflag:s6] =	ssyncset.done $0x0  }
0x304: {  	s25 =	sadd.s32 $0x13DC0, s24;
	[sflag:s6] =	ssyncadd.s32 $0xFFFFE000  }
0x305: {  	[tilespmem:s17], [sflag:$0x5] =	stream.indirect.gather [spmem:s2], $0x40, s25, s11, $0xb8;
	[tilespmem:$0x1DE00] =	vst v63  }
0x306: {  	_ =	swait.ge [sflag:s18], $0x2000  }
0x307: {  	[sflag:s18] =	ssyncset.done $0x0  }
0x308: {  	s25 =	sadd.s32 $0x14540, s24;
	[sflag:s18] =	ssyncadd.s32 $0xFFFFE000  }
0x309: {  	[spmem:s1] =	stream.indirect.scatter.add.f32 [tilespmem:s15], [sflag:$0x8], $0x40, s25, s11, $0xb8;
	[tilespmem:$0x1DE00] =	vst v63  }
0x30a: {  	_ =	swait.ge [sflag:s20], $0x2000  }
0x30b: {  	[sflag:s20] =	ssyncset.done $0x0  }
0x30c: {  	s24 =	sadd.s32 $0x145C0, s24;
	[sflag:s20] =	ssyncadd.s32 $0xFFFFE000  }
0x30d: {  	[spmem:s1] =	stream.indirect.scatter.add.f32 [tilespmem:s17], [sflag:$0x9], $0x40, s24, s11, $0xb8;
	[tilespmem:$0x1DE00] =	vst v63  }
0x30e: {  	_ =	swait.ge [sflag:s19], $0x2000  }
0x30f: {  	[sflag:s19] =	ssyncset.done $0x0  }
0x310: {  	[sflag:s19] =	ssyncadd.s32 $0xFFFFE000  }
0x311: {  	_ =	swait.ge [sflag:s21], $0x2000  }
0x312: {  	[sflag:s21] =	ssyncset.done $0x0  }
0x313: {  	[sflag:s21] =	ssyncadd.s32 $0xFFFFE000  }
.Ltmp17:
0x314: {  	_ =	swait.ge [sflag:s5], $0x2000;
	(pc) =	sbr.rel @p3 .LBB2_28-.Ltmp17, $4  }
0x315: {  	[sflag:s5] =	ssyncset.done $0x0  }
0x316: {  	[sflag:s5] =	ssyncadd.s32 $0xFFFFE000  }
0x317: {  	_ =	swait.ge [sflag:s6], $0x2000  }
0x318: {  	[sflag:s6] =	ssyncset.done $0x0  }
0x319: {  	[sflag:s6] =	ssyncadd.s32 $0xFFFFE000  }
0x31a: {  	_ =	swait.ge [sflag:s8], $0x400  }
0x31b: {  	[sflag:s8] =	ssyncset.done $0x0  }
0x31c: {  	[sflag:s8] =	ssyncadd.s32 $0xFFFFFC00  }
0x31d: {  	_ =	swait.ge [sflag:s8], $0x400  }
.Ltmp18:
0x31e: {  	[sflag:s8] =	ssyncset.done $0x0;
	(pc) =	sbr.rel @p1 .LBB2_31-.Ltmp18, $4  }
0x31f: {  	[sflag:s8] =	ssyncadd.s32 $0xFFFFFC00  }
0x320: {  	[bflag:$0x0] =	sbarrier.arrive $0xFFFF  }
0x321: {  	s0 =	rddreg [dreg:$0x1a]  }
0x322: {  	s0 =	sshrl.u32 s0, $0x3  }
0x323: {  	s4 =	sld [smem:$0x7FA];
	_ =	sdelay $0x2  }
0x324: {  	[hbm:s4], [sflag:s10] =	dma.local [spmem:s0], $0x1380  }
.Ltmp19:
0x325: {  	_ = 	snop;
	(pc) =	sbr.rel @!p2 .LBB2_33-.Ltmp19, $4  }
.Ltmp20:
0x326: {  	_ = 	snop;
	(pc) =	sbr.rel @p2 .LBB2_32-.Ltmp20, $4  }
0x327: {  	_ =	swait.ge [sflag:s7], $0x1380  }
0x328: {  	[sflag:s7] =	ssyncset.done $0x0  }
0x329: {  	s0 =	rddreg [dreg:$0x8];
	[sflag:s7] =	ssyncadd.s32 $0xFFFFEC80  }
0x32a: {  	_ = 	snop  }
.LBB2_31:
0x32b: {  	s4 =	rddreg [dreg:$0x1f]  }
0x32c: {  	[hbm:s4], [sflag:s10] =	dma.local [spmem:s0], $0x1380  }
.Ltmp21:
0x32d: {  	_ = 	snop;
	(pc) =	sbr.rel @p0 .LBB2_33-.Ltmp21, $4  }
.Ltmp22:
0x32e: {  	_ = 	snop;
	(pc) =	sbr.rel @!p0 .LBB2_32-.Ltmp22, $4  }
0x32f: {  	_ =	swait.ge [sflag:s7], $0x1380  }
0x330: {  	[sflag:s7] =	ssyncset.done $0x0  }
0x331: {  	s0 =	rddreg [dreg:$0x9];
	[sflag:s7] =	ssyncadd.s32 $0xFFFFEC80  }
0x332: {  	_ = 	snop  }
.LBB2_34:
0x333: {  	_ =	sfence.sel $0x180000  }
0x334: {  	[bflag:$0x0] =	sbarrier.arrive $0xFFFF  }
0x335: {  	_ =	strace $0x90000047  }
0x336: {  	[bflag:$0x2] =	sbarrier.arrive $0xFFFF  }
0x337: {  	s0 =	rddreg [dreg:$0x5]  }
0x338: {  	s0 =	sadd.s32 @!p0 $0x100000, s0  }
0x339: {  	[sflag:s0] =	ssyncadd.tile.s32 @!p0 $0x1;
	_ =	shalt  }
.Lfunc_end2:
_tile_overlayer_lowered:
.L_overlay_start_2:
0x33a: {  	(tag) =	ssettag $0x2  }
0x33b: {  	s0 =	rddreg [dreg:$0x0];
	s2 =	stileid.u32  }
0x33c: {  	s1 =	rddreg [dreg:$0x1];
	p0 =	sne.s32 s2, $0x0  }
0x33d: {  	s3 =	rddreg [dreg:$0x2];
	[bflag:$0x3] =	sbarrier.arrive $0xFFFF;
	s2 =	simm.s32 @!p0 $0x1C0A  }
0x33e: {  	[timem:s3], [sflag:s2] =	dma.local @!p0 [hbm:s0], s1  }
0x33f: {  	s0 =	simm.s32 @!p0 $0xA  }
0x340: {  	_ =	swait.ge @!p0 [sflag:s0], s1  }
0x341: {  	s1 =	ssub.s32 @!p0 $0x0, s1;
	[sflag:s0] =	ssyncset.done @!p0 $0x0  }
0x342: {  	[sflag:s0] =	ssyncadd.s32 @!p0 s1  }
0x343: {  	[bflag:$0x3] =	sbarrier.arrive $0xFFFF  }
0x344: {  	_ =	shalt  }

</sc_bundles>
